<compile_context>
chip_gen: v7x
topology: tpu7x:2x2x1
jax: 0.10.2.dev20260603
libtpu: 0.0.44.dev20260713+nightly
codegen_flags: <defaults>
</compile_context>

<pallas_src>
import functools

import jax
import jax.numpy as jnp
from jax import lax
from jax.experimental import pallas as pl
import jax.experimental.pallas.tpu as pltpu
from jax.experimental.pallas import tpu_sc as plsc

N = 10000
E = 320000
B = 256
NTILES = 32
EP = E // NTILES
K = 80
G = EP // K
NACC = 10000
ZR = NACC // 16
DEGW = 8
RB = 2000
_F32 = jnp.float32
_HI = jax.lax.Precision.DEFAULT

def _dot(a, b):
    return jax.lax.dot_general(a, b, (((1,), (0,)), ((), ())),
                               precision=_HI, preferred_element_type=_F32)



def _es_dims(F):
    k = K if F <= 64 else 40
    return k, EP // k


@functools.lru_cache(maxsize=None)
def _make_edge_scatter(F):
    NBUF = 4 if F <= 64 else 6
    K_, G_ = _es_dims(F)
    _mesh = plsc.VectorSubcoreMesh(core_axis_name="c", subcore_axis_name="s")

    @functools.partial(
        pl.kernel,
        out_type=(jax.ShapeDtypeStruct((NACC, F), _F32),
                  jax.ShapeDtypeStruct((NACC, F), _F32)),
        mesh=_mesh,
        scratch_types=(
            [pltpu.VMEM((G_, K_), jnp.int32), pltpu.VMEM((G_, K_), jnp.int32)]
            + [pltpu.VMEM((K_, F), _F32) for _ in range(NBUF)]
            + [pltpu.VMEM_SHARED((NACC, F), _F32)]
            + [pltpu.SemaphoreType.DMA for _ in range(2 * NBUF)]
        ),
        compiler_params=pltpu.CompilerParams(use_tc_tiling_on_sc=False),
    )
    def body(p_hbm, src_hbm, dst_hbm, zer_hbm, out0, out1,
             src_all, dst_all, *bufs_acc_sems):
        rows = bufs_acc_sems[:NBUF]
        acc_sh = bufs_acc_sems[NBUF]
        gsem = bufs_acc_sems[NBUF + 1:2 * NBUF + 1]
        ssem = bufs_acc_sems[2 * NBUF + 1:]
        c = lax.axis_index("c")
        s = lax.axis_index("s")
        myrows = pl.ds(s * ZR, ZR)
        pltpu.sync_copy(zer_hbm, rows[0])
        for z in range(ZR // K_):
            pltpu.sync_copy(rows[0], acc_sh.at[pl.ds(s * ZR + z * K_, K_)])
        if ZR % K_:
            pltpu.sync_copy(rows[0].at[pl.ds(0, ZR % K_)],
                            acc_sh.at[pl.ds(s * ZR + (ZR // K_) * K_, ZR % K_)])
        wid = c * 16 + s
        pltpu.sync_copy(src_hbm.at[pl.ds(wid * G_, G_)], src_all)
        pltpu.sync_copy(dst_hbm.at[pl.ds(wid * G_, G_)], dst_all)
        plsc.subcore_barrier()

        for b in range(NBUF):
            pltpu.async_copy(p_hbm.at[src_all.at[b]], rows[b], gsem[b])

        def rnd(r, carry):
            g0 = r * NBUF
            for b in range(NBUF):
                pltpu.make_async_copy(p_hbm.at[src_all.at[g0 + b]], rows[b],
                                      gsem[b]).wait()
                pltpu.async_copy(rows[b], acc_sh.at[dst_all.at[g0 + b]],
                                 ssem[b], add=True)
            for b in range(NBUF):
                pltpu.make_async_copy(rows[b], acc_sh.at[dst_all.at[g0 + b]],
                                      ssem[b]).wait()

                @pl.when(g0 + NBUF + b < G_)
                def _():
                    pltpu.async_copy(p_hbm.at[src_all.at[g0 + NBUF + b]],
                                     rows[b], gsem[b])

            return carry

        lax.fori_loop(0, G_ // NBUF, rnd, 0)
        for b in range(G_ % NBUF):
            g = (G_ // NBUF) * NBUF + b
            pltpu.make_async_copy(p_hbm.at[src_all.at[g]], rows[b],
                                  gsem[b]).wait()
            pltpu.sync_copy(rows[b], acc_sh.at[dst_all.at[g]], add=True)
        plsc.subcore_barrier()

        @pl.when(c == 0)
        def _():
            pltpu.sync_copy(acc_sh.at[myrows], out0.at[myrows])

        @pl.when(c == 1)
        def _():
            pltpu.sync_copy(acc_sh.at[myrows], out1.at[myrows])

    return body


@functools.lru_cache(maxsize=None)
def _make_deg_scatter():
    _mesh = plsc.VectorSubcoreMesh(core_axis_name="c", subcore_axis_name="s")

    @functools.partial(
        pl.kernel,
        out_type=(jax.ShapeDtypeStruct((NACC, DEGW), _F32),
                  jax.ShapeDtypeStruct((NACC, DEGW), _F32)),
        mesh=_mesh,
        scratch_types=[
            pltpu.VMEM((G, K), jnp.int32),
            pltpu.VMEM((K, DEGW), _F32),
            pltpu.VMEM_SHARED((NACC, DEGW), _F32),
            pltpu.SemaphoreType.DMA,
        ],
        compiler_params=pltpu.CompilerParams(use_tc_tiling_on_sc=False),
    )
    def body(dst_hbm, ones_hbm, zer_hbm, out0, out1, dst_all, ones_v, acc_sh,
             sem):
        c = lax.axis_index("c")
        s = lax.axis_index("s")
        rows = pl.ds(s * ZR, ZR)
        pltpu.sync_copy(zer_hbm, acc_sh.at[rows])
        pltpu.sync_copy(ones_hbm, ones_v)
        wid = c * 16 + s
        pltpu.sync_copy(dst_hbm.at[pl.ds(wid * G, G)], dst_all)
        plsc.subcore_barrier()

        W = 8

        def rnd(r, carry):
            for b in range(W):
                pltpu.async_copy(ones_v, acc_sh.at[dst_all.at[r * W + b]],
                                 sem, add=True)
            for b in range(W):
                pltpu.make_async_copy(ones_v, acc_sh.at[dst_all.at[r * W + b]],
                                      sem).wait()
            return carry

        lax.fori_loop(0, G // W, rnd, 0)
        for g in range((G // W) * W, G):
            pltpu.sync_copy(ones_v, acc_sh.at[dst_all.at[g]], add=True)
        plsc.subcore_barrier()

        @pl.when(c == 0)
        def _():
            pltpu.sync_copy(acc_sh.at[rows], out0.at[rows])

        @pl.when(c == 1)
        def _():
            pltpu.sync_copy(acc_sh.at[rows], out1.at[rows])

    return body



def _dinv_of(d0, d1):
    return 1.0 / jnp.sqrt(d0[:, :1] + d1[:, :1] + 1.0)


def _tca_body(x_ref, w1_ref, d0_ref, d1_ref, p1_ref):
    di = _dinv_of(d0_ref[...], d1_ref[...])
    p1_ref[...] = di * _dot(x_ref[...], w1_ref[...])


def _tcb_body(a0_ref, a1_ref, p1_ref, b1_ref, d0_ref, d1_ref, p2_ref):
    di = _dinv_of(d0_ref[...], d1_ref[...])
    conv = di * (a0_ref[...] + a1_ref[...] + p1_ref[...]) + b1_ref[...]
    p2_ref[...] = di * jnp.maximum(conv, 0.0)


def _tcc_body(a0_ref, a1_ref, p2_ref, w2_ref, b2_ref, d0_ref, d1_ref, p3_ref):
    di = _dinv_of(d0_ref[...], d1_ref[...])
    m = di * (a0_ref[...] + a1_ref[...] + p2_ref[...])
    conv = _dot(m, w2_ref[...]) + b2_ref[...]
    p3_ref[...] = di * jnp.maximum(conv, 0.0)


def _tcd_body(a0_ref, a1_ref, p3_ref, w3_ref, b3_ref, d0_ref, d1_ref,
              batch_ref, cf_ref, wd_ref, bd_ref, wc1_ref, bc1_ref,
              wc2_ref, bc2_ref, wm1_ref, bm1_ref, wm2_ref, bm2_ref,
              wo_ref, bo_ref, out_ref, psum_s, cnt_s):
    i = pl.program_id(0)

    @pl.when(i == 0)
    def _():
        psum_s[...] = jnp.zeros_like(psum_s)
        cnt_s[...] = jnp.zeros_like(cnt_s)

    di = _dinv_of(d0_ref[...], d1_ref[...])
    m = di * (a0_ref[...] + a1_ref[...] + p3_ref[...])
    h3 = jnp.maximum(_dot(m, w3_ref[...]) + b3_ref[...], 0.0)
    oh = (batch_ref[...] == jax.lax.broadcasted_iota(jnp.int32, (1, B), 1))
    oh = oh.astype(_F32)
    tdot = lambda a, b: jax.lax.dot_general(
        a, b, (((0,), (0,)), ((), ())), precision=_HI,
        preferred_element_type=_F32)
    psum_s[...] += tdot(oh, h3)
    cnt_s[...] += tdot(oh, jnp.ones((RB, 1), _F32))

    @pl.when(i == _GRID - 1)
    def _():
        mean = psum_s[...] / jnp.maximum(cnt_s[...], 1.0)
        drug = _dot(mean, wd_ref[...]) + bd_ref[...]
        cellh = jnp.maximum(_dot(cf_ref[...], wc1_ref[...]) + bc1_ref[...],
                            0.0)
        cell = _dot(cellh, wc2_ref[...]) + bc2_ref[...]
        wm1 = wm1_ref[...]
        z = jnp.maximum(_dot(drug, wm1[:64]) + _dot(cell, wm1[64:])
                        + bm1_ref[...], 0.0)
        z = jnp.maximum(_dot(z, wm2_ref[...]) + bm2_ref[...], 0.0)
        out_ref[...] = _dot(z, wo_ref[...]) + bo_ref[...]


def _rows(shape):
    return pl.BlockSpec(shape, lambda i: (i, 0))


def _full(shape):
    return pl.BlockSpec(shape, lambda i: (0, 0))


_GRID = N // RB


def _tc_call(body, n_out_cols, in_specs):
    return pl.pallas_call(
        body,
        grid=(_GRID,),
        in_specs=in_specs,
        out_specs=_rows((RB, n_out_cols)),
        out_shape=jax.ShapeDtypeStruct((N, n_out_cols), _F32),
    )



def kernel(x, edge_index, batch, cell_features, W1, b1, W2, b2, W3, b3,
           Wd, bd, Wc1, bc1, Wc2, bc2, Wm1, bm1, Wm2, bm2, Wo, bo):
    src = edge_index[0].astype(jnp.int32)
    dst = edge_index[1].astype(jnp.int32)
    batch = batch.astype(jnp.int32)

    k64, g64 = _es_dims(64)
    k128, g128 = _es_dims(128)
    srcp = src.reshape(NTILES * g64, k64)
    dstp = dst.reshape(NTILES * g64, k64)
    srcp128 = src.reshape(NTILES * g128, k128)
    dstp128 = dst.reshape(NTILES * g128, k128)

    z16 = jnp.zeros((ZR, DEGW), _F32)
    z64 = jnp.zeros((k64, 64), _F32)
    z128 = jnp.zeros((k128, 128), _F32)
    ones16 = jnp.ones((K, DEGW), _F32)

    d0, d1 = _make_deg_scatter()(dstp, ones16, z16)

    degspec = [_rows((RB, DEGW)), _rows((RB, DEGW))]
    p1 = _tc_call(_tca_body, 64,
                  [_rows((RB, 128)), _full((128, 64))] + degspec)(
                      x, W1, d0, d1)

    a0, a1 = _make_edge_scatter(64)(p1, srcp, dstp, z64)
    p2 = _tc_call(_tcb_body, 64,
                  [_rows((RB, 64)), _rows((RB, 64)), _rows((RB, 64)),
                   _full((1, 64))] + degspec)(
                      a0, a1, p1, b1.reshape(1, 64), d0, d1)

    a0, a1 = _make_edge_scatter(64)(p2, srcp, dstp, z64)
    p3 = _tc_call(_tcc_body, 128,
                  [_rows((RB, 64)), _rows((RB, 64)), _rows((RB, 64)),
                   _full((64, 128)), _full((1, 128))] + degspec)(
                      a0, a1, p2, W2, b2.reshape(1, 128), d0, d1)

    a0, a1 = _make_edge_scatter(128)(p3, srcp128, dstp128, z128)
    out = pl.pallas_call(
        _tcd_body,
        grid=(_GRID,),
        in_specs=[_rows((RB, 128)), _rows((RB, 128)), _rows((RB, 128)),
                  _full((128, 256)), _full((1, 256))] + degspec +
                 [_rows((RB, 1)), _full((B, 512)), _full((256, 64)),
                  _full((1, 64)), _full((512, 128)), _full((1, 128)),
                  _full((128, 64)), _full((1, 64)), _full((128, 64)),
                  _full((1, 64)), _full((64, 32)), _full((1, 32)),
                  _full((32, 1)), _full((1, 1))],
        out_specs=_full((B, 1)),
        out_shape=jax.ShapeDtypeStruct((B, 1), _F32),
        scratch_shapes=[pltpu.VMEM((B, 256), _F32), pltpu.VMEM((B, 1), _F32)],
    )(a0, a1, p3, W3, b3.reshape(1, 256), d0, d1, batch.reshape(N, 1),
      cell_features, Wd, bd.reshape(1, 64), Wc1, bc1.reshape(1, 128),
      Wc2, bc2.reshape(1, 64), Wm1, bm1.reshape(1, 64), Wm2,
      bm2.reshape(1, 32), Wo, bo.reshape(1, 1))

    return out.reshape(-1)

# --- scband reference (transcript-rebuilt; emitter-appended) ---
"""Pipeline reference for scband-drug-graph-net-4827543241416 (READ-ONLY COPY).

The authoritative reference and input builder live on the scoring server;
editing this copy changes nothing except your own understanding.
"""

import jax, jax.numpy as jnp
import numpy as np

N = 10000
E = 320000
D = 128
B = 256
C = 512
H = 64


def setup_inputs(seed: int = 0) -> dict:
    key = jax.random.key(seed)
    ks = jax.random.split(key, 24)
    inp = {}
    inp['x'] = jax.random.normal(ks[0], (N, D), dtype=jnp.float32)
    inp['edge_index'] = jax.random.randint(ks[1], (2, E), 0, N, dtype=jnp.int64)
    inp['batch'] = jnp.sort(jax.random.randint(ks[2], (N,), 0, B, dtype=jnp.int64))
    inp['cell_features'] = jax.random.normal(ks[3], (B, C), dtype=jnp.float32)
    # GCN conv weights (in, out): 128->64, 64->128, 128->256
    inp['W1'] = jax.random.normal(ks[4], (D, H), dtype=jnp.float32) * 0.05
    inp['b1'] = jnp.zeros((H,), dtype=jnp.float32)
    inp['W2'] = jax.random.normal(ks[5], (H, 2 * H), dtype=jnp.float32) * 0.05
    inp['b2'] = jnp.zeros((2 * H,), dtype=jnp.float32)
    inp['W3'] = jax.random.normal(ks[6], (2 * H, 4 * H), dtype=jnp.float32) * 0.05
    inp['b3'] = jnp.zeros((4 * H,), dtype=jnp.float32)
    # drug_embed_fc: 256->64
    inp['Wd'] = jax.random.normal(ks[7], (4 * H, H), dtype=jnp.float32) * 0.05
    inp['bd'] = jnp.zeros((H,), dtype=jnp.float32)
    # cell_fc1: 512->128, cell_fc2: 128->64
    inp['Wc1'] = jax.random.normal(ks[8], (C, 2 * H), dtype=jnp.float32) * 0.05
    inp['bc1'] = jnp.zeros((2 * H,), dtype=jnp.float32)
    inp['Wc2'] = jax.random.normal(ks[9], (2 * H, H), dtype=jnp.float32) * 0.05
    inp['bc2'] = jnp.zeros((H,), dtype=jnp.float32)
    # combiner_fc1: 128->64, combiner_fc2: 64->32, output_fc: 32->1
    inp['Wm1'] = jax.random.normal(ks[10], (2 * H, H), dtype=jnp.float32) * 0.05
    inp['bm1'] = jnp.zeros((H,), dtype=jnp.float32)
    inp['Wm2'] = jax.random.normal(ks[11], (H, 32), dtype=jnp.float32) * 0.05
    inp['bm2'] = jnp.zeros((32,), dtype=jnp.float32)
    inp['Wo'] = jax.random.normal(ks[12], (32, 1), dtype=jnp.float32) * 0.05
    inp['bo'] = jnp.zeros((1,), dtype=jnp.float32)
    return inp


def _gcn_conv(x, edge_index, W, b, n_nodes):
    # GCNConv with added self-loops and symmetric normalization (PyG semantics)
    loop = jnp.arange(n_nodes, dtype=edge_index.dtype)
    src = jnp.concatenate([edge_index[0], loop])
    dst = jnp.concatenate([edge_index[1], loop])
    deg = jnp.zeros((n_nodes,), dtype=x.dtype).at[dst].add(1.0)
    dinv = jnp.where(deg > 0, 1.0 / jnp.sqrt(deg), 0.0)
    norm = dinv[src] * dinv[dst]
    h = x @ W
    out = jnp.zeros((n_nodes, W.shape[1]), dtype=x.dtype).at[dst].add(h[src] * norm[:, None])
    return out + b


def _global_mean_pool(x, batch, num_graphs):
    sums = jax.ops.segment_sum(x, batch, num_segments=num_graphs)
    cnts = jax.ops.segment_sum(jnp.ones((x.shape[0],), dtype=x.dtype), batch, num_segments=num_graphs)
    return sums / jnp.maximum(cnts, 1.0)[:, None]


def reference(x, edge_index, batch, cell_features, W1, b1, W2, b2, W3, b3, Wd, bd, Wc1, bc1, Wc2, bc2, Wm1, bm1, Wm2, bm2, Wo, bo):
    n = x.shape[0]
    h = jax.nn.relu(_gcn_conv(x, edge_index, W1, b1, n))
    h = jax.nn.relu(_gcn_conv(h, edge_index, W2, b2, n))
    h = jax.nn.relu(_gcn_conv(h, edge_index, W3, b3, n))
    drug = _global_mean_pool(h, batch, B)
    drug = drug @ Wd + bd
    cell = jax.nn.relu(cell_features @ Wc1 + bc1)
    cell = cell @ Wc2 + bc2
    comb = jnp.concatenate([drug, cell], axis=1)
    z = jax.nn.relu(comb @ Wm1 + bm1)
    z = jax.nn.relu(z @ Wm2 + bm2)
    out = z @ Wo + bo
    return out.reshape(-1)

if __name__ == "__main__":
    import jax
    _d = setup_inputs()
    print(jax.jit(kernel)(*tuple(_d.values())))

</pallas_src>

<mosaic_0001>
#map = affine_map<(d0, d1) -> (0, 0)>
module attributes {stable_mosaic.version = 14 : i64} {
  func.func @body(%arg0: i32, %arg1: i32, %arg2: memref<10000x64xf32, #tpu.memory_space<hbm>>, %arg3: memref<4000x80xi32, #tpu.memory_space<hbm>>, %arg4: memref<4000x80xi32, #tpu.memory_space<hbm>>, %arg5: memref<80x64xf32, #tpu.memory_space<hbm>>, %arg6: memref<10000x64xf32, #tpu.memory_space<hbm>>, %arg7: memref<10000x64xf32, #tpu.memory_space<hbm>>, %arg8: memref<125x80xi32, #tpu.memory_space<vmem>>, %arg9: memref<125x80xi32, #tpu.memory_space<vmem>>, %arg10: memref<80x64xf32, #tpu.memory_space<vmem>>, %arg11: memref<80x64xf32, #tpu.memory_space<vmem>>, %arg12: memref<80x64xf32, #tpu.memory_space<vmem>>, %arg13: memref<80x64xf32, #tpu.memory_space<vmem>>, %arg14: memref<10000x64xf32, #tpu.memory_space<vmem_shared>>, %arg15: memref<!tpu.dma_semaphore, #tpu.memory_space<semaphore_mem>>, %arg16: memref<!tpu.dma_semaphore, #tpu.memory_space<semaphore_mem>>, %arg17: memref<!tpu.dma_semaphore, #tpu.memory_space<semaphore_mem>>, %arg18: memref<!tpu.dma_semaphore, #tpu.memory_space<semaphore_mem>>, %arg19: memref<!tpu.dma_semaphore, #tpu.memory_space<semaphore_mem>>, %arg20: memref<!tpu.dma_semaphore, #tpu.memory_space<semaphore_mem>>, %arg21: memref<!tpu.dma_semaphore, #tpu.memory_space<semaphore_mem>>, %arg22: memref<!tpu.dma_semaphore, #tpu.memory_space<semaphore_mem>>) attributes {dimension_semantics = [#tpu.dimension_semantics<core_parallel>, #tpu.dimension_semantics<subcore_parallel>], iteration_bounds = array<i64: 2, 16>, scalar_prefetch = 0 : i64, scratch_operands = 15 : i64, tpu.core_type = #tpu.core_type<sc_vector_subcore>, window_params = [{transform_indices = #map}, {transform_indices = #map}, {transform_indices = #map}, {transform_indices = #map}, {transform_indices = #map}, {transform_indices = #map}]} {
    %mul3A = arith.constant 625 : i32
    %mul3A_0 = arith.muli %arg1, %mul3A : i32
    "tpu.region"() ({
      %run_scoped3A_85 = tpu.sem_alloc : memref<!tpu.dma_semaphore, #tpu.memory_space<semaphore_mem>>
      tpu.enqueue_dma source(%arg5 : memref<80x64xf32, #tpu.memory_space<hbm>>) target(%arg10 : memref<80x64xf32, #tpu.memory_space<vmem>>) target_semaphore(%run_scoped3A_85 : memref<!tpu.dma_semaphore, #tpu.memory_space<semaphore_mem>>)
      tpu.wait_dma2 semaphore(%run_scoped3A_85 : memref<!tpu.dma_semaphore, #tpu.memory_space<semaphore_mem>>) src(%arg5 : memref<80x64xf32, #tpu.memory_space<hbm>>) dst(%arg10 : memref<80x64xf32, #tpu.memory_space<vmem>>)
      tpu.yield
    }) : () -> ()
    %mul3A_1 = arith.constant 625 : i32
    %mul3A_2 = arith.muli %arg1, %mul3A_1 : i32
    %add3A = arith.constant 0 : i32
    %add3A_3 = arith.addi %mul3A_2, %add3A : i32
    "tpu.region"() ({
      %run_scoped3A_85 = tpu.sem_alloc : memref<!tpu.dma_semaphore, #tpu.memory_space<semaphore_mem>>
      %dma_start3A_86 = arith.constant 0 : i32
      %dma_start3A_87 = tpu.memref_slice %arg14[%add3A_3, %dma_start3A_86] : memref<10000x64xf32, #tpu.memory_space<vmem_shared>> -> memref<80x64xf32, #tpu.memory_space<vmem_shared>>
      %dma_start3A_88 = arith.constant 0 : i32
      %dma_start3A_89 = tpu.memref_slice %arg14[%add3A_3, %dma_start3A_88] : memref<10000x64xf32, #tpu.memory_space<vmem_shared>> -> memref<80x64xf32, #tpu.memory_space<vmem_shared>>
      tpu.enqueue_dma source(%arg10 : memref<80x64xf32, #tpu.memory_space<vmem>>) target(%dma_start3A_89 : memref<80x64xf32, #tpu.memory_space<vmem_shared>>) target_semaphore(%run_scoped3A_85 : memref<!tpu.dma_semaphore, #tpu.memory_space<semaphore_mem>>)
      %dma_wait3A_90 = arith.constant 0 : i32
      %dma_wait3A_91 = tpu.memref_slice %arg14[%add3A_3, %dma_wait3A_90] : memref<10000x64xf32, #tpu.memory_space<vmem_shared>> -> memref<80x64xf32, #tpu.memory_space<vmem_shared>>
      %dma_wait3A_92 = arith.constant 0 : i32
      %dma_wait3A_93 = tpu.memref_slice %arg14[%add3A_3, %dma_wait3A_92] : memref<10000x64xf32, #tpu.memory_space<vmem_shared>> -> memref<80x64xf32, #tpu.memory_space<vmem_shared>>
      tpu.wait_dma2 semaphore(%run_scoped3A_85 : memref<!tpu.dma_semaphore, #tpu.memory_space<semaphore_mem>>) src(%arg10 : memref<80x64xf32, #tpu.memory_space<vmem>>) dst(%dma_wait3A_93 : memref<80x64xf32, #tpu.memory_space<vmem_shared>>)
      tpu.yield
    }) : () -> ()
    %mul3A_4 = arith.constant 625 : i32
    %mul3A_5 = arith.muli %arg1, %mul3A_4 : i32
    %add3A_6 = arith.constant 80 : i32
    %add3A_7 = arith.addi %mul3A_5, %add3A_6 : i32
    "tpu.region"() ({
      %run_scoped3A_85 = tpu.sem_alloc : memref<!tpu.dma_semaphore, #tpu.memory_space<semaphore_mem>>
      %dma_start3A_86 = arith.constant 0 : i32
      %dma_start3A_87 = tpu.memref_slice %arg14[%add3A_7, %dma_start3A_86] : memref<10000x64xf32, #tpu.memory_space<vmem_shared>> -> memref<80x64xf32, #tpu.memory_space<vmem_shared>>
      %dma_start3A_88 = arith.constant 0 : i32
      %dma_start3A_89 = tpu.memref_slice %arg14[%add3A_7, %dma_start3A_88] : memref<10000x64xf32, #tpu.memory_space<vmem_shared>> -> memref<80x64xf32, #tpu.memory_space<vmem_shared>>
      tpu.enqueue_dma source(%arg10 : memref<80x64xf32, #tpu.memory_space<vmem>>) target(%dma_start3A_89 : memref<80x64xf32, #tpu.memory_space<vmem_shared>>) target_semaphore(%run_scoped3A_85 : memref<!tpu.dma_semaphore, #tpu.memory_space<semaphore_mem>>)
      %dma_wait3A_90 = arith.constant 0 : i32
      %dma_wait3A_91 = tpu.memref_slice %arg14[%add3A_7, %dma_wait3A_90] : memref<10000x64xf32, #tpu.memory_space<vmem_shared>> -> memref<80x64xf32, #tpu.memory_space<vmem_shared>>
      %dma_wait3A_92 = arith.constant 0 : i32
      %dma_wait3A_93 = tpu.memref_slice %arg14[%add3A_7, %dma_wait3A_92] : memref<10000x64xf32, #tpu.memory_space<vmem_shared>> -> memref<80x64xf32, #tpu.memory_space<vmem_shared>>
      tpu.wait_dma2 semaphore(%run_scoped3A_85 : memref<!tpu.dma_semaphore, #tpu.memory_space<semaphore_mem>>) src(%arg10 : memref<80x64xf32, #tpu.memory_space<vmem>>) dst(%dma_wait3A_93 : memref<80x64xf32, #tpu.memory_space<vmem_shared>>)
      tpu.yield
    }) : () -> ()
    %mul3A_8 = arith.constant 625 : i32
    %mul3A_9 = arith.muli %arg1, %mul3A_8 : i32
    %add3A_10 = arith.constant 160 : i32
    %add3A_11 = arith.addi %mul3A_9, %add3A_10 : i32
    "tpu.region"() ({
      %run_scoped3A_85 = tpu.sem_alloc : memref<!tpu.dma_semaphore, #tpu.memory_space<semaphore_mem>>
      %dma_start3A_86 = arith.constant 0 : i32
      %dma_start3A_87 = tpu.memref_slice %arg14[%add3A_11, %dma_start3A_86] : memref<10000x64xf32, #tpu.memory_space<vmem_shared>> -> memref<80x64xf32, #tpu.memory_space<vmem_shared>>
      %dma_start3A_88 = arith.constant 0 : i32
      %dma_start3A_89 = tpu.memref_slice %arg14[%add3A_11, %dma_start3A_88] : memref<10000x64xf32, #tpu.memory_space<vmem_shared>> -> memref<80x64xf32, #tpu.memory_space<vmem_shared>>
      tpu.enqueue_dma source(%arg10 : memref<80x64xf32, #tpu.memory_space<vmem>>) target(%dma_start3A_89 : memref<80x64xf32, #tpu.memory_space<vmem_shared>>) target_semaphore(%run_scoped3A_85 : memref<!tpu.dma_semaphore, #tpu.memory_space<semaphore_mem>>)
      %dma_wait3A_90 = arith.constant 0 : i32
      %dma_wait3A_91 = tpu.memref_slice %arg14[%add3A_11, %dma_wait3A_90] : memref<10000x64xf32, #tpu.memory_space<vmem_shared>> -> memref<80x64xf32, #tpu.memory_space<vmem_shared>>
      %dma_wait3A_92 = arith.constant 0 : i32
      %dma_wait3A_93 = tpu.memref_slice %arg14[%add3A_11, %dma_wait3A_92] : memref<10000x64xf32, #tpu.memory_space<vmem_shared>> -> memref<80x64xf32, #tpu.memory_space<vmem_shared>>
      tpu.wait_dma2 semaphore(%run_scoped3A_85 : memref<!tpu.dma_semaphore, #tpu.memory_space<semaphore_mem>>) src(%arg10 : memref<80x64xf32, #tpu.memory_space<vmem>>) dst(%dma_wait3A_93 : memref<80x64xf32, #tpu.memory_space<vmem_shared>>)
      tpu.yield
    }) : () -> ()
    %mul3A_12 = arith.constant 625 : i32
    %mul3A_13 = arith.muli %arg1, %mul3A_12 : i32
    %add3A_14 = arith.constant 240 : i32
    %add3A_15 = arith.addi %mul3A_13, %add3A_14 : i32
    "tpu.region"() ({
      %run_scoped3A_85 = tpu.sem_alloc : memref<!tpu.dma_semaphore, #tpu.memory_space<semaphore_mem>>
      %dma_start3A_86 = arith.constant 0 : i32
      %dma_start3A_87 = tpu.memref_slice %arg14[%add3A_15, %dma_start3A_86] : memref<10000x64xf32, #tpu.memory_space<vmem_shared>> -> memref<80x64xf32, #tpu.memory_space<vmem_shared>>
      %dma_start3A_88 = arith.constant 0 : i32
      %dma_start3A_89 = tpu.memref_slice %arg14[%add3A_15, %dma_start3A_88] : memref<10000x64xf32, #tpu.memory_space<vmem_shared>> -> memref<80x64xf32, #tpu.memory_space<vmem_shared>>
      tpu.enqueue_dma source(%arg10 : memref<80x64xf32, #tpu.memory_space<vmem>>) target(%dma_start3A_89 : memref<80x64xf32, #tpu.memory_space<vmem_shared>>) target_semaphore(%run_scoped3A_85 : memref<!tpu.dma_semaphore, #tpu.memory_space<semaphore_mem>>)
      %dma_wait3A_90 = arith.constant 0 : i32
      %dma_wait3A_91 = tpu.memref_slice %arg14[%add3A_15, %dma_wait3A_90] : memref<10000x64xf32, #tpu.memory_space<vmem_shared>> -> memref<80x64xf32, #tpu.memory_space<vmem_shared>>
      %dma_wait3A_92 = arith.constant 0 : i32
      %dma_wait3A_93 = tpu.memref_slice %arg14[%add3A_15, %dma_wait3A_92] : memref<10000x64xf32, #tpu.memory_space<vmem_shared>> -> memref<80x64xf32, #tpu.memory_space<vmem_shared>>
      tpu.wait_dma2 semaphore(%run_scoped3A_85 : memref<!tpu.dma_semaphore, #tpu.memory_space<semaphore_mem>>) src(%arg10 : memref<80x64xf32, #tpu.memory_space<vmem>>) dst(%dma_wait3A_93 : memref<80x64xf32, #tpu.memory_space<vmem_shared>>)
      tpu.yield
    }) : () -> ()
    %mul3A_16 = arith.constant 625 : i32
    %mul3A_17 = arith.muli %arg1, %mul3A_16 : i32
    %add3A_18 = arith.constant 320 : i32
    %add3A_19 = arith.addi %mul3A_17, %add3A_18 : i32
    "tpu.region"() ({
      %run_scoped3A_85 = tpu.sem_alloc : memref<!tpu.dma_semaphore, #tpu.memory_space<semaphore_mem>>
      %dma_start3A_86 = arith.constant 0 : i32
      %dma_start3A_87 = tpu.memref_slice %arg14[%add3A_19, %dma_start3A_86] : memref<10000x64xf32, #tpu.memory_space<vmem_shared>> -> memref<80x64xf32, #tpu.memory_space<vmem_shared>>
      %dma_start3A_88 = arith.constant 0 : i32
      %dma_start3A_89 = tpu.memref_slice %arg14[%add3A_19, %dma_start3A_88] : memref<10000x64xf32, #tpu.memory_space<vmem_shared>> -> memref<80x64xf32, #tpu.memory_space<vmem_shared>>
      tpu.enqueue_dma source(%arg10 : memref<80x64xf32, #tpu.memory_space<vmem>>) target(%dma_start3A_89 : memref<80x64xf32, #tpu.memory_space<vmem_shared>>) target_semaphore(%run_scoped3A_85 : memref<!tpu.dma_semaphore, #tpu.memory_space<semaphore_mem>>)
      %dma_wait3A_90 = arith.constant 0 : i32
      %dma_wait3A_91 = tpu.memref_slice %arg14[%add3A_19, %dma_wait3A_90] : memref<10000x64xf32, #tpu.memory_space<vmem_shared>> -> memref<80x64xf32, #tpu.memory_space<vmem_shared>>
      %dma_wait3A_92 = arith.constant 0 : i32
      %dma_wait3A_93 = tpu.memref_slice %arg14[%add3A_19, %dma_wait3A_92] : memref<10000x64xf32, #tpu.memory_space<vmem_shared>> -> memref<80x64xf32, #tpu.memory_space<vmem_shared>>
      tpu.wait_dma2 semaphore(%run_scoped3A_85 : memref<!tpu.dma_semaphore, #tpu.memory_space<semaphore_mem>>) src(%arg10 : memref<80x64xf32, #tpu.memory_space<vmem>>) dst(%dma_wait3A_93 : memref<80x64xf32, #tpu.memory_space<vmem_shared>>)
      tpu.yield
    }) : () -> ()
    %mul3A_20 = arith.constant 625 : i32
    %mul3A_21 = arith.muli %arg1, %mul3A_20 : i32
    %add3A_22 = arith.constant 400 : i32
    %add3A_23 = arith.addi %mul3A_21, %add3A_22 : i32
    "tpu.region"() ({
      %run_scoped3A_85 = tpu.sem_alloc : memref<!tpu.dma_semaphore, #tpu.memory_space<semaphore_mem>>
      %dma_start3A_86 = arith.constant 0 : i32
      %dma_start3A_87 = tpu.memref_slice %arg14[%add3A_23, %dma_start3A_86] : memref<10000x64xf32, #tpu.memory_space<vmem_shared>> -> memref<80x64xf32, #tpu.memory_space<vmem_shared>>
      %dma_start3A_88 = arith.constant 0 : i32
      %dma_start3A_89 = tpu.memref_slice %arg14[%add3A_23, %dma_start3A_88] : memref<10000x64xf32, #tpu.memory_space<vmem_shared>> -> memref<80x64xf32, #tpu.memory_space<vmem_shared>>
      tpu.enqueue_dma source(%arg10 : memref<80x64xf32, #tpu.memory_space<vmem>>) target(%dma_start3A_89 : memref<80x64xf32, #tpu.memory_space<vmem_shared>>) target_semaphore(%run_scoped3A_85 : memref<!tpu.dma_semaphore, #tpu.memory_space<semaphore_mem>>)
      %dma_wait3A_90 = arith.constant 0 : i32
      %dma_wait3A_91 = tpu.memref_slice %arg14[%add3A_23, %dma_wait3A_90] : memref<10000x64xf32, #tpu.memory_space<vmem_shared>> -> memref<80x64xf32, #tpu.memory_space<vmem_shared>>
      %dma_wait3A_92 = arith.constant 0 : i32
      %dma_wait3A_93 = tpu.memref_slice %arg14[%add3A_23, %dma_wait3A_92] : memref<10000x64xf32, #tpu.memory_space<vmem_shared>> -> memref<80x64xf32, #tpu.memory_space<vmem_shared>>
      tpu.wait_dma2 semaphore(%run_scoped3A_85 : memref<!tpu.dma_semaphore, #tpu.memory_space<semaphore_mem>>) src(%arg10 : memref<80x64xf32, #tpu.memory_space<vmem>>) dst(%dma_wait3A_93 : memref<80x64xf32, #tpu.memory_space<vmem_shared>>)
      tpu.yield
    }) : () -> ()
    %mul3A_24 = arith.constant 625 : i32
    %mul3A_25 = arith.muli %arg1, %mul3A_24 : i32
    %add3A_26 = arith.constant 480 : i32
    %add3A_27 = arith.addi %mul3A_25, %add3A_26 : i32
    "tpu.region"() ({
      %run_scoped3A_85 = tpu.sem_alloc : memref<!tpu.dma_semaphore, #tpu.memory_space<semaphore_mem>>
      %dma_start3A_86 = arith.constant 0 : i32
      %dma_start3A_87 = tpu.memref_slice %arg14[%add3A_27, %dma_start3A_86] : memref<10000x64xf32, #tpu.memory_space<vmem_shared>> -> memref<80x64xf32, #tpu.memory_space<vmem_shared>>
      %dma_start3A_88 = arith.constant 0 : i32
      %dma_start3A_89 = tpu.memref_slice %arg14[%add3A_27, %dma_start3A_88] : memref<10000x64xf32, #tpu.memory_space<vmem_shared>> -> memref<80x64xf32, #tpu.memory_space<vmem_shared>>
      tpu.enqueue_dma source(%arg10 : memref<80x64xf32, #tpu.memory_space<vmem>>) target(%dma_start3A_89 : memref<80x64xf32, #tpu.memory_space<vmem_shared>>) target_semaphore(%run_scoped3A_85 : memref<!tpu.dma_semaphore, #tpu.memory_space<semaphore_mem>>)
      %dma_wait3A_90 = arith.constant 0 : i32
      %dma_wait3A_91 = tpu.memref_slice %arg14[%add3A_27, %dma_wait3A_90] : memref<10000x64xf32, #tpu.memory_space<vmem_shared>> -> memref<80x64xf32, #tpu.memory_space<vmem_shared>>
      %dma_wait3A_92 = arith.constant 0 : i32
      %dma_wait3A_93 = tpu.memref_slice %arg14[%add3A_27, %dma_wait3A_92] : memref<10000x64xf32, #tpu.memory_space<vmem_shared>> -> memref<80x64xf32, #tpu.memory_space<vmem_shared>>
      tpu.wait_dma2 semaphore(%run_scoped3A_85 : memref<!tpu.dma_semaphore, #tpu.memory_space<semaphore_mem>>) src(%arg10 : memref<80x64xf32, #tpu.memory_space<vmem>>) dst(%dma_wait3A_93 : memref<80x64xf32, #tpu.memory_space<vmem_shared>>)
      tpu.yield
    }) : () -> ()
    %mul3A_28 = arith.constant 625 : i32
    %mul3A_29 = arith.muli %arg1, %mul3A_28 : i32
    %add3A_30 = arith.constant 560 : i32
    %add3A_31 = arith.addi %mul3A_29, %add3A_30 : i32
    "tpu.region"() ({
      %run_scoped3A_85 = tpu.sem_alloc : memref<!tpu.dma_semaphore, #tpu.memory_space<semaphore_mem>>
      %dma_start3A_86 = arith.constant 0 : i32
      %dma_start3A_87 = arith.constant 0 : i32
      %dma_start3A_88 = tpu.memref_slice %arg10[%dma_start3A_86, %dma_start3A_87] : memref<80x64xf32, #tpu.memory_space<vmem>> -> memref<65x64xf32, #tpu.memory_space<vmem>>
      %dma_start3A_89 = arith.constant 0 : i32
      %dma_start3A_90 = tpu.memref_slice %arg14[%add3A_31, %dma_start3A_89] : memref<10000x64xf32, #tpu.memory_space<vmem_shared>> -> memref<65x64xf32, #tpu.memory_space<vmem_shared>>
      %dma_start3A_91 = arith.constant 0 : i32
      %dma_start3A_92 = tpu.memref_slice %arg14[%add3A_31, %dma_start3A_91] : memref<10000x64xf32, #tpu.memory_space<vmem_shared>> -> memref<65x64xf32, #tpu.memory_space<vmem_shared>>
      %dma_start3A_93 = arith.constant 0 : i32
      %dma_start3A_94 = arith.constant 0 : i32
      %dma_start3A_95 = tpu.memref_slice %arg10[%dma_start3A_93, %dma_start3A_94] : memref<80x64xf32, #tpu.memory_space<vmem>> -> memref<65x64xf32, #tpu.memory_space<vmem>>
      tpu.enqueue_dma source(%dma_start3A_95 : memref<65x64xf32, #tpu.memory_space<vmem>>) target(%dma_start3A_92 : memref<65x64xf32, #tpu.memory_space<vmem_shared>>) target_semaphore(%run_scoped3A_85 : memref<!tpu.dma_semaphore, #tpu.memory_space<semaphore_mem>>)
      %dma_wait3A_96 = arith.constant 0 : i32
      %dma_wait3A_97 = arith.constant 0 : i32
      %dma_wait3A_98 = tpu.memref_slice %arg10[%dma_wait3A_96, %dma_wait3A_97] : memref<80x64xf32, #tpu.memory_space<vmem>> -> memref<65x64xf32, #tpu.memory_space<vmem>>
      %dma_wait3A_99 = arith.constant 0 : i32
      %dma_wait3A_100 = tpu.memref_slice %arg14[%add3A_31, %dma_wait3A_99] : memref<10000x64xf32, #tpu.memory_space<vmem_shared>> -> memref<65x64xf32, #tpu.memory_space<vmem_shared>>
      %dma_wait3A_101 = arith.constant 0 : i32
      %dma_wait3A_102 = tpu.memref_slice %arg14[%add3A_31, %dma_wait3A_101] : memref<10000x64xf32, #tpu.memory_space<vmem_shared>> -> memref<65x64xf32, #tpu.memory_space<vmem_shared>>
      %dma_wait3A_103 = arith.constant 0 : i32
      %dma_wait3A_104 = arith.constant 0 : i32
      %dma_wait3A_105 = tpu.memref_slice %arg10[%dma_wait3A_103, %dma_wait3A_104] : memref<80x64xf32, #tpu.memory_space<vmem>> -> memref<65x64xf32, #tpu.memory_space<vmem>>
      tpu.wait_dma2 semaphore(%run_scoped3A_85 : memref<!tpu.dma_semaphore, #tpu.memory_space<semaphore_mem>>) src(%dma_wait3A_105 : memref<65x64xf32, #tpu.memory_space<vmem>>) dst(%dma_wait3A_102 : memref<65x64xf32, #tpu.memory_space<vmem_shared>>)
      tpu.yield
    }) : () -> ()
    %mul3A_32 = arith.constant 16 : i32
    %mul3A_33 = arith.muli %arg0, %mul3A_32 : i32
    %add3A_34 = arith.addi %mul3A_33, %arg1 : i32
    %mul3A_35 = arith.constant 125 : i32
    %mul3A_36 = arith.muli %add3A_34, %mul3A_35 : i32
    "tpu.region"() ({
      %run_scoped3A_85 = tpu.sem_alloc : memref<!tpu.dma_semaphore, #tpu.memory_space<semaphore_mem>>
      %dma_start3A_86 = arith.constant 0 : i32
      %dma_start3A_87 = tpu.memref_slice %arg3[%mul3A_36, %dma_start3A_86] : memref<4000x80xi32, #tpu.memory_space<hbm>> -> memref<125x80xi32, #tpu.memory_space<hbm>>
      %dma_start3A_88 = arith.constant 0 : i32
      %dma_start3A_89 = tpu.memref_slice %arg3[%mul3A_36, %dma_start3A_88] : memref<4000x80xi32, #tpu.memory_space<hbm>> -> memref<125x80xi32, #tpu.memory_space<hbm>>
      tpu.enqueue_dma source(%dma_start3A_89 : memref<125x80xi32, #tpu.memory_space<hbm>>) target(%arg8 : memref<125x80xi32, #tpu.memory_space<vmem>>) target_semaphore(%run_scoped3A_85 : memref<!tpu.dma_semaphore, #tpu.memory_space<semaphore_mem>>)
      %dma_wait3A_90 = arith.constant 0 : i32
      %dma_wait3A_91 = tpu.memref_slice %arg3[%mul3A_36, %dma_wait3A_90] : memref<4000x80xi32, #tpu.memory_space<hbm>> -> memref<125x80xi32, #tpu.memory_space<hbm>>
      %dma_wait3A_92 = arith.constant 0 : i32
      %dma_wait3A_93 = tpu.memref_slice %arg3[%mul3A_36, %dma_wait3A_92] : memref<4000x80xi32, #tpu.memory_space<hbm>> -> memref<125x80xi32, #tpu.memory_space<hbm>>
      tpu.wait_dma2 semaphore(%run_scoped3A_85 : memref<!tpu.dma_semaphore, #tpu.memory_space<semaphore_mem>>) src(%dma_wait3A_93 : memref<125x80xi32, #tpu.memory_space<hbm>>) dst(%arg8 : memref<125x80xi32, #tpu.memory_space<vmem>>)
      tpu.yield
    }) : () -> ()
    %mul3A_37 = arith.constant 125 : i32
    %mul3A_38 = arith.muli %add3A_34, %mul3A_37 : i32
    "tpu.region"() ({
      %run_scoped3A_85 = tpu.sem_alloc : memref<!tpu.dma_semaphore, #tpu.memory_space<semaphore_mem>>
      %dma_start3A_86 = arith.constant 0 : i32
      %dma_start3A_87 = tpu.memref_slice %arg4[%mul3A_38, %dma_start3A_86] : memref<4000x80xi32, #tpu.memory_space<hbm>> -> memref<125x80xi32, #tpu.memory_space<hbm>>
      %dma_start3A_88 = arith.constant 0 : i32
      %dma_start3A_89 = tpu.memref_slice %arg4[%mul3A_38, %dma_start3A_88] : memref<4000x80xi32, #tpu.memory_space<hbm>> -> memref<125x80xi32, #tpu.memory_space<hbm>>
      tpu.enqueue_dma source(%dma_start3A_89 : memref<125x80xi32, #tpu.memory_space<hbm>>) target(%arg9 : memref<125x80xi32, #tpu.memory_space<vmem>>) target_semaphore(%run_scoped3A_85 : memref<!tpu.dma_semaphore, #tpu.memory_space<semaphore_mem>>)
      %dma_wait3A_90 = arith.constant 0 : i32
      %dma_wait3A_91 = tpu.memref_slice %arg4[%mul3A_38, %dma_wait3A_90] : memref<4000x80xi32, #tpu.memory_space<hbm>> -> memref<125x80xi32, #tpu.memory_space<hbm>>
      %dma_wait3A_92 = arith.constant 0 : i32
      %dma_wait3A_93 = tpu.memref_slice %arg4[%mul3A_38, %dma_wait3A_92] : memref<4000x80xi32, #tpu.memory_space<hbm>> -> memref<125x80xi32, #tpu.memory_space<hbm>>
      tpu.wait_dma2 semaphore(%run_scoped3A_85 : memref<!tpu.dma_semaphore, #tpu.memory_space<semaphore_mem>>) src(%dma_wait3A_93 : memref<125x80xi32, #tpu.memory_space<hbm>>) dst(%arg9 : memref<125x80xi32, #tpu.memory_space<vmem>>)
      tpu.yield
    }) : () -> ()
    %barrier3A = arith.constant 0 : index
    tpu.barrier barrier_id(%barrier3A)
    %dma_start3A = arith.constant 0 : i32
    %dma_start3A_39 = arith.constant 0 : i32
    %dma_start3A_40 = tpu.memref_slice %arg8[%dma_start3A, %dma_start3A_39] : memref<125x80xi32, #tpu.memory_space<vmem>> -> memref<1x80xi32, #tpu.memory_space<vmem>>
    %dma_start3A_41 = tpu.memref_squeeze %dma_start3A_40 : memref<1x80xi32, #tpu.memory_space<vmem>> -> memref<80xi32, #tpu.memory_space<vmem>>
    %dma_start3A_42 = arith.constant 0 : i32
    %dma_start3A_43 = arith.constant 0 : i32
    %dma_start3A_44 = tpu.memref_slice %arg2[%dma_start3A_42, %dma_start3A_43] : memref<10000x64xf32, #tpu.memory_space<hbm>> -> memref<10000x64xf32, #tpu.memory_space<hbm>>
    tpu.enqueue_indirect_dma source(%dma_start3A_44 : memref<10000x64xf32, #tpu.memory_space<hbm>>) target(%arg10 : memref<80x64xf32, #tpu.memory_space<vmem>>) offsets(%dma_start3A_41 : memref<80xi32, #tpu.memory_space<vmem>>) semaphore(%arg15 : memref<!tpu.dma_semaphore, #tpu.memory_space<semaphore_mem>>)
    %dma_start3A_45 = arith.constant 1 : i32
    %dma_start3A_46 = arith.constant 0 : i32
    %dma_start3A_47 = tpu.memref_slice %arg8[%dma_start3A_45, %dma_start3A_46] : memref<125x80xi32, #tpu.memory_space<vmem>> -> memref<1x80xi32, #tpu.memory_space<vmem>>
    %dma_start3A_48 = tpu.memref_squeeze %dma_start3A_47 : memref<1x80xi32, #tpu.memory_space<vmem>> -> memref<80xi32, #tpu.memory_space<vmem>>
    %dma_start3A_49 = arith.constant 0 : i32
    %dma_start3A_50 = arith.constant 0 : i32
    %dma_start3A_51 = tpu.memref_slice %arg2[%dma_start3A_49, %dma_start3A_50] : memref<10000x64xf32, #tpu.memory_space<hbm>> -> memref<10000x64xf32, #tpu.memory_space<hbm>>
    tpu.enqueue_indirect_dma source(%dma_start3A_51 : memref<10000x64xf32, #tpu.memory_space<hbm>>) target(%arg11 : memref<80x64xf32, #tpu.memory_space<vmem>>) offsets(%dma_start3A_48 : memref<80xi32, #tpu.memory_space<vmem>>) semaphore(%arg16 : memref<!tpu.dma_semaphore, #tpu.memory_space<semaphore_mem>>)
    %dma_start3A_52 = arith.constant 2 : i32
    %dma_start3A_53 = arith.constant 0 : i32
    %dma_start3A_54 = tpu.memref_slice %arg8[%dma_start3A_52, %dma_start3A_53] : memref<125x80xi32, #tpu.memory_space<vmem>> -> memref<1x80xi32, #tpu.memory_space<vmem>>
    %dma_start3A_55 = tpu.memref_squeeze %dma_start3A_54 : memref<1x80xi32, #tpu.memory_space<vmem>> -> memref<80xi32, #tpu.memory_space<vmem>>
    %dma_start3A_56 = arith.constant 0 : i32
    %dma_start3A_57 = arith.constant 0 : i32
    %dma_start3A_58 = tpu.memref_slice %arg2[%dma_start3A_56, %dma_start3A_57] : memref<10000x64xf32, #tpu.memory_space<hbm>> -> memref<10000x64xf32, #tpu.memory_space<hbm>>
    tpu.enqueue_indirect_dma source(%dma_start3A_58 : memref<10000x64xf32, #tpu.memory_space<hbm>>) target(%arg12 : memref<80x64xf32, #tpu.memory_space<vmem>>) offsets(%dma_start3A_55 : memref<80xi32, #tpu.memory_space<vmem>>) semaphore(%arg17 : memref<!tpu.dma_semaphore, #tpu.memory_space<semaphore_mem>>)
    %dma_start3A_59 = arith.constant 3 : i32
    %dma_start3A_60 = arith.constant 0 : i32
    %dma_start3A_61 = tpu.memref_slice %arg8[%dma_start3A_59, %dma_start3A_60] : memref<125x80xi32, #tpu.memory_space<vmem>> -> memref<1x80xi32, #tpu.memory_space<vmem>>
    %dma_start3A_62 = tpu.memref_squeeze %dma_start3A_61 : memref<1x80xi32, #tpu.memory_space<vmem>> -> memref<80xi32, #tpu.memory_space<vmem>>
    %dma_start3A_63 = arith.constant 0 : i32
    %dma_start3A_64 = arith.constant 0 : i32
    %dma_start3A_65 = tpu.memref_slice %arg2[%dma_start3A_63, %dma_start3A_64] : memref<10000x64xf32, #tpu.memory_space<hbm>> -> memref<10000x64xf32, #tpu.memory_space<hbm>>
    tpu.enqueue_indirect_dma source(%dma_start3A_65 : memref<10000x64xf32, #tpu.memory_space<hbm>>) target(%arg13 : memref<80x64xf32, #tpu.memory_space<vmem>>) offsets(%dma_start3A_62 : memref<80xi32, #tpu.memory_space<vmem>>) semaphore(%arg18 : memref<!tpu.dma_semaphore, #tpu.memory_space<semaphore_mem>>)
    %scan3A = arith.constant 0 : i32
    %scan3A_66 = arith.constant 0 : i32
    %scan3A_67 = arith.constant 31 : i32
    %scan3A_68 = arith.addi %scan3A_66, %scan3A_67 : i32
    %scan3A_69 = arith.constant 1 : i32
    scf.for %scan3A_85 = %scan3A_66 to %scan3A_68 step %scan3A_69  : i32 {
      %mul3A_86 = arith.constant 4 : i32
      %mul3A_87 = arith.muli %scan3A_85, %mul3A_86 : i32
      %add3A_88 = arith.constant 0 : i32
      %add3A_89 = arith.addi %mul3A_87, %add3A_88 : i32
      %dma_wait3A_90 = arith.constant 0 : i32
      %dma_wait3A_91 = tpu.memref_slice %arg8[%add3A_89, %dma_wait3A_90] : memref<125x80xi32, #tpu.memory_space<vmem>> -> memref<1x80xi32, #tpu.memory_space<vmem>>
      %dma_wait3A_92 = tpu.memref_squeeze %dma_wait3A_91 : memref<1x80xi32, #tpu.memory_space<vmem>> -> memref<80xi32, #tpu.memory_space<vmem>>
      %dma_wait3A_93 = arith.constant 0 : i32
      %dma_wait3A_94 = arith.constant 0 : i32
      %dma_wait3A_95 = tpu.memref_slice %arg2[%dma_wait3A_93, %dma_wait3A_94] : memref<10000x64xf32, #tpu.memory_space<hbm>> -> memref<10000x64xf32, #tpu.memory_space<hbm>>
      tpu.wait_indirect_dma semaphore(%arg15 : memref<!tpu.dma_semaphore, #tpu.memory_space<semaphore_mem>>) src(%dma_wait3A_95 : memref<10000x64xf32, #tpu.memory_space<hbm>>) dst(%arg10 : memref<80x64xf32, #tpu.memory_space<vmem>>)
      %add3A_96 = arith.constant 0 : i32
      %add3A_97 = arith.addi %mul3A_87, %add3A_96 : i32
      %dma_start3A_98 = arith.constant 0 : i32
      %dma_start3A_99 = tpu.memref_slice %arg9[%add3A_97, %dma_start3A_98] : memref<125x80xi32, #tpu.memory_space<vmem>> -> memref<1x80xi32, #tpu.memory_space<vmem>>
      %dma_start3A_100 = tpu.memref_squeeze %dma_start3A_99 : memref<1x80xi32, #tpu.memory_space<vmem>> -> memref<80xi32, #tpu.memory_space<vmem>>
      %dma_start3A_101 = arith.constant 0 : i32
      %dma_start3A_102 = arith.constant 0 : i32
      %dma_start3A_103 = tpu.memref_slice %arg14[%dma_start3A_101, %dma_start3A_102] : memref<10000x64xf32, #tpu.memory_space<vmem_shared>> -> memref<10000x64xf32, #tpu.memory_space<vmem_shared>>
      tpu.enqueue_indirect_dma source(%arg10 : memref<80x64xf32, #tpu.memory_space<vmem>>) target(%dma_start3A_103 : memref<10000x64xf32, #tpu.memory_space<vmem_shared>>) offsets(%dma_start3A_100 : memref<80xi32, #tpu.memory_space<vmem>>) semaphore(%arg19 : memref<!tpu.dma_semaphore, #tpu.memory_space<semaphore_mem>>) {add = true}
      %add3A_104 = arith.constant 1 : i32
      %add3A_105 = arith.addi %mul3A_87, %add3A_104 : i32
      %dma_wait3A_106 = arith.constant 0 : i32
      %dma_wait3A_107 = tpu.memref_slice %arg8[%add3A_105, %dma_wait3A_106] : memref<125x80xi32, #tpu.memory_space<vmem>> -> memref<1x80xi32, #tpu.memory_space<vmem>>
      %dma_wait3A_108 = tpu.memref_squeeze %dma_wait3A_107 : memref<1x80xi32, #tpu.memory_space<vmem>> -> memref<80xi32, #tpu.memory_space<vmem>>
      %dma_wait3A_109 = arith.constant 0 : i32
      %dma_wait3A_110 = arith.constant 0 : i32
      %dma_wait3A_111 = tpu.memref_slice %arg2[%dma_wait3A_109, %dma_wait3A_110] : memref<10000x64xf32, #tpu.memory_space<hbm>> -> memref<10000x64xf32, #tpu.memory_space<hbm>>
      tpu.wait_indirect_dma semaphore(%arg16 : memref<!tpu.dma_semaphore, #tpu.memory_space<semaphore_mem>>) src(%dma_wait3A_111 : memref<10000x64xf32, #tpu.memory_space<hbm>>) dst(%arg11 : memref<80x64xf32, #tpu.memory_space<vmem>>)
      %add3A_112 = arith.constant 1 : i32
      %add3A_113 = arith.addi %mul3A_87, %add3A_112 : i32
      %dma_start3A_114 = arith.constant 0 : i32
      %dma_start3A_115 = tpu.memref_slice %arg9[%add3A_113, %dma_start3A_114] : memref<125x80xi32, #tpu.memory_space<vmem>> -> memref<1x80xi32, #tpu.memory_space<vmem>>
      %dma_start3A_116 = tpu.memref_squeeze %dma_start3A_115 : memref<1x80xi32, #tpu.memory_space<vmem>> -> memref<80xi32, #tpu.memory_space<vmem>>
      %dma_start3A_117 = arith.constant 0 : i32
      %dma_start3A_118 = arith.constant 0 : i32
      %dma_start3A_119 = tpu.memref_slice %arg14[%dma_start3A_117, %dma_start3A_118] : memref<10000x64xf32, #tpu.memory_space<vmem_shared>> -> memref<10000x64xf32, #tpu.memory_space<vmem_shared>>
      tpu.enqueue_indirect_dma source(%arg11 : memref<80x64xf32, #tpu.memory_space<vmem>>) target(%dma_start3A_119 : memref<10000x64xf32, #tpu.memory_space<vmem_shared>>) offsets(%dma_start3A_116 : memref<80xi32, #tpu.memory_space<vmem>>) semaphore(%arg20 : memref<!tpu.dma_semaphore, #tpu.memory_space<semaphore_mem>>) {add = true}
      %add3A_120 = arith.constant 2 : i32
      %add3A_121 = arith.addi %mul3A_87, %add3A_120 : i32
      %dma_wait3A_122 = arith.constant 0 : i32
      %dma_wait3A_123 = tpu.memref_slice %arg8[%add3A_121, %dma_wait3A_122] : memref<125x80xi32, #tpu.memory_space<vmem>> -> memref<1x80xi32, #tpu.memory_space<vmem>>
      %dma_wait3A_124 = tpu.memref_squeeze %dma_wait3A_123 : memref<1x80xi32, #tpu.memory_space<vmem>> -> memref<80xi32, #tpu.memory_space<vmem>>
      %dma_wait3A_125 = arith.constant 0 : i32
      %dma_wait3A_126 = arith.constant 0 : i32
      %dma_wait3A_127 = tpu.memref_slice %arg2[%dma_wait3A_125, %dma_wait3A_126] : memref<10000x64xf32, #tpu.memory_space<hbm>> -> memref<10000x64xf32, #tpu.memory_space<hbm>>
      tpu.wait_indirect_dma semaphore(%arg17 : memref<!tpu.dma_semaphore, #tpu.memory_space<semaphore_mem>>) src(%dma_wait3A_127 : memref<10000x64xf32, #tpu.memory_space<hbm>>) dst(%arg12 : memref<80x64xf32, #tpu.memory_space<vmem>>)
      %add3A_128 = arith.constant 2 : i32
      %add3A_129 = arith.addi %mul3A_87, %add3A_128 : i32
      %dma_start3A_130 = arith.constant 0 : i32
      %dma_start3A_131 = tpu.memref_slice %arg9[%add3A_129, %dma_start3A_130] : memref<125x80xi32, #tpu.memory_space<vmem>> -> memref<1x80xi32, #tpu.memory_space<vmem>>
      %dma_start3A_132 = tpu.memref_squeeze %dma_start3A_131 : memref<1x80xi32, #tpu.memory_space<vmem>> -> memref<80xi32, #tpu.memory_space<vmem>>
      %dma_start3A_133 = arith.constant 0 : i32
      %dma_start3A_134 = arith.constant 0 : i32
      %dma_start3A_135 = tpu.memref_slice %arg14[%dma_start3A_133, %dma_start3A_134] : memref<10000x64xf32, #tpu.memory_space<vmem_shared>> -> memref<10000x64xf32, #tpu.memory_space<vmem_shared>>
      tpu.enqueue_indirect_dma source(%arg12 : memref<80x64xf32, #tpu.memory_space<vmem>>) target(%dma_start3A_135 : memref<10000x64xf32, #tpu.memory_space<vmem_shared>>) offsets(%dma_start3A_132 : memref<80xi32, #tpu.memory_space<vmem>>) semaphore(%arg21 : memref<!tpu.dma_semaphore, #tpu.memory_space<semaphore_mem>>) {add = true}
      %add3A_136 = arith.constant 3 : i32
      %add3A_137 = arith.addi %mul3A_87, %add3A_136 : i32
      %dma_wait3A_138 = arith.constant 0 : i32
      %dma_wait3A_139 = tpu.memref_slice %arg8[%add3A_137, %dma_wait3A_138] : memref<125x80xi32, #tpu.memory_space<vmem>> -> memref<1x80xi32, #tpu.memory_space<vmem>>
      %dma_wait3A_140 = tpu.memref_squeeze %dma_wait3A_139 : memref<1x80xi32, #tpu.memory_space<vmem>> -> memref<80xi32, #tpu.memory_space<vmem>>
      %dma_wait3A_141 = arith.constant 0 : i32
      %dma_wait3A_142 = arith.constant 0 : i32
      %dma_wait3A_143 = tpu.memref_slice %arg2[%dma_wait3A_141, %dma_wait3A_142] : memref<10000x64xf32, #tpu.memory_space<hbm>> -> memref<10000x64xf32, #tpu.memory_space<hbm>>
      tpu.wait_indirect_dma semaphore(%arg18 : memref<!tpu.dma_semaphore, #tpu.memory_space<semaphore_mem>>) src(%dma_wait3A_143 : memref<10000x64xf32, #tpu.memory_space<hbm>>) dst(%arg13 : memref<80x64xf32, #tpu.memory_space<vmem>>)
      %add3A_144 = arith.constant 3 : i32
      %add3A_145 = arith.addi %mul3A_87, %add3A_144 : i32
      %dma_start3A_146 = arith.constant 0 : i32
      %dma_start3A_147 = tpu.memref_slice %arg9[%add3A_145, %dma_start3A_146] : memref<125x80xi32, #tpu.memory_space<vmem>> -> memref<1x80xi32, #tpu.memory_space<vmem>>
      %dma_start3A_148 = tpu.memref_squeeze %dma_start3A_147 : memref<1x80xi32, #tpu.memory_space<vmem>> -> memref<80xi32, #tpu.memory_space<vmem>>
      %dma_start3A_149 = arith.constant 0 : i32
      %dma_start3A_150 = arith.constant 0 : i32
      %dma_start3A_151 = tpu.memref_slice %arg14[%dma_start3A_149, %dma_start3A_150] : memref<10000x64xf32, #tpu.memory_space<vmem_shared>> -> memref<10000x64xf32, #tpu.memory_space<vmem_shared>>
      tpu.enqueue_indirect_dma source(%arg13 : memref<80x64xf32, #tpu.memory_space<vmem>>) target(%dma_start3A_151 : memref<10000x64xf32, #tpu.memory_space<vmem_shared>>) offsets(%dma_start3A_148 : memref<80xi32, #tpu.memory_space<vmem>>) semaphore(%arg22 : memref<!tpu.dma_semaphore, #tpu.memory_space<semaphore_mem>>) {add = true}
      %add3A_152 = arith.constant 0 : i32
      %add3A_153 = arith.addi %mul3A_87, %add3A_152 : i32
      %dma_wait3A_154 = arith.constant 0 : i32
      %dma_wait3A_155 = tpu.memref_slice %arg9[%add3A_153, %dma_wait3A_154] : memref<125x80xi32, #tpu.memory_space<vmem>> -> memref<1x80xi32, #tpu.memory_space<vmem>>
      %dma_wait3A_156 = tpu.memref_squeeze %dma_wait3A_155 : memref<1x80xi32, #tpu.memory_space<vmem>> -> memref<80xi32, #tpu.memory_space<vmem>>
      %dma_wait3A_157 = arith.constant 0 : i32
      %dma_wait3A_158 = arith.constant 0 : i32
      %dma_wait3A_159 = tpu.memref_slice %arg14[%dma_wait3A_157, %dma_wait3A_158] : memref<10000x64xf32, #tpu.memory_space<vmem_shared>> -> memref<10000x64xf32, #tpu.memory_space<vmem_shared>>
      tpu.wait_indirect_dma semaphore(%arg19 : memref<!tpu.dma_semaphore, #tpu.memory_space<semaphore_mem>>) src(%arg10 : memref<80x64xf32, #tpu.memory_space<vmem>>) dst(%dma_wait3A_159 : memref<10000x64xf32, #tpu.memory_space<vmem_shared>>)
      %add3A_160 = arith.constant 4 : i32
      %add3A_161 = arith.addi %mul3A_87, %add3A_160 : i32
      %add3A_162 = arith.constant 0 : i32
      %add3A_163 = arith.addi %add3A_161, %add3A_162 : i32
      %lt3A = arith.constant 125 : i32
      %lt3A_164 = arith.cmpi slt, %add3A_163, %lt3A : i32
      %convert_element_type3A_165 = arith.extui %lt3A_164 : i1 to i32
      %cond3A_166 = arith.constant 0 : i32
      %cond3A_167 = arith.cmpi ne, %convert_element_type3A_165, %cond3A_166 : i32
      scf.if %cond3A_167 {
        %add3A_219 = arith.constant 4 : i32
        %add3A_220 = arith.addi %mul3A_87, %add3A_219 : i32
        %add3A_221 = arith.constant 0 : i32
        %add3A_222 = arith.addi %add3A_220, %add3A_221 : i32
        %dma_start3A_223 = arith.constant 0 : i32
        %dma_start3A_224 = tpu.memref_slice %arg8[%add3A_222, %dma_start3A_223] : memref<125x80xi32, #tpu.memory_space<vmem>> -> memref<1x80xi32, #tpu.memory_space<vmem>>
        %dma_start3A_225 = tpu.memref_squeeze %dma_start3A_224 : memref<1x80xi32, #tpu.memory_space<vmem>> -> memref<80xi32, #tpu.memory_space<vmem>>
        %dma_start3A_226 = arith.constant 0 : i32
        %dma_start3A_227 = arith.constant 0 : i32
        %dma_start3A_228 = tpu.memref_slice %arg2[%dma_start3A_226, %dma_start3A_227] : memref<10000x64xf32, #tpu.memory_space<hbm>> -> memref<10000x64xf32, #tpu.memory_space<hbm>>
        tpu.enqueue_indirect_dma source(%dma_start3A_228 : memref<10000x64xf32, #tpu.memory_space<hbm>>) target(%arg10 : memref<80x64xf32, #tpu.memory_space<vmem>>) offsets(%dma_start3A_225 : memref<80xi32, #tpu.memory_space<vmem>>) semaphore(%arg15 : memref<!tpu.dma_semaphore, #tpu.memory_space<semaphore_mem>>)
      } else {
      }
      %add3A_168 = arith.constant 1 : i32
      %add3A_169 = arith.addi %mul3A_87, %add3A_168 : i32
      %dma_wait3A_170 = arith.constant 0 : i32
      %dma_wait3A_171 = tpu.memref_slice %arg9[%add3A_169, %dma_wait3A_170] : memref<125x80xi32, #tpu.memory_space<vmem>> -> memref<1x80xi32, #tpu.memory_space<vmem>>
      %dma_wait3A_172 = tpu.memref_squeeze %dma_wait3A_171 : memref<1x80xi32, #tpu.memory_space<vmem>> -> memref<80xi32, #tpu.memory_space<vmem>>
      %dma_wait3A_173 = arith.constant 0 : i32
      %dma_wait3A_174 = arith.constant 0 : i32
      %dma_wait3A_175 = tpu.memref_slice %arg14[%dma_wait3A_173, %dma_wait3A_174] : memref<10000x64xf32, #tpu.memory_space<vmem_shared>> -> memref<10000x64xf32, #tpu.memory_space<vmem_shared>>
      tpu.wait_indirect_dma semaphore(%arg20 : memref<!tpu.dma_semaphore, #tpu.memory_space<semaphore_mem>>) src(%arg11 : memref<80x64xf32, #tpu.memory_space<vmem>>) dst(%dma_wait3A_175 : memref<10000x64xf32, #tpu.memory_space<vmem_shared>>)
      %add3A_176 = arith.constant 4 : i32
      %add3A_177 = arith.addi %mul3A_87, %add3A_176 : i32
      %add3A_178 = arith.constant 1 : i32
      %add3A_179 = arith.addi %add3A_177, %add3A_178 : i32
      %lt3A_180 = arith.constant 125 : i32
      %lt3A_181 = arith.cmpi slt, %add3A_179, %lt3A_180 : i32
      %convert_element_type3A_182 = arith.extui %lt3A_181 : i1 to i32
      %cond3A_183 = arith.constant 0 : i32
      %cond3A_184 = arith.cmpi ne, %convert_element_type3A_182, %cond3A_183 : i32
      scf.if %cond3A_184 {
        %add3A_219 = arith.constant 4 : i32
        %add3A_220 = arith.addi %mul3A_87, %add3A_219 : i32
        %add3A_221 = arith.constant 1 : i32
        %add3A_222 = arith.addi %add3A_220, %add3A_221 : i32
        %dma_start3A_223 = arith.constant 0 : i32
        %dma_start3A_224 = tpu.memref_slice %arg8[%add3A_222, %dma_start3A_223] : memref<125x80xi32, #tpu.memory_space<vmem>> -> memref<1x80xi32, #tpu.memory_space<vmem>>
        %dma_start3A_225 = tpu.memref_squeeze %dma_start3A_224 : memref<1x80xi32, #tpu.memory_space<vmem>> -> memref<80xi32, #tpu.memory_space<vmem>>
        %dma_start3A_226 = arith.constant 0 : i32
        %dma_start3A_227 = arith.constant 0 : i32
        %dma_start3A_228 = tpu.memref_slice %arg2[%dma_start3A_226, %dma_start3A_227] : memref<10000x64xf32, #tpu.memory_space<hbm>> -> memref<10000x64xf32, #tpu.memory_space<hbm>>
        tpu.enqueue_indirect_dma source(%dma_start3A_228 : memref<10000x64xf32, #tpu.memory_space<hbm>>) target(%arg11 : memref<80x64xf32, #tpu.memory_space<vmem>>) offsets(%dma_start3A_225 : memref<80xi32, #tpu.memory_space<vmem>>) semaphore(%arg16 : memref<!tpu.dma_semaphore, #tpu.memory_space<semaphore_mem>>)
      } else {
      }
      %add3A_185 = arith.constant 2 : i32
      %add3A_186 = arith.addi %mul3A_87, %add3A_185 : i32
      %dma_wait3A_187 = arith.constant 0 : i32
      %dma_wait3A_188 = tpu.memref_slice %arg9[%add3A_186, %dma_wait3A_187] : memref<125x80xi32, #tpu.memory_space<vmem>> -> memref<1x80xi32, #tpu.memory_space<vmem>>
      %dma_wait3A_189 = tpu.memref_squeeze %dma_wait3A_188 : memref<1x80xi32, #tpu.memory_space<vmem>> -> memref<80xi32, #tpu.memory_space<vmem>>
      %dma_wait3A_190 = arith.constant 0 : i32
      %dma_wait3A_191 = arith.constant 0 : i32
      %dma_wait3A_192 = tpu.memref_slice %arg14[%dma_wait3A_190, %dma_wait3A_191] : memref<10000x64xf32, #tpu.memory_space<vmem_shared>> -> memref<10000x64xf32, #tpu.memory_space<vmem_shared>>
      tpu.wait_indirect_dma semaphore(%arg21 : memref<!tpu.dma_semaphore, #tpu.memory_space<semaphore_mem>>) src(%arg12 : memref<80x64xf32, #tpu.memory_space<vmem>>) dst(%dma_wait3A_192 : memref<10000x64xf32, #tpu.memory_space<vmem_shared>>)
      %add3A_193 = arith.constant 4 : i32
      %add3A_194 = arith.addi %mul3A_87, %add3A_193 : i32
      %add3A_195 = arith.constant 2 : i32
      %add3A_196 = arith.addi %add3A_194, %add3A_195 : i32
      %lt3A_197 = arith.constant 125 : i32
      %lt3A_198 = arith.cmpi slt, %add3A_196, %lt3A_197 : i32
      %convert_element_type3A_199 = arith.extui %lt3A_198 : i1 to i32
      %cond3A_200 = arith.constant 0 : i32
      %cond3A_201 = arith.cmpi ne, %convert_element_type3A_199, %cond3A_200 : i32
      scf.if %cond3A_201 {
        %add3A_219 = arith.constant 4 : i32
        %add3A_220 = arith.addi %mul3A_87, %add3A_219 : i32
        %add3A_221 = arith.constant 2 : i32
        %add3A_222 = arith.addi %add3A_220, %add3A_221 : i32
        %dma_start3A_223 = arith.constant 0 : i32
        %dma_start3A_224 = tpu.memref_slice %arg8[%add3A_222, %dma_start3A_223] : memref<125x80xi32, #tpu.memory_space<vmem>> -> memref<1x80xi32, #tpu.memory_space<vmem>>
        %dma_start3A_225 = tpu.memref_squeeze %dma_start3A_224 : memref<1x80xi32, #tpu.memory_space<vmem>> -> memref<80xi32, #tpu.memory_space<vmem>>
        %dma_start3A_226 = arith.constant 0 : i32
        %dma_start3A_227 = arith.constant 0 : i32
        %dma_start3A_228 = tpu.memref_slice %arg2[%dma_start3A_226, %dma_start3A_227] : memref<10000x64xf32, #tpu.memory_space<hbm>> -> memref<10000x64xf32, #tpu.memory_space<hbm>>
        tpu.enqueue_indirect_dma source(%dma_start3A_228 : memref<10000x64xf32, #tpu.memory_space<hbm>>) target(%arg12 : memref<80x64xf32, #tpu.memory_space<vmem>>) offsets(%dma_start3A_225 : memref<80xi32, #tpu.memory_space<vmem>>) semaphore(%arg17 : memref<!tpu.dma_semaphore, #tpu.memory_space<semaphore_mem>>)
      } else {
      }
      %add3A_202 = arith.constant 3 : i32
      %add3A_203 = arith.addi %mul3A_87, %add3A_202 : i32
      %dma_wait3A_204 = arith.constant 0 : i32
      %dma_wait3A_205 = tpu.memref_slice %arg9[%add3A_203, %dma_wait3A_204] : memref<125x80xi32, #tpu.memory_space<vmem>> -> memref<1x80xi32, #tpu.memory_space<vmem>>
      %dma_wait3A_206 = tpu.memref_squeeze %dma_wait3A_205 : memref<1x80xi32, #tpu.memory_space<vmem>> -> memref<80xi32, #tpu.memory_space<vmem>>
      %dma_wait3A_207 = arith.constant 0 : i32
      %dma_wait3A_208 = arith.constant 0 : i32
      %dma_wait3A_209 = tpu.memref_slice %arg14[%dma_wait3A_207, %dma_wait3A_208] : memref<10000x64xf32, #tpu.memory_space<vmem_shared>> -> memref<10000x64xf32, #tpu.memory_space<vmem_shared>>
      tpu.wait_indirect_dma semaphore(%arg22 : memref<!tpu.dma_semaphore, #tpu.memory_space<semaphore_mem>>) src(%arg13 : memref<80x64xf32, #tpu.memory_space<vmem>>) dst(%dma_wait3A_209 : memref<10000x64xf32, #tpu.memory_space<vmem_shared>>)
      %add3A_210 = arith.constant 4 : i32
      %add3A_211 = arith.addi %mul3A_87, %add3A_210 : i32
      %add3A_212 = arith.constant 3 : i32
      %add3A_213 = arith.addi %add3A_211, %add3A_212 : i32
      %lt3A_214 = arith.constant 125 : i32
      %lt3A_215 = arith.cmpi slt, %add3A_213, %lt3A_214 : i32
      %convert_element_type3A_216 = arith.extui %lt3A_215 : i1 to i32
      %cond3A_217 = arith.constant 0 : i32
      %cond3A_218 = arith.cmpi ne, %convert_element_type3A_216, %cond3A_217 : i32
      scf.if %cond3A_218 {
        %add3A_219 = arith.constant 4 : i32
        %add3A_220 = arith.addi %mul3A_87, %add3A_219 : i32
        %add3A_221 = arith.constant 3 : i32
        %add3A_222 = arith.addi %add3A_220, %add3A_221 : i32
        %dma_start3A_223 = arith.constant 0 : i32
        %dma_start3A_224 = tpu.memref_slice %arg8[%add3A_222, %dma_start3A_223] : memref<125x80xi32, #tpu.memory_space<vmem>> -> memref<1x80xi32, #tpu.memory_space<vmem>>
        %dma_start3A_225 = tpu.memref_squeeze %dma_start3A_224 : memref<1x80xi32, #tpu.memory_space<vmem>> -> memref<80xi32, #tpu.memory_space<vmem>>
        %dma_start3A_226 = arith.constant 0 : i32
        %dma_start3A_227 = arith.constant 0 : i32
        %dma_start3A_228 = tpu.memref_slice %arg2[%dma_start3A_226, %dma_start3A_227] : memref<10000x64xf32, #tpu.memory_space<hbm>> -> memref<10000x64xf32, #tpu.memory_space<hbm>>
        tpu.enqueue_indirect_dma source(%dma_start3A_228 : memref<10000x64xf32, #tpu.memory_space<hbm>>) target(%arg13 : memref<80x64xf32, #tpu.memory_space<vmem>>) offsets(%dma_start3A_225 : memref<80xi32, #tpu.memory_space<vmem>>) semaphore(%arg18 : memref<!tpu.dma_semaphore, #tpu.memory_space<semaphore_mem>>)
      } else {
      }
    }
    %scan3A_70 = arith.constant 31 : i32
    %dma_wait3A = arith.constant 124 : i32
    %dma_wait3A_71 = arith.constant 0 : i32
    %dma_wait3A_72 = tpu.memref_slice %arg8[%dma_wait3A, %dma_wait3A_71] : memref<125x80xi32, #tpu.memory_space<vmem>> -> memref<1x80xi32, #tpu.memory_space<vmem>>
    %dma_wait3A_73 = tpu.memref_squeeze %dma_wait3A_72 : memref<1x80xi32, #tpu.memory_space<vmem>> -> memref<80xi32, #tpu.memory_space<vmem>>
    %dma_wait3A_74 = arith.constant 0 : i32
    %dma_wait3A_75 = arith.constant 0 : i32
    %dma_wait3A_76 = tpu.memref_slice %arg2[%dma_wait3A_74, %dma_wait3A_75] : memref<10000x64xf32, #tpu.memory_space<hbm>> -> memref<10000x64xf32, #tpu.memory_space<hbm>>
    tpu.wait_indirect_dma semaphore(%arg15 : memref<!tpu.dma_semaphore, #tpu.memory_space<semaphore_mem>>) src(%dma_wait3A_76 : memref<10000x64xf32, #tpu.memory_space<hbm>>) dst(%arg10 : memref<80x64xf32, #tpu.memory_space<vmem>>)
    %run_scoped3A = arith.constant 124 : i32
    "tpu.region"() ({
      %run_scoped3A_85 = tpu.sem_alloc : memref<!tpu.dma_semaphore, #tpu.memory_space<semaphore_mem>>
      %dma_start3A_86 = arith.constant 0 : i32
      %dma_start3A_87 = tpu.memref_slice %arg9[%run_scoped3A, %dma_start3A_86] : memref<125x80xi32, #tpu.memory_space<vmem>> -> memref<1x80xi32, #tpu.memory_space<vmem>>
      %dma_start3A_88 = tpu.memref_squeeze %dma_start3A_87 : memref<1x80xi32, #tpu.memory_space<vmem>> -> memref<80xi32, #tpu.memory_space<vmem>>
      %dma_start3A_89 = arith.constant 0 : i32
      %dma_start3A_90 = arith.constant 0 : i32
      %dma_start3A_91 = tpu.memref_slice %arg14[%dma_start3A_89, %dma_start3A_90] : memref<10000x64xf32, #tpu.memory_space<vmem_shared>> -> memref<10000x64xf32, #tpu.memory_space<vmem_shared>>
      tpu.enqueue_indirect_dma source(%arg10 : memref<80x64xf32, #tpu.memory_space<vmem>>) target(%dma_start3A_91 : memref<10000x64xf32, #tpu.memory_space<vmem_shared>>) offsets(%dma_start3A_88 : memref<80xi32, #tpu.memory_space<vmem>>) semaphore(%run_scoped3A_85 : memref<!tpu.dma_semaphore, #tpu.memory_space<semaphore_mem>>) {add = true}
      %dma_wait3A_92 = arith.constant 0 : i32
      %dma_wait3A_93 = tpu.memref_slice %arg9[%run_scoped3A, %dma_wait3A_92] : memref<125x80xi32, #tpu.memory_space<vmem>> -> memref<1x80xi32, #tpu.memory_space<vmem>>
      %dma_wait3A_94 = tpu.memref_squeeze %dma_wait3A_93 : memref<1x80xi32, #tpu.memory_space<vmem>> -> memref<80xi32, #tpu.memory_space<vmem>>
      %dma_wait3A_95 = arith.constant 0 : i32
      %dma_wait3A_96 = arith.constant 0 : i32
      %dma_wait3A_97 = tpu.memref_slice %arg14[%dma_wait3A_95, %dma_wait3A_96] : memref<10000x64xf32, #tpu.memory_space<vmem_shared>> -> memref<10000x64xf32, #tpu.memory_space<vmem_shared>>
      tpu.wait_indirect_dma semaphore(%run_scoped3A_85 : memref<!tpu.dma_semaphore, #tpu.memory_space<semaphore_mem>>) src(%arg10 : memref<80x64xf32, #tpu.memory_space<vmem>>) dst(%dma_wait3A_97 : memref<10000x64xf32, #tpu.memory_space<vmem_shared>>)
      tpu.yield
    }) : () -> ()
    %barrier3A_77 = arith.constant 0 : index
    tpu.barrier barrier_id(%barrier3A_77)
    %eq3A = arith.constant 0 : i32
    %eq3A_78 = arith.cmpi eq, %arg0, %eq3A : i32
    %convert_element_type3A = arith.extui %eq3A_78 : i1 to i32
    %cond3A = arith.constant 0 : i32
    %cond3A_79 = arith.cmpi ne, %convert_element_type3A, %cond3A : i32
    scf.if %cond3A_79 {
      "tpu.region"() ({
        %run_scoped3A_85 = tpu.sem_alloc : memref<!tpu.dma_semaphore, #tpu.memory_space<semaphore_mem>>
        %dma_start3A_86 = arith.constant 0 : i32
        %dma_start3A_87 = tpu.memref_slice %arg6[%mul3A_0, %dma_start3A_86] : memref<10000x64xf32, #tpu.memory_space<hbm>> -> memref<625x64xf32, #tpu.memory_space<hbm>>
        %dma_start3A_88 = arith.constant 0 : i32
        %dma_start3A_89 = tpu.memref_slice %arg14[%mul3A_0, %dma_start3A_88] : memref<10000x64xf32, #tpu.memory_space<vmem_shared>> -> memref<625x64xf32, #tpu.memory_space<vmem_shared>>
        tpu.enqueue_dma source(%dma_start3A_89 : memref<625x64xf32, #tpu.memory_space<vmem_shared>>) target(%dma_start3A_87 : memref<625x64xf32, #tpu.memory_space<hbm>>) target_semaphore(%run_scoped3A_85 : memref<!tpu.dma_semaphore, #tpu.memory_space<semaphore_mem>>)
        %dma_wait3A_90 = arith.constant 0 : i32
        %dma_wait3A_91 = tpu.memref_slice %arg6[%mul3A_0, %dma_wait3A_90] : memref<10000x64xf32, #tpu.memory_space<hbm>> -> memref<625x64xf32, #tpu.memory_space<hbm>>
        %dma_wait3A_92 = arith.constant 0 : i32
        %dma_wait3A_93 = tpu.memref_slice %arg14[%mul3A_0, %dma_wait3A_92] : memref<10000x64xf32, #tpu.memory_space<vmem_shared>> -> memref<625x64xf32, #tpu.memory_space<vmem_shared>>
        tpu.wait_dma2 semaphore(%run_scoped3A_85 : memref<!tpu.dma_semaphore, #tpu.memory_space<semaphore_mem>>) src(%dma_wait3A_93 : memref<625x64xf32, #tpu.memory_space<vmem_shared>>) dst(%dma_wait3A_91 : memref<625x64xf32, #tpu.memory_space<hbm>>)
        tpu.yield
      }) : () -> ()
    } else {
    }
    %eq3A_80 = arith.constant 1 : i32
    %eq3A_81 = arith.cmpi eq, %arg0, %eq3A_80 : i32
    %convert_element_type3A_82 = arith.extui %eq3A_81 : i1 to i32
    %cond3A_83 = arith.constant 0 : i32
    %cond3A_84 = arith.cmpi ne, %convert_element_type3A_82, %cond3A_83 : i32
    scf.if %cond3A_84 {
      "tpu.region"() ({
        %run_scoped3A_85 = tpu.sem_alloc : memref<!tpu.dma_semaphore, #tpu.memory_space<semaphore_mem>>
        %dma_start3A_86 = arith.constant 0 : i32
        %dma_start3A_87 = tpu.memref_slice %arg7[%mul3A_0, %dma_start3A_86] : memref<10000x64xf32, #tpu.memory_space<hbm>> -> memref<625x64xf32, #tpu.memory_space<hbm>>
        %dma_start3A_88 = arith.constant 0 : i32
        %dma_start3A_89 = tpu.memref_slice %arg14[%mul3A_0, %dma_start3A_88] : memref<10000x64xf32, #tpu.memory_space<vmem_shared>> -> memref<625x64xf32, #tpu.memory_space<vmem_shared>>
        tpu.enqueue_dma source(%dma_start3A_89 : memref<625x64xf32, #tpu.memory_space<vmem_shared>>) target(%dma_start3A_87 : memref<625x64xf32, #tpu.memory_space<hbm>>) target_semaphore(%run_scoped3A_85 : memref<!tpu.dma_semaphore, #tpu.memory_space<semaphore_mem>>)
        %dma_wait3A_90 = arith.constant 0 : i32
        %dma_wait3A_91 = tpu.memref_slice %arg7[%mul3A_0, %dma_wait3A_90] : memref<10000x64xf32, #tpu.memory_space<hbm>> -> memref<625x64xf32, #tpu.memory_space<hbm>>
        %dma_wait3A_92 = arith.constant 0 : i32
        %dma_wait3A_93 = tpu.memref_slice %arg14[%mul3A_0, %dma_wait3A_92] : memref<10000x64xf32, #tpu.memory_space<vmem_shared>> -> memref<625x64xf32, #tpu.memory_space<vmem_shared>>
        tpu.wait_dma2 semaphore(%run_scoped3A_85 : memref<!tpu.dma_semaphore, #tpu.memory_space<semaphore_mem>>) src(%dma_wait3A_93 : memref<625x64xf32, #tpu.memory_space<vmem_shared>>) dst(%dma_wait3A_91 : memref<625x64xf32, #tpu.memory_space<hbm>>)
        tpu.yield
      }) : () -> ()
    } else {
    }
    return
  }
}

#map = affine_map<(d0, d1) -> (0, 0)>
module attributes {stable_mosaic.version = 14 : i64} {
  func.func @body(%arg0: i32, %arg1: i32, %arg2: memref<10000x64xf32, #tpu.memory_space<hbm>>, %arg3: memref<4000x80xi32, #tpu.memory_space<hbm>>, %arg4: memref<4000x80xi32, #tpu.memory_space<hbm>>, %arg5: memref<80x64xf32, #tpu.memory_space<hbm>>, %arg6: memref<10000x64xf32, #tpu.memory_space<hbm>>, %arg7: memref<10000x64xf32, #tpu.memory_space<hbm>>, %arg8: memref<125x80xi32, #tpu.memory_space<vmem>>, %arg9: memref<125x80xi32, #tpu.memory_space<vmem>>, %arg10: memref<80x64xf32, #tpu.memory_space<vmem>>, %arg11: memref<80x64xf32, #tpu.memory_space<vmem>>, %arg12: memref<80x64xf32, #tpu.memory_space<vmem>>, %arg13: memref<80x64xf32, #tpu.memory_space<vmem>>, %arg14: memref<10000x64xf32, #tpu.memory_space<vmem_shared>>, %arg15: memref<!tpu.dma_semaphore, #tpu.memory_space<semaphore_mem>>, %arg16: memref<!tpu.dma_semaphore, #tpu.memory_space<semaphore_mem>>, %arg17: memref<!tpu.dma_semaphore, #tpu.memory_space<semaphore_mem>>, %arg18: memref<!tpu.dma_semaphore, #tpu.memory_space<semaphore_mem>>, %arg19: memref<!tpu.dma_semaphore, #tpu.memory_space<semaphore_mem>>, %arg20: memref<!tpu.dma_semaphore, #tpu.memory_space<semaphore_mem>>, %arg21: memref<!tpu.dma_semaphore, #tpu.memory_space<semaphore_mem>>, %arg22: memref<!tpu.dma_semaphore, #tpu.memory_space<semaphore_mem>>) attributes {dimension_semantics = [#tpu.dimension_semantics<core_parallel>, #tpu.dimension_semantics<subcore_parallel>], iteration_bounds = array<i64: 2, 16>, scalar_prefetch = 0 : i64, scratch_operands = 15 : i64, tpu.core_type = #tpu.core_type<sc_vector_subcore>, window_params = [{transform_indices = #map}, {transform_indices = #map}, {transform_indices = #map}, {transform_indices = #map}, {transform_indices = #map}, {transform_indices = #map}]} {
    %mul3A = arith.constant 625 : i32
    %mul3A_0 = arith.muli %arg1, %mul3A : i32
    "tpu.region"() ({
      %run_scoped3A_85 = tpu.sem_alloc : memref<!tpu.dma_semaphore, #tpu.memory_space<semaphore_mem>>
      tpu.enqueue_dma source(%arg5 : memref<80x64xf32, #tpu.memory_space<hbm>>) target(%arg10 : memref<80x64xf32, #tpu.memory_space<vmem>>) target_semaphore(%run_scoped3A_85 : memref<!tpu.dma_semaphore, #tpu.memory_space<semaphore_mem>>)
      tpu.wait_dma2 semaphore(%run_scoped3A_85 : memref<!tpu.dma_semaphore, #tpu.memory_space<semaphore_mem>>) src(%arg5 : memref<80x64xf32, #tpu.memory_space<hbm>>) dst(%arg10 : memref<80x64xf32, #tpu.memory_space<vmem>>)
      tpu.yield
    }) : () -> ()
    %mul3A_1 = arith.constant 625 : i32
    %mul3A_2 = arith.muli %arg1, %mul3A_1 : i32
    %add3A = arith.constant 0 : i32
    %add3A_3 = arith.addi %mul3A_2, %add3A : i32
    "tpu.region"() ({
      %run_scoped3A_85 = tpu.sem_alloc : memref<!tpu.dma_semaphore, #tpu.memory_space<semaphore_mem>>
      %dma_start3A_86 = arith.constant 0 : i32
      %dma_start3A_87 = tpu.memref_slice %arg14[%add3A_3, %dma_start3A_86] : memref<10000x64xf32, #tpu.memory_space<vmem_shared>> -> memref<80x64xf32, #tpu.memory_space<vmem_shared>>
      %dma_start3A_88 = arith.constant 0 : i32
      %dma_start3A_89 = tpu.memref_slice %arg14[%add3A_3, %dma_start3A_88] : memref<10000x64xf32, #tpu.memory_space<vmem_shared>> -> memref<80x64xf32, #tpu.memory_space<vmem_shared>>
      tpu.enqueue_dma source(%arg10 : memref<80x64xf32, #tpu.memory_space<vmem>>) target(%dma_start3A_89 : memref<80x64xf32, #tpu.memory_space<vmem_shared>>) target_semaphore(%run_scoped3A_85 : memref<!tpu.dma_semaphore, #tpu.memory_space<semaphore_mem>>)
      %dma_wait3A_90 = arith.constant 0 : i32
      %dma_wait3A_91 = tpu.memref_slice %arg14[%add3A_3, %dma_wait3A_90] : memref<10000x64xf32, #tpu.memory_space<vmem_shared>> -> memref<80x64xf32, #tpu.memory_space<vmem_shared>>
      %dma_wait3A_92 = arith.constant 0 : i32
      %dma_wait3A_93 = tpu.memref_slice %arg14[%add3A_3, %dma_wait3A_92] : memref<10000x64xf32, #tpu.memory_space<vmem_shared>> -> memref<80x64xf32, #tpu.memory_space<vmem_shared>>
      tpu.wait_dma2 semaphore(%run_scoped3A_85 : memref<!tpu.dma_semaphore, #tpu.memory_space<semaphore_mem>>) src(%arg10 : memref<80x64xf32, #tpu.memory_space<vmem>>) dst(%dma_wait3A_93 : memref<80x64xf32, #tpu.memory_space<vmem_shared>>)
      tpu.yield
    }) : () -> ()
    %mul3A_4 = arith.constant 625 : i32
    %mul3A_5 = arith.muli %arg1, %mul3A_4 : i32
    %add3A_6 = arith.constant 80 : i32
    %add3A_7 = arith.addi %mul3A_5, %add3A_6 : i32
    "tpu.region"() ({
      %run_scoped3A_85 = tpu.sem_alloc : memref<!tpu.dma_semaphore, #tpu.memory_space<semaphore_mem>>
      %dma_start3A_86 = arith.constant 0 : i32
      %dma_start3A_87 = tpu.memref_slice %arg14[%add3A_7, %dma_start3A_86] : memref<10000x64xf32, #tpu.memory_space<vmem_shared>> -> memref<80x64xf32, #tpu.memory_space<vmem_shared>>
      %dma_start3A_88 = arith.constant 0 : i32
      %dma_start3A_89 = tpu.memref_slice %arg14[%add3A_7, %dma_start3A_88] : memref<10000x64xf32, #tpu.memory_space<vmem_shared>> -> memref<80x64xf32, #tpu.memory_space<vmem_shared>>
      tpu.enqueue_dma source(%arg10 : memref<80x64xf32, #tpu.memory_space<vmem>>) target(%dma_start3A_89 : memref<80x64xf32, #tpu.memory_space<vmem_shared>>) target_semaphore(%run_scoped3A_85 : memref<!tpu.dma_semaphore, #tpu.memory_space<semaphore_mem>>)
      %dma_wait3A_90 = arith.constant 0 : i32
      %dma_wait3A_91 = tpu.memref_slice %arg14[%add3A_7, %dma_wait3A_90] : memref<10000x64xf32, #tpu.memory_space<vmem_shared>> -> memref<80x64xf32, #tpu.memory_space<vmem_shared>>
      %dma_wait3A_92 = arith.constant 0 : i32
      %dma_wait3A_93 = tpu.memref_slice %arg14[%add3A_7, %dma_wait3A_92] : memref<10000x64xf32, #tpu.memory_space<vmem_shared>> -> memref<80x64xf32, #tpu.memory_space<vmem_shared>>
      tpu.wait_dma2 semaphore(%run_scoped3A_85 : memref<!tpu.dma_semaphore, #tpu.memory_space<semaphore_mem>>) src(%arg10 : memref<80x64xf32, #tpu.memory_space<vmem>>) dst(%dma_wait3A_93 : memref<80x64xf32, #tpu.memory_space<vmem_shared>>)
      tpu.yield
    }) : () -> ()
    %mul3A_8 = arith.constant 625 : i32
    %mul3A_9 = arith.muli %arg1, %mul3A_8 : i32
    %add3A_10 = arith.constant 160 : i32
    %add3A_11 = arith.addi %mul3A_9, %add3A_10 : i32
    "tpu.region"() ({
      %run_scoped3A_85 = tpu.sem_alloc : memref<!tpu.dma_semaphore, #tpu.memory_space<semaphore_mem>>
      %dma_start3A_86 = arith.constant 0 : i32
      %dma_start3A_87 = tpu.memref_slice %arg14[%add3A_11, %dma_start3A_86] : memref<10000x64xf32, #tpu.memory_space<vmem_shared>> -> memref<80x64xf32, #tpu.memory_space<vmem_shared>>
      %dma_start3A_88 = arith.constant 0 : i32
      %dma_start3A_89 = tpu.memref_slice %arg14[%add3A_11, %dma_start3A_88] : memref<10000x64xf32, #tpu.memory_space<vmem_shared>> -> memref<80x64xf32, #tpu.memory_space<vmem_shared>>
      tpu.enqueue_dma source(%arg10 : memref<80x64xf32, #tpu.memory_space<vmem>>) target(%dma_start3A_89 : memref<80x64xf32, #tpu.memory_space<vmem_shared>>) target_semaphore(%run_scoped3A_85 : memref<!tpu.dma_semaphore, #tpu.memory_space<semaphore_mem>>)
      %dma_wait3A_90 = arith.constant 0 : i32
      %dma_wait3A_91 = tpu.memref_slice %arg14[%add3A_11, %dma_wait3A_90] : memref<10000x64xf32, #tpu.memory_space<vmem_shared>> -> memref<80x64xf32, #tpu.memory_space<vmem_shared>>
      %dma_wait3A_92 = arith.constant 0 : i32
      %dma_wait3A_93 = tpu.memref_slice %arg14[%add3A_11, %dma_wait3A_92] : memref<10000x64xf32, #tpu.memory_space<vmem_shared>> -> memref<80x64xf32, #tpu.memory_space<vmem_shared>>
      tpu.wait_dma2 semaphore(%run_scoped3A_85 : memref<!tpu.dma_semaphore, #tpu.memory_space<semaphore_mem>>) src(%arg10 : memref<80x64xf32, #tpu.memory_space<vmem>>) dst(%dma_wait3A_93 : memref<80x64xf32, #tpu.memory_space<vmem_shared>>)
      tpu.yield
    }) : () -> ()
    %mul3A_12 = arith.constant 625 : i32
    %mul3A_13 = arith.muli %arg1, %mul3A_12 : i32
    %add3A_14 = arith.constant 240 : i32
    %add3A_15 = arith.addi %mul3A_13, %add3A_14 : i32
    "tpu.region"() ({
      %run_scoped3A_85 = tpu.sem_alloc : memref<!tpu.dma_semaphore, #tpu.memory_space<semaphore_mem>>
      %dma_start3A_86 = arith.constant 0 : i32
      %dma_start3A_87 = tpu.memref_slice %arg14[%add3A_15, %dma_start3A_86] : memref<10000x64xf32, #tpu.memory_space<vmem_shared>> -> memref<80x64xf32, #tpu.memory_space<vmem_shared>>
      %dma_start3A_88 = arith.constant 0 : i32
      %dma_start3A_89 = tpu.memref_slice %arg14[%add3A_15, %dma_start3A_88] : memref<10000x64xf32, #tpu.memory_space<vmem_shared>> -> memref<80x64xf32, #tpu.memory_space<vmem_shared>>
      tpu.enqueue_dma source(%arg10 : memref<80x64xf32, #tpu.memory_space<vmem>>) target(%dma_start3A_89 : memref<80x64xf32, #tpu.memory_space<vmem_shared>>) target_semaphore(%run_scoped3A_85 : memref<!tpu.dma_semaphore, #tpu.memory_space<semaphore_mem>>)
      %dma_wait3A_90 = arith.constant 0 : i32
      %dma_wait3A_91 = tpu.memref_slice %arg14[%add3A_15, %dma_wait3A_90] : memref<10000x64xf32, #tpu.memory_space<vmem_shared>> -> memref<80x64xf32, #tpu.memory_space<vmem_shared>>
      %dma_wait3A_92 = arith.constant 0 : i32
      %dma_wait3A_93 = tpu.memref_slice %arg14[%add3A_15, %dma_wait3A_92] : memref<10000x64xf32, #tpu.memory_space<vmem_shared>> -> memref<80x64xf32, #tpu.memory_space<vmem_shared>>
      tpu.wait_dma2 semaphore(%run_scoped3A_85 : memref<!tpu.dma_semaphore, #tpu.memory_space<semaphore_mem>>) src(%arg10 : memref<80x64xf32, #tpu.memory_space<vmem>>) dst(%dma_wait3A_93 : memref<80x64xf32, #tpu.memory_space<vmem_shared>>)
      tpu.yield
    }) : () -> ()
    %mul3A_16 = arith.constant 625 : i32
    %mul3A_17 = arith.muli %arg1, %mul3A_16 : i32
    %add3A_18 = arith.constant 320 : i32
    %add3A_19 = arith.addi %mul3A_17, %add3A_18 : i32
    "tpu.region"() ({
      %run_scoped3A_85 = tpu.sem_alloc : memref<!tpu.dma_semaphore, #tpu.memory_space<semaphore_mem>>
      %dma_start3A_86 = arith.constant 0 : i32
      %dma_start3A_87 = tpu.memref_slice %arg14[%add3A_19, %dma_start3A_86] : memref<10000x64xf32, #tpu.memory_space<vmem_shared>> -> memref<80x64xf32, #tpu.memory_space<vmem_shared>>
      %dma_start3A_88 = arith.constant 0 : i32
      %dma_start3A_89 = tpu.memref_slice %arg14[%add3A_19, %dma_start3A_88] : memref<10000x64xf32, #tpu.memory_space<vmem_shared>> -> memref<80x64xf32, #tpu.memory_space<vmem_shared>>
      tpu.enqueue_dma source(%arg10 : memref<80x64xf32, #tpu.memory_space<vmem>>) target(%dma_start3A_89 : memref<80x64xf32, #tpu.memory_space<vmem_shared>>) target_semaphore(%run_scoped3A_85 : memref<!tpu.dma_semaphore, #tpu.memory_space<semaphore_mem>>)
      %dma_wait3A_90 = arith.constant 0 : i32
      %dma_wait3A_91 = tpu.memref_slice %arg14[%add3A_19, %dma_wait3A_90] : memref<10000x64xf32, #tpu.memory_space<vmem_shared>> -> memref<80x64xf32, #tpu.memory_space<vmem_shared>>
      %dma_wait3A_92 = arith.constant 0 : i32
      %dma_wait3A_93 = tpu.memref_slice %arg14[%add3A_19, %dma_wait3A_92] : memref<10000x64xf32, #tpu.memory_space<vmem_shared>> -> memref<80x64xf32, #tpu.memory_space<vmem_shared>>
      tpu.wait_dma2 semaphore(%run_scoped3A_85 : memref<!tpu.dma_semaphore, #tpu.memory_space<semaphore_mem>>) src(%arg10 : memref<80x64xf32, #tpu.memory_space<vmem>>) dst(%dma_wait3A_93 : memref<80x64xf32, #tpu.memory_space<vmem_shared>>)
      tpu.yield
    }) : () -> ()
    %mul3A_20 = arith.constant 625 : i32
    %mul3A_21 = arith.muli %arg1, %mul3A_20 : i32
    %add3A_22 = arith.constant 400 : i32
    %add3A_23 = arith.addi %mul3A_21, %add3A_22 : i32
    "tpu.region"() ({
      %run_scoped3A_85 = tpu.sem_alloc : memref<!tpu.dma_semaphore, #tpu.memory_space<semaphore_mem>>
      %dma_start3A_86 = arith.constant 0 : i32
      %dma_start3A_87 = tpu.memref_slice %arg14[%add3A_23, %dma_start3A_86] : memref<10000x64xf32, #tpu.memory_space<vmem_shared>> -> memref<80x64xf32, #tpu.memory_space<vmem_shared>>
      %dma_start3A_88 = arith.constant 0 : i32
      %dma_start3A_89 = tpu.memref_slice %arg14[%add3A_23, %dma_start3A_88] : memref<10000x64xf32, #tpu.memory_space<vmem_shared>> -> memref<80x64xf32, #tpu.memory_space<vmem_shared>>
      tpu.enqueue_dma source(%arg10 : memref<80x64xf32, #tpu.memory_space<vmem>>) target(%dma_start3A_89 : memref<80x64xf32, #tpu.memory_space<vmem_shared>>) target_semaphore(%run_scoped3A_85 : memref<!tpu.dma_semaphore, #tpu.memory_space<semaphore_mem>>)
      %dma_wait3A_90 = arith.constant 0 : i32
      %dma_wait3A_91 = tpu.memref_slice %arg14[%add3A_23, %dma_wait3A_90] : memref<10000x64xf32, #tpu.memory_space<vmem_shared>> -> memref<80x64xf32, #tpu.memory_space<vmem_shared>>
      %dma_wait3A_92 = arith.constant 0 : i32
      %dma_wait3A_93 = tpu.memref_slice %arg14[%add3A_23, %dma_wait3A_92] : memref<10000x64xf32, #tpu.memory_space<vmem_shared>> -> memref<80x64xf32, #tpu.memory_space<vmem_shared>>
      tpu.wait_dma2 semaphore(%run_scoped3A_85 : memref<!tpu.dma_semaphore, #tpu.memory_space<semaphore_mem>>) src(%arg10 : memref<80x64xf32, #tpu.memory_space<vmem>>) dst(%dma_wait3A_93 : memref<80x64xf32, #tpu.memory_space<vmem_shared>>)
      tpu.yield
    }) : () -> ()
    %mul3A_24 = arith.constant 625 : i32
    %mul3A_25 = arith.muli %arg1, %mul3A_24 : i32
    %add3A_26 = arith.constant 480 : i32
    %add3A_27 = arith.addi %mul3A_25, %add3A_26 : i32
    "tpu.region"() ({
      %run_scoped3A_85 = tpu.sem_alloc : memref<!tpu.dma_semaphore, #tpu.memory_space<semaphore_mem>>
      %dma_start3A_86 = arith.constant 0 : i32
      %dma_start3A_87 = tpu.memref_slice %arg14[%add3A_27, %dma_start3A_86] : memref<10000x64xf32, #tpu.memory_space<vmem_shared>> -> memref<80x64xf32, #tpu.memory_space<vmem_shared>>
      %dma_start3A_88 = arith.constant 0 : i32
      %dma_start3A_89 = tpu.memref_slice %arg14[%add3A_27, %dma_start3A_88] : memref<10000x64xf32, #tpu.memory_space<vmem_shared>> -> memref<80x64xf32, #tpu.memory_space<vmem_shared>>
      tpu.enqueue_dma source(%arg10 : memref<80x64xf32, #tpu.memory_space<vmem>>) target(%dma_start3A_89 : memref<80x64xf32, #tpu.memory_space<vmem_shared>>) target_semaphore(%run_scoped3A_85 : memref<!tpu.dma_semaphore, #tpu.memory_space<semaphore_mem>>)
      %dma_wait3A_90 = arith.constant 0 : i32
      %dma_wait3A_91 = tpu.memref_slice %arg14[%add3A_27, %dma_wait3A_90] : memref<10000x64xf32, #tpu.memory_space<vmem_shared>> -> memref<80x64xf32, #tpu.memory_space<vmem_shared>>
      %dma_wait3A_92 = arith.constant 0 : i32
      %dma_wait3A_93 = tpu.memref_slice %arg14[%add3A_27, %dma_wait3A_92] : memref<10000x64xf32, #tpu.memory_space<vmem_shared>> -> memref<80x64xf32, #tpu.memory_space<vmem_shared>>
      tpu.wait_dma2 semaphore(%run_scoped3A_85 : memref<!tpu.dma_semaphore, #tpu.memory_space<semaphore_mem>>) src(%arg10 : memref<80x64xf32, #tpu.memory_space<vmem>>) dst(%dma_wait3A_93 : memref<80x64xf32, #tpu.memory_space<vmem_shared>>)
      tpu.yield
    }) : () -> ()
    %mul3A_28 = arith.constant 625 : i32
    %mul3A_29 = arith.muli %arg1, %mul3A_28 : i32
    %add3A_30 = arith.constant 560 : i32
    %add3A_31 = arith.addi %mul3A_29, %add3A_30 : i32
    "tpu.region"() ({
      %run_scoped3A_85 = tpu.sem_alloc : memref<!tpu.dma_semaphore, #tpu.memory_space<semaphore_mem>>
      %dma_start3A_86 = arith.constant 0 : i32
      %dma_start3A_87 = arith.constant 0 : i32
      %dma_start3A_88 = tpu.memref_slice %arg10[%dma_start3A_86, %dma_start3A_87] : memref<80x64xf32, #tpu.memory_space<vmem>> -> memref<65x64xf32, #tpu.memory_space<vmem>>
      %dma_start3A_89 = arith.constant 0 : i32
      %dma_start3A_90 = tpu.memref_slice %arg14[%add3A_31, %dma_start3A_89] : memref<10000x64xf32, #tpu.memory_space<vmem_shared>> -> memref<65x64xf32, #tpu.memory_space<vmem_shared>>
      %dma_start3A_91 = arith.constant 0 : i32
      %dma_start3A_92 = tpu.memref_slice %arg14[%add3A_31, %dma_start3A_91] : memref<10000x64xf32, #tpu.memory_space<vmem_shared>> -> memref<65x64xf32, #tpu.memory_space<vmem_shared>>
      %dma_start3A_93 = arith.constant 0 : i32
      %dma_start3A_94 = arith.constant 0 : i32
      %dma_start3A_95 = tpu.memref_slice %arg10[%dma_start3A_93, %dma_start3A_94] : memref<80x64xf32, #tpu.memory_space<vmem>> -> memref<65x64xf32, #tpu.memory_space<vmem>>
      tpu.enqueue_dma source(%dma_start3A_95 : memref<65x64xf32, #tpu.memory_space<vmem>>) target(%dma_start3A_92 : memref<65x64xf32, #tpu.memory_space<vmem_shared>>) target_semaphore(%run_scoped3A_85 : memref<!tpu.dma_semaphore, #tpu.memory_space<semaphore_mem>>)
      %dma_wait3A_96 = arith.constant 0 : i32
      %dma_wait3A_97 = arith.constant 0 : i32
      %dma_wait3A_98 = tpu.memref_slice %arg10[%dma_wait3A_96, %dma_wait3A_97] : memref<80x64xf32, #tpu.memory_space<vmem>> -> memref<65x64xf32, #tpu.memory_space<vmem>>
      %dma_wait3A_99 = arith.constant 0 : i32
      %dma_wait3A_100 = tpu.memref_slice %arg14[%add3A_31, %dma_wait3A_99] : memref<10000x64xf32, #tpu.memory_space<vmem_shared>> -> memref<65x64xf32, #tpu.memory_space<vmem_shared>>
      %dma_wait3A_101 = arith.constant 0 : i32
      %dma_wait3A_102 = tpu.memref_slice %arg14[%add3A_31, %dma_wait3A_101] : memref<10000x64xf32, #tpu.memory_space<vmem_shared>> -> memref<65x64xf32, #tpu.memory_space<vmem_shared>>
      %dma_wait3A_103 = arith.constant 0 : i32
      %dma_wait3A_104 = arith.constant 0 : i32
      %dma_wait3A_105 = tpu.memref_slice %arg10[%dma_wait3A_103, %dma_wait3A_104] : memref<80x64xf32, #tpu.memory_space<vmem>> -> memref<65x64xf32, #tpu.memory_space<vmem>>
      tpu.wait_dma2 semaphore(%run_scoped3A_85 : memref<!tpu.dma_semaphore, #tpu.memory_space<semaphore_mem>>) src(%dma_wait3A_105 : memref<65x64xf32, #tpu.memory_space<vmem>>) dst(%dma_wait3A_102 : memref<65x64xf32, #tpu.memory_space<vmem_shared>>)
      tpu.yield
    }) : () -> ()
    %mul3A_32 = arith.constant 16 : i32
    %mul3A_33 = arith.muli %arg0, %mul3A_32 : i32
    %add3A_34 = arith.addi %mul3A_33, %arg1 : i32
    %mul3A_35 = arith.constant 125 : i32
    %mul3A_36 = arith.muli %add3A_34, %mul3A_35 : i32
    "tpu.region"() ({
      %run_scoped3A_85 = tpu.sem_alloc : memref<!tpu.dma_semaphore, #tpu.memory_space<semaphore_mem>>
      %dma_start3A_86 = arith.constant 0 : i32
      %dma_start3A_87 = tpu.memref_slice %arg3[%mul3A_36, %dma_start3A_86] : memref<4000x80xi32, #tpu.memory_space<hbm>> -> memref<125x80xi32, #tpu.memory_space<hbm>>
      %dma_start3A_88 = arith.constant 0 : i32
      %dma_start3A_89 = tpu.memref_slice %arg3[%mul3A_36, %dma_start3A_88] : memref<4000x80xi32, #tpu.memory_space<hbm>> -> memref<125x80xi32, #tpu.memory_space<hbm>>
      tpu.enqueue_dma source(%dma_start3A_89 : memref<125x80xi32, #tpu.memory_space<hbm>>) target(%arg8 : memref<125x80xi32, #tpu.memory_space<vmem>>) target_semaphore(%run_scoped3A_85 : memref<!tpu.dma_semaphore, #tpu.memory_space<semaphore_mem>>)
      %dma_wait3A_90 = arith.constant 0 : i32
      %dma_wait3A_91 = tpu.memref_slice %arg3[%mul3A_36, %dma_wait3A_90] : memref<4000x80xi32, #tpu.memory_space<hbm>> -> memref<125x80xi32, #tpu.memory_space<hbm>>
      %dma_wait3A_92 = arith.constant 0 : i32
      %dma_wait3A_93 = tpu.memref_slice %arg3[%mul3A_36, %dma_wait3A_92] : memref<4000x80xi32, #tpu.memory_space<hbm>> -> memref<125x80xi32, #tpu.memory_space<hbm>>
      tpu.wait_dma2 semaphore(%run_scoped3A_85 : memref<!tpu.dma_semaphore, #tpu.memory_space<semaphore_mem>>) src(%dma_wait3A_93 : memref<125x80xi32, #tpu.memory_space<hbm>>) dst(%arg8 : memref<125x80xi32, #tpu.memory_space<vmem>>)
      tpu.yield
    }) : () -> ()
    %mul3A_37 = arith.constant 125 : i32
    %mul3A_38 = arith.muli %add3A_34, %mul3A_37 : i32
    "tpu.region"() ({
      %run_scoped3A_85 = tpu.sem_alloc : memref<!tpu.dma_semaphore, #tpu.memory_space<semaphore_mem>>
      %dma_start3A_86 = arith.constant 0 : i32
      %dma_start3A_87 = tpu.memref_slice %arg4[%mul3A_38, %dma_start3A_86] : memref<4000x80xi32, #tpu.memory_space<hbm>> -> memref<125x80xi32, #tpu.memory_space<hbm>>
      %dma_start3A_88 = arith.constant 0 : i32
      %dma_start3A_89 = tpu.memref_slice %arg4[%mul3A_38, %dma_start3A_88] : memref<4000x80xi32, #tpu.memory_space<hbm>> -> memref<125x80xi32, #tpu.memory_space<hbm>>
      tpu.enqueue_dma source(%dma_start3A_89 : memref<125x80xi32, #tpu.memory_space<hbm>>) target(%arg9 : memref<125x80xi32, #tpu.memory_space<vmem>>) target_semaphore(%run_scoped3A_85 : memref<!tpu.dma_semaphore, #tpu.memory_space<semaphore_mem>>)
      %dma_wait3A_90 = arith.constant 0 : i32
      %dma_wait3A_91 = tpu.memref_slice %arg4[%mul3A_38, %dma_wait3A_90] : memref<4000x80xi32, #tpu.memory_space<hbm>> -> memref<125x80xi32, #tpu.memory_space<hbm>>
      %dma_wait3A_92 = arith.constant 0 : i32
      %dma_wait3A_93 = tpu.memref_slice %arg4[%mul3A_38, %dma_wait3A_92] : memref<4000x80xi32, #tpu.memory_space<hbm>> -> memref<125x80xi32, #tpu.memory_space<hbm>>
      tpu.wait_dma2 semaphore(%run_scoped3A_85 : memref<!tpu.dma_semaphore, #tpu.memory_space<semaphore_mem>>) src(%dma_wait3A_93 : memref<125x80xi32, #tpu.memory_space<hbm>>) dst(%arg9 : memref<125x80xi32, #tpu.memory_space<vmem>>)
      tpu.yield
    }) : () -> ()
    %barrier3A = arith.constant 0 : index
    tpu.barrier barrier_id(%barrier3A)
    %dma_start3A = arith.constant 0 : i32
    %dma_start3A_39 = arith.constant 0 : i32
    %dma_start3A_40 = tpu.memref_slice %arg8[%dma_start3A, %dma_start3A_39] : memref<125x80xi32, #tpu.memory_space<vmem>> -> memref<1x80xi32, #tpu.memory_space<vmem>>
    %dma_start3A_41 = tpu.memref_squeeze %dma_start3A_40 : memref<1x80xi32, #tpu.memory_space<vmem>> -> memref<80xi32, #tpu.memory_space<vmem>>
    %dma_start3A_42 = arith.constant 0 : i32
    %dma_start3A_43 = arith.constant 0 : i32
    %dma_start3A_44 = tpu.memref_slice %arg2[%dma_start3A_42, %dma_start3A_43] : memref<10000x64xf32, #tpu.memory_space<hbm>> -> memref<10000x64xf32, #tpu.memory_space<hbm>>
    tpu.enqueue_indirect_dma source(%dma_start3A_44 : memref<10000x64xf32, #tpu.memory_space<hbm>>) target(%arg10 : memref<80x64xf32, #tpu.memory_space<vmem>>) offsets(%dma_start3A_41 : memref<80xi32, #tpu.memory_space<vmem>>) semaphore(%arg15 : memref<!tpu.dma_semaphore, #tpu.memory_space<semaphore_mem>>)
    %dma_start3A_45 = arith.constant 1 : i32
    %dma_start3A_46 = arith.constant 0 : i32
    %dma_start3A_47 = tpu.memref_slice %arg8[%dma_start3A_45, %dma_start3A_46] : memref<125x80xi32, #tpu.memory_space<vmem>> -> memref<1x80xi32, #tpu.memory_space<vmem>>
    %dma_start3A_48 = tpu.memref_squeeze %dma_start3A_47 : memref<1x80xi32, #tpu.memory_space<vmem>> -> memref<80xi32, #tpu.memory_space<vmem>>
    %dma_start3A_49 = arith.constant 0 : i32
    %dma_start3A_50 = arith.constant 0 : i32
    %dma_start3A_51 = tpu.memref_slice %arg2[%dma_start3A_49, %dma_start3A_50] : memref<10000x64xf32, #tpu.memory_space<hbm>> -> memref<10000x64xf32, #tpu.memory_space<hbm>>
    tpu.enqueue_indirect_dma source(%dma_start3A_51 : memref<10000x64xf32, #tpu.memory_space<hbm>>) target(%arg11 : memref<80x64xf32, #tpu.memory_space<vmem>>) offsets(%dma_start3A_48 : memref<80xi32, #tpu.memory_space<vmem>>) semaphore(%arg16 : memref<!tpu.dma_semaphore, #tpu.memory_space<semaphore_mem>>)
    %dma_start3A_52 = arith.constant 2 : i32
    %dma_start3A_53 = arith.constant 0 : i32
    %dma_start3A_54 = tpu.memref_slice %arg8[%dma_start3A_52, %dma_start3A_53] : memref<125x80xi32, #tpu.memory_space<vmem>> -> memref<1x80xi32, #tpu.memory_space<vmem>>
    %dma_start3A_55 = tpu.memref_squeeze %dma_start3A_54 : memref<1x80xi32, #tpu.memory_space<vmem>> -> memref<80xi32, #tpu.memory_space<vmem>>
    %dma_start3A_56 = arith.constant 0 : i32
    %dma_start3A_57 = arith.constant 0 : i32
    %dma_start3A_58 = tpu.memref_slice %arg2[%dma_start3A_56, %dma_start3A_57] : memref<10000x64xf32, #tpu.memory_space<hbm>> -> memref<10000x64xf32, #tpu.memory_space<hbm>>
    tpu.enqueue_indirect_dma source(%dma_start3A_58 : memref<10000x64xf32, #tpu.memory_space<hbm>>) target(%arg12 : memref<80x64xf32, #tpu.memory_space<vmem>>) offsets(%dma_start3A_55 : memref<80xi32, #tpu.memory_space<vmem>>) semaphore(%arg17 : memref<!tpu.dma_semaphore, #tpu.memory_space<semaphore_mem>>)
    %dma_start3A_59 = arith.constant 3 : i32
    %dma_start3A_60 = arith.constant 0 : i32
    %dma_start3A_61 = tpu.memref_slice %arg8[%dma_start3A_59, %dma_start3A_60] : memref<125x80xi32, #tpu.memory_space<vmem>> -> memref<1x80xi32, #tpu.memory_space<vmem>>
    %dma_start3A_62 = tpu.memref_squeeze %dma_start3A_61 : memref<1x80xi32, #tpu.memory_space<vmem>> -> memref<80xi32, #tpu.memory_space<vmem>>
    %dma_start3A_63 = arith.constant 0 : i32
    %dma_start3A_64 = arith.constant 0 : i32
    %dma_start3A_65 = tpu.memref_slice %arg2[%dma_start3A_63, %dma_start3A_64] : memref<10000x64xf32, #tpu.memory_space<hbm>> -> memref<10000x64xf32, #tpu.memory_space<hbm>>
    tpu.enqueue_indirect_dma source(%dma_start3A_65 : memref<10000x64xf32, #tpu.memory_space<hbm>>) target(%arg13 : memref<80x64xf32, #tpu.memory_space<vmem>>) offsets(%dma_start3A_62 : memref<80xi32, #tpu.memory_space<vmem>>) semaphore(%arg18 : memref<!tpu.dma_semaphore, #tpu.memory_space<semaphore_mem>>)
    %scan3A = arith.constant 0 : i32
    %scan3A_66 = arith.constant 0 : i32
    %scan3A_67 = arith.constant 31 : i32
    %scan3A_68 = arith.addi %scan3A_66, %scan3A_67 : i32
    %scan3A_69 = arith.constant 1 : i32
    scf.for %scan3A_85 = %scan3A_66 to %scan3A_68 step %scan3A_69  : i32 {
      %mul3A_86 = arith.constant 4 : i32
      %mul3A_87 = arith.muli %scan3A_85, %mul3A_86 : i32
      %add3A_88 = arith.constant 0 : i32
      %add3A_89 = arith.addi %mul3A_87, %add3A_88 : i32
      %dma_wait3A_90 = arith.constant 0 : i32
      %dma_wait3A_91 = tpu.memref_slice %arg8[%add3A_89, %dma_wait3A_90] : memref<125x80xi32, #tpu.memory_space<vmem>> -> memref<1x80xi32, #tpu.memory_space<vmem>>
      %dma_wait3A_92 = tpu.memref_squeeze %dma_wait3A_91 : memref<1x80xi32, #tpu.memory_space<vmem>> -> memref<80xi32, #tpu.memory_space<vmem>>
      %dma_wait3A_93 = arith.constant 0 : i32
      %dma_wait3A_94 = arith.constant 0 : i32
      %dma_wait3A_95 = tpu.memref_slice %arg2[%dma_wait3A_93, %dma_wait3A_94] : memref<10000x64xf32, #tpu.memory_space<hbm>> -> memref<10000x64xf32, #tpu.memory_space<hbm>>
      tpu.wait_indirect_dma semaphore(%arg15 : memref<!tpu.dma_semaphore, #tpu.memory_space<semaphore_mem>>) src(%dma_wait3A_95 : memref<10000x64xf32, #tpu.memory_space<hbm>>) dst(%arg10 : memref<80x64xf32, #tpu.memory_space<vmem>>)
      %add3A_96 = arith.constant 0 : i32
      %add3A_97 = arith.addi %mul3A_87, %add3A_96 : i32
      %dma_start3A_98 = arith.constant 0 : i32
      %dma_start3A_99 = tpu.memref_slice %arg9[%add3A_97, %dma_start3A_98] : memref<125x80xi32, #tpu.memory_space<vmem>> -> memref<1x80xi32, #tpu.memory_space<vmem>>
      %dma_start3A_100 = tpu.memref_squeeze %dma_start3A_99 : memref<1x80xi32, #tpu.memory_space<vmem>> -> memref<80xi32, #tpu.memory_space<vmem>>
      %dma_start3A_101 = arith.constant 0 : i32
      %dma_start3A_102 = arith.constant 0 : i32
      %dma_start3A_103 = tpu.memref_slice %arg14[%dma_start3A_101, %dma_start3A_102] : memref<10000x64xf32, #tpu.memory_space<vmem_shared>> -> memref<10000x64xf32, #tpu.memory_space<vmem_shared>>
      tpu.enqueue_indirect_dma source(%arg10 : memref<80x64xf32, #tpu.memory_space<vmem>>) target(%dma_start3A_103 : memref<10000x64xf32, #tpu.memory_space<vmem_shared>>) offsets(%dma_start3A_100 : memref<80xi32, #tpu.memory_space<vmem>>) semaphore(%arg19 : memref<!tpu.dma_semaphore, #tpu.memory_space<semaphore_mem>>) {add = true}
      %add3A_104 = arith.constant 1 : i32
      %add3A_105 = arith.addi %mul3A_87, %add3A_104 : i32
      %dma_wait3A_106 = arith.constant 0 : i32
      %dma_wait3A_107 = tpu.memref_slice %arg8[%add3A_105, %dma_wait3A_106] : memref<125x80xi32, #tpu.memory_space<vmem>> -> memref<1x80xi32, #tpu.memory_space<vmem>>
      %dma_wait3A_108 = tpu.memref_squeeze %dma_wait3A_107 : memref<1x80xi32, #tpu.memory_space<vmem>> -> memref<80xi32, #tpu.memory_space<vmem>>
      %dma_wait3A_109 = arith.constant 0 : i32
      %dma_wait3A_110 = arith.constant 0 : i32
      %dma_wait3A_111 = tpu.memref_slice %arg2[%dma_wait3A_109, %dma_wait3A_110] : memref<10000x64xf32, #tpu.memory_space<hbm>> -> memref<10000x64xf32, #tpu.memory_space<hbm>>
      tpu.wait_indirect_dma semaphore(%arg16 : memref<!tpu.dma_semaphore, #tpu.memory_space<semaphore_mem>>) src(%dma_wait3A_111 : memref<10000x64xf32, #tpu.memory_space<hbm>>) dst(%arg11 : memref<80x64xf32, #tpu.memory_space<vmem>>)
      %add3A_112 = arith.constant 1 : i32
      %add3A_113 = arith.addi %mul3A_87, %add3A_112 : i32
      %dma_start3A_114 = arith.constant 0 : i32
      %dma_start3A_115 = tpu.memref_slice %arg9[%add3A_113, %dma_start3A_114] : memref<125x80xi32, #tpu.memory_space<vmem>> -> memref<1x80xi32, #tpu.memory_space<vmem>>
      %dma_start3A_116 = tpu.memref_squeeze %dma_start3A_115 : memref<1x80xi32, #tpu.memory_space<vmem>> -> memref<80xi32, #tpu.memory_space<vmem>>
      %dma_start3A_117 = arith.constant 0 : i32
      %dma_start3A_118 = arith.constant 0 : i32
      %dma_start3A_119 = tpu.memref_slice %arg14[%dma_start3A_117, %dma_start3A_118] : memref<10000x64xf32, #tpu.memory_space<vmem_shared>> -> memref<10000x64xf32, #tpu.memory_space<vmem_shared>>
      tpu.enqueue_indirect_dma source(%arg11 : memref<80x64xf32, #tpu.memory_space<vmem>>) target(%dma_start3A_119 : memref<10000x64xf32, #tpu.memory_space<vmem_shared>>) offsets(%dma_start3A_116 : memref<80xi32, #tpu.memory_space<vmem>>) semaphore(%arg20 : memref<!tpu.dma_semaphore, #tpu.memory_space<semaphore_mem>>) {add = true}
      %add3A_120 = arith.constant 2 : i32
      %add3A_121 = arith.addi %mul3A_87, %add3A_120 : i32
      %dma_wait3A_122 = arith.constant 0 : i32
      %dma_wait3A_123 = tpu.memref_slice %arg8[%add3A_121, %dma_wait3A_122] : memref<125x80xi32, #tpu.memory_space<vmem>> -> memref<1x80xi32, #tpu.memory_space<vmem>>
      %dma_wait3A_124 = tpu.memref_squeeze %dma_wait3A_123 : memref<1x80xi32, #tpu.memory_space<vmem>> -> memref<80xi32, #tpu.memory_space<vmem>>
      %dma_wait3A_125 = arith.constant 0 : i32
      %dma_wait3A_126 = arith.constant 0 : i32
      %dma_wait3A_127 = tpu.memref_slice %arg2[%dma_wait3A_125, %dma_wait3A_126] : memref<10000x64xf32, #tpu.memory_space<hbm>> -> memref<10000x64xf32, #tpu.memory_space<hbm>>
      tpu.wait_indirect_dma semaphore(%arg17 : memref<!tpu.dma_semaphore, #tpu.memory_space<semaphore_mem>>) src(%dma_wait3A_127 : memref<10000x64xf32, #tpu.memory_space<hbm>>) dst(%arg12 : memref<80x64xf32, #tpu.memory_space<vmem>>)
      %add3A_128 = arith.constant 2 : i32
      %add3A_129 = arith.addi %mul3A_87, %add3A_128 : i32
      %dma_start3A_130 = arith.constant 0 : i32
      %dma_start3A_131 = tpu.memref_slice %arg9[%add3A_129, %dma_start3A_130] : memref<125x80xi32, #tpu.memory_space<vmem>> -> memref<1x80xi32, #tpu.memory_space<vmem>>
      %dma_start3A_132 = tpu.memref_squeeze %dma_start3A_131 : memref<1x80xi32, #tpu.memory_space<vmem>> -> memref<80xi32, #tpu.memory_space<vmem>>
      %dma_start3A_133 = arith.constant 0 : i32
      %dma_start3A_134 = arith.constant 0 : i32
      %dma_start3A_135 = tpu.memref_slice %arg14[%dma_start3A_133, %dma_start3A_134] : memref<10000x64xf32, #tpu.memory_space<vmem_shared>> -> memref<10000x64xf32, #tpu.memory_space<vmem_shared>>
      tpu.enqueue_indirect_dma source(%arg12 : memref<80x64xf32, #tpu.memory_space<vmem>>) target(%dma_start3A_135 : memref<10000x64xf32, #tpu.memory_space<vmem_shared>>) offsets(%dma_start3A_132 : memref<80xi32, #tpu.memory_space<vmem>>) semaphore(%arg21 : memref<!tpu.dma_semaphore, #tpu.memory_space<semaphore_mem>>) {add = true}
      %add3A_136 = arith.constant 3 : i32
      %add3A_137 = arith.addi %mul3A_87, %add3A_136 : i32
      %dma_wait3A_138 = arith.constant 0 : i32
      %dma_wait3A_139 = tpu.memref_slice %arg8[%add3A_137, %dma_wait3A_138] : memref<125x80xi32, #tpu.memory_space<vmem>> -> memref<1x80xi32, #tpu.memory_space<vmem>>
      %dma_wait3A_140 = tpu.memref_squeeze %dma_wait3A_139 : memref<1x80xi32, #tpu.memory_space<vmem>> -> memref<80xi32, #tpu.memory_space<vmem>>
      %dma_wait3A_141 = arith.constant 0 : i32
      %dma_wait3A_142 = arith.constant 0 : i32
      %dma_wait3A_143 = tpu.memref_slice %arg2[%dma_wait3A_141, %dma_wait3A_142] : memref<10000x64xf32, #tpu.memory_space<hbm>> -> memref<10000x64xf32, #tpu.memory_space<hbm>>
      tpu.wait_indirect_dma semaphore(%arg18 : memref<!tpu.dma_semaphore, #tpu.memory_space<semaphore_mem>>) src(%dma_wait3A_143 : memref<10000x64xf32, #tpu.memory_space<hbm>>) dst(%arg13 : memref<80x64xf32, #tpu.memory_space<vmem>>)
      %add3A_144 = arith.constant 3 : i32
      %add3A_145 = arith.addi %mul3A_87, %add3A_144 : i32
      %dma_start3A_146 = arith.constant 0 : i32
      %dma_start3A_147 = tpu.memref_slice %arg9[%add3A_145, %dma_start3A_146] : memref<125x80xi32, #tpu.memory_space<vmem>> -> memref<1x80xi32, #tpu.memory_space<vmem>>
      %dma_start3A_148 = tpu.memref_squeeze %dma_start3A_147 : memref<1x80xi32, #tpu.memory_space<vmem>> -> memref<80xi32, #tpu.memory_space<vmem>>
      %dma_start3A_149 = arith.constant 0 : i32
      %dma_start3A_150 = arith.constant 0 : i32
      %dma_start3A_151 = tpu.memref_slice %arg14[%dma_start3A_149, %dma_start3A_150] : memref<10000x64xf32, #tpu.memory_space<vmem_shared>> -> memref<10000x64xf32, #tpu.memory_space<vmem_shared>>
      tpu.enqueue_indirect_dma source(%arg13 : memref<80x64xf32, #tpu.memory_space<vmem>>) target(%dma_start3A_151 : memref<10000x64xf32, #tpu.memory_space<vmem_shared>>) offsets(%dma_start3A_148 : memref<80xi32, #tpu.memory_space<vmem>>) semaphore(%arg22 : memref<!tpu.dma_semaphore, #tpu.memory_space<semaphore_mem>>) {add = true}
      %add3A_152 = arith.constant 0 : i32
      %add3A_153 = arith.addi %mul3A_87, %add3A_152 : i32
      %dma_wait3A_154 = arith.constant 0 : i32
      %dma_wait3A_155 = tpu.memref_slice %arg9[%add3A_153, %dma_wait3A_154] : memref<125x80xi32, #tpu.memory_space<vmem>> -> memref<1x80xi32, #tpu.memory_space<vmem>>
      %dma_wait3A_156 = tpu.memref_squeeze %dma_wait3A_155 : memref<1x80xi32, #tpu.memory_space<vmem>> -> memref<80xi32, #tpu.memory_space<vmem>>
      %dma_wait3A_157 = arith.constant 0 : i32
      %dma_wait3A_158 = arith.constant 0 : i32
      %dma_wait3A_159 = tpu.memref_slice %arg14[%dma_wait3A_157, %dma_wait3A_158] : memref<10000x64xf32, #tpu.memory_space<vmem_shared>> -> memref<10000x64xf32, #tpu.memory_space<vmem_shared>>
      tpu.wait_indirect_dma semaphore(%arg19 : memref<!tpu.dma_semaphore, #tpu.memory_space<semaphore_mem>>) src(%arg10 : memref<80x64xf32, #tpu.memory_space<vmem>>) dst(%dma_wait3A_159 : memref<10000x64xf32, #tpu.memory_space<vmem_shared>>)
      %add3A_160 = arith.constant 4 : i32
      %add3A_161 = arith.addi %mul3A_87, %add3A_160 : i32
      %add3A_162 = arith.constant 0 : i32
      %add3A_163 = arith.addi %add3A_161, %add3A_162 : i32
      %lt3A = arith.constant 125 : i32
      %lt3A_164 = arith.cmpi slt, %add3A_163, %lt3A : i32
      %convert_element_type3A_165 = arith.extui %lt3A_164 : i1 to i32
      %cond3A_166 = arith.constant 0 : i32
      %cond3A_167 = arith.cmpi ne, %convert_element_type3A_165, %cond3A_166 : i32
      scf.if %cond3A_167 {
        %add3A_219 = arith.constant 4 : i32
        %add3A_220 = arith.addi %mul3A_87, %add3A_219 : i32
        %add3A_221 = arith.constant 0 : i32
        %add3A_222 = arith.addi %add3A_220, %add3A_221 : i32
        %dma_start3A_223 = arith.constant 0 : i32
        %dma_start3A_224 = tpu.memref_slice %arg8[%add3A_222, %dma_start3A_223] : memref<125x80xi32, #tpu.memory_space<vmem>> -> memref<1x80xi32, #tpu.memory_space<vmem>>
        %dma_start3A_225 = tpu.memref_squeeze %dma_start3A_224 : memref<1x80xi32, #tpu.memory_space<vmem>> -> memref<80xi32, #tpu.memory_space<vmem>>
        %dma_start3A_226 = arith.constant 0 : i32
        %dma_start3A_227 = arith.constant 0 : i32
        %dma_start3A_228 = tpu.memref_slice %arg2[%dma_start3A_226, %dma_start3A_227] : memref<10000x64xf32, #tpu.memory_space<hbm>> -> memref<10000x64xf32, #tpu.memory_space<hbm>>
        tpu.enqueue_indirect_dma source(%dma_start3A_228 : memref<10000x64xf32, #tpu.memory_space<hbm>>) target(%arg10 : memref<80x64xf32, #tpu.memory_space<vmem>>) offsets(%dma_start3A_225 : memref<80xi32, #tpu.memory_space<vmem>>) semaphore(%arg15 : memref<!tpu.dma_semaphore, #tpu.memory_space<semaphore_mem>>)
      } else {
      }
      %add3A_168 = arith.constant 1 : i32
      %add3A_169 = arith.addi %mul3A_87, %add3A_168 : i32
      %dma_wait3A_170 = arith.constant 0 : i32
      %dma_wait3A_171 = tpu.memref_slice %arg9[%add3A_169, %dma_wait3A_170] : memref<125x80xi32, #tpu.memory_space<vmem>> -> memref<1x80xi32, #tpu.memory_space<vmem>>
      %dma_wait3A_172 = tpu.memref_squeeze %dma_wait3A_171 : memref<1x80xi32, #tpu.memory_space<vmem>> -> memref<80xi32, #tpu.memory_space<vmem>>
      %dma_wait3A_173 = arith.constant 0 : i32
      %dma_wait3A_174 = arith.constant 0 : i32
      %dma_wait3A_175 = tpu.memref_slice %arg14[%dma_wait3A_173, %dma_wait3A_174] : memref<10000x64xf32, #tpu.memory_space<vmem_shared>> -> memref<10000x64xf32, #tpu.memory_space<vmem_shared>>
      tpu.wait_indirect_dma semaphore(%arg20 : memref<!tpu.dma_semaphore, #tpu.memory_space<semaphore_mem>>) src(%arg11 : memref<80x64xf32, #tpu.memory_space<vmem>>) dst(%dma_wait3A_175 : memref<10000x64xf32, #tpu.memory_space<vmem_shared>>)
      %add3A_176 = arith.constant 4 : i32
      %add3A_177 = arith.addi %mul3A_87, %add3A_176 : i32
      %add3A_178 = arith.constant 1 : i32
      %add3A_179 = arith.addi %add3A_177, %add3A_178 : i32
      %lt3A_180 = arith.constant 125 : i32
      %lt3A_181 = arith.cmpi slt, %add3A_179, %lt3A_180 : i32
      %convert_element_type3A_182 = arith.extui %lt3A_181 : i1 to i32
      %cond3A_183 = arith.constant 0 : i32
      %cond3A_184 = arith.cmpi ne, %convert_element_type3A_182, %cond3A_183 : i32
      scf.if %cond3A_184 {
        %add3A_219 = arith.constant 4 : i32
        %add3A_220 = arith.addi %mul3A_87, %add3A_219 : i32
        %add3A_221 = arith.constant 1 : i32
        %add3A_222 = arith.addi %add3A_220, %add3A_221 : i32
        %dma_start3A_223 = arith.constant 0 : i32
        %dma_start3A_224 = tpu.memref_slice %arg8[%add3A_222, %dma_start3A_223] : memref<125x80xi32, #tpu.memory_space<vmem>> -> memref<1x80xi32, #tpu.memory_space<vmem>>
        %dma_start3A_225 = tpu.memref_squeeze %dma_start3A_224 : memref<1x80xi32, #tpu.memory_space<vmem>> -> memref<80xi32, #tpu.memory_space<vmem>>
        %dma_start3A_226 = arith.constant 0 : i32
        %dma_start3A_227 = arith.constant 0 : i32
        %dma_start3A_228 = tpu.memref_slice %arg2[%dma_start3A_226, %dma_start3A_227] : memref<10000x64xf32, #tpu.memory_space<hbm>> -> memref<10000x64xf32, #tpu.memory_space<hbm>>
        tpu.enqueue_indirect_dma source(%dma_start3A_228 : memref<10000x64xf32, #tpu.memory_space<hbm>>) target(%arg11 : memref<80x64xf32, #tpu.memory_space<vmem>>) offsets(%dma_start3A_225 : memref<80xi32, #tpu.memory_space<vmem>>) semaphore(%arg16 : memref<!tpu.dma_semaphore, #tpu.memory_space<semaphore_mem>>)
      } else {
      }
      %add3A_185 = arith.constant 2 : i32
      %add3A_186 = arith.addi %mul3A_87, %add3A_185 : i32
      %dma_wait3A_187 = arith.constant 0 : i32
      %dma_wait3A_188 = tpu.memref_slice %arg9[%add3A_186, %dma_wait3A_187] : memref<125x80xi32, #tpu.memory_space<vmem>> -> memref<1x80xi32, #tpu.memory_space<vmem>>
      %dma_wait3A_189 = tpu.memref_squeeze %dma_wait3A_188 : memref<1x80xi32, #tpu.memory_space<vmem>> -> memref<80xi32, #tpu.memory_space<vmem>>
      %dma_wait3A_190 = arith.constant 0 : i32
      %dma_wait3A_191 = arith.constant 0 : i32
      %dma_wait3A_192 = tpu.memref_slice %arg14[%dma_wait3A_190, %dma_wait3A_191] : memref<10000x64xf32, #tpu.memory_space<vmem_shared>> -> memref<10000x64xf32, #tpu.memory_space<vmem_shared>>
      tpu.wait_indirect_dma semaphore(%arg21 : memref<!tpu.dma_semaphore, #tpu.memory_space<semaphore_mem>>) src(%arg12 : memref<80x64xf32, #tpu.memory_space<vmem>>) dst(%dma_wait3A_192 : memref<10000x64xf32, #tpu.memory_space<vmem_shared>>)
      %add3A_193 = arith.constant 4 : i32
      %add3A_194 = arith.addi %mul3A_87, %add3A_193 : i32
      %add3A_195 = arith.constant 2 : i32
      %add3A_196 = arith.addi %add3A_194, %add3A_195 : i32
      %lt3A_197 = arith.constant 125 : i32
      %lt3A_198 = arith.cmpi slt, %add3A_196, %lt3A_197 : i32
      %convert_element_type3A_199 = arith.extui %lt3A_198 : i1 to i32
      %cond3A_200 = arith.constant 0 : i32
      %cond3A_201 = arith.cmpi ne, %convert_element_type3A_199, %cond3A_200 : i32
      scf.if %cond3A_201 {
        %add3A_219 = arith.constant 4 : i32
        %add3A_220 = arith.addi %mul3A_87, %add3A_219 : i32
        %add3A_221 = arith.constant 2 : i32
        %add3A_222 = arith.addi %add3A_220, %add3A_221 : i32
        %dma_start3A_223 = arith.constant 0 : i32
        %dma_start3A_224 = tpu.memref_slice %arg8[%add3A_222, %dma_start3A_223] : memref<125x80xi32, #tpu.memory_space<vmem>> -> memref<1x80xi32, #tpu.memory_space<vmem>>
        %dma_start3A_225 = tpu.memref_squeeze %dma_start3A_224 : memref<1x80xi32, #tpu.memory_space<vmem>> -> memref<80xi32, #tpu.memory_space<vmem>>
        %dma_start3A_226 = arith.constant 0 : i32
        %dma_start3A_227 = arith.constant 0 : i32
        %dma_start3A_228 = tpu.memref_slice %arg2[%dma_start3A_226, %dma_start3A_227] : memref<10000x64xf32, #tpu.memory_space<hbm>> -> memref<10000x64xf32, #tpu.memory_space<hbm>>
        tpu.enqueue_indirect_dma source(%dma_start3A_228 : memref<10000x64xf32, #tpu.memory_space<hbm>>) target(%arg12 : memref<80x64xf32, #tpu.memory_space<vmem>>) offsets(%dma_start3A_225 : memref<80xi32, #tpu.memory_space<vmem>>) semaphore(%arg17 : memref<!tpu.dma_semaphore, #tpu.memory_space<semaphore_mem>>)
      } else {
      }
      %add3A_202 = arith.constant 3 : i32
      %add3A_203 = arith.addi %mul3A_87, %add3A_202 : i32
      %dma_wait3A_204 = arith.constant 0 : i32
      %dma_wait3A_205 = tpu.memref_slice %arg9[%add3A_203, %dma_wait3A_204] : memref<125x80xi32, #tpu.memory_space<vmem>> -> memref<1x80xi32, #tpu.memory_space<vmem>>
      %dma_wait3A_206 = tpu.memref_squeeze %dma_wait3A_205 : memref<1x80xi32, #tpu.memory_space<vmem>> -> memref<80xi32, #tpu.memory_space<vmem>>
      %dma_wait3A_207 = arith.constant 0 : i32
      %dma_wait3A_208 = arith.constant 0 : i32
      %dma_wait3A_209 = tpu.memref_slice %arg14[%dma_wait3A_207, %dma_wait3A_208] : memref<10000x64xf32, #tpu.memory_space<vmem_shared>> -> memref<10000x64xf32, #tpu.memory_space<vmem_shared>>
      tpu.wait_indirect_dma semaphore(%arg22 : memref<!tpu.dma_semaphore, #tpu.memory_space<semaphore_mem>>) src(%arg13 : memref<80x64xf32, #tpu.memory_space<vmem>>) dst(%dma_wait3A_209 : memref<10000x64xf32, #tpu.memory_space<vmem_shared>>)
      %add3A_210 = arith.constant 4 : i32
      %add3A_211 = arith.addi %mul3A_87, %add3A_210 : i32
      %add3A_212 = arith.constant 3 : i32
      %add3A_213 = arith.addi %add3A_211, %add3A_212 : i32
      %lt3A_214 = arith.constant 125 : i32
      %lt3A_215 = arith.cmpi slt, %add3A_213, %lt3A_214 : i32
      %convert_element_type3A_216 = arith.extui %lt3A_215 : i1 to i32
      %cond3A_217 = arith.constant 0 : i32
      %cond3A_218 = arith.cmpi ne, %convert_element_type3A_216, %cond3A_217 : i32
      scf.if %cond3A_218 {
        %add3A_219 = arith.constant 4 : i32
        %add3A_220 = arith.addi %mul3A_87, %add3A_219 : i32
        %add3A_221 = arith.constant 3 : i32
        %add3A_222 = arith.addi %add3A_220, %add3A_221 : i32
        %dma_start3A_223 = arith.constant 0 : i32
        %dma_start3A_224 = tpu.memref_slice %arg8[%add3A_222, %dma_start3A_223] : memref<125x80xi32, #tpu.memory_space<vmem>> -> memref<1x80xi32, #tpu.memory_space<vmem>>
        %dma_start3A_225 = tpu.memref_squeeze %dma_start3A_224 : memref<1x80xi32, #tpu.memory_space<vmem>> -> memref<80xi32, #tpu.memory_space<vmem>>
        %dma_start3A_226 = arith.constant 0 : i32
        %dma_start3A_227 = arith.constant 0 : i32
        %dma_start3A_228 = tpu.memref_slice %arg2[%dma_start3A_226, %dma_start3A_227] : memref<10000x64xf32, #tpu.memory_space<hbm>> -> memref<10000x64xf32, #tpu.memory_space<hbm>>
        tpu.enqueue_indirect_dma source(%dma_start3A_228 : memref<10000x64xf32, #tpu.memory_space<hbm>>) target(%arg13 : memref<80x64xf32, #tpu.memory_space<vmem>>) offsets(%dma_start3A_225 : memref<80xi32, #tpu.memory_space<vmem>>) semaphore(%arg18 : memref<!tpu.dma_semaphore, #tpu.memory_space<semaphore_mem>>)
      } else {
      }
    }
    %scan3A_70 = arith.constant 31 : i32
    %dma_wait3A = arith.constant 124 : i32
    %dma_wait3A_71 = arith.constant 0 : i32
    %dma_wait3A_72 = tpu.memref_slice %arg8[%dma_wait3A, %dma_wait3A_71] : memref<125x80xi32, #tpu.memory_space<vmem>> -> memref<1x80xi32, #tpu.memory_space<vmem>>
    %dma_wait3A_73 = tpu.memref_squeeze %dma_wait3A_72 : memref<1x80xi32, #tpu.memory_space<vmem>> -> memref<80xi32, #tpu.memory_space<vmem>>
    %dma_wait3A_74 = arith.constant 0 : i32
    %dma_wait3A_75 = arith.constant 0 : i32
    %dma_wait3A_76 = tpu.memref_slice %arg2[%dma_wait3A_74, %dma_wait3A_75] : memref<10000x64xf32, #tpu.memory_space<hbm>> -> memref<10000x64xf32, #tpu.memory_space<hbm>>
    tpu.wait_indirect_dma semaphore(%arg15 : memref<!tpu.dma_semaphore, #tpu.memory_space<semaphore_mem>>) src(%dma_wait3A_76 : memref<10000x64xf32, #tpu.memory_space<hbm>>) dst(%arg10 : memref<80x64xf32, #tpu.memory_space<vmem>>)
    %run_scoped3A = arith.constant 124 : i32
    "tpu.region"() ({
      %run_scoped3A_85 = tpu.sem_alloc : memref<!tpu.dma_semaphore, #tpu.memory_space<semaphore_mem>>
      %dma_start3A_86 = arith.constant 0 : i32
      %dma_start3A_87 = tpu.memref_slice %arg9[%run_scoped3A, %dma_start3A_86] : memref<125x80xi32, #tpu.memory_space<vmem>> -> memref<1x80xi32, #tpu.memory_space<vmem>>
      %dma_start3A_88 = tpu.memref_squeeze %dma_start3A_87 : memref<1x80xi32, #tpu.memory_space<vmem>> -> memref<80xi32, #tpu.memory_space<vmem>>
      %dma_start3A_89 = arith.constant 0 : i32
      %dma_start3A_90 = arith.constant 0 : i32
      %dma_start3A_91 = tpu.memref_slice %arg14[%dma_start3A_89, %dma_start3A_90] : memref<10000x64xf32, #tpu.memory_space<vmem_shared>> -> memref<10000x64xf32, #tpu.memory_space<vmem_shared>>
      tpu.enqueue_indirect_dma source(%arg10 : memref<80x64xf32, #tpu.memory_space<vmem>>) target(%dma_start3A_91 : memref<10000x64xf32, #tpu.memory_space<vmem_shared>>) offsets(%dma_start3A_88 : memref<80xi32, #tpu.memory_space<vmem>>) semaphore(%run_scoped3A_85 : memref<!tpu.dma_semaphore, #tpu.memory_space<semaphore_mem>>) {add = true}
      %dma_wait3A_92 = arith.constant 0 : i32
      %dma_wait3A_93 = tpu.memref_slice %arg9[%run_scoped3A, %dma_wait3A_92] : memref<125x80xi32, #tpu.memory_space<vmem>> -> memref<1x80xi32, #tpu.memory_space<vmem>>
      %dma_wait3A_94 = tpu.memref_squeeze %dma_wait3A_93 : memref<1x80xi32, #tpu.memory_space<vmem>> -> memref<80xi32, #tpu.memory_space<vmem>>
      %dma_wait3A_95 = arith.constant 0 : i32
      %dma_wait3A_96 = arith.constant 0 : i32
      %dma_wait3A_97 = tpu.memref_slice %arg14[%dma_wait3A_95, %dma_wait3A_96] : memref<10000x64xf32, #tpu.memory_space<vmem_shared>> -> memref<10000x64xf32, #tpu.memory_space<vmem_shared>>
      tpu.wait_indirect_dma semaphore(%run_scoped3A_85 : memref<!tpu.dma_semaphore, #tpu.memory_space<semaphore_mem>>) src(%arg10 : memref<80x64xf32, #tpu.memory_space<vmem>>) dst(%dma_wait3A_97 : memref<10000x64xf32, #tpu.memory_space<vmem_shared>>)
      tpu.yield
    }) : () -> ()
    %barrier3A_77 = arith.constant 0 : index
    tpu.barrier barrier_id(%barrier3A_77)
    %eq3A = arith.constant 0 : i32
    %eq3A_78 = arith.cmpi eq, %arg0, %eq3A : i32
    %convert_element_type3A = arith.extui %eq3A_78 : i1 to i32
    %cond3A = arith.constant 0 : i32
    %cond3A_79 = arith.cmpi ne, %convert_element_type3A, %cond3A : i32
    scf.if %cond3A_79 {
      "tpu.region"() ({
        %run_scoped3A_85 = tpu.sem_alloc : memref<!tpu.dma_semaphore, #tpu.memory_space<semaphore_mem>>
        %dma_start3A_86 = arith.constant 0 : i32
        %dma_start3A_87 = tpu.memref_slice %arg6[%mul3A_0, %dma_start3A_86] : memref<10000x64xf32, #tpu.memory_space<hbm>> -> memref<625x64xf32, #tpu.memory_space<hbm>>
        %dma_start3A_88 = arith.constant 0 : i32
        %dma_start3A_89 = tpu.memref_slice %arg14[%mul3A_0, %dma_start3A_88] : memref<10000x64xf32, #tpu.memory_space<vmem_shared>> -> memref<625x64xf32, #tpu.memory_space<vmem_shared>>
        tpu.enqueue_dma source(%dma_start3A_89 : memref<625x64xf32, #tpu.memory_space<vmem_shared>>) target(%dma_start3A_87 : memref<625x64xf32, #tpu.memory_space<hbm>>) target_semaphore(%run_scoped3A_85 : memref<!tpu.dma_semaphore, #tpu.memory_space<semaphore_mem>>)
        %dma_wait3A_90 = arith.constant 0 : i32
        %dma_wait3A_91 = tpu.memref_slice %arg6[%mul3A_0, %dma_wait3A_90] : memref<10000x64xf32, #tpu.memory_space<hbm>> -> memref<625x64xf32, #tpu.memory_space<hbm>>
        %dma_wait3A_92 = arith.constant 0 : i32
        %dma_wait3A_93 = tpu.memref_slice %arg14[%mul3A_0, %dma_wait3A_92] : memref<10000x64xf32, #tpu.memory_space<vmem_shared>> -> memref<625x64xf32, #tpu.memory_space<vmem_shared>>
        tpu.wait_dma2 semaphore(%run_scoped3A_85 : memref<!tpu.dma_semaphore, #tpu.memory_space<semaphore_mem>>) src(%dma_wait3A_93 : memref<625x64xf32, #tpu.memory_space<vmem_shared>>) dst(%dma_wait3A_91 : memref<625x64xf32, #tpu.memory_space<hbm>>)
        tpu.yield
      }) : () -> ()
    } else {
    }
    %eq3A_80 = arith.constant 1 : i32
    %eq3A_81 = arith.cmpi eq, %arg0, %eq3A_80 : i32
    %convert_element_type3A_82 = arith.extui %eq3A_81 : i1 to i32
    %cond3A_83 = arith.constant 0 : i32
    %cond3A_84 = arith.cmpi ne, %convert_element_type3A_82, %cond3A_83 : i32
    scf.if %cond3A_84 {
      "tpu.region"() ({
        %run_scoped3A_85 = tpu.sem_alloc : memref<!tpu.dma_semaphore, #tpu.memory_space<semaphore_mem>>
        %dma_start3A_86 = arith.constant 0 : i32
        %dma_start3A_87 = tpu.memref_slice %arg7[%mul3A_0, %dma_start3A_86] : memref<10000x64xf32, #tpu.memory_space<hbm>> -> memref<625x64xf32, #tpu.memory_space<hbm>>
        %dma_start3A_88 = arith.constant 0 : i32
        %dma_start3A_89 = tpu.memref_slice %arg14[%mul3A_0, %dma_start3A_88] : memref<10000x64xf32, #tpu.memory_space<vmem_shared>> -> memref<625x64xf32, #tpu.memory_space<vmem_shared>>
        tpu.enqueue_dma source(%dma_start3A_89 : memref<625x64xf32, #tpu.memory_space<vmem_shared>>) target(%dma_start3A_87 : memref<625x64xf32, #tpu.memory_space<hbm>>) target_semaphore(%run_scoped3A_85 : memref<!tpu.dma_semaphore, #tpu.memory_space<semaphore_mem>>)
        %dma_wait3A_90 = arith.constant 0 : i32
        %dma_wait3A_91 = tpu.memref_slice %arg7[%mul3A_0, %dma_wait3A_90] : memref<10000x64xf32, #tpu.memory_space<hbm>> -> memref<625x64xf32, #tpu.memory_space<hbm>>
        %dma_wait3A_92 = arith.constant 0 : i32
        %dma_wait3A_93 = tpu.memref_slice %arg14[%mul3A_0, %dma_wait3A_92] : memref<10000x64xf32, #tpu.memory_space<vmem_shared>> -> memref<625x64xf32, #tpu.memory_space<vmem_shared>>
        tpu.wait_dma2 semaphore(%run_scoped3A_85 : memref<!tpu.dma_semaphore, #tpu.memory_space<semaphore_mem>>) src(%dma_wait3A_93 : memref<625x64xf32, #tpu.memory_space<vmem_shared>>) dst(%dma_wait3A_91 : memref<625x64xf32, #tpu.memory_space<hbm>>)
        tpu.yield
      }) : () -> ()
    } else {
    }
    return
  }
}

#map = affine_map<(d0, d1) -> (0, 0)>
module attributes {stable_mosaic.version = 14 : i64} {
  func.func @body(%arg0: i32, %arg1: i32, %arg2: memref<4000x80xi32, #tpu.memory_space<hbm>>, %arg3: memref<80x8xf32, #tpu.memory_space<hbm>>, %arg4: memref<625x8xf32, #tpu.memory_space<hbm>>, %arg5: memref<10000x8xf32, #tpu.memory_space<hbm>>, %arg6: memref<10000x8xf32, #tpu.memory_space<hbm>>, %arg7: memref<125x80xi32, #tpu.memory_space<vmem>>, %arg8: memref<80x8xf32, #tpu.memory_space<vmem>>, %arg9: memref<10000x8xf32, #tpu.memory_space<vmem_shared>>, %arg10: memref<!tpu.dma_semaphore, #tpu.memory_space<semaphore_mem>>) attributes {dimension_semantics = [#tpu.dimension_semantics<core_parallel>, #tpu.dimension_semantics<subcore_parallel>], iteration_bounds = array<i64: 2, 16>, scalar_prefetch = 0 : i64, scratch_operands = 4 : i64, tpu.core_type = #tpu.core_type<sc_vector_subcore>, window_params = [{transform_indices = #map}, {transform_indices = #map}, {transform_indices = #map}, {transform_indices = #map}, {transform_indices = #map}]} {
    %mul3A = arith.constant 625 : i32
    %mul3A_0 = arith.muli %arg1, %mul3A : i32
    "tpu.region"() ({
      %run_scoped3A_22 = tpu.sem_alloc : memref<!tpu.dma_semaphore, #tpu.memory_space<semaphore_mem>>
      %dma_start3A = arith.constant 0 : i32
      %dma_start3A_23 = tpu.memref_slice %arg9[%mul3A_0, %dma_start3A] : memref<10000x8xf32, #tpu.memory_space<vmem_shared>> -> memref<625x8xf32, #tpu.memory_space<vmem_shared>>
      tpu.enqueue_dma source(%arg4 : memref<625x8xf32, #tpu.memory_space<hbm>>) target(%dma_start3A_23 : memref<625x8xf32, #tpu.memory_space<vmem_shared>>) target_semaphore(%run_scoped3A_22 : memref<!tpu.dma_semaphore, #tpu.memory_space<semaphore_mem>>)
      %dma_wait3A = arith.constant 0 : i32
      %dma_wait3A_24 = tpu.memref_slice %arg9[%mul3A_0, %dma_wait3A] : memref<10000x8xf32, #tpu.memory_space<vmem_shared>> -> memref<625x8xf32, #tpu.memory_space<vmem_shared>>
      tpu.wait_dma2 semaphore(%run_scoped3A_22 : memref<!tpu.dma_semaphore, #tpu.memory_space<semaphore_mem>>) src(%arg4 : memref<625x8xf32, #tpu.memory_space<hbm>>) dst(%dma_wait3A_24 : memref<625x8xf32, #tpu.memory_space<vmem_shared>>)
      tpu.yield
    }) : () -> ()
    "tpu.region"() ({
      %run_scoped3A_22 = tpu.sem_alloc : memref<!tpu.dma_semaphore, #tpu.memory_space<semaphore_mem>>
      tpu.enqueue_dma source(%arg3 : memref<80x8xf32, #tpu.memory_space<hbm>>) target(%arg8 : memref<80x8xf32, #tpu.memory_space<vmem>>) target_semaphore(%run_scoped3A_22 : memref<!tpu.dma_semaphore, #tpu.memory_space<semaphore_mem>>)
      tpu.wait_dma2 semaphore(%run_scoped3A_22 : memref<!tpu.dma_semaphore, #tpu.memory_space<semaphore_mem>>) src(%arg3 : memref<80x8xf32, #tpu.memory_space<hbm>>) dst(%arg8 : memref<80x8xf32, #tpu.memory_space<vmem>>)
      tpu.yield
    }) : () -> ()
    %mul3A_1 = arith.constant 16 : i32
    %mul3A_2 = arith.muli %arg0, %mul3A_1 : i32
    %add3A = arith.addi %mul3A_2, %arg1 : i32
    %mul3A_3 = arith.constant 125 : i32
    %mul3A_4 = arith.muli %add3A, %mul3A_3 : i32
    "tpu.region"() ({
      %run_scoped3A_22 = tpu.sem_alloc : memref<!tpu.dma_semaphore, #tpu.memory_space<semaphore_mem>>
      %dma_start3A = arith.constant 0 : i32
      %dma_start3A_23 = tpu.memref_slice %arg2[%mul3A_4, %dma_start3A] : memref<4000x80xi32, #tpu.memory_space<hbm>> -> memref<125x80xi32, #tpu.memory_space<hbm>>
      %dma_start3A_24 = arith.constant 0 : i32
      %dma_start3A_25 = tpu.memref_slice %arg2[%mul3A_4, %dma_start3A_24] : memref<4000x80xi32, #tpu.memory_space<hbm>> -> memref<125x80xi32, #tpu.memory_space<hbm>>
      tpu.enqueue_dma source(%dma_start3A_25 : memref<125x80xi32, #tpu.memory_space<hbm>>) target(%arg7 : memref<125x80xi32, #tpu.memory_space<vmem>>) target_semaphore(%run_scoped3A_22 : memref<!tpu.dma_semaphore, #tpu.memory_space<semaphore_mem>>)
      %dma_wait3A = arith.constant 0 : i32
      %dma_wait3A_26 = tpu.memref_slice %arg2[%mul3A_4, %dma_wait3A] : memref<4000x80xi32, #tpu.memory_space<hbm>> -> memref<125x80xi32, #tpu.memory_space<hbm>>
      %dma_wait3A_27 = arith.constant 0 : i32
      %dma_wait3A_28 = tpu.memref_slice %arg2[%mul3A_4, %dma_wait3A_27] : memref<4000x80xi32, #tpu.memory_space<hbm>> -> memref<125x80xi32, #tpu.memory_space<hbm>>
      tpu.wait_dma2 semaphore(%run_scoped3A_22 : memref<!tpu.dma_semaphore, #tpu.memory_space<semaphore_mem>>) src(%dma_wait3A_28 : memref<125x80xi32, #tpu.memory_space<hbm>>) dst(%arg7 : memref<125x80xi32, #tpu.memory_space<vmem>>)
      tpu.yield
    }) : () -> ()
    %barrier3A = arith.constant 0 : index
    tpu.barrier barrier_id(%barrier3A)
    %scan3A = arith.constant 0 : i32
    %scan3A_5 = arith.constant 0 : i32
    %scan3A_6 = arith.constant 15 : i32
    %scan3A_7 = arith.addi %scan3A_5, %scan3A_6 : i32
    %scan3A_8 = arith.constant 1 : i32
    scf.for %scan3A_22 = %scan3A_5 to %scan3A_7 step %scan3A_8  : i32 {
      %mul3A_23 = arith.constant 8 : i32
      %mul3A_24 = arith.muli %scan3A_22, %mul3A_23 : i32
      %add3A_25 = arith.constant 0 : i32
      %add3A_26 = arith.addi %mul3A_24, %add3A_25 : i32
      %dma_start3A = arith.constant 0 : i32
      %dma_start3A_27 = tpu.memref_slice %arg7[%add3A_26, %dma_start3A] : memref<125x80xi32, #tpu.memory_space<vmem>> -> memref<1x80xi32, #tpu.memory_space<vmem>>
      %dma_start3A_28 = tpu.memref_squeeze %dma_start3A_27 : memref<1x80xi32, #tpu.memory_space<vmem>> -> memref<80xi32, #tpu.memory_space<vmem>>
      %dma_start3A_29 = arith.constant 0 : i32
      %dma_start3A_30 = arith.constant 0 : i32
      %dma_start3A_31 = tpu.memref_slice %arg9[%dma_start3A_29, %dma_start3A_30] : memref<10000x8xf32, #tpu.memory_space<vmem_shared>> -> memref<10000x8xf32, #tpu.memory_space<vmem_shared>>
      tpu.enqueue_indirect_dma source(%arg8 : memref<80x8xf32, #tpu.memory_space<vmem>>) target(%dma_start3A_31 : memref<10000x8xf32, #tpu.memory_space<vmem_shared>>) offsets(%dma_start3A_28 : memref<80xi32, #tpu.memory_space<vmem>>) semaphore(%arg10 : memref<!tpu.dma_semaphore, #tpu.memory_space<semaphore_mem>>) {add = true}
      %mul3A_32 = arith.constant 8 : i32
      %mul3A_33 = arith.muli %scan3A_22, %mul3A_32 : i32
      %add3A_34 = arith.constant 1 : i32
      %add3A_35 = arith.addi %mul3A_33, %add3A_34 : i32
      %dma_start3A_36 = arith.constant 0 : i32
      %dma_start3A_37 = tpu.memref_slice %arg7[%add3A_35, %dma_start3A_36] : memref<125x80xi32, #tpu.memory_space<vmem>> -> memref<1x80xi32, #tpu.memory_space<vmem>>
      %dma_start3A_38 = tpu.memref_squeeze %dma_start3A_37 : memref<1x80xi32, #tpu.memory_space<vmem>> -> memref<80xi32, #tpu.memory_space<vmem>>
      %dma_start3A_39 = arith.constant 0 : i32
      %dma_start3A_40 = arith.constant 0 : i32
      %dma_start3A_41 = tpu.memref_slice %arg9[%dma_start3A_39, %dma_start3A_40] : memref<10000x8xf32, #tpu.memory_space<vmem_shared>> -> memref<10000x8xf32, #tpu.memory_space<vmem_shared>>
      tpu.enqueue_indirect_dma source(%arg8 : memref<80x8xf32, #tpu.memory_space<vmem>>) target(%dma_start3A_41 : memref<10000x8xf32, #tpu.memory_space<vmem_shared>>) offsets(%dma_start3A_38 : memref<80xi32, #tpu.memory_space<vmem>>) semaphore(%arg10 : memref<!tpu.dma_semaphore, #tpu.memory_space<semaphore_mem>>) {add = true}
      %mul3A_42 = arith.constant 8 : i32
      %mul3A_43 = arith.muli %scan3A_22, %mul3A_42 : i32
      %add3A_44 = arith.constant 2 : i32
      %add3A_45 = arith.addi %mul3A_43, %add3A_44 : i32
      %dma_start3A_46 = arith.constant 0 : i32
      %dma_start3A_47 = tpu.memref_slice %arg7[%add3A_45, %dma_start3A_46] : memref<125x80xi32, #tpu.memory_space<vmem>> -> memref<1x80xi32, #tpu.memory_space<vmem>>
      %dma_start3A_48 = tpu.memref_squeeze %dma_start3A_47 : memref<1x80xi32, #tpu.memory_space<vmem>> -> memref<80xi32, #tpu.memory_space<vmem>>
      %dma_start3A_49 = arith.constant 0 : i32
      %dma_start3A_50 = arith.constant 0 : i32
      %dma_start3A_51 = tpu.memref_slice %arg9[%dma_start3A_49, %dma_start3A_50] : memref<10000x8xf32, #tpu.memory_space<vmem_shared>> -> memref<10000x8xf32, #tpu.memory_space<vmem_shared>>
      tpu.enqueue_indirect_dma source(%arg8 : memref<80x8xf32, #tpu.memory_space<vmem>>) target(%dma_start3A_51 : memref<10000x8xf32, #tpu.memory_space<vmem_shared>>) offsets(%dma_start3A_48 : memref<80xi32, #tpu.memory_space<vmem>>) semaphore(%arg10 : memref<!tpu.dma_semaphore, #tpu.memory_space<semaphore_mem>>) {add = true}
      %mul3A_52 = arith.constant 8 : i32
      %mul3A_53 = arith.muli %scan3A_22, %mul3A_52 : i32
      %add3A_54 = arith.constant 3 : i32
      %add3A_55 = arith.addi %mul3A_53, %add3A_54 : i32
      %dma_start3A_56 = arith.constant 0 : i32
      %dma_start3A_57 = tpu.memref_slice %arg7[%add3A_55, %dma_start3A_56] : memref<125x80xi32, #tpu.memory_space<vmem>> -> memref<1x80xi32, #tpu.memory_space<vmem>>
      %dma_start3A_58 = tpu.memref_squeeze %dma_start3A_57 : memref<1x80xi32, #tpu.memory_space<vmem>> -> memref<80xi32, #tpu.memory_space<vmem>>
      %dma_start3A_59 = arith.constant 0 : i32
      %dma_start3A_60 = arith.constant 0 : i32
      %dma_start3A_61 = tpu.memref_slice %arg9[%dma_start3A_59, %dma_start3A_60] : memref<10000x8xf32, #tpu.memory_space<vmem_shared>> -> memref<10000x8xf32, #tpu.memory_space<vmem_shared>>
      tpu.enqueue_indirect_dma source(%arg8 : memref<80x8xf32, #tpu.memory_space<vmem>>) target(%dma_start3A_61 : memref<10000x8xf32, #tpu.memory_space<vmem_shared>>) offsets(%dma_start3A_58 : memref<80xi32, #tpu.memory_space<vmem>>) semaphore(%arg10 : memref<!tpu.dma_semaphore, #tpu.memory_space<semaphore_mem>>) {add = true}
      %mul3A_62 = arith.constant 8 : i32
      %mul3A_63 = arith.muli %scan3A_22, %mul3A_62 : i32
      %add3A_64 = arith.constant 4 : i32
      %add3A_65 = arith.addi %mul3A_63, %add3A_64 : i32
      %dma_start3A_66 = arith.constant 0 : i32
      %dma_start3A_67 = tpu.memref_slice %arg7[%add3A_65, %dma_start3A_66] : memref<125x80xi32, #tpu.memory_space<vmem>> -> memref<1x80xi32, #tpu.memory_space<vmem>>
      %dma_start3A_68 = tpu.memref_squeeze %dma_start3A_67 : memref<1x80xi32, #tpu.memory_space<vmem>> -> memref<80xi32, #tpu.memory_space<vmem>>
      %dma_start3A_69 = arith.constant 0 : i32
      %dma_start3A_70 = arith.constant 0 : i32
      %dma_start3A_71 = tpu.memref_slice %arg9[%dma_start3A_69, %dma_start3A_70] : memref<10000x8xf32, #tpu.memory_space<vmem_shared>> -> memref<10000x8xf32, #tpu.memory_space<vmem_shared>>
      tpu.enqueue_indirect_dma source(%arg8 : memref<80x8xf32, #tpu.memory_space<vmem>>) target(%dma_start3A_71 : memref<10000x8xf32, #tpu.memory_space<vmem_shared>>) offsets(%dma_start3A_68 : memref<80xi32, #tpu.memory_space<vmem>>) semaphore(%arg10 : memref<!tpu.dma_semaphore, #tpu.memory_space<semaphore_mem>>) {add = true}
      %mul3A_72 = arith.constant 8 : i32
      %mul3A_73 = arith.muli %scan3A_22, %mul3A_72 : i32
      %add3A_74 = arith.constant 5 : i32
      %add3A_75 = arith.addi %mul3A_73, %add3A_74 : i32
      %dma_start3A_76 = arith.constant 0 : i32
      %dma_start3A_77 = tpu.memref_slice %arg7[%add3A_75, %dma_start3A_76] : memref<125x80xi32, #tpu.memory_space<vmem>> -> memref<1x80xi32, #tpu.memory_space<vmem>>
      %dma_start3A_78 = tpu.memref_squeeze %dma_start3A_77 : memref<1x80xi32, #tpu.memory_space<vmem>> -> memref<80xi32, #tpu.memory_space<vmem>>
      %dma_start3A_79 = arith.constant 0 : i32
      %dma_start3A_80 = arith.constant 0 : i32
      %dma_start3A_81 = tpu.memref_slice %arg9[%dma_start3A_79, %dma_start3A_80] : memref<10000x8xf32, #tpu.memory_space<vmem_shared>> -> memref<10000x8xf32, #tpu.memory_space<vmem_shared>>
      tpu.enqueue_indirect_dma source(%arg8 : memref<80x8xf32, #tpu.memory_space<vmem>>) target(%dma_start3A_81 : memref<10000x8xf32, #tpu.memory_space<vmem_shared>>) offsets(%dma_start3A_78 : memref<80xi32, #tpu.memory_space<vmem>>) semaphore(%arg10 : memref<!tpu.dma_semaphore, #tpu.memory_space<semaphore_mem>>) {add = true}
      %mul3A_82 = arith.constant 8 : i32
      %mul3A_83 = arith.muli %scan3A_22, %mul3A_82 : i32
      %add3A_84 = arith.constant 6 : i32
      %add3A_85 = arith.addi %mul3A_83, %add3A_84 : i32
      %dma_start3A_86 = arith.constant 0 : i32
      %dma_start3A_87 = tpu.memref_slice %arg7[%add3A_85, %dma_start3A_86] : memref<125x80xi32, #tpu.memory_space<vmem>> -> memref<1x80xi32, #tpu.memory_space<vmem>>
      %dma_start3A_88 = tpu.memref_squeeze %dma_start3A_87 : memref<1x80xi32, #tpu.memory_space<vmem>> -> memref<80xi32, #tpu.memory_space<vmem>>
      %dma_start3A_89 = arith.constant 0 : i32
      %dma_start3A_90 = arith.constant 0 : i32
      %dma_start3A_91 = tpu.memref_slice %arg9[%dma_start3A_89, %dma_start3A_90] : memref<10000x8xf32, #tpu.memory_space<vmem_shared>> -> memref<10000x8xf32, #tpu.memory_space<vmem_shared>>
      tpu.enqueue_indirect_dma source(%arg8 : memref<80x8xf32, #tpu.memory_space<vmem>>) target(%dma_start3A_91 : memref<10000x8xf32, #tpu.memory_space<vmem_shared>>) offsets(%dma_start3A_88 : memref<80xi32, #tpu.memory_space<vmem>>) semaphore(%arg10 : memref<!tpu.dma_semaphore, #tpu.memory_space<semaphore_mem>>) {add = true}
      %mul3A_92 = arith.constant 8 : i32
      %mul3A_93 = arith.muli %scan3A_22, %mul3A_92 : i32
      %add3A_94 = arith.constant 7 : i32
      %add3A_95 = arith.addi %mul3A_93, %add3A_94 : i32
      %dma_start3A_96 = arith.constant 0 : i32
      %dma_start3A_97 = tpu.memref_slice %arg7[%add3A_95, %dma_start3A_96] : memref<125x80xi32, #tpu.memory_space<vmem>> -> memref<1x80xi32, #tpu.memory_space<vmem>>
      %dma_start3A_98 = tpu.memref_squeeze %dma_start3A_97 : memref<1x80xi32, #tpu.memory_space<vmem>> -> memref<80xi32, #tpu.memory_space<vmem>>
      %dma_start3A_99 = arith.constant 0 : i32
      %dma_start3A_100 = arith.constant 0 : i32
      %dma_start3A_101 = tpu.memref_slice %arg9[%dma_start3A_99, %dma_start3A_100] : memref<10000x8xf32, #tpu.memory_space<vmem_shared>> -> memref<10000x8xf32, #tpu.memory_space<vmem_shared>>
      tpu.enqueue_indirect_dma source(%arg8 : memref<80x8xf32, #tpu.memory_space<vmem>>) target(%dma_start3A_101 : memref<10000x8xf32, #tpu.memory_space<vmem_shared>>) offsets(%dma_start3A_98 : memref<80xi32, #tpu.memory_space<vmem>>) semaphore(%arg10 : memref<!tpu.dma_semaphore, #tpu.memory_space<semaphore_mem>>) {add = true}
      %mul3A_102 = arith.constant 8 : i32
      %mul3A_103 = arith.muli %scan3A_22, %mul3A_102 : i32
      %add3A_104 = arith.constant 0 : i32
      %add3A_105 = arith.addi %mul3A_103, %add3A_104 : i32
      %dma_wait3A = arith.constant 0 : i32
      %dma_wait3A_106 = tpu.memref_slice %arg7[%add3A_105, %dma_wait3A] : memref<125x80xi32, #tpu.memory_space<vmem>> -> memref<1x80xi32, #tpu.memory_space<vmem>>
      %dma_wait3A_107 = tpu.memref_squeeze %dma_wait3A_106 : memref<1x80xi32, #tpu.memory_space<vmem>> -> memref<80xi32, #tpu.memory_space<vmem>>
      %dma_wait3A_108 = arith.constant 0 : i32
      %dma_wait3A_109 = arith.constant 0 : i32
      %dma_wait3A_110 = tpu.memref_slice %arg9[%dma_wait3A_108, %dma_wait3A_109] : memref<10000x8xf32, #tpu.memory_space<vmem_shared>> -> memref<10000x8xf32, #tpu.memory_space<vmem_shared>>
      tpu.wait_indirect_dma semaphore(%arg10 : memref<!tpu.dma_semaphore, #tpu.memory_space<semaphore_mem>>) src(%arg8 : memref<80x8xf32, #tpu.memory_space<vmem>>) dst(%dma_wait3A_110 : memref<10000x8xf32, #tpu.memory_space<vmem_shared>>)
      %mul3A_111 = arith.constant 8 : i32
      %mul3A_112 = arith.muli %scan3A_22, %mul3A_111 : i32
      %add3A_113 = arith.constant 1 : i32
      %add3A_114 = arith.addi %mul3A_112, %add3A_113 : i32
      %dma_wait3A_115 = arith.constant 0 : i32
      %dma_wait3A_116 = tpu.memref_slice %arg7[%add3A_114, %dma_wait3A_115] : memref<125x80xi32, #tpu.memory_space<vmem>> -> memref<1x80xi32, #tpu.memory_space<vmem>>
      %dma_wait3A_117 = tpu.memref_squeeze %dma_wait3A_116 : memref<1x80xi32, #tpu.memory_space<vmem>> -> memref<80xi32, #tpu.memory_space<vmem>>
      %dma_wait3A_118 = arith.constant 0 : i32
      %dma_wait3A_119 = arith.constant 0 : i32
      %dma_wait3A_120 = tpu.memref_slice %arg9[%dma_wait3A_118, %dma_wait3A_119] : memref<10000x8xf32, #tpu.memory_space<vmem_shared>> -> memref<10000x8xf32, #tpu.memory_space<vmem_shared>>
      tpu.wait_indirect_dma semaphore(%arg10 : memref<!tpu.dma_semaphore, #tpu.memory_space<semaphore_mem>>) src(%arg8 : memref<80x8xf32, #tpu.memory_space<vmem>>) dst(%dma_wait3A_120 : memref<10000x8xf32, #tpu.memory_space<vmem_shared>>)
      %mul3A_121 = arith.constant 8 : i32
      %mul3A_122 = arith.muli %scan3A_22, %mul3A_121 : i32
      %add3A_123 = arith.constant 2 : i32
      %add3A_124 = arith.addi %mul3A_122, %add3A_123 : i32
      %dma_wait3A_125 = arith.constant 0 : i32
      %dma_wait3A_126 = tpu.memref_slice %arg7[%add3A_124, %dma_wait3A_125] : memref<125x80xi32, #tpu.memory_space<vmem>> -> memref<1x80xi32, #tpu.memory_space<vmem>>
      %dma_wait3A_127 = tpu.memref_squeeze %dma_wait3A_126 : memref<1x80xi32, #tpu.memory_space<vmem>> -> memref<80xi32, #tpu.memory_space<vmem>>
      %dma_wait3A_128 = arith.constant 0 : i32
      %dma_wait3A_129 = arith.constant 0 : i32
      %dma_wait3A_130 = tpu.memref_slice %arg9[%dma_wait3A_128, %dma_wait3A_129] : memref<10000x8xf32, #tpu.memory_space<vmem_shared>> -> memref<10000x8xf32, #tpu.memory_space<vmem_shared>>
      tpu.wait_indirect_dma semaphore(%arg10 : memref<!tpu.dma_semaphore, #tpu.memory_space<semaphore_mem>>) src(%arg8 : memref<80x8xf32, #tpu.memory_space<vmem>>) dst(%dma_wait3A_130 : memref<10000x8xf32, #tpu.memory_space<vmem_shared>>)
      %mul3A_131 = arith.constant 8 : i32
      %mul3A_132 = arith.muli %scan3A_22, %mul3A_131 : i32
      %add3A_133 = arith.constant 3 : i32
      %add3A_134 = arith.addi %mul3A_132, %add3A_133 : i32
      %dma_wait3A_135 = arith.constant 0 : i32
      %dma_wait3A_136 = tpu.memref_slice %arg7[%add3A_134, %dma_wait3A_135] : memref<125x80xi32, #tpu.memory_space<vmem>> -> memref<1x80xi32, #tpu.memory_space<vmem>>
      %dma_wait3A_137 = tpu.memref_squeeze %dma_wait3A_136 : memref<1x80xi32, #tpu.memory_space<vmem>> -> memref<80xi32, #tpu.memory_space<vmem>>
      %dma_wait3A_138 = arith.constant 0 : i32
      %dma_wait3A_139 = arith.constant 0 : i32
      %dma_wait3A_140 = tpu.memref_slice %arg9[%dma_wait3A_138, %dma_wait3A_139] : memref<10000x8xf32, #tpu.memory_space<vmem_shared>> -> memref<10000x8xf32, #tpu.memory_space<vmem_shared>>
      tpu.wait_indirect_dma semaphore(%arg10 : memref<!tpu.dma_semaphore, #tpu.memory_space<semaphore_mem>>) src(%arg8 : memref<80x8xf32, #tpu.memory_space<vmem>>) dst(%dma_wait3A_140 : memref<10000x8xf32, #tpu.memory_space<vmem_shared>>)
      %mul3A_141 = arith.constant 8 : i32
      %mul3A_142 = arith.muli %scan3A_22, %mul3A_141 : i32
      %add3A_143 = arith.constant 4 : i32
      %add3A_144 = arith.addi %mul3A_142, %add3A_143 : i32
      %dma_wait3A_145 = arith.constant 0 : i32
      %dma_wait3A_146 = tpu.memref_slice %arg7[%add3A_144, %dma_wait3A_145] : memref<125x80xi32, #tpu.memory_space<vmem>> -> memref<1x80xi32, #tpu.memory_space<vmem>>
      %dma_wait3A_147 = tpu.memref_squeeze %dma_wait3A_146 : memref<1x80xi32, #tpu.memory_space<vmem>> -> memref<80xi32, #tpu.memory_space<vmem>>
      %dma_wait3A_148 = arith.constant 0 : i32
      %dma_wait3A_149 = arith.constant 0 : i32
      %dma_wait3A_150 = tpu.memref_slice %arg9[%dma_wait3A_148, %dma_wait3A_149] : memref<10000x8xf32, #tpu.memory_space<vmem_shared>> -> memref<10000x8xf32, #tpu.memory_space<vmem_shared>>
      tpu.wait_indirect_dma semaphore(%arg10 : memref<!tpu.dma_semaphore, #tpu.memory_space<semaphore_mem>>) src(%arg8 : memref<80x8xf32, #tpu.memory_space<vmem>>) dst(%dma_wait3A_150 : memref<10000x8xf32, #tpu.memory_space<vmem_shared>>)
      %mul3A_151 = arith.constant 8 : i32
      %mul3A_152 = arith.muli %scan3A_22, %mul3A_151 : i32
      %add3A_153 = arith.constant 5 : i32
      %add3A_154 = arith.addi %mul3A_152, %add3A_153 : i32
      %dma_wait3A_155 = arith.constant 0 : i32
      %dma_wait3A_156 = tpu.memref_slice %arg7[%add3A_154, %dma_wait3A_155] : memref<125x80xi32, #tpu.memory_space<vmem>> -> memref<1x80xi32, #tpu.memory_space<vmem>>
      %dma_wait3A_157 = tpu.memref_squeeze %dma_wait3A_156 : memref<1x80xi32, #tpu.memory_space<vmem>> -> memref<80xi32, #tpu.memory_space<vmem>>
      %dma_wait3A_158 = arith.constant 0 : i32
      %dma_wait3A_159 = arith.constant 0 : i32
      %dma_wait3A_160 = tpu.memref_slice %arg9[%dma_wait3A_158, %dma_wait3A_159] : memref<10000x8xf32, #tpu.memory_space<vmem_shared>> -> memref<10000x8xf32, #tpu.memory_space<vmem_shared>>
      tpu.wait_indirect_dma semaphore(%arg10 : memref<!tpu.dma_semaphore, #tpu.memory_space<semaphore_mem>>) src(%arg8 : memref<80x8xf32, #tpu.memory_space<vmem>>) dst(%dma_wait3A_160 : memref<10000x8xf32, #tpu.memory_space<vmem_shared>>)
      %mul3A_161 = arith.constant 8 : i32
      %mul3A_162 = arith.muli %scan3A_22, %mul3A_161 : i32
      %add3A_163 = arith.constant 6 : i32
      %add3A_164 = arith.addi %mul3A_162, %add3A_163 : i32
      %dma_wait3A_165 = arith.constant 0 : i32
      %dma_wait3A_166 = tpu.memref_slice %arg7[%add3A_164, %dma_wait3A_165] : memref<125x80xi32, #tpu.memory_space<vmem>> -> memref<1x80xi32, #tpu.memory_space<vmem>>
      %dma_wait3A_167 = tpu.memref_squeeze %dma_wait3A_166 : memref<1x80xi32, #tpu.memory_space<vmem>> -> memref<80xi32, #tpu.memory_space<vmem>>
      %dma_wait3A_168 = arith.constant 0 : i32
      %dma_wait3A_169 = arith.constant 0 : i32
      %dma_wait3A_170 = tpu.memref_slice %arg9[%dma_wait3A_168, %dma_wait3A_169] : memref<10000x8xf32, #tpu.memory_space<vmem_shared>> -> memref<10000x8xf32, #tpu.memory_space<vmem_shared>>
      tpu.wait_indirect_dma semaphore(%arg10 : memref<!tpu.dma_semaphore, #tpu.memory_space<semaphore_mem>>) src(%arg8 : memref<80x8xf32, #tpu.memory_space<vmem>>) dst(%dma_wait3A_170 : memref<10000x8xf32, #tpu.memory_space<vmem_shared>>)
      %mul3A_171 = arith.constant 8 : i32
      %mul3A_172 = arith.muli %scan3A_22, %mul3A_171 : i32
      %add3A_173 = arith.constant 7 : i32
      %add3A_174 = arith.addi %mul3A_172, %add3A_173 : i32
      %dma_wait3A_175 = arith.constant 0 : i32
      %dma_wait3A_176 = tpu.memref_slice %arg7[%add3A_174, %dma_wait3A_175] : memref<125x80xi32, #tpu.memory_space<vmem>> -> memref<1x80xi32, #tpu.memory_space<vmem>>
      %dma_wait3A_177 = tpu.memref_squeeze %dma_wait3A_176 : memref<1x80xi32, #tpu.memory_space<vmem>> -> memref<80xi32, #tpu.memory_space<vmem>>
      %dma_wait3A_178 = arith.constant 0 : i32
      %dma_wait3A_179 = arith.constant 0 : i32
      %dma_wait3A_180 = tpu.memref_slice %arg9[%dma_wait3A_178, %dma_wait3A_179] : memref<10000x8xf32, #tpu.memory_space<vmem_shared>> -> memref<10000x8xf32, #tpu.memory_space<vmem_shared>>
      tpu.wait_indirect_dma semaphore(%arg10 : memref<!tpu.dma_semaphore, #tpu.memory_space<semaphore_mem>>) src(%arg8 : memref<80x8xf32, #tpu.memory_space<vmem>>) dst(%dma_wait3A_180 : memref<10000x8xf32, #tpu.memory_space<vmem_shared>>)
    }
    %scan3A_9 = arith.constant 15 : i32
    %run_scoped3A = arith.constant 120 : i32
    "tpu.region"() ({
      %run_scoped3A_22 = tpu.sem_alloc : memref<!tpu.dma_semaphore, #tpu.memory_space<semaphore_mem>>
      %dma_start3A = arith.constant 0 : i32
      %dma_start3A_23 = tpu.memref_slice %arg7[%run_scoped3A, %dma_start3A] : memref<125x80xi32, #tpu.memory_space<vmem>> -> memref<1x80xi32, #tpu.memory_space<vmem>>
      %dma_start3A_24 = tpu.memref_squeeze %dma_start3A_23 : memref<1x80xi32, #tpu.memory_space<vmem>> -> memref<80xi32, #tpu.memory_space<vmem>>
      %dma_start3A_25 = arith.constant 0 : i32
      %dma_start3A_26 = arith.constant 0 : i32
      %dma_start3A_27 = tpu.memref_slice %arg9[%dma_start3A_25, %dma_start3A_26] : memref<10000x8xf32, #tpu.memory_space<vmem_shared>> -> memref<10000x8xf32, #tpu.memory_space<vmem_shared>>
      tpu.enqueue_indirect_dma source(%arg8 : memref<80x8xf32, #tpu.memory_space<vmem>>) target(%dma_start3A_27 : memref<10000x8xf32, #tpu.memory_space<vmem_shared>>) offsets(%dma_start3A_24 : memref<80xi32, #tpu.memory_space<vmem>>) semaphore(%run_scoped3A_22 : memref<!tpu.dma_semaphore, #tpu.memory_space<semaphore_mem>>) {add = true}
      %dma_wait3A = arith.constant 0 : i32
      %dma_wait3A_28 = tpu.memref_slice %arg7[%run_scoped3A, %dma_wait3A] : memref<125x80xi32, #tpu.memory_space<vmem>> -> memref<1x80xi32, #tpu.memory_space<vmem>>
      %dma_wait3A_29 = tpu.memref_squeeze %dma_wait3A_28 : memref<1x80xi32, #tpu.memory_space<vmem>> -> memref<80xi32, #tpu.memory_space<vmem>>
      %dma_wait3A_30 = arith.constant 0 : i32
      %dma_wait3A_31 = arith.constant 0 : i32
      %dma_wait3A_32 = tpu.memref_slice %arg9[%dma_wait3A_30, %dma_wait3A_31] : memref<10000x8xf32, #tpu.memory_space<vmem_shared>> -> memref<10000x8xf32, #tpu.memory_space<vmem_shared>>
      tpu.wait_indirect_dma semaphore(%run_scoped3A_22 : memref<!tpu.dma_semaphore, #tpu.memory_space<semaphore_mem>>) src(%arg8 : memref<80x8xf32, #tpu.memory_space<vmem>>) dst(%dma_wait3A_32 : memref<10000x8xf32, #tpu.memory_space<vmem_shared>>)
      tpu.yield
    }) : () -> ()
    %run_scoped3A_10 = arith.constant 121 : i32
    "tpu.region"() ({
      %run_scoped3A_22 = tpu.sem_alloc : memref<!tpu.dma_semaphore, #tpu.memory_space<semaphore_mem>>
      %dma_start3A = arith.constant 0 : i32
      %dma_start3A_23 = tpu.memref_slice %arg7[%run_scoped3A_10, %dma_start3A] : memref<125x80xi32, #tpu.memory_space<vmem>> -> memref<1x80xi32, #tpu.memory_space<vmem>>
      %dma_start3A_24 = tpu.memref_squeeze %dma_start3A_23 : memref<1x80xi32, #tpu.memory_space<vmem>> -> memref<80xi32, #tpu.memory_space<vmem>>
      %dma_start3A_25 = arith.constant 0 : i32
      %dma_start3A_26 = arith.constant 0 : i32
      %dma_start3A_27 = tpu.memref_slice %arg9[%dma_start3A_25, %dma_start3A_26] : memref<10000x8xf32, #tpu.memory_space<vmem_shared>> -> memref<10000x8xf32, #tpu.memory_space<vmem_shared>>
      tpu.enqueue_indirect_dma source(%arg8 : memref<80x8xf32, #tpu.memory_space<vmem>>) target(%dma_start3A_27 : memref<10000x8xf32, #tpu.memory_space<vmem_shared>>) offsets(%dma_start3A_24 : memref<80xi32, #tpu.memory_space<vmem>>) semaphore(%run_scoped3A_22 : memref<!tpu.dma_semaphore, #tpu.memory_space<semaphore_mem>>) {add = true}
      %dma_wait3A = arith.constant 0 : i32
      %dma_wait3A_28 = tpu.memref_slice %arg7[%run_scoped3A_10, %dma_wait3A] : memref<125x80xi32, #tpu.memory_space<vmem>> -> memref<1x80xi32, #tpu.memory_space<vmem>>
      %dma_wait3A_29 = tpu.memref_squeeze %dma_wait3A_28 : memref<1x80xi32, #tpu.memory_space<vmem>> -> memref<80xi32, #tpu.memory_space<vmem>>
      %dma_wait3A_30 = arith.constant 0 : i32
      %dma_wait3A_31 = arith.constant 0 : i32
      %dma_wait3A_32 = tpu.memref_slice %arg9[%dma_wait3A_30, %dma_wait3A_31] : memref<10000x8xf32, #tpu.memory_space<vmem_shared>> -> memref<10000x8xf32, #tpu.memory_space<vmem_shared>>
      tpu.wait_indirect_dma semaphore(%run_scoped3A_22 : memref<!tpu.dma_semaphore, #tpu.memory_space<semaphore_mem>>) src(%arg8 : memref<80x8xf32, #tpu.memory_space<vmem>>) dst(%dma_wait3A_32 : memref<10000x8xf32, #tpu.memory_space<vmem_shared>>)
      tpu.yield
    }) : () -> ()
    %run_scoped3A_11 = arith.constant 122 : i32
    "tpu.region"() ({
      %run_scoped3A_22 = tpu.sem_alloc : memref<!tpu.dma_semaphore, #tpu.memory_space<semaphore_mem>>
      %dma_start3A = arith.constant 0 : i32
      %dma_start3A_23 = tpu.memref_slice %arg7[%run_scoped3A_11, %dma_start3A] : memref<125x80xi32, #tpu.memory_space<vmem>> -> memref<1x80xi32, #tpu.memory_space<vmem>>
      %dma_start3A_24 = tpu.memref_squeeze %dma_start3A_23 : memref<1x80xi32, #tpu.memory_space<vmem>> -> memref<80xi32, #tpu.memory_space<vmem>>
      %dma_start3A_25 = arith.constant 0 : i32
      %dma_start3A_26 = arith.constant 0 : i32
      %dma_start3A_27 = tpu.memref_slice %arg9[%dma_start3A_25, %dma_start3A_26] : memref<10000x8xf32, #tpu.memory_space<vmem_shared>> -> memref<10000x8xf32, #tpu.memory_space<vmem_shared>>
      tpu.enqueue_indirect_dma source(%arg8 : memref<80x8xf32, #tpu.memory_space<vmem>>) target(%dma_start3A_27 : memref<10000x8xf32, #tpu.memory_space<vmem_shared>>) offsets(%dma_start3A_24 : memref<80xi32, #tpu.memory_space<vmem>>) semaphore(%run_scoped3A_22 : memref<!tpu.dma_semaphore, #tpu.memory_space<semaphore_mem>>) {add = true}
      %dma_wait3A = arith.constant 0 : i32
      %dma_wait3A_28 = tpu.memref_slice %arg7[%run_scoped3A_11, %dma_wait3A] : memref<125x80xi32, #tpu.memory_space<vmem>> -> memref<1x80xi32, #tpu.memory_space<vmem>>
      %dma_wait3A_29 = tpu.memref_squeeze %dma_wait3A_28 : memref<1x80xi32, #tpu.memory_space<vmem>> -> memref<80xi32, #tpu.memory_space<vmem>>
      %dma_wait3A_30 = arith.constant 0 : i32
      %dma_wait3A_31 = arith.constant 0 : i32
      %dma_wait3A_32 = tpu.memref_slice %arg9[%dma_wait3A_30, %dma_wait3A_31] : memref<10000x8xf32, #tpu.memory_space<vmem_shared>> -> memref<10000x8xf32, #tpu.memory_space<vmem_shared>>
      tpu.wait_indirect_dma semaphore(%run_scoped3A_22 : memref<!tpu.dma_semaphore, #tpu.memory_space<semaphore_mem>>) src(%arg8 : memref<80x8xf32, #tpu.memory_space<vmem>>) dst(%dma_wait3A_32 : memref<10000x8xf32, #tpu.memory_space<vmem_shared>>)
      tpu.yield
    }) : () -> ()
    %run_scoped3A_12 = arith.constant 123 : i32
    "tpu.region"() ({
      %run_scoped3A_22 = tpu.sem_alloc : memref<!tpu.dma_semaphore, #tpu.memory_space<semaphore_mem>>
      %dma_start3A = arith.constant 0 : i32
      %dma_start3A_23 = tpu.memref_slice %arg7[%run_scoped3A_12, %dma_start3A] : memref<125x80xi32, #tpu.memory_space<vmem>> -> memref<1x80xi32, #tpu.memory_space<vmem>>
      %dma_start3A_24 = tpu.memref_squeeze %dma_start3A_23 : memref<1x80xi32, #tpu.memory_space<vmem>> -> memref<80xi32, #tpu.memory_space<vmem>>
      %dma_start3A_25 = arith.constant 0 : i32
      %dma_start3A_26 = arith.constant 0 : i32
      %dma_start3A_27 = tpu.memref_slice %arg9[%dma_start3A_25, %dma_start3A_26] : memref<10000x8xf32, #tpu.memory_space<vmem_shared>> -> memref<10000x8xf32, #tpu.memory_space<vmem_shared>>
      tpu.enqueue_indirect_dma source(%arg8 : memref<80x8xf32, #tpu.memory_space<vmem>>) target(%dma_start3A_27 : memref<10000x8xf32, #tpu.memory_space<vmem_shared>>) offsets(%dma_start3A_24 : memref<80xi32, #tpu.memory_space<vmem>>) semaphore(%run_scoped3A_22 : memref<!tpu.dma_semaphore, #tpu.memory_space<semaphore_mem>>) {add = true}
      %dma_wait3A = arith.constant 0 : i32
      %dma_wait3A_28 = tpu.memref_slice %arg7[%run_scoped3A_12, %dma_wait3A] : memref<125x80xi32, #tpu.memory_space<vmem>> -> memref<1x80xi32, #tpu.memory_space<vmem>>
      %dma_wait3A_29 = tpu.memref_squeeze %dma_wait3A_28 : memref<1x80xi32, #tpu.memory_space<vmem>> -> memref<80xi32, #tpu.memory_space<vmem>>
      %dma_wait3A_30 = arith.constant 0 : i32
      %dma_wait3A_31 = arith.constant 0 : i32
      %dma_wait3A_32 = tpu.memref_slice %arg9[%dma_wait3A_30, %dma_wait3A_31] : memref<10000x8xf32, #tpu.memory_space<vmem_shared>> -> memref<10000x8xf32, #tpu.memory_space<vmem_shared>>
      tpu.wait_indirect_dma semaphore(%run_scoped3A_22 : memref<!tpu.dma_semaphore, #tpu.memory_space<semaphore_mem>>) src(%arg8 : memref<80x8xf32, #tpu.memory_space<vmem>>) dst(%dma_wait3A_32 : memref<10000x8xf32, #tpu.memory_space<vmem_shared>>)
      tpu.yield
    }) : () -> ()
    %run_scoped3A_13 = arith.constant 124 : i32
    "tpu.region"() ({
      %run_scoped3A_22 = tpu.sem_alloc : memref<!tpu.dma_semaphore, #tpu.memory_space<semaphore_mem>>
      %dma_start3A = arith.constant 0 : i32
      %dma_start3A_23 = tpu.memref_slice %arg7[%run_scoped3A_13, %dma_start3A] : memref<125x80xi32, #tpu.memory_space<vmem>> -> memref<1x80xi32, #tpu.memory_space<vmem>>
      %dma_start3A_24 = tpu.memref_squeeze %dma_start3A_23 : memref<1x80xi32, #tpu.memory_space<vmem>> -> memref<80xi32, #tpu.memory_space<vmem>>
      %dma_start3A_25 = arith.constant 0 : i32
      %dma_start3A_26 = arith.constant 0 : i32
      %dma_start3A_27 = tpu.memref_slice %arg9[%dma_start3A_25, %dma_start3A_26] : memref<10000x8xf32, #tpu.memory_space<vmem_shared>> -> memref<10000x8xf32, #tpu.memory_space<vmem_shared>>
      tpu.enqueue_indirect_dma source(%arg8 : memref<80x8xf32, #tpu.memory_space<vmem>>) target(%dma_start3A_27 : memref<10000x8xf32, #tpu.memory_space<vmem_shared>>) offsets(%dma_start3A_24 : memref<80xi32, #tpu.memory_space<vmem>>) semaphore(%run_scoped3A_22 : memref<!tpu.dma_semaphore, #tpu.memory_space<semaphore_mem>>) {add = true}
      %dma_wait3A = arith.constant 0 : i32
      %dma_wait3A_28 = tpu.memref_slice %arg7[%run_scoped3A_13, %dma_wait3A] : memref<125x80xi32, #tpu.memory_space<vmem>> -> memref<1x80xi32, #tpu.memory_space<vmem>>
      %dma_wait3A_29 = tpu.memref_squeeze %dma_wait3A_28 : memref<1x80xi32, #tpu.memory_space<vmem>> -> memref<80xi32, #tpu.memory_space<vmem>>
      %dma_wait3A_30 = arith.constant 0 : i32
      %dma_wait3A_31 = arith.constant 0 : i32
      %dma_wait3A_32 = tpu.memref_slice %arg9[%dma_wait3A_30, %dma_wait3A_31] : memref<10000x8xf32, #tpu.memory_space<vmem_shared>> -> memref<10000x8xf32, #tpu.memory_space<vmem_shared>>
      tpu.wait_indirect_dma semaphore(%run_scoped3A_22 : memref<!tpu.dma_semaphore, #tpu.memory_space<semaphore_mem>>) src(%arg8 : memref<80x8xf32, #tpu.memory_space<vmem>>) dst(%dma_wait3A_32 : memref<10000x8xf32, #tpu.memory_space<vmem_shared>>)
      tpu.yield
    }) : () -> ()
    %barrier3A_14 = arith.constant 0 : index
    tpu.barrier barrier_id(%barrier3A_14)
    %eq3A = arith.constant 0 : i32
    %eq3A_15 = arith.cmpi eq, %arg0, %eq3A : i32
    %convert_element_type3A = arith.extui %eq3A_15 : i1 to i32
    %cond3A = arith.constant 0 : i32
    %cond3A_16 = arith.cmpi ne, %convert_element_type3A, %cond3A : i32
    scf.if %cond3A_16 {
      "tpu.region"() ({
        %run_scoped3A_22 = tpu.sem_alloc : memref<!tpu.dma_semaphore, #tpu.memory_space<semaphore_mem>>
        %dma_start3A = arith.constant 0 : i32
        %dma_start3A_23 = tpu.memref_slice %arg5[%mul3A_0, %dma_start3A] : memref<10000x8xf32, #tpu.memory_space<hbm>> -> memref<625x8xf32, #tpu.memory_space<hbm>>
        %dma_start3A_24 = arith.constant 0 : i32
        %dma_start3A_25 = tpu.memref_slice %arg9[%mul3A_0, %dma_start3A_24] : memref<10000x8xf32, #tpu.memory_space<vmem_shared>> -> memref<625x8xf32, #tpu.memory_space<vmem_shared>>
        tpu.enqueue_dma source(%dma_start3A_25 : memref<625x8xf32, #tpu.memory_space<vmem_shared>>) target(%dma_start3A_23 : memref<625x8xf32, #tpu.memory_space<hbm>>) target_semaphore(%run_scoped3A_22 : memref<!tpu.dma_semaphore, #tpu.memory_space<semaphore_mem>>)
        %dma_wait3A = arith.constant 0 : i32
        %dma_wait3A_26 = tpu.memref_slice %arg5[%mul3A_0, %dma_wait3A] : memref<10000x8xf32, #tpu.memory_space<hbm>> -> memref<625x8xf32, #tpu.memory_space<hbm>>
        %dma_wait3A_27 = arith.constant 0 : i32
        %dma_wait3A_28 = tpu.memref_slice %arg9[%mul3A_0, %dma_wait3A_27] : memref<10000x8xf32, #tpu.memory_space<vmem_shared>> -> memref<625x8xf32, #tpu.memory_space<vmem_shared>>
        tpu.wait_dma2 semaphore(%run_scoped3A_22 : memref<!tpu.dma_semaphore, #tpu.memory_space<semaphore_mem>>) src(%dma_wait3A_28 : memref<625x8xf32, #tpu.memory_space<vmem_shared>>) dst(%dma_wait3A_26 : memref<625x8xf32, #tpu.memory_space<hbm>>)
        tpu.yield
      }) : () -> ()
    } else {
    }
    %eq3A_17 = arith.constant 1 : i32
    %eq3A_18 = arith.cmpi eq, %arg0, %eq3A_17 : i32
    %convert_element_type3A_19 = arith.extui %eq3A_18 : i1 to i32
    %cond3A_20 = arith.constant 0 : i32
    %cond3A_21 = arith.cmpi ne, %convert_element_type3A_19, %cond3A_20 : i32
    scf.if %cond3A_21 {
      "tpu.region"() ({
        %run_scoped3A_22 = tpu.sem_alloc : memref<!tpu.dma_semaphore, #tpu.memory_space<semaphore_mem>>
        %dma_start3A = arith.constant 0 : i32
        %dma_start3A_23 = tpu.memref_slice %arg6[%mul3A_0, %dma_start3A] : memref<10000x8xf32, #tpu.memory_space<hbm>> -> memref<625x8xf32, #tpu.memory_space<hbm>>
        %dma_start3A_24 = arith.constant 0 : i32
        %dma_start3A_25 = tpu.memref_slice %arg9[%mul3A_0, %dma_start3A_24] : memref<10000x8xf32, #tpu.memory_space<vmem_shared>> -> memref<625x8xf32, #tpu.memory_space<vmem_shared>>
        tpu.enqueue_dma source(%dma_start3A_25 : memref<625x8xf32, #tpu.memory_space<vmem_shared>>) target(%dma_start3A_23 : memref<625x8xf32, #tpu.memory_space<hbm>>) target_semaphore(%run_scoped3A_22 : memref<!tpu.dma_semaphore, #tpu.memory_space<semaphore_mem>>)
        %dma_wait3A = arith.constant 0 : i32
        %dma_wait3A_26 = tpu.memref_slice %arg6[%mul3A_0, %dma_wait3A] : memref<10000x8xf32, #tpu.memory_space<hbm>> -> memref<625x8xf32, #tpu.memory_space<hbm>>
        %dma_wait3A_27 = arith.constant 0 : i32
        %dma_wait3A_28 = tpu.memref_slice %arg9[%mul3A_0, %dma_wait3A_27] : memref<10000x8xf32, #tpu.memory_space<vmem_shared>> -> memref<625x8xf32, #tpu.memory_space<vmem_shared>>
        tpu.wait_dma2 semaphore(%run_scoped3A_22 : memref<!tpu.dma_semaphore, #tpu.memory_space<semaphore_mem>>) src(%dma_wait3A_28 : memref<625x8xf32, #tpu.memory_space<vmem_shared>>) dst(%dma_wait3A_26 : memref<625x8xf32, #tpu.memory_space<hbm>>)
        tpu.yield
      }) : () -> ()
    } else {
    }
    return
  }
}

#map = affine_map<(d0, d1) -> (0, 0)>
module attributes {stable_mosaic.version = 14 : i64} {
  func.func @body(%arg0: i32, %arg1: i32, %arg2: memref<10000x128xf32, #tpu.memory_space<hbm>>, %arg3: memref<8000x40xi32, #tpu.memory_space<hbm>>, %arg4: memref<8000x40xi32, #tpu.memory_space<hbm>>, %arg5: memref<40x128xf32, #tpu.memory_space<hbm>>, %arg6: memref<10000x128xf32, #tpu.memory_space<hbm>>, %arg7: memref<10000x128xf32, #tpu.memory_space<hbm>>, %arg8: memref<250x40xi32, #tpu.memory_space<vmem>>, %arg9: memref<250x40xi32, #tpu.memory_space<vmem>>, %arg10: memref<40x128xf32, #tpu.memory_space<vmem>>, %arg11: memref<40x128xf32, #tpu.memory_space<vmem>>, %arg12: memref<40x128xf32, #tpu.memory_space<vmem>>, %arg13: memref<40x128xf32, #tpu.memory_space<vmem>>, %arg14: memref<40x128xf32, #tpu.memory_space<vmem>>, %arg15: memref<40x128xf32, #tpu.memory_space<vmem>>, %arg16: memref<10000x128xf32, #tpu.memory_space<vmem_shared>>, %arg17: memref<!tpu.dma_semaphore, #tpu.memory_space<semaphore_mem>>, %arg18: memref<!tpu.dma_semaphore, #tpu.memory_space<semaphore_mem>>, %arg19: memref<!tpu.dma_semaphore, #tpu.memory_space<semaphore_mem>>, %arg20: memref<!tpu.dma_semaphore, #tpu.memory_space<semaphore_mem>>, %arg21: memref<!tpu.dma_semaphore, #tpu.memory_space<semaphore_mem>>, %arg22: memref<!tpu.dma_semaphore, #tpu.memory_space<semaphore_mem>>, %arg23: memref<!tpu.dma_semaphore, #tpu.memory_space<semaphore_mem>>, %arg24: memref<!tpu.dma_semaphore, #tpu.memory_space<semaphore_mem>>, %arg25: memref<!tpu.dma_semaphore, #tpu.memory_space<semaphore_mem>>, %arg26: memref<!tpu.dma_semaphore, #tpu.memory_space<semaphore_mem>>, %arg27: memref<!tpu.dma_semaphore, #tpu.memory_space<semaphore_mem>>, %arg28: memref<!tpu.dma_semaphore, #tpu.memory_space<semaphore_mem>>) attributes {dimension_semantics = [#tpu.dimension_semantics<core_parallel>, #tpu.dimension_semantics<subcore_parallel>], iteration_bounds = array<i64: 2, 16>, scalar_prefetch = 0 : i64, scratch_operands = 21 : i64, tpu.core_type = #tpu.core_type<sc_vector_subcore>, window_params = [{transform_indices = #map}, {transform_indices = #map}, {transform_indices = #map}, {transform_indices = #map}, {transform_indices = #map}, {transform_indices = #map}]} {
    %mul3A = arith.constant 625 : i32
    %mul3A_0 = arith.muli %arg1, %mul3A : i32
    "tpu.region"() ({
      %run_scoped3A_155 = tpu.sem_alloc : memref<!tpu.dma_semaphore, #tpu.memory_space<semaphore_mem>>
      tpu.enqueue_dma source(%arg5 : memref<40x128xf32, #tpu.memory_space<hbm>>) target(%arg10 : memref<40x128xf32, #tpu.memory_space<vmem>>) target_semaphore(%run_scoped3A_155 : memref<!tpu.dma_semaphore, #tpu.memory_space<semaphore_mem>>)
      tpu.wait_dma2 semaphore(%run_scoped3A_155 : memref<!tpu.dma_semaphore, #tpu.memory_space<semaphore_mem>>) src(%arg5 : memref<40x128xf32, #tpu.memory_space<hbm>>) dst(%arg10 : memref<40x128xf32, #tpu.memory_space<vmem>>)
      tpu.yield
    }) : () -> ()
    %mul3A_1 = arith.constant 625 : i32
    %mul3A_2 = arith.muli %arg1, %mul3A_1 : i32
    %add3A = arith.constant 0 : i32
    %add3A_3 = arith.addi %mul3A_2, %add3A : i32
    "tpu.region"() ({
      %run_scoped3A_155 = tpu.sem_alloc : memref<!tpu.dma_semaphore, #tpu.memory_space<semaphore_mem>>
      %dma_start3A_156 = arith.constant 0 : i32
      %dma_start3A_157 = tpu.memref_slice %arg16[%add3A_3, %dma_start3A_156] : memref<10000x128xf32, #tpu.memory_space<vmem_shared>> -> memref<40x128xf32, #tpu.memory_space<vmem_shared>>
      %dma_start3A_158 = arith.constant 0 : i32
      %dma_start3A_159 = tpu.memref_slice %arg16[%add3A_3, %dma_start3A_158] : memref<10000x128xf32, #tpu.memory_space<vmem_shared>> -> memref<40x128xf32, #tpu.memory_space<vmem_shared>>
      tpu.enqueue_dma source(%arg10 : memref<40x128xf32, #tpu.memory_space<vmem>>) target(%dma_start3A_159 : memref<40x128xf32, #tpu.memory_space<vmem_shared>>) target_semaphore(%run_scoped3A_155 : memref<!tpu.dma_semaphore, #tpu.memory_space<semaphore_mem>>)
      %dma_wait3A_160 = arith.constant 0 : i32
      %dma_wait3A_161 = tpu.memref_slice %arg16[%add3A_3, %dma_wait3A_160] : memref<10000x128xf32, #tpu.memory_space<vmem_shared>> -> memref<40x128xf32, #tpu.memory_space<vmem_shared>>
      %dma_wait3A_162 = arith.constant 0 : i32
      %dma_wait3A_163 = tpu.memref_slice %arg16[%add3A_3, %dma_wait3A_162] : memref<10000x128xf32, #tpu.memory_space<vmem_shared>> -> memref<40x128xf32, #tpu.memory_space<vmem_shared>>
      tpu.wait_dma2 semaphore(%run_scoped3A_155 : memref<!tpu.dma_semaphore, #tpu.memory_space<semaphore_mem>>) src(%arg10 : memref<40x128xf32, #tpu.memory_space<vmem>>) dst(%dma_wait3A_163 : memref<40x128xf32, #tpu.memory_space<vmem_shared>>)
      tpu.yield
    }) : () -> ()
    %mul3A_4 = arith.constant 625 : i32
    %mul3A_5 = arith.muli %arg1, %mul3A_4 : i32
    %add3A_6 = arith.constant 40 : i32
    %add3A_7 = arith.addi %mul3A_5, %add3A_6 : i32
    "tpu.region"() ({
      %run_scoped3A_155 = tpu.sem_alloc : memref<!tpu.dma_semaphore, #tpu.memory_space<semaphore_mem>>
      %dma_start3A_156 = arith.constant 0 : i32
      %dma_start3A_157 = tpu.memref_slice %arg16[%add3A_7, %dma_start3A_156] : memref<10000x128xf32, #tpu.memory_space<vmem_shared>> -> memref<40x128xf32, #tpu.memory_space<vmem_shared>>
      %dma_start3A_158 = arith.constant 0 : i32
      %dma_start3A_159 = tpu.memref_slice %arg16[%add3A_7, %dma_start3A_158] : memref<10000x128xf32, #tpu.memory_space<vmem_shared>> -> memref<40x128xf32, #tpu.memory_space<vmem_shared>>
      tpu.enqueue_dma source(%arg10 : memref<40x128xf32, #tpu.memory_space<vmem>>) target(%dma_start3A_159 : memref<40x128xf32, #tpu.memory_space<vmem_shared>>) target_semaphore(%run_scoped3A_155 : memref<!tpu.dma_semaphore, #tpu.memory_space<semaphore_mem>>)
      %dma_wait3A_160 = arith.constant 0 : i32
      %dma_wait3A_161 = tpu.memref_slice %arg16[%add3A_7, %dma_wait3A_160] : memref<10000x128xf32, #tpu.memory_space<vmem_shared>> -> memref<40x128xf32, #tpu.memory_space<vmem_shared>>
      %dma_wait3A_162 = arith.constant 0 : i32
      %dma_wait3A_163 = tpu.memref_slice %arg16[%add3A_7, %dma_wait3A_162] : memref<10000x128xf32, #tpu.memory_space<vmem_shared>> -> memref<40x128xf32, #tpu.memory_space<vmem_shared>>
      tpu.wait_dma2 semaphore(%run_scoped3A_155 : memref<!tpu.dma_semaphore, #tpu.memory_space<semaphore_mem>>) src(%arg10 : memref<40x128xf32, #tpu.memory_space<vmem>>) dst(%dma_wait3A_163 : memref<40x128xf32, #tpu.memory_space<vmem_shared>>)
      tpu.yield
    }) : () -> ()
    %mul3A_8 = arith.constant 625 : i32
    %mul3A_9 = arith.muli %arg1, %mul3A_8 : i32
    %add3A_10 = arith.constant 80 : i32
    %add3A_11 = arith.addi %mul3A_9, %add3A_10 : i32
    "tpu.region"() ({
      %run_scoped3A_155 = tpu.sem_alloc : memref<!tpu.dma_semaphore, #tpu.memory_space<semaphore_mem>>
      %dma_start3A_156 = arith.constant 0 : i32
      %dma_start3A_157 = tpu.memref_slice %arg16[%add3A_11, %dma_start3A_156] : memref<10000x128xf32, #tpu.memory_space<vmem_shared>> -> memref<40x128xf32, #tpu.memory_space<vmem_shared>>
      %dma_start3A_158 = arith.constant 0 : i32
      %dma_start3A_159 = tpu.memref_slice %arg16[%add3A_11, %dma_start3A_158] : memref<10000x128xf32, #tpu.memory_space<vmem_shared>> -> memref<40x128xf32, #tpu.memory_space<vmem_shared>>
      tpu.enqueue_dma source(%arg10 : memref<40x128xf32, #tpu.memory_space<vmem>>) target(%dma_start3A_159 : memref<40x128xf32, #tpu.memory_space<vmem_shared>>) target_semaphore(%run_scoped3A_155 : memref<!tpu.dma_semaphore, #tpu.memory_space<semaphore_mem>>)
      %dma_wait3A_160 = arith.constant 0 : i32
      %dma_wait3A_161 = tpu.memref_slice %arg16[%add3A_11, %dma_wait3A_160] : memref<10000x128xf32, #tpu.memory_space<vmem_shared>> -> memref<40x128xf32, #tpu.memory_space<vmem_shared>>
      %dma_wait3A_162 = arith.constant 0 : i32
      %dma_wait3A_163 = tpu.memref_slice %arg16[%add3A_11, %dma_wait3A_162] : memref<10000x128xf32, #tpu.memory_space<vmem_shared>> -> memref<40x128xf32, #tpu.memory_space<vmem_shared>>
      tpu.wait_dma2 semaphore(%run_scoped3A_155 : memref<!tpu.dma_semaphore, #tpu.memory_space<semaphore_mem>>) src(%arg10 : memref<40x128xf32, #tpu.memory_space<vmem>>) dst(%dma_wait3A_163 : memref<40x128xf32, #tpu.memory_space<vmem_shared>>)
      tpu.yield
    }) : () -> ()
    %mul3A_12 = arith.constant 625 : i32
    %mul3A_13 = arith.muli %arg1, %mul3A_12 : i32
    %add3A_14 = arith.constant 120 : i32
    %add3A_15 = arith.addi %mul3A_13, %add3A_14 : i32
    "tpu.region"() ({
      %run_scoped3A_155 = tpu.sem_alloc : memref<!tpu.dma_semaphore, #tpu.memory_space<semaphore_mem>>
      %dma_start3A_156 = arith.constant 0 : i32
      %dma_start3A_157 = tpu.memref_slice %arg16[%add3A_15, %dma_start3A_156] : memref<10000x128xf32, #tpu.memory_space<vmem_shared>> -> memref<40x128xf32, #tpu.memory_space<vmem_shared>>
      %dma_start3A_158 = arith.constant 0 : i32
      %dma_start3A_159 = tpu.memref_slice %arg16[%add3A_15, %dma_start3A_158] : memref<10000x128xf32, #tpu.memory_space<vmem_shared>> -> memref<40x128xf32, #tpu.memory_space<vmem_shared>>
      tpu.enqueue_dma source(%arg10 : memref<40x128xf32, #tpu.memory_space<vmem>>) target(%dma_start3A_159 : memref<40x128xf32, #tpu.memory_space<vmem_shared>>) target_semaphore(%run_scoped3A_155 : memref<!tpu.dma_semaphore, #tpu.memory_space<semaphore_mem>>)
      %dma_wait3A_160 = arith.constant 0 : i32
      %dma_wait3A_161 = tpu.memref_slice %arg16[%add3A_15, %dma_wait3A_160] : memref<10000x128xf32, #tpu.memory_space<vmem_shared>> -> memref<40x128xf32, #tpu.memory_space<vmem_shared>>
      %dma_wait3A_162 = arith.constant 0 : i32
      %dma_wait3A_163 = tpu.memref_slice %arg16[%add3A_15, %dma_wait3A_162] : memref<10000x128xf32, #tpu.memory_space<vmem_shared>> -> memref<40x128xf32, #tpu.memory_space<vmem_shared>>
      tpu.wait_dma2 semaphore(%run_scoped3A_155 : memref<!tpu.dma_semaphore, #tpu.memory_space<semaphore_mem>>) src(%arg10 : memref<40x128xf32, #tpu.memory_space<vmem>>) dst(%dma_wait3A_163 : memref<40x128xf32, #tpu.memory_space<vmem_shared>>)
      tpu.yield
    }) : () -> ()
    %mul3A_16 = arith.constant 625 : i32
    %mul3A_17 = arith.muli %arg1, %mul3A_16 : i32
    %add3A_18 = arith.constant 160 : i32
    %add3A_19 = arith.addi %mul3A_17, %add3A_18 : i32
    "tpu.region"() ({
      %run_scoped3A_155 = tpu.sem_alloc : memref<!tpu.dma_semaphore, #tpu.memory_space<semaphore_mem>>
      %dma_start3A_156 = arith.constant 0 : i32
      %dma_start3A_157 = tpu.memref_slice %arg16[%add3A_19, %dma_start3A_156] : memref<10000x128xf32, #tpu.memory_space<vmem_shared>> -> memref<40x128xf32, #tpu.memory_space<vmem_shared>>
      %dma_start3A_158 = arith.constant 0 : i32
      %dma_start3A_159 = tpu.memref_slice %arg16[%add3A_19, %dma_start3A_158] : memref<10000x128xf32, #tpu.memory_space<vmem_shared>> -> memref<40x128xf32, #tpu.memory_space<vmem_shared>>
      tpu.enqueue_dma source(%arg10 : memref<40x128xf32, #tpu.memory_space<vmem>>) target(%dma_start3A_159 : memref<40x128xf32, #tpu.memory_space<vmem_shared>>) target_semaphore(%run_scoped3A_155 : memref<!tpu.dma_semaphore, #tpu.memory_space<semaphore_mem>>)
      %dma_wait3A_160 = arith.constant 0 : i32
      %dma_wait3A_161 = tpu.memref_slice %arg16[%add3A_19, %dma_wait3A_160] : memref<10000x128xf32, #tpu.memory_space<vmem_shared>> -> memref<40x128xf32, #tpu.memory_space<vmem_shared>>
      %dma_wait3A_162 = arith.constant 0 : i32
      %dma_wait3A_163 = tpu.memref_slice %arg16[%add3A_19, %dma_wait3A_162] : memref<10000x128xf32, #tpu.memory_space<vmem_shared>> -> memref<40x128xf32, #tpu.memory_space<vmem_shared>>
      tpu.wait_dma2 semaphore(%run_scoped3A_155 : memref<!tpu.dma_semaphore, #tpu.memory_space<semaphore_mem>>) src(%arg10 : memref<40x128xf32, #tpu.memory_space<vmem>>) dst(%dma_wait3A_163 : memref<40x128xf32, #tpu.memory_space<vmem_shared>>)
      tpu.yield
    }) : () -> ()
    %mul3A_20 = arith.constant 625 : i32
    %mul3A_21 = arith.muli %arg1, %mul3A_20 : i32
    %add3A_22 = arith.constant 200 : i32
    %add3A_23 = arith.addi %mul3A_21, %add3A_22 : i32
    "tpu.region"() ({
      %run_scoped3A_155 = tpu.sem_alloc : memref<!tpu.dma_semaphore, #tpu.memory_space<semaphore_mem>>
      %dma_start3A_156 = arith.constant 0 : i32
      %dma_start3A_157 = tpu.memref_slice %arg16[%add3A_23, %dma_start3A_156] : memref<10000x128xf32, #tpu.memory_space<vmem_shared>> -> memref<40x128xf32, #tpu.memory_space<vmem_shared>>
      %dma_start3A_158 = arith.constant 0 : i32
      %dma_start3A_159 = tpu.memref_slice %arg16[%add3A_23, %dma_start3A_158] : memref<10000x128xf32, #tpu.memory_space<vmem_shared>> -> memref<40x128xf32, #tpu.memory_space<vmem_shared>>
      tpu.enqueue_dma source(%arg10 : memref<40x128xf32, #tpu.memory_space<vmem>>) target(%dma_start3A_159 : memref<40x128xf32, #tpu.memory_space<vmem_shared>>) target_semaphore(%run_scoped3A_155 : memref<!tpu.dma_semaphore, #tpu.memory_space<semaphore_mem>>)
      %dma_wait3A_160 = arith.constant 0 : i32
      %dma_wait3A_161 = tpu.memref_slice %arg16[%add3A_23, %dma_wait3A_160] : memref<10000x128xf32, #tpu.memory_space<vmem_shared>> -> memref<40x128xf32, #tpu.memory_space<vmem_shared>>
      %dma_wait3A_162 = arith.constant 0 : i32
      %dma_wait3A_163 = tpu.memref_slice %arg16[%add3A_23, %dma_wait3A_162] : memref<10000x128xf32, #tpu.memory_space<vmem_shared>> -> memref<40x128xf32, #tpu.memory_space<vmem_shared>>
      tpu.wait_dma2 semaphore(%run_scoped3A_155 : memref<!tpu.dma_semaphore, #tpu.memory_space<semaphore_mem>>) src(%arg10 : memref<40x128xf32, #tpu.memory_space<vmem>>) dst(%dma_wait3A_163 : memref<40x128xf32, #tpu.memory_space<vmem_shared>>)
      tpu.yield
    }) : () -> ()
    %mul3A_24 = arith.constant 625 : i32
    %mul3A_25 = arith.muli %arg1, %mul3A_24 : i32
    %add3A_26 = arith.constant 240 : i32
    %add3A_27 = arith.addi %mul3A_25, %add3A_26 : i32
    "tpu.region"() ({
      %run_scoped3A_155 = tpu.sem_alloc : memref<!tpu.dma_semaphore, #tpu.memory_space<semaphore_mem>>
      %dma_start3A_156 = arith.constant 0 : i32
      %dma_start3A_157 = tpu.memref_slice %arg16[%add3A_27, %dma_start3A_156] : memref<10000x128xf32, #tpu.memory_space<vmem_shared>> -> memref<40x128xf32, #tpu.memory_space<vmem_shared>>
      %dma_start3A_158 = arith.constant 0 : i32
      %dma_start3A_159 = tpu.memref_slice %arg16[%add3A_27, %dma_start3A_158] : memref<10000x128xf32, #tpu.memory_space<vmem_shared>> -> memref<40x128xf32, #tpu.memory_space<vmem_shared>>
      tpu.enqueue_dma source(%arg10 : memref<40x128xf32, #tpu.memory_space<vmem>>) target(%dma_start3A_159 : memref<40x128xf32, #tpu.memory_space<vmem_shared>>) target_semaphore(%run_scoped3A_155 : memref<!tpu.dma_semaphore, #tpu.memory_space<semaphore_mem>>)
      %dma_wait3A_160 = arith.constant 0 : i32
      %dma_wait3A_161 = tpu.memref_slice %arg16[%add3A_27, %dma_wait3A_160] : memref<10000x128xf32, #tpu.memory_space<vmem_shared>> -> memref<40x128xf32, #tpu.memory_space<vmem_shared>>
      %dma_wait3A_162 = arith.constant 0 : i32
      %dma_wait3A_163 = tpu.memref_slice %arg16[%add3A_27, %dma_wait3A_162] : memref<10000x128xf32, #tpu.memory_space<vmem_shared>> -> memref<40x128xf32, #tpu.memory_space<vmem_shared>>
      tpu.wait_dma2 semaphore(%run_scoped3A_155 : memref<!tpu.dma_semaphore, #tpu.memory_space<semaphore_mem>>) src(%arg10 : memref<40x128xf32, #tpu.memory_space<vmem>>) dst(%dma_wait3A_163 : memref<40x128xf32, #tpu.memory_space<vmem_shared>>)
      tpu.yield
    }) : () -> ()
    %mul3A_28 = arith.constant 625 : i32
    %mul3A_29 = arith.muli %arg1, %mul3A_28 : i32
    %add3A_30 = arith.constant 280 : i32
    %add3A_31 = arith.addi %mul3A_29, %add3A_30 : i32
    "tpu.region"() ({
      %run_scoped3A_155 = tpu.sem_alloc : memref<!tpu.dma_semaphore, #tpu.memory_space<semaphore_mem>>
      %dma_start3A_156 = arith.constant 0 : i32
      %dma_start3A_157 = tpu.memref_slice %arg16[%add3A_31, %dma_start3A_156] : memref<10000x128xf32, #tpu.memory_space<vmem_shared>> -> memref<40x128xf32, #tpu.memory_space<vmem_shared>>
      %dma_start3A_158 = arith.constant 0 : i32
      %dma_start3A_159 = tpu.memref_slice %arg16[%add3A_31, %dma_start3A_158] : memref<10000x128xf32, #tpu.memory_space<vmem_shared>> -> memref<40x128xf32, #tpu.memory_space<vmem_shared>>
      tpu.enqueue_dma source(%arg10 : memref<40x128xf32, #tpu.memory_space<vmem>>) target(%dma_start3A_159 : memref<40x128xf32, #tpu.memory_space<vmem_shared>>) target_semaphore(%run_scoped3A_155 : memref<!tpu.dma_semaphore, #tpu.memory_space<semaphore_mem>>)
      %dma_wait3A_160 = arith.constant 0 : i32
      %dma_wait3A_161 = tpu.memref_slice %arg16[%add3A_31, %dma_wait3A_160] : memref<10000x128xf32, #tpu.memory_space<vmem_shared>> -> memref<40x128xf32, #tpu.memory_space<vmem_shared>>
      %dma_wait3A_162 = arith.constant 0 : i32
      %dma_wait3A_163 = tpu.memref_slice %arg16[%add3A_31, %dma_wait3A_162] : memref<10000x128xf32, #tpu.memory_space<vmem_shared>> -> memref<40x128xf32, #tpu.memory_space<vmem_shared>>
      tpu.wait_dma2 semaphore(%run_scoped3A_155 : memref<!tpu.dma_semaphore, #tpu.memory_space<semaphore_mem>>) src(%arg10 : memref<40x128xf32, #tpu.memory_space<vmem>>) dst(%dma_wait3A_163 : memref<40x128xf32, #tpu.memory_space<vmem_shared>>)
      tpu.yield
    }) : () -> ()
    %mul3A_32 = arith.constant 625 : i32
    %mul3A_33 = arith.muli %arg1, %mul3A_32 : i32
    %add3A_34 = arith.constant 320 : i32
    %add3A_35 = arith.addi %mul3A_33, %add3A_34 : i32
    "tpu.region"() ({
      %run_scoped3A_155 = tpu.sem_alloc : memref<!tpu.dma_semaphore, #tpu.memory_space<semaphore_mem>>
      %dma_start3A_156 = arith.constant 0 : i32
      %dma_start3A_157 = tpu.memref_slice %arg16[%add3A_35, %dma_start3A_156] : memref<10000x128xf32, #tpu.memory_space<vmem_shared>> -> memref<40x128xf32, #tpu.memory_space<vmem_shared>>
      %dma_start3A_158 = arith.constant 0 : i32
      %dma_start3A_159 = tpu.memref_slice %arg16[%add3A_35, %dma_start3A_158] : memref<10000x128xf32, #tpu.memory_space<vmem_shared>> -> memref<40x128xf32, #tpu.memory_space<vmem_shared>>
      tpu.enqueue_dma source(%arg10 : memref<40x128xf32, #tpu.memory_space<vmem>>) target(%dma_start3A_159 : memref<40x128xf32, #tpu.memory_space<vmem_shared>>) target_semaphore(%run_scoped3A_155 : memref<!tpu.dma_semaphore, #tpu.memory_space<semaphore_mem>>)
      %dma_wait3A_160 = arith.constant 0 : i32
      %dma_wait3A_161 = tpu.memref_slice %arg16[%add3A_35, %dma_wait3A_160] : memref<10000x128xf32, #tpu.memory_space<vmem_shared>> -> memref<40x128xf32, #tpu.memory_space<vmem_shared>>
      %dma_wait3A_162 = arith.constant 0 : i32
      %dma_wait3A_163 = tpu.memref_slice %arg16[%add3A_35, %dma_wait3A_162] : memref<10000x128xf32, #tpu.memory_space<vmem_shared>> -> memref<40x128xf32, #tpu.memory_space<vmem_shared>>
      tpu.wait_dma2 semaphore(%run_scoped3A_155 : memref<!tpu.dma_semaphore, #tpu.memory_space<semaphore_mem>>) src(%arg10 : memref<40x128xf32, #tpu.memory_space<vmem>>) dst(%dma_wait3A_163 : memref<40x128xf32, #tpu.memory_space<vmem_shared>>)
      tpu.yield
    }) : () -> ()
    %mul3A_36 = arith.constant 625 : i32
    %mul3A_37 = arith.muli %arg1, %mul3A_36 : i32
    %add3A_38 = arith.constant 360 : i32
    %add3A_39 = arith.addi %mul3A_37, %add3A_38 : i32
    "tpu.region"() ({
      %run_scoped3A_155 = tpu.sem_alloc : memref<!tpu.dma_semaphore, #tpu.memory_space<semaphore_mem>>
      %dma_start3A_156 = arith.constant 0 : i32
      %dma_start3A_157 = tpu.memref_slice %arg16[%add3A_39, %dma_start3A_156] : memref<10000x128xf32, #tpu.memory_space<vmem_shared>> -> memref<40x128xf32, #tpu.memory_space<vmem_shared>>
      %dma_start3A_158 = arith.constant 0 : i32
      %dma_start3A_159 = tpu.memref_slice %arg16[%add3A_39, %dma_start3A_158] : memref<10000x128xf32, #tpu.memory_space<vmem_shared>> -> memref<40x128xf32, #tpu.memory_space<vmem_shared>>
      tpu.enqueue_dma source(%arg10 : memref<40x128xf32, #tpu.memory_space<vmem>>) target(%dma_start3A_159 : memref<40x128xf32, #tpu.memory_space<vmem_shared>>) target_semaphore(%run_scoped3A_155 : memref<!tpu.dma_semaphore, #tpu.memory_space<semaphore_mem>>)
      %dma_wait3A_160 = arith.constant 0 : i32
      %dma_wait3A_161 = tpu.memref_slice %arg16[%add3A_39, %dma_wait3A_160] : memref<10000x128xf32, #tpu.memory_space<vmem_shared>> -> memref<40x128xf32, #tpu.memory_space<vmem_shared>>
      %dma_wait3A_162 = arith.constant 0 : i32
      %dma_wait3A_163 = tpu.memref_slice %arg16[%add3A_39, %dma_wait3A_162] : memref<10000x128xf32, #tpu.memory_space<vmem_shared>> -> memref<40x128xf32, #tpu.memory_space<vmem_shared>>
      tpu.wait_dma2 semaphore(%run_scoped3A_155 : memref<!tpu.dma_semaphore, #tpu.memory_space<semaphore_mem>>) src(%arg10 : memref<40x128xf32, #tpu.memory_space<vmem>>) dst(%dma_wait3A_163 : memref<40x128xf32, #tpu.memory_space<vmem_shared>>)
      tpu.yield
    }) : () -> ()
    %mul3A_40 = arith.constant 625 : i32
    %mul3A_41 = arith.muli %arg1, %mul3A_40 : i32
    %add3A_42 = arith.constant 400 : i32
    %add3A_43 = arith.addi %mul3A_41, %add3A_42 : i32
    "tpu.region"() ({
      %run_scoped3A_155 = tpu.sem_alloc : memref<!tpu.dma_semaphore, #tpu.memory_space<semaphore_mem>>
      %dma_start3A_156 = arith.constant 0 : i32
      %dma_start3A_157 = tpu.memref_slice %arg16[%add3A_43, %dma_start3A_156] : memref<10000x128xf32, #tpu.memory_space<vmem_shared>> -> memref<40x128xf32, #tpu.memory_space<vmem_shared>>
      %dma_start3A_158 = arith.constant 0 : i32
      %dma_start3A_159 = tpu.memref_slice %arg16[%add3A_43, %dma_start3A_158] : memref<10000x128xf32, #tpu.memory_space<vmem_shared>> -> memref<40x128xf32, #tpu.memory_space<vmem_shared>>
      tpu.enqueue_dma source(%arg10 : memref<40x128xf32, #tpu.memory_space<vmem>>) target(%dma_start3A_159 : memref<40x128xf32, #tpu.memory_space<vmem_shared>>) target_semaphore(%run_scoped3A_155 : memref<!tpu.dma_semaphore, #tpu.memory_space<semaphore_mem>>)
      %dma_wait3A_160 = arith.constant 0 : i32
      %dma_wait3A_161 = tpu.memref_slice %arg16[%add3A_43, %dma_wait3A_160] : memref<10000x128xf32, #tpu.memory_space<vmem_shared>> -> memref<40x128xf32, #tpu.memory_space<vmem_shared>>
      %dma_wait3A_162 = arith.constant 0 : i32
      %dma_wait3A_163 = tpu.memref_slice %arg16[%add3A_43, %dma_wait3A_162] : memref<10000x128xf32, #tpu.memory_space<vmem_shared>> -> memref<40x128xf32, #tpu.memory_space<vmem_shared>>
      tpu.wait_dma2 semaphore(%run_scoped3A_155 : memref<!tpu.dma_semaphore, #tpu.memory_space<semaphore_mem>>) src(%arg10 : memref<40x128xf32, #tpu.memory_space<vmem>>) dst(%dma_wait3A_163 : memref<40x128xf32, #tpu.memory_space<vmem_shared>>)
      tpu.yield
    }) : () -> ()
    %mul3A_44 = arith.constant 625 : i32
    %mul3A_45 = arith.muli %arg1, %mul3A_44 : i32
    %add3A_46 = arith.constant 440 : i32
    %add3A_47 = arith.addi %mul3A_45, %add3A_46 : i32
    "tpu.region"() ({
      %run_scoped3A_155 = tpu.sem_alloc : memref<!tpu.dma_semaphore, #tpu.memory_space<semaphore_mem>>
      %dma_start3A_156 = arith.constant 0 : i32
      %dma_start3A_157 = tpu.memref_slice %arg16[%add3A_47, %dma_start3A_156] : memref<10000x128xf32, #tpu.memory_space<vmem_shared>> -> memref<40x128xf32, #tpu.memory_space<vmem_shared>>
      %dma_start3A_158 = arith.constant 0 : i32
      %dma_start3A_159 = tpu.memref_slice %arg16[%add3A_47, %dma_start3A_158] : memref<10000x128xf32, #tpu.memory_space<vmem_shared>> -> memref<40x128xf32, #tpu.memory_space<vmem_shared>>
      tpu.enqueue_dma source(%arg10 : memref<40x128xf32, #tpu.memory_space<vmem>>) target(%dma_start3A_159 : memref<40x128xf32, #tpu.memory_space<vmem_shared>>) target_semaphore(%run_scoped3A_155 : memref<!tpu.dma_semaphore, #tpu.memory_space<semaphore_mem>>)
      %dma_wait3A_160 = arith.constant 0 : i32
      %dma_wait3A_161 = tpu.memref_slice %arg16[%add3A_47, %dma_wait3A_160] : memref<10000x128xf32, #tpu.memory_space<vmem_shared>> -> memref<40x128xf32, #tpu.memory_space<vmem_shared>>
      %dma_wait3A_162 = arith.constant 0 : i32
      %dma_wait3A_163 = tpu.memref_slice %arg16[%add3A_47, %dma_wait3A_162] : memref<10000x128xf32, #tpu.memory_space<vmem_shared>> -> memref<40x128xf32, #tpu.memory_space<vmem_shared>>
      tpu.wait_dma2 semaphore(%run_scoped3A_155 : memref<!tpu.dma_semaphore, #tpu.memory_space<semaphore_mem>>) src(%arg10 : memref<40x128xf32, #tpu.memory_space<vmem>>) dst(%dma_wait3A_163 : memref<40x128xf32, #tpu.memory_space<vmem_shared>>)
      tpu.yield
    }) : () -> ()
    %mul3A_48 = arith.constant 625 : i32
    %mul3A_49 = arith.muli %arg1, %mul3A_48 : i32
    %add3A_50 = arith.constant 480 : i32
    %add3A_51 = arith.addi %mul3A_49, %add3A_50 : i32
    "tpu.region"() ({
      %run_scoped3A_155 = tpu.sem_alloc : memref<!tpu.dma_semaphore, #tpu.memory_space<semaphore_mem>>
      %dma_start3A_156 = arith.constant 0 : i32
      %dma_start3A_157 = tpu.memref_slice %arg16[%add3A_51, %dma_start3A_156] : memref<10000x128xf32, #tpu.memory_space<vmem_shared>> -> memref<40x128xf32, #tpu.memory_space<vmem_shared>>
      %dma_start3A_158 = arith.constant 0 : i32
      %dma_start3A_159 = tpu.memref_slice %arg16[%add3A_51, %dma_start3A_158] : memref<10000x128xf32, #tpu.memory_space<vmem_shared>> -> memref<40x128xf32, #tpu.memory_space<vmem_shared>>
      tpu.enqueue_dma source(%arg10 : memref<40x128xf32, #tpu.memory_space<vmem>>) target(%dma_start3A_159 : memref<40x128xf32, #tpu.memory_space<vmem_shared>>) target_semaphore(%run_scoped3A_155 : memref<!tpu.dma_semaphore, #tpu.memory_space<semaphore_mem>>)
      %dma_wait3A_160 = arith.constant 0 : i32
      %dma_wait3A_161 = tpu.memref_slice %arg16[%add3A_51, %dma_wait3A_160] : memref<10000x128xf32, #tpu.memory_space<vmem_shared>> -> memref<40x128xf32, #tpu.memory_space<vmem_shared>>
      %dma_wait3A_162 = arith.constant 0 : i32
      %dma_wait3A_163 = tpu.memref_slice %arg16[%add3A_51, %dma_wait3A_162] : memref<10000x128xf32, #tpu.memory_space<vmem_shared>> -> memref<40x128xf32, #tpu.memory_space<vmem_shared>>
      tpu.wait_dma2 semaphore(%run_scoped3A_155 : memref<!tpu.dma_semaphore, #tpu.memory_space<semaphore_mem>>) src(%arg10 : memref<40x128xf32, #tpu.memory_space<vmem>>) dst(%dma_wait3A_163 : memref<40x128xf32, #tpu.memory_space<vmem_shared>>)
      tpu.yield
    }) : () -> ()
    %mul3A_52 = arith.constant 625 : i32
    %mul3A_53 = arith.muli %arg1, %mul3A_52 : i32
    %add3A_54 = arith.constant 520 : i32
    %add3A_55 = arith.addi %mul3A_53, %add3A_54 : i32
    "tpu.region"() ({
      %run_scoped3A_155 = tpu.sem_alloc : memref<!tpu.dma_semaphore, #tpu.memory_space<semaphore_mem>>
      %dma_start3A_156 = arith.constant 0 : i32
      %dma_start3A_157 = tpu.memref_slice %arg16[%add3A_55, %dma_start3A_156] : memref<10000x128xf32, #tpu.memory_space<vmem_shared>> -> memref<40x128xf32, #tpu.memory_space<vmem_shared>>
      %dma_start3A_158 = arith.constant 0 : i32
      %dma_start3A_159 = tpu.memref_slice %arg16[%add3A_55, %dma_start3A_158] : memref<10000x128xf32, #tpu.memory_space<vmem_shared>> -> memref<40x128xf32, #tpu.memory_space<vmem_shared>>
      tpu.enqueue_dma source(%arg10 : memref<40x128xf32, #tpu.memory_space<vmem>>) target(%dma_start3A_159 : memref<40x128xf32, #tpu.memory_space<vmem_shared>>) target_semaphore(%run_scoped3A_155 : memref<!tpu.dma_semaphore, #tpu.memory_space<semaphore_mem>>)
      %dma_wait3A_160 = arith.constant 0 : i32
      %dma_wait3A_161 = tpu.memref_slice %arg16[%add3A_55, %dma_wait3A_160] : memref<10000x128xf32, #tpu.memory_space<vmem_shared>> -> memref<40x128xf32, #tpu.memory_space<vmem_shared>>
      %dma_wait3A_162 = arith.constant 0 : i32
      %dma_wait3A_163 = tpu.memref_slice %arg16[%add3A_55, %dma_wait3A_162] : memref<10000x128xf32, #tpu.memory_space<vmem_shared>> -> memref<40x128xf32, #tpu.memory_space<vmem_shared>>
      tpu.wait_dma2 semaphore(%run_scoped3A_155 : memref<!tpu.dma_semaphore, #tpu.memory_space<semaphore_mem>>) src(%arg10 : memref<40x128xf32, #tpu.memory_space<vmem>>) dst(%dma_wait3A_163 : memref<40x128xf32, #tpu.memory_space<vmem_shared>>)
      tpu.yield
    }) : () -> ()
    %mul3A_56 = arith.constant 625 : i32
    %mul3A_57 = arith.muli %arg1, %mul3A_56 : i32
    %add3A_58 = arith.constant 560 : i32
    %add3A_59 = arith.addi %mul3A_57, %add3A_58 : i32
    "tpu.region"() ({
      %run_scoped3A_155 = tpu.sem_alloc : memref<!tpu.dma_semaphore, #tpu.memory_space<semaphore_mem>>
      %dma_start3A_156 = arith.constant 0 : i32
      %dma_start3A_157 = tpu.memref_slice %arg16[%add3A_59, %dma_start3A_156] : memref<10000x128xf32, #tpu.memory_space<vmem_shared>> -> memref<40x128xf32, #tpu.memory_space<vmem_shared>>
      %dma_start3A_158 = arith.constant 0 : i32
      %dma_start3A_159 = tpu.memref_slice %arg16[%add3A_59, %dma_start3A_158] : memref<10000x128xf32, #tpu.memory_space<vmem_shared>> -> memref<40x128xf32, #tpu.memory_space<vmem_shared>>
      tpu.enqueue_dma source(%arg10 : memref<40x128xf32, #tpu.memory_space<vmem>>) target(%dma_start3A_159 : memref<40x128xf32, #tpu.memory_space<vmem_shared>>) target_semaphore(%run_scoped3A_155 : memref<!tpu.dma_semaphore, #tpu.memory_space<semaphore_mem>>)
      %dma_wait3A_160 = arith.constant 0 : i32
      %dma_wait3A_161 = tpu.memref_slice %arg16[%add3A_59, %dma_wait3A_160] : memref<10000x128xf32, #tpu.memory_space<vmem_shared>> -> memref<40x128xf32, #tpu.memory_space<vmem_shared>>
      %dma_wait3A_162 = arith.constant 0 : i32
      %dma_wait3A_163 = tpu.memref_slice %arg16[%add3A_59, %dma_wait3A_162] : memref<10000x128xf32, #tpu.memory_space<vmem_shared>> -> memref<40x128xf32, #tpu.memory_space<vmem_shared>>
      tpu.wait_dma2 semaphore(%run_scoped3A_155 : memref<!tpu.dma_semaphore, #tpu.memory_space<semaphore_mem>>) src(%arg10 : memref<40x128xf32, #tpu.memory_space<vmem>>) dst(%dma_wait3A_163 : memref<40x128xf32, #tpu.memory_space<vmem_shared>>)
      tpu.yield
    }) : () -> ()
    %mul3A_60 = arith.constant 625 : i32
    %mul3A_61 = arith.muli %arg1, %mul3A_60 : i32
    %add3A_62 = arith.constant 600 : i32
    %add3A_63 = arith.addi %mul3A_61, %add3A_62 : i32
    "tpu.region"() ({
      %run_scoped3A_155 = tpu.sem_alloc : memref<!tpu.dma_semaphore, #tpu.memory_space<semaphore_mem>>
      %dma_start3A_156 = arith.constant 0 : i32
      %dma_start3A_157 = arith.constant 0 : i32
      %dma_start3A_158 = tpu.memref_slice %arg10[%dma_start3A_156, %dma_start3A_157] : memref<40x128xf32, #tpu.memory_space<vmem>> -> memref<25x128xf32, #tpu.memory_space<vmem>>
      %dma_start3A_159 = arith.constant 0 : i32
      %dma_start3A_160 = tpu.memref_slice %arg16[%add3A_63, %dma_start3A_159] : memref<10000x128xf32, #tpu.memory_space<vmem_shared>> -> memref<25x128xf32, #tpu.memory_space<vmem_shared>>
      %dma_start3A_161 = arith.constant 0 : i32
      %dma_start3A_162 = tpu.memref_slice %arg16[%add3A_63, %dma_start3A_161] : memref<10000x128xf32, #tpu.memory_space<vmem_shared>> -> memref<25x128xf32, #tpu.memory_space<vmem_shared>>
      %dma_start3A_163 = arith.constant 0 : i32
      %dma_start3A_164 = arith.constant 0 : i32
      %dma_start3A_165 = tpu.memref_slice %arg10[%dma_start3A_163, %dma_start3A_164] : memref<40x128xf32, #tpu.memory_space<vmem>> -> memref<25x128xf32, #tpu.memory_space<vmem>>
      tpu.enqueue_dma source(%dma_start3A_165 : memref<25x128xf32, #tpu.memory_space<vmem>>) target(%dma_start3A_162 : memref<25x128xf32, #tpu.memory_space<vmem_shared>>) target_semaphore(%run_scoped3A_155 : memref<!tpu.dma_semaphore, #tpu.memory_space<semaphore_mem>>)
      %dma_wait3A_166 = arith.constant 0 : i32
      %dma_wait3A_167 = arith.constant 0 : i32
      %dma_wait3A_168 = tpu.memref_slice %arg10[%dma_wait3A_166, %dma_wait3A_167] : memref<40x128xf32, #tpu.memory_space<vmem>> -> memref<25x128xf32, #tpu.memory_space<vmem>>
      %dma_wait3A_169 = arith.constant 0 : i32
      %dma_wait3A_170 = tpu.memref_slice %arg16[%add3A_63, %dma_wait3A_169] : memref<10000x128xf32, #tpu.memory_space<vmem_shared>> -> memref<25x128xf32, #tpu.memory_space<vmem_shared>>
      %dma_wait3A_171 = arith.constant 0 : i32
      %dma_wait3A_172 = tpu.memref_slice %arg16[%add3A_63, %dma_wait3A_171] : memref<10000x128xf32, #tpu.memory_space<vmem_shared>> -> memref<25x128xf32, #tpu.memory_space<vmem_shared>>
      %dma_wait3A_173 = arith.constant 0 : i32
      %dma_wait3A_174 = arith.constant 0 : i32
      %dma_wait3A_175 = tpu.memref_slice %arg10[%dma_wait3A_173, %dma_wait3A_174] : memref<40x128xf32, #tpu.memory_space<vmem>> -> memref<25x128xf32, #tpu.memory_space<vmem>>
      tpu.wait_dma2 semaphore(%run_scoped3A_155 : memref<!tpu.dma_semaphore, #tpu.memory_space<semaphore_mem>>) src(%dma_wait3A_175 : memref<25x128xf32, #tpu.memory_space<vmem>>) dst(%dma_wait3A_172 : memref<25x128xf32, #tpu.memory_space<vmem_shared>>)
      tpu.yield
    }) : () -> ()
    %mul3A_64 = arith.constant 16 : i32
    %mul3A_65 = arith.muli %arg0, %mul3A_64 : i32
    %add3A_66 = arith.addi %mul3A_65, %arg1 : i32
    %mul3A_67 = arith.constant 250 : i32
    %mul3A_68 = arith.muli %add3A_66, %mul3A_67 : i32
    "tpu.region"() ({
      %run_scoped3A_155 = tpu.sem_alloc : memref<!tpu.dma_semaphore, #tpu.memory_space<semaphore_mem>>
      %dma_start3A_156 = arith.constant 0 : i32
      %dma_start3A_157 = tpu.memref_slice %arg3[%mul3A_68, %dma_start3A_156] : memref<8000x40xi32, #tpu.memory_space<hbm>> -> memref<250x40xi32, #tpu.memory_space<hbm>>
      %dma_start3A_158 = arith.constant 0 : i32
      %dma_start3A_159 = tpu.memref_slice %arg3[%mul3A_68, %dma_start3A_158] : memref<8000x40xi32, #tpu.memory_space<hbm>> -> memref<250x40xi32, #tpu.memory_space<hbm>>
      tpu.enqueue_dma source(%dma_start3A_159 : memref<250x40xi32, #tpu.memory_space<hbm>>) target(%arg8 : memref<250x40xi32, #tpu.memory_space<vmem>>) target_semaphore(%run_scoped3A_155 : memref<!tpu.dma_semaphore, #tpu.memory_space<semaphore_mem>>)
      %dma_wait3A_160 = arith.constant 0 : i32
      %dma_wait3A_161 = tpu.memref_slice %arg3[%mul3A_68, %dma_wait3A_160] : memref<8000x40xi32, #tpu.memory_space<hbm>> -> memref<250x40xi32, #tpu.memory_space<hbm>>
      %dma_wait3A_162 = arith.constant 0 : i32
      %dma_wait3A_163 = tpu.memref_slice %arg3[%mul3A_68, %dma_wait3A_162] : memref<8000x40xi32, #tpu.memory_space<hbm>> -> memref<250x40xi32, #tpu.memory_space<hbm>>
      tpu.wait_dma2 semaphore(%run_scoped3A_155 : memref<!tpu.dma_semaphore, #tpu.memory_space<semaphore_mem>>) src(%dma_wait3A_163 : memref<250x40xi32, #tpu.memory_space<hbm>>) dst(%arg8 : memref<250x40xi32, #tpu.memory_space<vmem>>)
      tpu.yield
    }) : () -> ()
    %mul3A_69 = arith.constant 250 : i32
    %mul3A_70 = arith.muli %add3A_66, %mul3A_69 : i32
    "tpu.region"() ({
      %run_scoped3A_155 = tpu.sem_alloc : memref<!tpu.dma_semaphore, #tpu.memory_space<semaphore_mem>>
      %dma_start3A_156 = arith.constant 0 : i32
      %dma_start3A_157 = tpu.memref_slice %arg4[%mul3A_70, %dma_start3A_156] : memref<8000x40xi32, #tpu.memory_space<hbm>> -> memref<250x40xi32, #tpu.memory_space<hbm>>
      %dma_start3A_158 = arith.constant 0 : i32
      %dma_start3A_159 = tpu.memref_slice %arg4[%mul3A_70, %dma_start3A_158] : memref<8000x40xi32, #tpu.memory_space<hbm>> -> memref<250x40xi32, #tpu.memory_space<hbm>>
      tpu.enqueue_dma source(%dma_start3A_159 : memref<250x40xi32, #tpu.memory_space<hbm>>) target(%arg9 : memref<250x40xi32, #tpu.memory_space<vmem>>) target_semaphore(%run_scoped3A_155 : memref<!tpu.dma_semaphore, #tpu.memory_space<semaphore_mem>>)
      %dma_wait3A_160 = arith.constant 0 : i32
      %dma_wait3A_161 = tpu.memref_slice %arg4[%mul3A_70, %dma_wait3A_160] : memref<8000x40xi32, #tpu.memory_space<hbm>> -> memref<250x40xi32, #tpu.memory_space<hbm>>
      %dma_wait3A_162 = arith.constant 0 : i32
      %dma_wait3A_163 = tpu.memref_slice %arg4[%mul3A_70, %dma_wait3A_162] : memref<8000x40xi32, #tpu.memory_space<hbm>> -> memref<250x40xi32, #tpu.memory_space<hbm>>
      tpu.wait_dma2 semaphore(%run_scoped3A_155 : memref<!tpu.dma_semaphore, #tpu.memory_space<semaphore_mem>>) src(%dma_wait3A_163 : memref<250x40xi32, #tpu.memory_space<hbm>>) dst(%arg9 : memref<250x40xi32, #tpu.memory_space<vmem>>)
      tpu.yield
    }) : () -> ()
    %barrier3A = arith.constant 0 : index
    tpu.barrier barrier_id(%barrier3A)
    %dma_start3A = arith.constant 0 : i32
    %dma_start3A_71 = arith.constant 0 : i32
    %dma_start3A_72 = tpu.memref_slice %arg8[%dma_start3A, %dma_start3A_71] : memref<250x40xi32, #tpu.memory_space<vmem>> -> memref<1x40xi32, #tpu.memory_space<vmem>>
    %dma_start3A_73 = tpu.memref_squeeze %dma_start3A_72 : memref<1x40xi32, #tpu.memory_space<vmem>> -> memref<40xi32, #tpu.memory_space<vmem>>
    %dma_start3A_74 = arith.constant 0 : i32
    %dma_start3A_75 = arith.constant 0 : i32
    %dma_start3A_76 = tpu.memref_slice %arg2[%dma_start3A_74, %dma_start3A_75] : memref<10000x128xf32, #tpu.memory_space<hbm>> -> memref<10000x128xf32, #tpu.memory_space<hbm>>
    tpu.enqueue_indirect_dma source(%dma_start3A_76 : memref<10000x128xf32, #tpu.memory_space<hbm>>) target(%arg10 : memref<40x128xf32, #tpu.memory_space<vmem>>) offsets(%dma_start3A_73 : memref<40xi32, #tpu.memory_space<vmem>>) semaphore(%arg17 : memref<!tpu.dma_semaphore, #tpu.memory_space<semaphore_mem>>)
    %dma_start3A_77 = arith.constant 1 : i32
    %dma_start3A_78 = arith.constant 0 : i32
    %dma_start3A_79 = tpu.memref_slice %arg8[%dma_start3A_77, %dma_start3A_78] : memref<250x40xi32, #tpu.memory_space<vmem>> -> memref<1x40xi32, #tpu.memory_space<vmem>>
    %dma_start3A_80 = tpu.memref_squeeze %dma_start3A_79 : memref<1x40xi32, #tpu.memory_space<vmem>> -> memref<40xi32, #tpu.memory_space<vmem>>
    %dma_start3A_81 = arith.constant 0 : i32
    %dma_start3A_82 = arith.constant 0 : i32
    %dma_start3A_83 = tpu.memref_slice %arg2[%dma_start3A_81, %dma_start3A_82] : memref<10000x128xf32, #tpu.memory_space<hbm>> -> memref<10000x128xf32, #tpu.memory_space<hbm>>
    tpu.enqueue_indirect_dma source(%dma_start3A_83 : memref<10000x128xf32, #tpu.memory_space<hbm>>) target(%arg11 : memref<40x128xf32, #tpu.memory_space<vmem>>) offsets(%dma_start3A_80 : memref<40xi32, #tpu.memory_space<vmem>>) semaphore(%arg18 : memref<!tpu.dma_semaphore, #tpu.memory_space<semaphore_mem>>)
    %dma_start3A_84 = arith.constant 2 : i32
    %dma_start3A_85 = arith.constant 0 : i32
    %dma_start3A_86 = tpu.memref_slice %arg8[%dma_start3A_84, %dma_start3A_85] : memref<250x40xi32, #tpu.memory_space<vmem>> -> memref<1x40xi32, #tpu.memory_space<vmem>>
    %dma_start3A_87 = tpu.memref_squeeze %dma_start3A_86 : memref<1x40xi32, #tpu.memory_space<vmem>> -> memref<40xi32, #tpu.memory_space<vmem>>
    %dma_start3A_88 = arith.constant 0 : i32
    %dma_start3A_89 = arith.constant 0 : i32
    %dma_start3A_90 = tpu.memref_slice %arg2[%dma_start3A_88, %dma_start3A_89] : memref<10000x128xf32, #tpu.memory_space<hbm>> -> memref<10000x128xf32, #tpu.memory_space<hbm>>
    tpu.enqueue_indirect_dma source(%dma_start3A_90 : memref<10000x128xf32, #tpu.memory_space<hbm>>) target(%arg12 : memref<40x128xf32, #tpu.memory_space<vmem>>) offsets(%dma_start3A_87 : memref<40xi32, #tpu.memory_space<vmem>>) semaphore(%arg19 : memref<!tpu.dma_semaphore, #tpu.memory_space<semaphore_mem>>)
    %dma_start3A_91 = arith.constant 3 : i32
    %dma_start3A_92 = arith.constant 0 : i32
    %dma_start3A_93 = tpu.memref_slice %arg8[%dma_start3A_91, %dma_start3A_92] : memref<250x40xi32, #tpu.memory_space<vmem>> -> memref<1x40xi32, #tpu.memory_space<vmem>>
    %dma_start3A_94 = tpu.memref_squeeze %dma_start3A_93 : memref<1x40xi32, #tpu.memory_space<vmem>> -> memref<40xi32, #tpu.memory_space<vmem>>
    %dma_start3A_95 = arith.constant 0 : i32
    %dma_start3A_96 = arith.constant 0 : i32
    %dma_start3A_97 = tpu.memref_slice %arg2[%dma_start3A_95, %dma_start3A_96] : memref<10000x128xf32, #tpu.memory_space<hbm>> -> memref<10000x128xf32, #tpu.memory_space<hbm>>
    tpu.enqueue_indirect_dma source(%dma_start3A_97 : memref<10000x128xf32, #tpu.memory_space<hbm>>) target(%arg13 : memref<40x128xf32, #tpu.memory_space<vmem>>) offsets(%dma_start3A_94 : memref<40xi32, #tpu.memory_space<vmem>>) semaphore(%arg20 : memref<!tpu.dma_semaphore, #tpu.memory_space<semaphore_mem>>)
    %dma_start3A_98 = arith.constant 4 : i32
    %dma_start3A_99 = arith.constant 0 : i32
    %dma_start3A_100 = tpu.memref_slice %arg8[%dma_start3A_98, %dma_start3A_99] : memref<250x40xi32, #tpu.memory_space<vmem>> -> memref<1x40xi32, #tpu.memory_space<vmem>>
    %dma_start3A_101 = tpu.memref_squeeze %dma_start3A_100 : memref<1x40xi32, #tpu.memory_space<vmem>> -> memref<40xi32, #tpu.memory_space<vmem>>
    %dma_start3A_102 = arith.constant 0 : i32
    %dma_start3A_103 = arith.constant 0 : i32
    %dma_start3A_104 = tpu.memref_slice %arg2[%dma_start3A_102, %dma_start3A_103] : memref<10000x128xf32, #tpu.memory_space<hbm>> -> memref<10000x128xf32, #tpu.memory_space<hbm>>
    tpu.enqueue_indirect_dma source(%dma_start3A_104 : memref<10000x128xf32, #tpu.memory_space<hbm>>) target(%arg14 : memref<40x128xf32, #tpu.memory_space<vmem>>) offsets(%dma_start3A_101 : memref<40xi32, #tpu.memory_space<vmem>>) semaphore(%arg21 : memref<!tpu.dma_semaphore, #tpu.memory_space<semaphore_mem>>)
    %dma_start3A_105 = arith.constant 5 : i32
    %dma_start3A_106 = arith.constant 0 : i32
    %dma_start3A_107 = tpu.memref_slice %arg8[%dma_start3A_105, %dma_start3A_106] : memref<250x40xi32, #tpu.memory_space<vmem>> -> memref<1x40xi32, #tpu.memory_space<vmem>>
    %dma_start3A_108 = tpu.memref_squeeze %dma_start3A_107 : memref<1x40xi32, #tpu.memory_space<vmem>> -> memref<40xi32, #tpu.memory_space<vmem>>
    %dma_start3A_109 = arith.constant 0 : i32
    %dma_start3A_110 = arith.constant 0 : i32
    %dma_start3A_111 = tpu.memref_slice %arg2[%dma_start3A_109, %dma_start3A_110] : memref<10000x128xf32, #tpu.memory_space<hbm>> -> memref<10000x128xf32, #tpu.memory_space<hbm>>
    tpu.enqueue_indirect_dma source(%dma_start3A_111 : memref<10000x128xf32, #tpu.memory_space<hbm>>) target(%arg15 : memref<40x128xf32, #tpu.memory_space<vmem>>) offsets(%dma_start3A_108 : memref<40xi32, #tpu.memory_space<vmem>>) semaphore(%arg22 : memref<!tpu.dma_semaphore, #tpu.memory_space<semaphore_mem>>)
    %scan3A = arith.constant 0 : i32
    %scan3A_112 = arith.constant 0 : i32
    %scan3A_113 = arith.constant 41 : i32
    %scan3A_114 = arith.addi %scan3A_112, %scan3A_113 : i32
    %scan3A_115 = arith.constant 1 : i32
    scf.for %scan3A_155 = %scan3A_112 to %scan3A_114 step %scan3A_115  : i32 {
      %mul3A_156 = arith.constant 6 : i32
      %mul3A_157 = arith.muli %scan3A_155, %mul3A_156 : i32
      %add3A_158 = arith.constant 0 : i32
      %add3A_159 = arith.addi %mul3A_157, %add3A_158 : i32
      %dma_wait3A_160 = arith.constant 0 : i32
      %dma_wait3A_161 = tpu.memref_slice %arg8[%add3A_159, %dma_wait3A_160] : memref<250x40xi32, #tpu.memory_space<vmem>> -> memref<1x40xi32, #tpu.memory_space<vmem>>
      %dma_wait3A_162 = tpu.memref_squeeze %dma_wait3A_161 : memref<1x40xi32, #tpu.memory_space<vmem>> -> memref<40xi32, #tpu.memory_space<vmem>>
      %dma_wait3A_163 = arith.constant 0 : i32
      %dma_wait3A_164 = arith.constant 0 : i32
      %dma_wait3A_165 = tpu.memref_slice %arg2[%dma_wait3A_163, %dma_wait3A_164] : memref<10000x128xf32, #tpu.memory_space<hbm>> -> memref<10000x128xf32, #tpu.memory_space<hbm>>
      tpu.wait_indirect_dma semaphore(%arg17 : memref<!tpu.dma_semaphore, #tpu.memory_space<semaphore_mem>>) src(%dma_wait3A_165 : memref<10000x128xf32, #tpu.memory_space<hbm>>) dst(%arg10 : memref<40x128xf32, #tpu.memory_space<vmem>>)
      %add3A_166 = arith.constant 0 : i32
      %add3A_167 = arith.addi %mul3A_157, %add3A_166 : i32
      %dma_start3A_168 = arith.constant 0 : i32
      %dma_start3A_169 = tpu.memref_slice %arg9[%add3A_167, %dma_start3A_168] : memref<250x40xi32, #tpu.memory_space<vmem>> -> memref<1x40xi32, #tpu.memory_space<vmem>>
      %dma_start3A_170 = tpu.memref_squeeze %dma_start3A_169 : memref<1x40xi32, #tpu.memory_space<vmem>> -> memref<40xi32, #tpu.memory_space<vmem>>
      %dma_start3A_171 = arith.constant 0 : i32
      %dma_start3A_172 = arith.constant 0 : i32
      %dma_start3A_173 = tpu.memref_slice %arg16[%dma_start3A_171, %dma_start3A_172] : memref<10000x128xf32, #tpu.memory_space<vmem_shared>> -> memref<10000x128xf32, #tpu.memory_space<vmem_shared>>
      tpu.enqueue_indirect_dma source(%arg10 : memref<40x128xf32, #tpu.memory_space<vmem>>) target(%dma_start3A_173 : memref<10000x128xf32, #tpu.memory_space<vmem_shared>>) offsets(%dma_start3A_170 : memref<40xi32, #tpu.memory_space<vmem>>) semaphore(%arg23 : memref<!tpu.dma_semaphore, #tpu.memory_space<semaphore_mem>>) {add = true}
      %add3A_174 = arith.constant 1 : i32
      %add3A_175 = arith.addi %mul3A_157, %add3A_174 : i32
      %dma_wait3A_176 = arith.constant 0 : i32
      %dma_wait3A_177 = tpu.memref_slice %arg8[%add3A_175, %dma_wait3A_176] : memref<250x40xi32, #tpu.memory_space<vmem>> -> memref<1x40xi32, #tpu.memory_space<vmem>>
      %dma_wait3A_178 = tpu.memref_squeeze %dma_wait3A_177 : memref<1x40xi32, #tpu.memory_space<vmem>> -> memref<40xi32, #tpu.memory_space<vmem>>
      %dma_wait3A_179 = arith.constant 0 : i32
      %dma_wait3A_180 = arith.constant 0 : i32
      %dma_wait3A_181 = tpu.memref_slice %arg2[%dma_wait3A_179, %dma_wait3A_180] : memref<10000x128xf32, #tpu.memory_space<hbm>> -> memref<10000x128xf32, #tpu.memory_space<hbm>>
      tpu.wait_indirect_dma semaphore(%arg18 : memref<!tpu.dma_semaphore, #tpu.memory_space<semaphore_mem>>) src(%dma_wait3A_181 : memref<10000x128xf32, #tpu.memory_space<hbm>>) dst(%arg11 : memref<40x128xf32, #tpu.memory_space<vmem>>)
      %add3A_182 = arith.constant 1 : i32
      %add3A_183 = arith.addi %mul3A_157, %add3A_182 : i32
      %dma_start3A_184 = arith.constant 0 : i32
      %dma_start3A_185 = tpu.memref_slice %arg9[%add3A_183, %dma_start3A_184] : memref<250x40xi32, #tpu.memory_space<vmem>> -> memref<1x40xi32, #tpu.memory_space<vmem>>
      %dma_start3A_186 = tpu.memref_squeeze %dma_start3A_185 : memref<1x40xi32, #tpu.memory_space<vmem>> -> memref<40xi32, #tpu.memory_space<vmem>>
      %dma_start3A_187 = arith.constant 0 : i32
      %dma_start3A_188 = arith.constant 0 : i32
      %dma_start3A_189 = tpu.memref_slice %arg16[%dma_start3A_187, %dma_start3A_188] : memref<10000x128xf32, #tpu.memory_space<vmem_shared>> -> memref<10000x128xf32, #tpu.memory_space<vmem_shared>>
      tpu.enqueue_indirect_dma source(%arg11 : memref<40x128xf32, #tpu.memory_space<vmem>>) target(%dma_start3A_189 : memref<10000x128xf32, #tpu.memory_space<vmem_shared>>) offsets(%dma_start3A_186 : memref<40xi32, #tpu.memory_space<vmem>>) semaphore(%arg24 : memref<!tpu.dma_semaphore, #tpu.memory_space<semaphore_mem>>) {add = true}
      %add3A_190 = arith.constant 2 : i32
      %add3A_191 = arith.addi %mul3A_157, %add3A_190 : i32
      %dma_wait3A_192 = arith.constant 0 : i32
      %dma_wait3A_193 = tpu.memref_slice %arg8[%add3A_191, %dma_wait3A_192] : memref<250x40xi32, #tpu.memory_space<vmem>> -> memref<1x40xi32, #tpu.memory_space<vmem>>
      %dma_wait3A_194 = tpu.memref_squeeze %dma_wait3A_193 : memref<1x40xi32, #tpu.memory_space<vmem>> -> memref<40xi32, #tpu.memory_space<vmem>>
      %dma_wait3A_195 = arith.constant 0 : i32
      %dma_wait3A_196 = arith.constant 0 : i32
      %dma_wait3A_197 = tpu.memref_slice %arg2[%dma_wait3A_195, %dma_wait3A_196] : memref<10000x128xf32, #tpu.memory_space<hbm>> -> memref<10000x128xf32, #tpu.memory_space<hbm>>
      tpu.wait_indirect_dma semaphore(%arg19 : memref<!tpu.dma_semaphore, #tpu.memory_space<semaphore_mem>>) src(%dma_wait3A_197 : memref<10000x128xf32, #tpu.memory_space<hbm>>) dst(%arg12 : memref<40x128xf32, #tpu.memory_space<vmem>>)
      %add3A_198 = arith.constant 2 : i32
      %add3A_199 = arith.addi %mul3A_157, %add3A_198 : i32
      %dma_start3A_200 = arith.constant 0 : i32
      %dma_start3A_201 = tpu.memref_slice %arg9[%add3A_199, %dma_start3A_200] : memref<250x40xi32, #tpu.memory_space<vmem>> -> memref<1x40xi32, #tpu.memory_space<vmem>>
      %dma_start3A_202 = tpu.memref_squeeze %dma_start3A_201 : memref<1x40xi32, #tpu.memory_space<vmem>> -> memref<40xi32, #tpu.memory_space<vmem>>
      %dma_start3A_203 = arith.constant 0 : i32
      %dma_start3A_204 = arith.constant 0 : i32
      %dma_start3A_205 = tpu.memref_slice %arg16[%dma_start3A_203, %dma_start3A_204] : memref<10000x128xf32, #tpu.memory_space<vmem_shared>> -> memref<10000x128xf32, #tpu.memory_space<vmem_shared>>
      tpu.enqueue_indirect_dma source(%arg12 : memref<40x128xf32, #tpu.memory_space<vmem>>) target(%dma_start3A_205 : memref<10000x128xf32, #tpu.memory_space<vmem_shared>>) offsets(%dma_start3A_202 : memref<40xi32, #tpu.memory_space<vmem>>) semaphore(%arg25 : memref<!tpu.dma_semaphore, #tpu.memory_space<semaphore_mem>>) {add = true}
      %add3A_206 = arith.constant 3 : i32
      %add3A_207 = arith.addi %mul3A_157, %add3A_206 : i32
      %dma_wait3A_208 = arith.constant 0 : i32
      %dma_wait3A_209 = tpu.memref_slice %arg8[%add3A_207, %dma_wait3A_208] : memref<250x40xi32, #tpu.memory_space<vmem>> -> memref<1x40xi32, #tpu.memory_space<vmem>>
      %dma_wait3A_210 = tpu.memref_squeeze %dma_wait3A_209 : memref<1x40xi32, #tpu.memory_space<vmem>> -> memref<40xi32, #tpu.memory_space<vmem>>
      %dma_wait3A_211 = arith.constant 0 : i32
      %dma_wait3A_212 = arith.constant 0 : i32
      %dma_wait3A_213 = tpu.memref_slice %arg2[%dma_wait3A_211, %dma_wait3A_212] : memref<10000x128xf32, #tpu.memory_space<hbm>> -> memref<10000x128xf32, #tpu.memory_space<hbm>>
      tpu.wait_indirect_dma semaphore(%arg20 : memref<!tpu.dma_semaphore, #tpu.memory_space<semaphore_mem>>) src(%dma_wait3A_213 : memref<10000x128xf32, #tpu.memory_space<hbm>>) dst(%arg13 : memref<40x128xf32, #tpu.memory_space<vmem>>)
      %add3A_214 = arith.constant 3 : i32
      %add3A_215 = arith.addi %mul3A_157, %add3A_214 : i32
      %dma_start3A_216 = arith.constant 0 : i32
      %dma_start3A_217 = tpu.memref_slice %arg9[%add3A_215, %dma_start3A_216] : memref<250x40xi32, #tpu.memory_space<vmem>> -> memref<1x40xi32, #tpu.memory_space<vmem>>
      %dma_start3A_218 = tpu.memref_squeeze %dma_start3A_217 : memref<1x40xi32, #tpu.memory_space<vmem>> -> memref<40xi32, #tpu.memory_space<vmem>>
      %dma_start3A_219 = arith.constant 0 : i32
      %dma_start3A_220 = arith.constant 0 : i32
      %dma_start3A_221 = tpu.memref_slice %arg16[%dma_start3A_219, %dma_start3A_220] : memref<10000x128xf32, #tpu.memory_space<vmem_shared>> -> memref<10000x128xf32, #tpu.memory_space<vmem_shared>>
      tpu.enqueue_indirect_dma source(%arg13 : memref<40x128xf32, #tpu.memory_space<vmem>>) target(%dma_start3A_221 : memref<10000x128xf32, #tpu.memory_space<vmem_shared>>) offsets(%dma_start3A_218 : memref<40xi32, #tpu.memory_space<vmem>>) semaphore(%arg26 : memref<!tpu.dma_semaphore, #tpu.memory_space<semaphore_mem>>) {add = true}
      %add3A_222 = arith.constant 4 : i32
      %add3A_223 = arith.addi %mul3A_157, %add3A_222 : i32
      %dma_wait3A_224 = arith.constant 0 : i32
      %dma_wait3A_225 = tpu.memref_slice %arg8[%add3A_223, %dma_wait3A_224] : memref<250x40xi32, #tpu.memory_space<vmem>> -> memref<1x40xi32, #tpu.memory_space<vmem>>
      %dma_wait3A_226 = tpu.memref_squeeze %dma_wait3A_225 : memref<1x40xi32, #tpu.memory_space<vmem>> -> memref<40xi32, #tpu.memory_space<vmem>>
      %dma_wait3A_227 = arith.constant 0 : i32
      %dma_wait3A_228 = arith.constant 0 : i32
      %dma_wait3A_229 = tpu.memref_slice %arg2[%dma_wait3A_227, %dma_wait3A_228] : memref<10000x128xf32, #tpu.memory_space<hbm>> -> memref<10000x128xf32, #tpu.memory_space<hbm>>
      tpu.wait_indirect_dma semaphore(%arg21 : memref<!tpu.dma_semaphore, #tpu.memory_space<semaphore_mem>>) src(%dma_wait3A_229 : memref<10000x128xf32, #tpu.memory_space<hbm>>) dst(%arg14 : memref<40x128xf32, #tpu.memory_space<vmem>>)
      %add3A_230 = arith.constant 4 : i32
      %add3A_231 = arith.addi %mul3A_157, %add3A_230 : i32
      %dma_start3A_232 = arith.constant 0 : i32
      %dma_start3A_233 = tpu.memref_slice %arg9[%add3A_231, %dma_start3A_232] : memref<250x40xi32, #tpu.memory_space<vmem>> -> memref<1x40xi32, #tpu.memory_space<vmem>>
      %dma_start3A_234 = tpu.memref_squeeze %dma_start3A_233 : memref<1x40xi32, #tpu.memory_space<vmem>> -> memref<40xi32, #tpu.memory_space<vmem>>
      %dma_start3A_235 = arith.constant 0 : i32
      %dma_start3A_236 = arith.constant 0 : i32
      %dma_start3A_237 = tpu.memref_slice %arg16[%dma_start3A_235, %dma_start3A_236] : memref<10000x128xf32, #tpu.memory_space<vmem_shared>> -> memref<10000x128xf32, #tpu.memory_space<vmem_shared>>
      tpu.enqueue_indirect_dma source(%arg14 : memref<40x128xf32, #tpu.memory_space<vmem>>) target(%dma_start3A_237 : memref<10000x128xf32, #tpu.memory_space<vmem_shared>>) offsets(%dma_start3A_234 : memref<40xi32, #tpu.memory_space<vmem>>) semaphore(%arg27 : memref<!tpu.dma_semaphore, #tpu.memory_space<semaphore_mem>>) {add = true}
      %add3A_238 = arith.constant 5 : i32
      %add3A_239 = arith.addi %mul3A_157, %add3A_238 : i32
      %dma_wait3A_240 = arith.constant 0 : i32
      %dma_wait3A_241 = tpu.memref_slice %arg8[%add3A_239, %dma_wait3A_240] : memref<250x40xi32, #tpu.memory_space<vmem>> -> memref<1x40xi32, #tpu.memory_space<vmem>>
      %dma_wait3A_242 = tpu.memref_squeeze %dma_wait3A_241 : memref<1x40xi32, #tpu.memory_space<vmem>> -> memref<40xi32, #tpu.memory_space<vmem>>
      %dma_wait3A_243 = arith.constant 0 : i32
      %dma_wait3A_244 = arith.constant 0 : i32
      %dma_wait3A_245 = tpu.memref_slice %arg2[%dma_wait3A_243, %dma_wait3A_244] : memref<10000x128xf32, #tpu.memory_space<hbm>> -> memref<10000x128xf32, #tpu.memory_space<hbm>>
      tpu.wait_indirect_dma semaphore(%arg22 : memref<!tpu.dma_semaphore, #tpu.memory_space<semaphore_mem>>) src(%dma_wait3A_245 : memref<10000x128xf32, #tpu.memory_space<hbm>>) dst(%arg15 : memref<40x128xf32, #tpu.memory_space<vmem>>)
      %add3A_246 = arith.constant 5 : i32
      %add3A_247 = arith.addi %mul3A_157, %add3A_246 : i32
      %dma_start3A_248 = arith.constant 0 : i32
      %dma_start3A_249 = tpu.memref_slice %arg9[%add3A_247, %dma_start3A_248] : memref<250x40xi32, #tpu.memory_space<vmem>> -> memref<1x40xi32, #tpu.memory_space<vmem>>
      %dma_start3A_250 = tpu.memref_squeeze %dma_start3A_249 : memref<1x40xi32, #tpu.memory_space<vmem>> -> memref<40xi32, #tpu.memory_space<vmem>>
      %dma_start3A_251 = arith.constant 0 : i32
      %dma_start3A_252 = arith.constant 0 : i32
      %dma_start3A_253 = tpu.memref_slice %arg16[%dma_start3A_251, %dma_start3A_252] : memref<10000x128xf32, #tpu.memory_space<vmem_shared>> -> memref<10000x128xf32, #tpu.memory_space<vmem_shared>>
      tpu.enqueue_indirect_dma source(%arg15 : memref<40x128xf32, #tpu.memory_space<vmem>>) target(%dma_start3A_253 : memref<10000x128xf32, #tpu.memory_space<vmem_shared>>) offsets(%dma_start3A_250 : memref<40xi32, #tpu.memory_space<vmem>>) semaphore(%arg28 : memref<!tpu.dma_semaphore, #tpu.memory_space<semaphore_mem>>) {add = true}
      %add3A_254 = arith.constant 0 : i32
      %add3A_255 = arith.addi %mul3A_157, %add3A_254 : i32
      %dma_wait3A_256 = arith.constant 0 : i32
      %dma_wait3A_257 = tpu.memref_slice %arg9[%add3A_255, %dma_wait3A_256] : memref<250x40xi32, #tpu.memory_space<vmem>> -> memref<1x40xi32, #tpu.memory_space<vmem>>
      %dma_wait3A_258 = tpu.memref_squeeze %dma_wait3A_257 : memref<1x40xi32, #tpu.memory_space<vmem>> -> memref<40xi32, #tpu.memory_space<vmem>>
      %dma_wait3A_259 = arith.constant 0 : i32
      %dma_wait3A_260 = arith.constant 0 : i32
      %dma_wait3A_261 = tpu.memref_slice %arg16[%dma_wait3A_259, %dma_wait3A_260] : memref<10000x128xf32, #tpu.memory_space<vmem_shared>> -> memref<10000x128xf32, #tpu.memory_space<vmem_shared>>
      tpu.wait_indirect_dma semaphore(%arg23 : memref<!tpu.dma_semaphore, #tpu.memory_space<semaphore_mem>>) src(%arg10 : memref<40x128xf32, #tpu.memory_space<vmem>>) dst(%dma_wait3A_261 : memref<10000x128xf32, #tpu.memory_space<vmem_shared>>)
      %add3A_262 = arith.constant 6 : i32
      %add3A_263 = arith.addi %mul3A_157, %add3A_262 : i32
      %add3A_264 = arith.constant 0 : i32
      %add3A_265 = arith.addi %add3A_263, %add3A_264 : i32
      %lt3A = arith.constant 250 : i32
      %lt3A_266 = arith.cmpi slt, %add3A_265, %lt3A : i32
      %convert_element_type3A_267 = arith.extui %lt3A_266 : i1 to i32
      %cond3A_268 = arith.constant 0 : i32
      %cond3A_269 = arith.cmpi ne, %convert_element_type3A_267, %cond3A_268 : i32
      scf.if %cond3A_269 {
        %add3A_355 = arith.constant 6 : i32
        %add3A_356 = arith.addi %mul3A_157, %add3A_355 : i32
        %add3A_357 = arith.constant 0 : i32
        %add3A_358 = arith.addi %add3A_356, %add3A_357 : i32
        %dma_start3A_359 = arith.constant 0 : i32
        %dma_start3A_360 = tpu.memref_slice %arg8[%add3A_358, %dma_start3A_359] : memref<250x40xi32, #tpu.memory_space<vmem>> -> memref<1x40xi32, #tpu.memory_space<vmem>>
        %dma_start3A_361 = tpu.memref_squeeze %dma_start3A_360 : memref<1x40xi32, #tpu.memory_space<vmem>> -> memref<40xi32, #tpu.memory_space<vmem>>
        %dma_start3A_362 = arith.constant 0 : i32
        %dma_start3A_363 = arith.constant 0 : i32
        %dma_start3A_364 = tpu.memref_slice %arg2[%dma_start3A_362, %dma_start3A_363] : memref<10000x128xf32, #tpu.memory_space<hbm>> -> memref<10000x128xf32, #tpu.memory_space<hbm>>
        tpu.enqueue_indirect_dma source(%dma_start3A_364 : memref<10000x128xf32, #tpu.memory_space<hbm>>) target(%arg10 : memref<40x128xf32, #tpu.memory_space<vmem>>) offsets(%dma_start3A_361 : memref<40xi32, #tpu.memory_space<vmem>>) semaphore(%arg17 : memref<!tpu.dma_semaphore, #tpu.memory_space<semaphore_mem>>)
      } else {
      }
      %add3A_270 = arith.constant 1 : i32
      %add3A_271 = arith.addi %mul3A_157, %add3A_270 : i32
      %dma_wait3A_272 = arith.constant 0 : i32
      %dma_wait3A_273 = tpu.memref_slice %arg9[%add3A_271, %dma_wait3A_272] : memref<250x40xi32, #tpu.memory_space<vmem>> -> memref<1x40xi32, #tpu.memory_space<vmem>>
      %dma_wait3A_274 = tpu.memref_squeeze %dma_wait3A_273 : memref<1x40xi32, #tpu.memory_space<vmem>> -> memref<40xi32, #tpu.memory_space<vmem>>
      %dma_wait3A_275 = arith.constant 0 : i32
      %dma_wait3A_276 = arith.constant 0 : i32
      %dma_wait3A_277 = tpu.memref_slice %arg16[%dma_wait3A_275, %dma_wait3A_276] : memref<10000x128xf32, #tpu.memory_space<vmem_shared>> -> memref<10000x128xf32, #tpu.memory_space<vmem_shared>>
      tpu.wait_indirect_dma semaphore(%arg24 : memref<!tpu.dma_semaphore, #tpu.memory_space<semaphore_mem>>) src(%arg11 : memref<40x128xf32, #tpu.memory_space<vmem>>) dst(%dma_wait3A_277 : memref<10000x128xf32, #tpu.memory_space<vmem_shared>>)
      %add3A_278 = arith.constant 6 : i32
      %add3A_279 = arith.addi %mul3A_157, %add3A_278 : i32
      %add3A_280 = arith.constant 1 : i32
      %add3A_281 = arith.addi %add3A_279, %add3A_280 : i32
      %lt3A_282 = arith.constant 250 : i32
      %lt3A_283 = arith.cmpi slt, %add3A_281, %lt3A_282 : i32
      %convert_element_type3A_284 = arith.extui %lt3A_283 : i1 to i32
      %cond3A_285 = arith.constant 0 : i32
      %cond3A_286 = arith.cmpi ne, %convert_element_type3A_284, %cond3A_285 : i32
      scf.if %cond3A_286 {
        %add3A_355 = arith.constant 6 : i32
        %add3A_356 = arith.addi %mul3A_157, %add3A_355 : i32
        %add3A_357 = arith.constant 1 : i32
        %add3A_358 = arith.addi %add3A_356, %add3A_357 : i32
        %dma_start3A_359 = arith.constant 0 : i32
        %dma_start3A_360 = tpu.memref_slice %arg8[%add3A_358, %dma_start3A_359] : memref<250x40xi32, #tpu.memory_space<vmem>> -> memref<1x40xi32, #tpu.memory_space<vmem>>
        %dma_start3A_361 = tpu.memref_squeeze %dma_start3A_360 : memref<1x40xi32, #tpu.memory_space<vmem>> -> memref<40xi32, #tpu.memory_space<vmem>>
        %dma_start3A_362 = arith.constant 0 : i32
        %dma_start3A_363 = arith.constant 0 : i32
        %dma_start3A_364 = tpu.memref_slice %arg2[%dma_start3A_362, %dma_start3A_363] : memref<10000x128xf32, #tpu.memory_space<hbm>> -> memref<10000x128xf32, #tpu.memory_space<hbm>>
        tpu.enqueue_indirect_dma source(%dma_start3A_364 : memref<10000x128xf32, #tpu.memory_space<hbm>>) target(%arg11 : memref<40x128xf32, #tpu.memory_space<vmem>>) offsets(%dma_start3A_361 : memref<40xi32, #tpu.memory_space<vmem>>) semaphore(%arg18 : memref<!tpu.dma_semaphore, #tpu.memory_space<semaphore_mem>>)
      } else {
      }
      %add3A_287 = arith.constant 2 : i32
      %add3A_288 = arith.addi %mul3A_157, %add3A_287 : i32
      %dma_wait3A_289 = arith.constant 0 : i32
      %dma_wait3A_290 = tpu.memref_slice %arg9[%add3A_288, %dma_wait3A_289] : memref<250x40xi32, #tpu.memory_space<vmem>> -> memref<1x40xi32, #tpu.memory_space<vmem>>
      %dma_wait3A_291 = tpu.memref_squeeze %dma_wait3A_290 : memref<1x40xi32, #tpu.memory_space<vmem>> -> memref<40xi32, #tpu.memory_space<vmem>>
      %dma_wait3A_292 = arith.constant 0 : i32
      %dma_wait3A_293 = arith.constant 0 : i32
      %dma_wait3A_294 = tpu.memref_slice %arg16[%dma_wait3A_292, %dma_wait3A_293] : memref<10000x128xf32, #tpu.memory_space<vmem_shared>> -> memref<10000x128xf32, #tpu.memory_space<vmem_shared>>
      tpu.wait_indirect_dma semaphore(%arg25 : memref<!tpu.dma_semaphore, #tpu.memory_space<semaphore_mem>>) src(%arg12 : memref<40x128xf32, #tpu.memory_space<vmem>>) dst(%dma_wait3A_294 : memref<10000x128xf32, #tpu.memory_space<vmem_shared>>)
      %add3A_295 = arith.constant 6 : i32
      %add3A_296 = arith.addi %mul3A_157, %add3A_295 : i32
      %add3A_297 = arith.constant 2 : i32
      %add3A_298 = arith.addi %add3A_296, %add3A_297 : i32
      %lt3A_299 = arith.constant 250 : i32
      %lt3A_300 = arith.cmpi slt, %add3A_298, %lt3A_299 : i32
      %convert_element_type3A_301 = arith.extui %lt3A_300 : i1 to i32
      %cond3A_302 = arith.constant 0 : i32
      %cond3A_303 = arith.cmpi ne, %convert_element_type3A_301, %cond3A_302 : i32
      scf.if %cond3A_303 {
        %add3A_355 = arith.constant 6 : i32
        %add3A_356 = arith.addi %mul3A_157, %add3A_355 : i32
        %add3A_357 = arith.constant 2 : i32
        %add3A_358 = arith.addi %add3A_356, %add3A_357 : i32
        %dma_start3A_359 = arith.constant 0 : i32
        %dma_start3A_360 = tpu.memref_slice %arg8[%add3A_358, %dma_start3A_359] : memref<250x40xi32, #tpu.memory_space<vmem>> -> memref<1x40xi32, #tpu.memory_space<vmem>>
        %dma_start3A_361 = tpu.memref_squeeze %dma_start3A_360 : memref<1x40xi32, #tpu.memory_space<vmem>> -> memref<40xi32, #tpu.memory_space<vmem>>
        %dma_start3A_362 = arith.constant 0 : i32
        %dma_start3A_363 = arith.constant 0 : i32
        %dma_start3A_364 = tpu.memref_slice %arg2[%dma_start3A_362, %dma_start3A_363] : memref<10000x128xf32, #tpu.memory_space<hbm>> -> memref<10000x128xf32, #tpu.memory_space<hbm>>
        tpu.enqueue_indirect_dma source(%dma_start3A_364 : memref<10000x128xf32, #tpu.memory_space<hbm>>) target(%arg12 : memref<40x128xf32, #tpu.memory_space<vmem>>) offsets(%dma_start3A_361 : memref<40xi32, #tpu.memory_space<vmem>>) semaphore(%arg19 : memref<!tpu.dma_semaphore, #tpu.memory_space<semaphore_mem>>)
      } else {
      }
      %add3A_304 = arith.constant 3 : i32
      %add3A_305 = arith.addi %mul3A_157, %add3A_304 : i32
      %dma_wait3A_306 = arith.constant 0 : i32
      %dma_wait3A_307 = tpu.memref_slice %arg9[%add3A_305, %dma_wait3A_306] : memref<250x40xi32, #tpu.memory_space<vmem>> -> memref<1x40xi32, #tpu.memory_space<vmem>>
      %dma_wait3A_308 = tpu.memref_squeeze %dma_wait3A_307 : memref<1x40xi32, #tpu.memory_space<vmem>> -> memref<40xi32, #tpu.memory_space<vmem>>
      %dma_wait3A_309 = arith.constant 0 : i32
      %dma_wait3A_310 = arith.constant 0 : i32
      %dma_wait3A_311 = tpu.memref_slice %arg16[%dma_wait3A_309, %dma_wait3A_310] : memref<10000x128xf32, #tpu.memory_space<vmem_shared>> -> memref<10000x128xf32, #tpu.memory_space<vmem_shared>>
      tpu.wait_indirect_dma semaphore(%arg26 : memref<!tpu.dma_semaphore, #tpu.memory_space<semaphore_mem>>) src(%arg13 : memref<40x128xf32, #tpu.memory_space<vmem>>) dst(%dma_wait3A_311 : memref<10000x128xf32, #tpu.memory_space<vmem_shared>>)
      %add3A_312 = arith.constant 6 : i32
      %add3A_313 = arith.addi %mul3A_157, %add3A_312 : i32
      %add3A_314 = arith.constant 3 : i32
      %add3A_315 = arith.addi %add3A_313, %add3A_314 : i32
      %lt3A_316 = arith.constant 250 : i32
      %lt3A_317 = arith.cmpi slt, %add3A_315, %lt3A_316 : i32
      %convert_element_type3A_318 = arith.extui %lt3A_317 : i1 to i32
      %cond3A_319 = arith.constant 0 : i32
      %cond3A_320 = arith.cmpi ne, %convert_element_type3A_318, %cond3A_319 : i32
      scf.if %cond3A_320 {
        %add3A_355 = arith.constant 6 : i32
        %add3A_356 = arith.addi %mul3A_157, %add3A_355 : i32
        %add3A_357 = arith.constant 3 : i32
        %add3A_358 = arith.addi %add3A_356, %add3A_357 : i32
        %dma_start3A_359 = arith.constant 0 : i32
        %dma_start3A_360 = tpu.memref_slice %arg8[%add3A_358, %dma_start3A_359] : memref<250x40xi32, #tpu.memory_space<vmem>> -> memref<1x40xi32, #tpu.memory_space<vmem>>
        %dma_start3A_361 = tpu.memref_squeeze %dma_start3A_360 : memref<1x40xi32, #tpu.memory_space<vmem>> -> memref<40xi32, #tpu.memory_space<vmem>>
        %dma_start3A_362 = arith.constant 0 : i32
        %dma_start3A_363 = arith.constant 0 : i32
        %dma_start3A_364 = tpu.memref_slice %arg2[%dma_start3A_362, %dma_start3A_363] : memref<10000x128xf32, #tpu.memory_space<hbm>> -> memref<10000x128xf32, #tpu.memory_space<hbm>>
        tpu.enqueue_indirect_dma source(%dma_start3A_364 : memref<10000x128xf32, #tpu.memory_space<hbm>>) target(%arg13 : memref<40x128xf32, #tpu.memory_space<vmem>>) offsets(%dma_start3A_361 : memref<40xi32, #tpu.memory_space<vmem>>) semaphore(%arg20 : memref<!tpu.dma_semaphore, #tpu.memory_space<semaphore_mem>>)
      } else {
      }
      %add3A_321 = arith.constant 4 : i32
      %add3A_322 = arith.addi %mul3A_157, %add3A_321 : i32
      %dma_wait3A_323 = arith.constant 0 : i32
      %dma_wait3A_324 = tpu.memref_slice %arg9[%add3A_322, %dma_wait3A_323] : memref<250x40xi32, #tpu.memory_space<vmem>> -> memref<1x40xi32, #tpu.memory_space<vmem>>
      %dma_wait3A_325 = tpu.memref_squeeze %dma_wait3A_324 : memref<1x40xi32, #tpu.memory_space<vmem>> -> memref<40xi32, #tpu.memory_space<vmem>>
      %dma_wait3A_326 = arith.constant 0 : i32
      %dma_wait3A_327 = arith.constant 0 : i32
      %dma_wait3A_328 = tpu.memref_slice %arg16[%dma_wait3A_326, %dma_wait3A_327] : memref<10000x128xf32, #tpu.memory_space<vmem_shared>> -> memref<10000x128xf32, #tpu.memory_space<vmem_shared>>
      tpu.wait_indirect_dma semaphore(%arg27 : memref<!tpu.dma_semaphore, #tpu.memory_space<semaphore_mem>>) src(%arg14 : memref<40x128xf32, #tpu.memory_space<vmem>>) dst(%dma_wait3A_328 : memref<10000x128xf32, #tpu.memory_space<vmem_shared>>)
      %add3A_329 = arith.constant 6 : i32
      %add3A_330 = arith.addi %mul3A_157, %add3A_329 : i32
      %add3A_331 = arith.constant 4 : i32
      %add3A_332 = arith.addi %add3A_330, %add3A_331 : i32
      %lt3A_333 = arith.constant 250 : i32
      %lt3A_334 = arith.cmpi slt, %add3A_332, %lt3A_333 : i32
      %convert_element_type3A_335 = arith.extui %lt3A_334 : i1 to i32
      %cond3A_336 = arith.constant 0 : i32
      %cond3A_337 = arith.cmpi ne, %convert_element_type3A_335, %cond3A_336 : i32
      scf.if %cond3A_337 {
        %add3A_355 = arith.constant 6 : i32
        %add3A_356 = arith.addi %mul3A_157, %add3A_355 : i32
        %add3A_357 = arith.constant 4 : i32
        %add3A_358 = arith.addi %add3A_356, %add3A_357 : i32
        %dma_start3A_359 = arith.constant 0 : i32
        %dma_start3A_360 = tpu.memref_slice %arg8[%add3A_358, %dma_start3A_359] : memref<250x40xi32, #tpu.memory_space<vmem>> -> memref<1x40xi32, #tpu.memory_space<vmem>>
        %dma_start3A_361 = tpu.memref_squeeze %dma_start3A_360 : memref<1x40xi32, #tpu.memory_space<vmem>> -> memref<40xi32, #tpu.memory_space<vmem>>
        %dma_start3A_362 = arith.constant 0 : i32
        %dma_start3A_363 = arith.constant 0 : i32
        %dma_start3A_364 = tpu.memref_slice %arg2[%dma_start3A_362, %dma_start3A_363] : memref<10000x128xf32, #tpu.memory_space<hbm>> -> memref<10000x128xf32, #tpu.memory_space<hbm>>
        tpu.enqueue_indirect_dma source(%dma_start3A_364 : memref<10000x128xf32, #tpu.memory_space<hbm>>) target(%arg14 : memref<40x128xf32, #tpu.memory_space<vmem>>) offsets(%dma_start3A_361 : memref<40xi32, #tpu.memory_space<vmem>>) semaphore(%arg21 : memref<!tpu.dma_semaphore, #tpu.memory_space<semaphore_mem>>)
      } else {
      }
      %add3A_338 = arith.constant 5 : i32
      %add3A_339 = arith.addi %mul3A_157, %add3A_338 : i32
      %dma_wait3A_340 = arith.constant 0 : i32
      %dma_wait3A_341 = tpu.memref_slice %arg9[%add3A_339, %dma_wait3A_340] : memref<250x40xi32, #tpu.memory_space<vmem>> -> memref<1x40xi32, #tpu.memory_space<vmem>>
      %dma_wait3A_342 = tpu.memref_squeeze %dma_wait3A_341 : memref<1x40xi32, #tpu.memory_space<vmem>> -> memref<40xi32, #tpu.memory_space<vmem>>
      %dma_wait3A_343 = arith.constant 0 : i32
      %dma_wait3A_344 = arith.constant 0 : i32
      %dma_wait3A_345 = tpu.memref_slice %arg16[%dma_wait3A_343, %dma_wait3A_344] : memref<10000x128xf32, #tpu.memory_space<vmem_shared>> -> memref<10000x128xf32, #tpu.memory_space<vmem_shared>>
      tpu.wait_indirect_dma semaphore(%arg28 : memref<!tpu.dma_semaphore, #tpu.memory_space<semaphore_mem>>) src(%arg15 : memref<40x128xf32, #tpu.memory_space<vmem>>) dst(%dma_wait3A_345 : memref<10000x128xf32, #tpu.memory_space<vmem_shared>>)
      %add3A_346 = arith.constant 6 : i32
      %add3A_347 = arith.addi %mul3A_157, %add3A_346 : i32
      %add3A_348 = arith.constant 5 : i32
      %add3A_349 = arith.addi %add3A_347, %add3A_348 : i32
      %lt3A_350 = arith.constant 250 : i32
      %lt3A_351 = arith.cmpi slt, %add3A_349, %lt3A_350 : i32
      %convert_element_type3A_352 = arith.extui %lt3A_351 : i1 to i32
      %cond3A_353 = arith.constant 0 : i32
      %cond3A_354 = arith.cmpi ne, %convert_element_type3A_352, %cond3A_353 : i32
      scf.if %cond3A_354 {
        %add3A_355 = arith.constant 6 : i32
        %add3A_356 = arith.addi %mul3A_157, %add3A_355 : i32
        %add3A_357 = arith.constant 5 : i32
        %add3A_358 = arith.addi %add3A_356, %add3A_357 : i32
        %dma_start3A_359 = arith.constant 0 : i32
        %dma_start3A_360 = tpu.memref_slice %arg8[%add3A_358, %dma_start3A_359] : memref<250x40xi32, #tpu.memory_space<vmem>> -> memref<1x40xi32, #tpu.memory_space<vmem>>
        %dma_start3A_361 = tpu.memref_squeeze %dma_start3A_360 : memref<1x40xi32, #tpu.memory_space<vmem>> -> memref<40xi32, #tpu.memory_space<vmem>>
        %dma_start3A_362 = arith.constant 0 : i32
        %dma_start3A_363 = arith.constant 0 : i32
        %dma_start3A_364 = tpu.memref_slice %arg2[%dma_start3A_362, %dma_start3A_363] : memref<10000x128xf32, #tpu.memory_space<hbm>> -> memref<10000x128xf32, #tpu.memory_space<hbm>>
        tpu.enqueue_indirect_dma source(%dma_start3A_364 : memref<10000x128xf32, #tpu.memory_space<hbm>>) target(%arg15 : memref<40x128xf32, #tpu.memory_space<vmem>>) offsets(%dma_start3A_361 : memref<40xi32, #tpu.memory_space<vmem>>) semaphore(%arg22 : memref<!tpu.dma_semaphore, #tpu.memory_space<semaphore_mem>>)
      } else {
      }
    }
    %scan3A_116 = arith.constant 41 : i32
    %dma_wait3A = arith.constant 246 : i32
    %dma_wait3A_117 = arith.constant 0 : i32
    %dma_wait3A_118 = tpu.memref_slice %arg8[%dma_wait3A, %dma_wait3A_117] : memref<250x40xi32, #tpu.memory_space<vmem>> -> memref<1x40xi32, #tpu.memory_space<vmem>>
    %dma_wait3A_119 = tpu.memref_squeeze %dma_wait3A_118 : memref<1x40xi32, #tpu.memory_space<vmem>> -> memref<40xi32, #tpu.memory_space<vmem>>
    %dma_wait3A_120 = arith.constant 0 : i32
    %dma_wait3A_121 = arith.constant 0 : i32
    %dma_wait3A_122 = tpu.memref_slice %arg2[%dma_wait3A_120, %dma_wait3A_121] : memref<10000x128xf32, #tpu.memory_space<hbm>> -> memref<10000x128xf32, #tpu.memory_space<hbm>>
    tpu.wait_indirect_dma semaphore(%arg17 : memref<!tpu.dma_semaphore, #tpu.memory_space<semaphore_mem>>) src(%dma_wait3A_122 : memref<10000x128xf32, #tpu.memory_space<hbm>>) dst(%arg10 : memref<40x128xf32, #tpu.memory_space<vmem>>)
    %run_scoped3A = arith.constant 246 : i32
    "tpu.region"() ({
      %run_scoped3A_155 = tpu.sem_alloc : memref<!tpu.dma_semaphore, #tpu.memory_space<semaphore_mem>>
      %dma_start3A_156 = arith.constant 0 : i32
      %dma_start3A_157 = tpu.memref_slice %arg9[%run_scoped3A, %dma_start3A_156] : memref<250x40xi32, #tpu.memory_space<vmem>> -> memref<1x40xi32, #tpu.memory_space<vmem>>
      %dma_start3A_158 = tpu.memref_squeeze %dma_start3A_157 : memref<1x40xi32, #tpu.memory_space<vmem>> -> memref<40xi32, #tpu.memory_space<vmem>>
      %dma_start3A_159 = arith.constant 0 : i32
      %dma_start3A_160 = arith.constant 0 : i32
      %dma_start3A_161 = tpu.memref_slice %arg16[%dma_start3A_159, %dma_start3A_160] : memref<10000x128xf32, #tpu.memory_space<vmem_shared>> -> memref<10000x128xf32, #tpu.memory_space<vmem_shared>>
      tpu.enqueue_indirect_dma source(%arg10 : memref<40x128xf32, #tpu.memory_space<vmem>>) target(%dma_start3A_161 : memref<10000x128xf32, #tpu.memory_space<vmem_shared>>) offsets(%dma_start3A_158 : memref<40xi32, #tpu.memory_space<vmem>>) semaphore(%run_scoped3A_155 : memref<!tpu.dma_semaphore, #tpu.memory_space<semaphore_mem>>) {add = true}
      %dma_wait3A_162 = arith.constant 0 : i32
      %dma_wait3A_163 = tpu.memref_slice %arg9[%run_scoped3A, %dma_wait3A_162] : memref<250x40xi32, #tpu.memory_space<vmem>> -> memref<1x40xi32, #tpu.memory_space<vmem>>
      %dma_wait3A_164 = tpu.memref_squeeze %dma_wait3A_163 : memref<1x40xi32, #tpu.memory_space<vmem>> -> memref<40xi32, #tpu.memory_space<vmem>>
      %dma_wait3A_165 = arith.constant 0 : i32
      %dma_wait3A_166 = arith.constant 0 : i32
      %dma_wait3A_167 = tpu.memref_slice %arg16[%dma_wait3A_165, %dma_wait3A_166] : memref<10000x128xf32, #tpu.memory_space<vmem_shared>> -> memref<10000x128xf32, #tpu.memory_space<vmem_shared>>
      tpu.wait_indirect_dma semaphore(%run_scoped3A_155 : memref<!tpu.dma_semaphore, #tpu.memory_space<semaphore_mem>>) src(%arg10 : memref<40x128xf32, #tpu.memory_space<vmem>>) dst(%dma_wait3A_167 : memref<10000x128xf32, #tpu.memory_space<vmem_shared>>)
      tpu.yield
    }) : () -> ()
    %dma_wait3A_123 = arith.constant 247 : i32
    %dma_wait3A_124 = arith.constant 0 : i32
    %dma_wait3A_125 = tpu.memref_slice %arg8[%dma_wait3A_123, %dma_wait3A_124] : memref<250x40xi32, #tpu.memory_space<vmem>> -> memref<1x40xi32, #tpu.memory_space<vmem>>
    %dma_wait3A_126 = tpu.memref_squeeze %dma_wait3A_125 : memref<1x40xi32, #tpu.memory_space<vmem>> -> memref<40xi32, #tpu.memory_space<vmem>>
    %dma_wait3A_127 = arith.constant 0 : i32
    %dma_wait3A_128 = arith.constant 0 : i32
    %dma_wait3A_129 = tpu.memref_slice %arg2[%dma_wait3A_127, %dma_wait3A_128] : memref<10000x128xf32, #tpu.memory_space<hbm>> -> memref<10000x128xf32, #tpu.memory_space<hbm>>
    tpu.wait_indirect_dma semaphore(%arg18 : memref<!tpu.dma_semaphore, #tpu.memory_space<semaphore_mem>>) src(%dma_wait3A_129 : memref<10000x128xf32, #tpu.memory_space<hbm>>) dst(%arg11 : memref<40x128xf32, #tpu.memory_space<vmem>>)
    %run_scoped3A_130 = arith.constant 247 : i32
    "tpu.region"() ({
      %run_scoped3A_155 = tpu.sem_alloc : memref<!tpu.dma_semaphore, #tpu.memory_space<semaphore_mem>>
      %dma_start3A_156 = arith.constant 0 : i32
      %dma_start3A_157 = tpu.memref_slice %arg9[%run_scoped3A_130, %dma_start3A_156] : memref<250x40xi32, #tpu.memory_space<vmem>> -> memref<1x40xi32, #tpu.memory_space<vmem>>
      %dma_start3A_158 = tpu.memref_squeeze %dma_start3A_157 : memref<1x40xi32, #tpu.memory_space<vmem>> -> memref<40xi32, #tpu.memory_space<vmem>>
      %dma_start3A_159 = arith.constant 0 : i32
      %dma_start3A_160 = arith.constant 0 : i32
      %dma_start3A_161 = tpu.memref_slice %arg16[%dma_start3A_159, %dma_start3A_160] : memref<10000x128xf32, #tpu.memory_space<vmem_shared>> -> memref<10000x128xf32, #tpu.memory_space<vmem_shared>>
      tpu.enqueue_indirect_dma source(%arg11 : memref<40x128xf32, #tpu.memory_space<vmem>>) target(%dma_start3A_161 : memref<10000x128xf32, #tpu.memory_space<vmem_shared>>) offsets(%dma_start3A_158 : memref<40xi32, #tpu.memory_space<vmem>>) semaphore(%run_scoped3A_155 : memref<!tpu.dma_semaphore, #tpu.memory_space<semaphore_mem>>) {add = true}
      %dma_wait3A_162 = arith.constant 0 : i32
      %dma_wait3A_163 = tpu.memref_slice %arg9[%run_scoped3A_130, %dma_wait3A_162] : memref<250x40xi32, #tpu.memory_space<vmem>> -> memref<1x40xi32, #tpu.memory_space<vmem>>
      %dma_wait3A_164 = tpu.memref_squeeze %dma_wait3A_163 : memref<1x40xi32, #tpu.memory_space<vmem>> -> memref<40xi32, #tpu.memory_space<vmem>>
      %dma_wait3A_165 = arith.constant 0 : i32
      %dma_wait3A_166 = arith.constant 0 : i32
      %dma_wait3A_167 = tpu.memref_slice %arg16[%dma_wait3A_165, %dma_wait3A_166] : memref<10000x128xf32, #tpu.memory_space<vmem_shared>> -> memref<10000x128xf32, #tpu.memory_space<vmem_shared>>
      tpu.wait_indirect_dma semaphore(%run_scoped3A_155 : memref<!tpu.dma_semaphore, #tpu.memory_space<semaphore_mem>>) src(%arg11 : memref<40x128xf32, #tpu.memory_space<vmem>>) dst(%dma_wait3A_167 : memref<10000x128xf32, #tpu.memory_space<vmem_shared>>)
      tpu.yield
    }) : () -> ()
    %dma_wait3A_131 = arith.constant 248 : i32
    %dma_wait3A_132 = arith.constant 0 : i32
    %dma_wait3A_133 = tpu.memref_slice %arg8[%dma_wait3A_131, %dma_wait3A_132] : memref<250x40xi32, #tpu.memory_space<vmem>> -> memref<1x40xi32, #tpu.memory_space<vmem>>
    %dma_wait3A_134 = tpu.memref_squeeze %dma_wait3A_133 : memref<1x40xi32, #tpu.memory_space<vmem>> -> memref<40xi32, #tpu.memory_space<vmem>>
    %dma_wait3A_135 = arith.constant 0 : i32
    %dma_wait3A_136 = arith.constant 0 : i32
    %dma_wait3A_137 = tpu.memref_slice %arg2[%dma_wait3A_135, %dma_wait3A_136] : memref<10000x128xf32, #tpu.memory_space<hbm>> -> memref<10000x128xf32, #tpu.memory_space<hbm>>
    tpu.wait_indirect_dma semaphore(%arg19 : memref<!tpu.dma_semaphore, #tpu.memory_space<semaphore_mem>>) src(%dma_wait3A_137 : memref<10000x128xf32, #tpu.memory_space<hbm>>) dst(%arg12 : memref<40x128xf32, #tpu.memory_space<vmem>>)
    %run_scoped3A_138 = arith.constant 248 : i32
    "tpu.region"() ({
      %run_scoped3A_155 = tpu.sem_alloc : memref<!tpu.dma_semaphore, #tpu.memory_space<semaphore_mem>>
      %dma_start3A_156 = arith.constant 0 : i32
      %dma_start3A_157 = tpu.memref_slice %arg9[%run_scoped3A_138, %dma_start3A_156] : memref<250x40xi32, #tpu.memory_space<vmem>> -> memref<1x40xi32, #tpu.memory_space<vmem>>
      %dma_start3A_158 = tpu.memref_squeeze %dma_start3A_157 : memref<1x40xi32, #tpu.memory_space<vmem>> -> memref<40xi32, #tpu.memory_space<vmem>>
      %dma_start3A_159 = arith.constant 0 : i32
      %dma_start3A_160 = arith.constant 0 : i32
      %dma_start3A_161 = tpu.memref_slice %arg16[%dma_start3A_159, %dma_start3A_160] : memref<10000x128xf32, #tpu.memory_space<vmem_shared>> -> memref<10000x128xf32, #tpu.memory_space<vmem_shared>>
      tpu.enqueue_indirect_dma source(%arg12 : memref<40x128xf32, #tpu.memory_space<vmem>>) target(%dma_start3A_161 : memref<10000x128xf32, #tpu.memory_space<vmem_shared>>) offsets(%dma_start3A_158 : memref<40xi32, #tpu.memory_space<vmem>>) semaphore(%run_scoped3A_155 : memref<!tpu.dma_semaphore, #tpu.memory_space<semaphore_mem>>) {add = true}
      %dma_wait3A_162 = arith.constant 0 : i32
      %dma_wait3A_163 = tpu.memref_slice %arg9[%run_scoped3A_138, %dma_wait3A_162] : memref<250x40xi32, #tpu.memory_space<vmem>> -> memref<1x40xi32, #tpu.memory_space<vmem>>
      %dma_wait3A_164 = tpu.memref_squeeze %dma_wait3A_163 : memref<1x40xi32, #tpu.memory_space<vmem>> -> memref<40xi32, #tpu.memory_space<vmem>>
      %dma_wait3A_165 = arith.constant 0 : i32
      %dma_wait3A_166 = arith.constant 0 : i32
      %dma_wait3A_167 = tpu.memref_slice %arg16[%dma_wait3A_165, %dma_wait3A_166] : memref<10000x128xf32, #tpu.memory_space<vmem_shared>> -> memref<10000x128xf32, #tpu.memory_space<vmem_shared>>
      tpu.wait_indirect_dma semaphore(%run_scoped3A_155 : memref<!tpu.dma_semaphore, #tpu.memory_space<semaphore_mem>>) src(%arg12 : memref<40x128xf32, #tpu.memory_space<vmem>>) dst(%dma_wait3A_167 : memref<10000x128xf32, #tpu.memory_space<vmem_shared>>)
      tpu.yield
    }) : () -> ()
    %dma_wait3A_139 = arith.constant 249 : i32
    %dma_wait3A_140 = arith.constant 0 : i32
    %dma_wait3A_141 = tpu.memref_slice %arg8[%dma_wait3A_139, %dma_wait3A_140] : memref<250x40xi32, #tpu.memory_space<vmem>> -> memref<1x40xi32, #tpu.memory_space<vmem>>
    %dma_wait3A_142 = tpu.memref_squeeze %dma_wait3A_141 : memref<1x40xi32, #tpu.memory_space<vmem>> -> memref<40xi32, #tpu.memory_space<vmem>>
    %dma_wait3A_143 = arith.constant 0 : i32
    %dma_wait3A_144 = arith.constant 0 : i32
    %dma_wait3A_145 = tpu.memref_slice %arg2[%dma_wait3A_143, %dma_wait3A_144] : memref<10000x128xf32, #tpu.memory_space<hbm>> -> memref<10000x128xf32, #tpu.memory_space<hbm>>
    tpu.wait_indirect_dma semaphore(%arg20 : memref<!tpu.dma_semaphore, #tpu.memory_space<semaphore_mem>>) src(%dma_wait3A_145 : memref<10000x128xf32, #tpu.memory_space<hbm>>) dst(%arg13 : memref<40x128xf32, #tpu.memory_space<vmem>>)
    %run_scoped3A_146 = arith.constant 249 : i32
    "tpu.region"() ({
      %run_scoped3A_155 = tpu.sem_alloc : memref<!tpu.dma_semaphore, #tpu.memory_space<semaphore_mem>>
      %dma_start3A_156 = arith.constant 0 : i32
      %dma_start3A_157 = tpu.memref_slice %arg9[%run_scoped3A_146, %dma_start3A_156] : memref<250x40xi32, #tpu.memory_space<vmem>> -> memref<1x40xi32, #tpu.memory_space<vmem>>
      %dma_start3A_158 = tpu.memref_squeeze %dma_start3A_157 : memref<1x40xi32, #tpu.memory_space<vmem>> -> memref<40xi32, #tpu.memory_space<vmem>>
      %dma_start3A_159 = arith.constant 0 : i32
      %dma_start3A_160 = arith.constant 0 : i32
      %dma_start3A_161 = tpu.memref_slice %arg16[%dma_start3A_159, %dma_start3A_160] : memref<10000x128xf32, #tpu.memory_space<vmem_shared>> -> memref<10000x128xf32, #tpu.memory_space<vmem_shared>>
      tpu.enqueue_indirect_dma source(%arg13 : memref<40x128xf32, #tpu.memory_space<vmem>>) target(%dma_start3A_161 : memref<10000x128xf32, #tpu.memory_space<vmem_shared>>) offsets(%dma_start3A_158 : memref<40xi32, #tpu.memory_space<vmem>>) semaphore(%run_scoped3A_155 : memref<!tpu.dma_semaphore, #tpu.memory_space<semaphore_mem>>) {add = true}
      %dma_wait3A_162 = arith.constant 0 : i32
      %dma_wait3A_163 = tpu.memref_slice %arg9[%run_scoped3A_146, %dma_wait3A_162] : memref<250x40xi32, #tpu.memory_space<vmem>> -> memref<1x40xi32, #tpu.memory_space<vmem>>
      %dma_wait3A_164 = tpu.memref_squeeze %dma_wait3A_163 : memref<1x40xi32, #tpu.memory_space<vmem>> -> memref<40xi32, #tpu.memory_space<vmem>>
      %dma_wait3A_165 = arith.constant 0 : i32
      %dma_wait3A_166 = arith.constant 0 : i32
      %dma_wait3A_167 = tpu.memref_slice %arg16[%dma_wait3A_165, %dma_wait3A_166] : memref<10000x128xf32, #tpu.memory_space<vmem_shared>> -> memref<10000x128xf32, #tpu.memory_space<vmem_shared>>
      tpu.wait_indirect_dma semaphore(%run_scoped3A_155 : memref<!tpu.dma_semaphore, #tpu.memory_space<semaphore_mem>>) src(%arg13 : memref<40x128xf32, #tpu.memory_space<vmem>>) dst(%dma_wait3A_167 : memref<10000x128xf32, #tpu.memory_space<vmem_shared>>)
      tpu.yield
    }) : () -> ()
    %barrier3A_147 = arith.constant 0 : index
    tpu.barrier barrier_id(%barrier3A_147)
    %eq3A = arith.constant 0 : i32
    %eq3A_148 = arith.cmpi eq, %arg0, %eq3A : i32
    %convert_element_type3A = arith.extui %eq3A_148 : i1 to i32
    %cond3A = arith.constant 0 : i32
    %cond3A_149 = arith.cmpi ne, %convert_element_type3A, %cond3A : i32
    scf.if %cond3A_149 {
      "tpu.region"() ({
        %run_scoped3A_155 = tpu.sem_alloc : memref<!tpu.dma_semaphore, #tpu.memory_space<semaphore_mem>>
        %dma_start3A_156 = arith.constant 0 : i32
        %dma_start3A_157 = tpu.memref_slice %arg6[%mul3A_0, %dma_start3A_156] : memref<10000x128xf32, #tpu.memory_space<hbm>> -> memref<625x128xf32, #tpu.memory_space<hbm>>
        %dma_start3A_158 = arith.constant 0 : i32
        %dma_start3A_159 = tpu.memref_slice %arg16[%mul3A_0, %dma_start3A_158] : memref<10000x128xf32, #tpu.memory_space<vmem_shared>> -> memref<625x128xf32, #tpu.memory_space<vmem_shared>>
        tpu.enqueue_dma source(%dma_start3A_159 : memref<625x128xf32, #tpu.memory_space<vmem_shared>>) target(%dma_start3A_157 : memref<625x128xf32, #tpu.memory_space<hbm>>) target_semaphore(%run_scoped3A_155 : memref<!tpu.dma_semaphore, #tpu.memory_space<semaphore_mem>>)
        %dma_wait3A_160 = arith.constant 0 : i32
        %dma_wait3A_161 = tpu.memref_slice %arg6[%mul3A_0, %dma_wait3A_160] : memref<10000x128xf32, #tpu.memory_space<hbm>> -> memref<625x128xf32, #tpu.memory_space<hbm>>
        %dma_wait3A_162 = arith.constant 0 : i32
        %dma_wait3A_163 = tpu.memref_slice %arg16[%mul3A_0, %dma_wait3A_162] : memref<10000x128xf32, #tpu.memory_space<vmem_shared>> -> memref<625x128xf32, #tpu.memory_space<vmem_shared>>
        tpu.wait_dma2 semaphore(%run_scoped3A_155 : memref<!tpu.dma_semaphore, #tpu.memory_space<semaphore_mem>>) src(%dma_wait3A_163 : memref<625x128xf32, #tpu.memory_space<vmem_shared>>) dst(%dma_wait3A_161 : memref<625x128xf32, #tpu.memory_space<hbm>>)
        tpu.yield
      }) : () -> ()
    } else {
    }
    %eq3A_150 = arith.constant 1 : i32
    %eq3A_151 = arith.cmpi eq, %arg0, %eq3A_150 : i32
    %convert_element_type3A_152 = arith.extui %eq3A_151 : i1 to i32
    %cond3A_153 = arith.constant 0 : i32
    %cond3A_154 = arith.cmpi ne, %convert_element_type3A_152, %cond3A_153 : i32
    scf.if %cond3A_154 {
      "tpu.region"() ({
        %run_scoped3A_155 = tpu.sem_alloc : memref<!tpu.dma_semaphore, #tpu.memory_space<semaphore_mem>>
        %dma_start3A_156 = arith.constant 0 : i32
        %dma_start3A_157 = tpu.memref_slice %arg7[%mul3A_0, %dma_start3A_156] : memref<10000x128xf32, #tpu.memory_space<hbm>> -> memref<625x128xf32, #tpu.memory_space<hbm>>
        %dma_start3A_158 = arith.constant 0 : i32
        %dma_start3A_159 = tpu.memref_slice %arg16[%mul3A_0, %dma_start3A_158] : memref<10000x128xf32, #tpu.memory_space<vmem_shared>> -> memref<625x128xf32, #tpu.memory_space<vmem_shared>>
        tpu.enqueue_dma source(%dma_start3A_159 : memref<625x128xf32, #tpu.memory_space<vmem_shared>>) target(%dma_start3A_157 : memref<625x128xf32, #tpu.memory_space<hbm>>) target_semaphore(%run_scoped3A_155 : memref<!tpu.dma_semaphore, #tpu.memory_space<semaphore_mem>>)
        %dma_wait3A_160 = arith.constant 0 : i32
        %dma_wait3A_161 = tpu.memref_slice %arg7[%mul3A_0, %dma_wait3A_160] : memref<10000x128xf32, #tpu.memory_space<hbm>> -> memref<625x128xf32, #tpu.memory_space<hbm>>
        %dma_wait3A_162 = arith.constant 0 : i32
        %dma_wait3A_163 = tpu.memref_slice %arg16[%mul3A_0, %dma_wait3A_162] : memref<10000x128xf32, #tpu.memory_space<vmem_shared>> -> memref<625x128xf32, #tpu.memory_space<vmem_shared>>
        tpu.wait_dma2 semaphore(%run_scoped3A_155 : memref<!tpu.dma_semaphore, #tpu.memory_space<semaphore_mem>>) src(%dma_wait3A_163 : memref<625x128xf32, #tpu.memory_space<vmem_shared>>) dst(%dma_wait3A_161 : memref<625x128xf32, #tpu.memory_space<hbm>>)
        tpu.yield
      }) : () -> ()
    } else {
    }
    return
  }
}

module attributes {stable_mosaic.version = 14 : i64} {
  func.func @_tca_body(%arg0: i32, %arg1: memref<2000x128xf32, #tpu.memory_space<vmem>>, %arg2: memref<128x64xf32, #tpu.memory_space<vmem>>, %arg3: memref<2000x8xf32, #tpu.memory_space<vmem>>, %arg4: memref<2000x8xf32, #tpu.memory_space<vmem>>, %arg5: memref<2000x64xf32, #tpu.memory_space<vmem>>) attributes {dimension_semantics = [#tpu.dimension_semantics<arbitrary>], iteration_bounds = array<i64: 5>, scalar_prefetch = 0 : i64, scratch_operands = 0 : i64, tpu.core_type = #tpu.core_type<tc>, window_params = [{transform_indices = @transform_0, window_bounds = array<i64: 2000, 128>}, {pipeline_mode = #tpu.pipeline_mode<synchronous>, transform_indices = @transform_1, window_bounds = array<i64: 128, 64>}, {transform_indices = @transform_2, window_bounds = array<i64: 2000, 8>}, {transform_indices = @transform_3, window_bounds = array<i64: 2000, 8>}, {transform_indices = @transform_4, window_bounds = array<i64: 2000, 64>}]} {
    %get3A = arith.constant 0 : index
    %get3A_0 = arith.constant 0 : index
    %get3A_1 = vector.load %arg3[%get3A, %get3A_0] : memref<2000x8xf32, #tpu.memory_space<vmem>>, vector<2000x8xf32>
    %get3A_2 = arith.constant 0 : index
    %get3A_3 = arith.constant 0 : index
    %get3A_4 = vector.load %arg4[%get3A_2, %get3A_3] : memref<2000x8xf32, #tpu.memory_space<vmem>>, vector<2000x8xf32>
    %slice3A = vector.extract_strided_slice %get3A_1 {offsets = [0, 0], sizes = [2000, 1], strides = [1, 1]} : vector<2000x8xf32> to vector<2000x1xf32>
    %slice3A_5 = vector.extract_strided_slice %get3A_4 {offsets = [0, 0], sizes = [2000, 1], strides = [1, 1]} : vector<2000x8xf32> to vector<2000x1xf32>
    %add3A = arith.addf %slice3A, %slice3A_5 : vector<2000x1xf32>
    %add3A_6 = arith.constant 1.000000e+00 : f32
    %add3A_7 = vector.broadcast %add3A_6 : f32 to vector<2000x1xf32>
    %add3A_8 = arith.addf %add3A, %add3A_7 : vector<2000x1xf32>
    %sqrt3A = math.sqrt %add3A_8 : vector<2000x1xf32>
    %div3A = arith.constant 1.000000e+00 : f32
    %div3A_9 = vector.broadcast %div3A : f32 to vector<2000x1xf32>
    %div3A_10 = arith.divf %div3A_9, %sqrt3A : vector<2000x1xf32>
    %get3A_11 = arith.constant 0 : index
    %get3A_12 = arith.constant 0 : index
    %get3A_13 = vector.load %arg1[%get3A_11, %get3A_12] : memref<2000x128xf32, #tpu.memory_space<vmem>>, vector<2000x128xf32>
    %get3A_14 = arith.constant 0 : index
    %get3A_15 = arith.constant 0 : index
    %get3A_16 = vector.load %arg2[%get3A_14, %get3A_15] : memref<128x64xf32, #tpu.memory_space<vmem>>, vector<128x64xf32>
    %dot_general3A = arith.constant dense<0.000000e+00> : vector<2000x64xf32>
    %dot_general3A_17 = tpu.matmul %get3A_13, %get3A_16, %dot_general3A {dimension_numbers = #tpu.dot_dimension_numbers<[1], [0], [0], [1], [0, 0, 1, 1], [], []>, transpose_lhs_hint = false} : vector<2000x128xf32>, vector<128x64xf32>, vector<2000x64xf32> -> vector<2000x64xf32>
    %mul3A = vector.broadcast %div3A_10 : vector<2000x1xf32> to vector<2000x64xf32>
    %mul3A_18 = arith.mulf %mul3A, %dot_general3A_17 : vector<2000x64xf32>
    %swap3A = arith.constant 0 : index
    %swap3A_19 = arith.constant 0 : index
    %swap3A_20 = vector.load %arg5[%swap3A, %swap3A_19] : memref<2000x64xf32, #tpu.memory_space<vmem>>, vector<2000x64xf32>
    tpu.vector_store %arg5[%swap3A, %swap3A_19], %mul3A_18 {strides = array<i32>} : memref<2000x64xf32, #tpu.memory_space<vmem>>, vector<2000x64xf32>,
    return
  }
  func.func @transform_0(%arg0: i32) -> (i32, i32) {
    %c0_i32 = arith.constant 0 : i32
    %c0_i32_0 = arith.constant 0 : i32
    return %arg0, %c0_i32 : i32, i32
  }
  func.func @transform_1(%arg0: i32) -> (i32, i32) {
    %c0_i32 = arith.constant 0 : i32
    %c0_i32_0 = arith.constant 0 : i32
    %c0_i32_1 = arith.constant 0 : i32
    return %c0_i32, %c0_i32_0 : i32, i32
  }
  func.func @transform_2(%arg0: i32) -> (i32, i32) {
    %c0_i32 = arith.constant 0 : i32
    %c0_i32_0 = arith.constant 0 : i32
    return %arg0, %c0_i32 : i32, i32
  }
  func.func @transform_3(%arg0: i32) -> (i32, i32) {
    %c0_i32 = arith.constant 0 : i32
    %c0_i32_0 = arith.constant 0 : i32
    return %arg0, %c0_i32 : i32, i32
  }
  func.func @transform_4(%arg0: i32) -> (i32, i32) {
    %c0_i32 = arith.constant 0 : i32
    %c0_i32_0 = arith.constant 0 : i32
    return %arg0, %c0_i32 : i32, i32
  }
}

module attributes {stable_mosaic.version = 14 : i64} {
  func.func @_tcb_body(%arg0: i32, %arg1: memref<2000x64xf32, #tpu.memory_space<vmem>>, %arg2: memref<2000x64xf32, #tpu.memory_space<vmem>>, %arg3: memref<2000x64xf32, #tpu.memory_space<vmem>>, %arg4: memref<1x64xf32, #tpu.memory_space<vmem>>, %arg5: memref<2000x8xf32, #tpu.memory_space<vmem>>, %arg6: memref<2000x8xf32, #tpu.memory_space<vmem>>, %arg7: memref<2000x64xf32, #tpu.memory_space<vmem>>) attributes {dimension_semantics = [#tpu.dimension_semantics<arbitrary>], iteration_bounds = array<i64: 5>, scalar_prefetch = 0 : i64, scratch_operands = 0 : i64, tpu.core_type = #tpu.core_type<tc>, window_params = [{transform_indices = @transform_0, window_bounds = array<i64: 2000, 64>}, {transform_indices = @transform_1, window_bounds = array<i64: 2000, 64>}, {transform_indices = @transform_2, window_bounds = array<i64: 2000, 64>}, {pipeline_mode = #tpu.pipeline_mode<synchronous>, transform_indices = @transform_3, window_bounds = array<i64: 1, 64>}, {transform_indices = @transform_4, window_bounds = array<i64: 2000, 8>}, {transform_indices = @transform_5, window_bounds = array<i64: 2000, 8>}, {transform_indices = @transform_6, window_bounds = array<i64: 2000, 64>}]} {
    %get3A = arith.constant 0 : index
    %get3A_0 = arith.constant 0 : index
    %get3A_1 = vector.load %arg5[%get3A, %get3A_0] : memref<2000x8xf32, #tpu.memory_space<vmem>>, vector<2000x8xf32>
    %get3A_2 = arith.constant 0 : index
    %get3A_3 = arith.constant 0 : index
    %get3A_4 = vector.load %arg6[%get3A_2, %get3A_3] : memref<2000x8xf32, #tpu.memory_space<vmem>>, vector<2000x8xf32>
    %slice3A = vector.extract_strided_slice %get3A_1 {offsets = [0, 0], sizes = [2000, 1], strides = [1, 1]} : vector<2000x8xf32> to vector<2000x1xf32>
    %slice3A_5 = vector.extract_strided_slice %get3A_4 {offsets = [0, 0], sizes = [2000, 1], strides = [1, 1]} : vector<2000x8xf32> to vector<2000x1xf32>
    %add3A = arith.addf %slice3A, %slice3A_5 : vector<2000x1xf32>
    %add3A_6 = arith.constant 1.000000e+00 : f32
    %add3A_7 = vector.broadcast %add3A_6 : f32 to vector<2000x1xf32>
    %add3A_8 = arith.addf %add3A, %add3A_7 : vector<2000x1xf32>
    %sqrt3A = math.sqrt %add3A_8 : vector<2000x1xf32>
    %div3A = arith.constant 1.000000e+00 : f32
    %div3A_9 = vector.broadcast %div3A : f32 to vector<2000x1xf32>
    %div3A_10 = arith.divf %div3A_9, %sqrt3A : vector<2000x1xf32>
    %get3A_11 = arith.constant 0 : index
    %get3A_12 = arith.constant 0 : index
    %get3A_13 = vector.load %arg1[%get3A_11, %get3A_12] : memref<2000x64xf32, #tpu.memory_space<vmem>>, vector<2000x64xf32>
    %get3A_14 = arith.constant 0 : index
    %get3A_15 = arith.constant 0 : index
    %get3A_16 = vector.load %arg2[%get3A_14, %get3A_15] : memref<2000x64xf32, #tpu.memory_space<vmem>>, vector<2000x64xf32>
    %add3A_17 = arith.addf %get3A_13, %get3A_16 : vector<2000x64xf32>
    %get3A_18 = arith.constant 0 : index
    %get3A_19 = arith.constant 0 : index
    %get3A_20 = vector.load %arg3[%get3A_18, %get3A_19] : memref<2000x64xf32, #tpu.memory_space<vmem>>, vector<2000x64xf32>
    %add3A_21 = arith.addf %add3A_17, %get3A_20 : vector<2000x64xf32>
    %mul3A = vector.broadcast %div3A_10 : vector<2000x1xf32> to vector<2000x64xf32>
    %mul3A_22 = arith.mulf %mul3A, %add3A_21 : vector<2000x64xf32>
    %get3A_23 = arith.constant 0 : index
    %get3A_24 = arith.constant 0 : index
    %get3A_25 = vector.load %arg4[%get3A_23, %get3A_24] : memref<1x64xf32, #tpu.memory_space<vmem>>, vector<1x64xf32>
    %add3A_26 = vector.broadcast %get3A_25 : vector<1x64xf32> to vector<2000x64xf32>
    %add3A_27 = arith.addf %mul3A_22, %add3A_26 : vector<2000x64xf32>
    %max3A = arith.constant 0.000000e+00 : f32
    %max3A_28 = vector.broadcast %max3A : f32 to vector<2000x64xf32>
    %max3A_29 = arith.maximumf %add3A_27, %max3A_28 : vector<2000x64xf32>
    %mul3A_30 = vector.broadcast %div3A_10 : vector<2000x1xf32> to vector<2000x64xf32>
    %mul3A_31 = arith.mulf %mul3A_30, %max3A_29 : vector<2000x64xf32>
    %swap3A = arith.constant 0 : index
    %swap3A_32 = arith.constant 0 : index
    %swap3A_33 = vector.load %arg7[%swap3A, %swap3A_32] : memref<2000x64xf32, #tpu.memory_space<vmem>>, vector<2000x64xf32>
    tpu.vector_store %arg7[%swap3A, %swap3A_32], %mul3A_31 {strides = array<i32>} : memref<2000x64xf32, #tpu.memory_space<vmem>>, vector<2000x64xf32>,
    return
  }
  func.func @transform_0(%arg0: i32) -> (i32, i32) {
    %c0_i32 = arith.constant 0 : i32
    %c0_i32_0 = arith.constant 0 : i32
    return %arg0, %c0_i32 : i32, i32
  }
  func.func @transform_1(%arg0: i32) -> (i32, i32) {
    %c0_i32 = arith.constant 0 : i32
    %c0_i32_0 = arith.constant 0 : i32
    return %arg0, %c0_i32 : i32, i32
  }
  func.func @transform_2(%arg0: i32) -> (i32, i32) {
    %c0_i32 = arith.constant 0 : i32
    %c0_i32_0 = arith.constant 0 : i32
    return %arg0, %c0_i32 : i32, i32
  }
  func.func @transform_3(%arg0: i32) -> (i32, i32) {
    %c0_i32 = arith.constant 0 : i32
    %c0_i32_0 = arith.constant 0 : i32
    %c0_i32_1 = arith.constant 0 : i32
    return %c0_i32, %c0_i32_0 : i32, i32
  }
  func.func @transform_4(%arg0: i32) -> (i32, i32) {
    %c0_i32 = arith.constant 0 : i32
    %c0_i32_0 = arith.constant 0 : i32
    return %arg0, %c0_i32 : i32, i32
  }
  func.func @transform_5(%arg0: i32) -> (i32, i32) {
    %c0_i32 = arith.constant 0 : i32
    %c0_i32_0 = arith.constant 0 : i32
    return %arg0, %c0_i32 : i32, i32
  }
  func.func @transform_6(%arg0: i32) -> (i32, i32) {
    %c0_i32 = arith.constant 0 : i32
    %c0_i32_0 = arith.constant 0 : i32
    return %arg0, %c0_i32 : i32, i32
  }
}

module attributes {stable_mosaic.version = 14 : i64} {
  func.func @_tcc_body(%arg0: i32, %arg1: memref<2000x64xf32, #tpu.memory_space<vmem>>, %arg2: memref<2000x64xf32, #tpu.memory_space<vmem>>, %arg3: memref<2000x64xf32, #tpu.memory_space<vmem>>, %arg4: memref<64x128xf32, #tpu.memory_space<vmem>>, %arg5: memref<1x128xf32, #tpu.memory_space<vmem>>, %arg6: memref<2000x8xf32, #tpu.memory_space<vmem>>, %arg7: memref<2000x8xf32, #tpu.memory_space<vmem>>, %arg8: memref<2000x128xf32, #tpu.memory_space<vmem>>) attributes {dimension_semantics = [#tpu.dimension_semantics<arbitrary>], iteration_bounds = array<i64: 5>, scalar_prefetch = 0 : i64, scratch_operands = 0 : i64, tpu.core_type = #tpu.core_type<tc>, window_params = [{transform_indices = @transform_0, window_bounds = array<i64: 2000, 64>}, {transform_indices = @transform_1, window_bounds = array<i64: 2000, 64>}, {transform_indices = @transform_2, window_bounds = array<i64: 2000, 64>}, {pipeline_mode = #tpu.pipeline_mode<synchronous>, transform_indices = @transform_3, window_bounds = array<i64: 64, 128>}, {pipeline_mode = #tpu.pipeline_mode<synchronous>, transform_indices = @transform_4, window_bounds = array<i64: 1, 128>}, {transform_indices = @transform_5, window_bounds = array<i64: 2000, 8>}, {transform_indices = @transform_6, window_bounds = array<i64: 2000, 8>}, {transform_indices = @transform_7, window_bounds = array<i64: 2000, 128>}]} {
    %get3A = arith.constant 0 : index
    %get3A_0 = arith.constant 0 : index
    %get3A_1 = vector.load %arg6[%get3A, %get3A_0] : memref<2000x8xf32, #tpu.memory_space<vmem>>, vector<2000x8xf32>
    %get3A_2 = arith.constant 0 : index
    %get3A_3 = arith.constant 0 : index
    %get3A_4 = vector.load %arg7[%get3A_2, %get3A_3] : memref<2000x8xf32, #tpu.memory_space<vmem>>, vector<2000x8xf32>
    %slice3A = vector.extract_strided_slice %get3A_1 {offsets = [0, 0], sizes = [2000, 1], strides = [1, 1]} : vector<2000x8xf32> to vector<2000x1xf32>
    %slice3A_5 = vector.extract_strided_slice %get3A_4 {offsets = [0, 0], sizes = [2000, 1], strides = [1, 1]} : vector<2000x8xf32> to vector<2000x1xf32>
    %add3A = arith.addf %slice3A, %slice3A_5 : vector<2000x1xf32>
    %add3A_6 = arith.constant 1.000000e+00 : f32
    %add3A_7 = vector.broadcast %add3A_6 : f32 to vector<2000x1xf32>
    %add3A_8 = arith.addf %add3A, %add3A_7 : vector<2000x1xf32>
    %sqrt3A = math.sqrt %add3A_8 : vector<2000x1xf32>
    %div3A = arith.constant 1.000000e+00 : f32
    %div3A_9 = vector.broadcast %div3A : f32 to vector<2000x1xf32>
    %div3A_10 = arith.divf %div3A_9, %sqrt3A : vector<2000x1xf32>
    %get3A_11 = arith.constant 0 : index
    %get3A_12 = arith.constant 0 : index
    %get3A_13 = vector.load %arg1[%get3A_11, %get3A_12] : memref<2000x64xf32, #tpu.memory_space<vmem>>, vector<2000x64xf32>
    %get3A_14 = arith.constant 0 : index
    %get3A_15 = arith.constant 0 : index
    %get3A_16 = vector.load %arg2[%get3A_14, %get3A_15] : memref<2000x64xf32, #tpu.memory_space<vmem>>, vector<2000x64xf32>
    %add3A_17 = arith.addf %get3A_13, %get3A_16 : vector<2000x64xf32>
    %get3A_18 = arith.constant 0 : index
    %get3A_19 = arith.constant 0 : index
    %get3A_20 = vector.load %arg3[%get3A_18, %get3A_19] : memref<2000x64xf32, #tpu.memory_space<vmem>>, vector<2000x64xf32>
    %add3A_21 = arith.addf %add3A_17, %get3A_20 : vector<2000x64xf32>
    %mul3A = vector.broadcast %div3A_10 : vector<2000x1xf32> to vector<2000x64xf32>
    %mul3A_22 = arith.mulf %mul3A, %add3A_21 : vector<2000x64xf32>
    %get3A_23 = arith.constant 0 : index
    %get3A_24 = arith.constant 0 : index
    %get3A_25 = vector.load %arg4[%get3A_23, %get3A_24] : memref<64x128xf32, #tpu.memory_space<vmem>>, vector<64x128xf32>
    %dot_general3A = arith.constant dense<0.000000e+00> : vector<2000x128xf32>
    %dot_general3A_26 = tpu.matmul %mul3A_22, %get3A_25, %dot_general3A {dimension_numbers = #tpu.dot_dimension_numbers<[1], [0], [0], [1], [0, 0, 1, 1], [], []>, transpose_lhs_hint = false} : vector<2000x64xf32>, vector<64x128xf32>, vector<2000x128xf32> -> vector<2000x128xf32>
    %get3A_27 = arith.constant 0 : index
    %get3A_28 = arith.constant 0 : index
    %get3A_29 = vector.load %arg5[%get3A_27, %get3A_28] : memref<1x128xf32, #tpu.memory_space<vmem>>, vector<1x128xf32>
    %add3A_30 = vector.broadcast %get3A_29 : vector<1x128xf32> to vector<2000x128xf32>
    %add3A_31 = arith.addf %dot_general3A_26, %add3A_30 : vector<2000x128xf32>
    %max3A = arith.constant 0.000000e+00 : f32
    %max3A_32 = vector.broadcast %max3A : f32 to vector<2000x128xf32>
    %max3A_33 = arith.maximumf %add3A_31, %max3A_32 : vector<2000x128xf32>
    %mul3A_34 = vector.broadcast %div3A_10 : vector<2000x1xf32> to vector<2000x128xf32>
    %mul3A_35 = arith.mulf %mul3A_34, %max3A_33 : vector<2000x128xf32>
    %swap3A = arith.constant 0 : index
    %swap3A_36 = arith.constant 0 : index
    %swap3A_37 = vector.load %arg8[%swap3A, %swap3A_36] : memref<2000x128xf32, #tpu.memory_space<vmem>>, vector<2000x128xf32>
    tpu.vector_store %arg8[%swap3A, %swap3A_36], %mul3A_35 {strides = array<i32>} : memref<2000x128xf32, #tpu.memory_space<vmem>>, vector<2000x128xf32>,
    return
  }
  func.func @transform_0(%arg0: i32) -> (i32, i32) {
    %c0_i32 = arith.constant 0 : i32
    %c0_i32_0 = arith.constant 0 : i32
    return %arg0, %c0_i32 : i32, i32
  }
  func.func @transform_1(%arg0: i32) -> (i32, i32) {
    %c0_i32 = arith.constant 0 : i32
    %c0_i32_0 = arith.constant 0 : i32
    return %arg0, %c0_i32 : i32, i32
  }
  func.func @transform_2(%arg0: i32) -> (i32, i32) {
    %c0_i32 = arith.constant 0 : i32
    %c0_i32_0 = arith.constant 0 : i32
    return %arg0, %c0_i32 : i32, i32
  }
  func.func @transform_3(%arg0: i32) -> (i32, i32) {
    %c0_i32 = arith.constant 0 : i32
    %c0_i32_0 = arith.constant 0 : i32
    %c0_i32_1 = arith.constant 0 : i32
    return %c0_i32, %c0_i32_0 : i32, i32
  }
  func.func @transform_4(%arg0: i32) -> (i32, i32) {
    %c0_i32 = arith.constant 0 : i32
    %c0_i32_0 = arith.constant 0 : i32
    %c0_i32_1 = arith.constant 0 : i32
    return %c0_i32, %c0_i32_0 : i32, i32
  }
  func.func @transform_5(%arg0: i32) -> (i32, i32) {
    %c0_i32 = arith.constant 0 : i32
    %c0_i32_0 = arith.constant 0 : i32
    return %arg0, %c0_i32 : i32, i32
  }
  func.func @transform_6(%arg0: i32) -> (i32, i32) {
    %c0_i32 = arith.constant 0 : i32
    %c0_i32_0 = arith.constant 0 : i32
    return %arg0, %c0_i32 : i32, i32
  }
  func.func @transform_7(%arg0: i32) -> (i32, i32) {
    %c0_i32 = arith.constant 0 : i32
    %c0_i32_0 = arith.constant 0 : i32
    return %arg0, %c0_i32 : i32, i32
  }
}

module attributes {stable_mosaic.version = 14 : i64} {
  func.func @_tcd_body(%arg0: i32, %arg1: memref<2000x128xf32, #tpu.memory_space<vmem>>, %arg2: memref<2000x128xf32, #tpu.memory_space<vmem>>, %arg3: memref<2000x128xf32, #tpu.memory_space<vmem>>, %arg4: memref<128x256xf32, #tpu.memory_space<vmem>>, %arg5: memref<1x256xf32, #tpu.memory_space<vmem>>, %arg6: memref<2000x8xf32, #tpu.memory_space<vmem>>, %arg7: memref<2000x8xf32, #tpu.memory_space<vmem>>, %arg8: memref<2000x1xi32, #tpu.memory_space<vmem>>, %arg9: memref<256x512xf32, #tpu.memory_space<vmem>>, %arg10: memref<256x64xf32, #tpu.memory_space<vmem>>, %arg11: memref<1x64xf32, #tpu.memory_space<vmem>>, %arg12: memref<512x128xf32, #tpu.memory_space<vmem>>, %arg13: memref<1x128xf32, #tpu.memory_space<vmem>>, %arg14: memref<128x64xf32, #tpu.memory_space<vmem>>, %arg15: memref<1x64xf32, #tpu.memory_space<vmem>>, %arg16: memref<128x64xf32, #tpu.memory_space<vmem>>, %arg17: memref<1x64xf32, #tpu.memory_space<vmem>>, %arg18: memref<64x32xf32, #tpu.memory_space<vmem>>, %arg19: memref<1x32xf32, #tpu.memory_space<vmem>>, %arg20: memref<32x1xf32, #tpu.memory_space<vmem>>, %arg21: memref<1x1xf32, #tpu.memory_space<vmem>>, %arg22: memref<256x1xf32, #tpu.memory_space<vmem>>, %arg23: memref<256x256xf32, #tpu.memory_space<vmem>>, %arg24: memref<256x1xf32, #tpu.memory_space<vmem>>) attributes {dimension_semantics = [#tpu.dimension_semantics<arbitrary>], iteration_bounds = array<i64: 5>, scalar_prefetch = 0 : i64, scratch_operands = 2 : i64, tpu.core_type = #tpu.core_type<tc>, window_params = [{transform_indices = @transform_0, window_bounds = array<i64: 2000, 128>}, {transform_indices = @transform_1, window_bounds = array<i64: 2000, 128>}, {transform_indices = @transform_2, window_bounds = array<i64: 2000, 128>}, {pipeline_mode = #tpu.pipeline_mode<synchronous>, transform_indices = @transform_3, window_bounds = array<i64: 128, 256>}, {pipeline_mode = #tpu.pipeline_mode<synchronous>, transform_indices = @transform_4, window_bounds = array<i64: 1, 256>}, {transform_indices = @transform_5, window_bounds = array<i64: 2000, 8>}, {transform_indices = @transform_6, window_bounds = array<i64: 2000, 8>}, {transform_indices = @transform_7, window_bounds = array<i64: 2000, 1>}, {pipeline_mode = #tpu.pipeline_mode<synchronous>, transform_indices = @transform_8, window_bounds = array<i64: 256, 512>}, {pipeline_mode = #tpu.pipeline_mode<synchronous>, transform_indices = @transform_9, window_bounds = array<i64: 256, 64>}, {pipeline_mode = #tpu.pipeline_mode<synchronous>, transform_indices = @transform_10, window_bounds = array<i64: 1, 64>}, {pipeline_mode = #tpu.pipeline_mode<synchronous>, transform_indices = @transform_11, window_bounds = array<i64: 512, 128>}, {pipeline_mode = #tpu.pipeline_mode<synchronous>, transform_indices = @transform_12, window_bounds = array<i64: 1, 128>}, {pipeline_mode = #tpu.pipeline_mode<synchronous>, transform_indices = @transform_13, window_bounds = array<i64: 128, 64>}, {pipeline_mode = #tpu.pipeline_mode<synchronous>, transform_indices = @transform_14, window_bounds = array<i64: 1, 64>}, {pipeline_mode = #tpu.pipeline_mode<synchronous>, transform_indices = @transform_15, window_bounds = array<i64: 128, 64>}, {pipeline_mode = #tpu.pipeline_mode<synchronous>, transform_indices = @transform_16, window_bounds = array<i64: 1, 64>}, {pipeline_mode = #tpu.pipeline_mode<synchronous>, transform_indices = @transform_17, window_bounds = array<i64: 64, 32>}, {pipeline_mode = #tpu.pipeline_mode<synchronous>, transform_indices = @transform_18, window_bounds = array<i64: 1, 32>}, {pipeline_mode = #tpu.pipeline_mode<synchronous>, transform_indices = @transform_19, window_bounds = array<i64: 32, 1>}, {pipeline_mode = #tpu.pipeline_mode<synchronous>, transform_indices = @transform_20, window_bounds = array<i64: 1, 1>}, {pipeline_mode = #tpu.pipeline_mode<synchronous>, transform_indices = @transform_21, window_bounds = array<i64: 256, 1>}]} {
    %eq3A = arith.constant 0 : i32
    %eq3A_0 = arith.cmpi eq, %arg0, %eq3A : i32
    %convert_element_type3A = arith.extui %eq3A_0 : i1 to i32
    %cond3A = arith.constant 0 : i32
    %cond3A_1 = arith.cmpi ne, %convert_element_type3A, %cond3A : i32
    scf.if %cond3A_1 {
      %broadcast_in_dim3A_67 = arith.constant 0.000000e+00 : f32
      %broadcast_in_dim3A_68 = vector.broadcast %broadcast_in_dim3A_67 : f32 to vector<256x256xf32>
      %swap3A_69 = arith.constant 0 : index
      %swap3A_70 = arith.constant 0 : index
      %swap3A_71 = vector.load %arg23[%swap3A_69, %swap3A_70] : memref<256x256xf32, #tpu.memory_space<vmem>>, vector<256x256xf32>
      tpu.vector_store %arg23[%swap3A_69, %swap3A_70], %broadcast_in_dim3A_68 {strides = array<i32>} : memref<256x256xf32, #tpu.memory_space<vmem>>, vector<256x256xf32>,
      %broadcast_in_dim3A_72 = arith.constant 0.000000e+00 : f32
      %broadcast_in_dim3A_73 = vector.broadcast %broadcast_in_dim3A_72 : f32 to vector<256x1xf32>
      %swap3A_74 = arith.constant 0 : index
      %swap3A_75 = arith.constant 0 : index
      %swap3A_76 = vector.load %arg24[%swap3A_74, %swap3A_75] : memref<256x1xf32, #tpu.memory_space<vmem>>, vector<256x1xf32>
      tpu.vector_store %arg24[%swap3A_74, %swap3A_75], %broadcast_in_dim3A_73 {strides = array<i32>} : memref<256x1xf32, #tpu.memory_space<vmem>>, vector<256x1xf32>,
    } else {
    }
    %get3A = arith.constant 0 : index
    %get3A_2 = arith.constant 0 : index
    %get3A_3 = vector.load %arg6[%get3A, %get3A_2] : memref<2000x8xf32, #tpu.memory_space<vmem>>, vector<2000x8xf32>
    %get3A_4 = arith.constant 0 : index
    %get3A_5 = arith.constant 0 : index
    %get3A_6 = vector.load %arg7[%get3A_4, %get3A_5] : memref<2000x8xf32, #tpu.memory_space<vmem>>, vector<2000x8xf32>
    %slice3A = vector.extract_strided_slice %get3A_3 {offsets = [0, 0], sizes = [2000, 1], strides = [1, 1]} : vector<2000x8xf32> to vector<2000x1xf32>
    %slice3A_7 = vector.extract_strided_slice %get3A_6 {offsets = [0, 0], sizes = [2000, 1], strides = [1, 1]} : vector<2000x8xf32> to vector<2000x1xf32>
    %add3A = arith.addf %slice3A, %slice3A_7 : vector<2000x1xf32>
    %add3A_8 = arith.constant 1.000000e+00 : f32
    %add3A_9 = vector.broadcast %add3A_8 : f32 to vector<2000x1xf32>
    %add3A_10 = arith.addf %add3A, %add3A_9 : vector<2000x1xf32>
    %sqrt3A = math.sqrt %add3A_10 : vector<2000x1xf32>
    %div3A = arith.constant 1.000000e+00 : f32
    %div3A_11 = vector.broadcast %div3A : f32 to vector<2000x1xf32>
    %div3A_12 = arith.divf %div3A_11, %sqrt3A : vector<2000x1xf32>
    %get3A_13 = arith.constant 0 : index
    %get3A_14 = arith.constant 0 : index
    %get3A_15 = vector.load %arg1[%get3A_13, %get3A_14] : memref<2000x128xf32, #tpu.memory_space<vmem>>, vector<2000x128xf32>
    %get3A_16 = arith.constant 0 : index
    %get3A_17 = arith.constant 0 : index
    %get3A_18 = vector.load %arg2[%get3A_16, %get3A_17] : memref<2000x128xf32, #tpu.memory_space<vmem>>, vector<2000x128xf32>
    %add3A_19 = arith.addf %get3A_15, %get3A_18 : vector<2000x128xf32>
    %get3A_20 = arith.constant 0 : index
    %get3A_21 = arith.constant 0 : index
    %get3A_22 = vector.load %arg3[%get3A_20, %get3A_21] : memref<2000x128xf32, #tpu.memory_space<vmem>>, vector<2000x128xf32>
    %add3A_23 = arith.addf %add3A_19, %get3A_22 : vector<2000x128xf32>
    %mul3A = vector.broadcast %div3A_12 : vector<2000x1xf32> to vector<2000x128xf32>
    %mul3A_24 = arith.mulf %mul3A, %add3A_23 : vector<2000x128xf32>
    %get3A_25 = arith.constant 0 : index
    %get3A_26 = arith.constant 0 : index
    %get3A_27 = vector.load %arg4[%get3A_25, %get3A_26] : memref<128x256xf32, #tpu.memory_space<vmem>>, vector<128x256xf32>
    %dot_general3A = arith.constant dense<0.000000e+00> : vector<2000x256xf32>
    %dot_general3A_28 = tpu.matmul %mul3A_24, %get3A_27, %dot_general3A {dimension_numbers = #tpu.dot_dimension_numbers<[1], [0], [0], [1], [0, 0, 1, 1], [], []>, transpose_lhs_hint = false} : vector<2000x128xf32>, vector<128x256xf32>, vector<2000x256xf32> -> vector<2000x256xf32>
    %get3A_29 = arith.constant 0 : index
    %get3A_30 = arith.constant 0 : index
    %get3A_31 = vector.load %arg5[%get3A_29, %get3A_30] : memref<1x256xf32, #tpu.memory_space<vmem>>, vector<1x256xf32>
    %add3A_32 = vector.broadcast %get3A_31 : vector<1x256xf32> to vector<2000x256xf32>
    %add3A_33 = arith.addf %dot_general3A_28, %add3A_32 : vector<2000x256xf32>
    %max3A = arith.constant 0.000000e+00 : f32
    %max3A_34 = vector.broadcast %max3A : f32 to vector<2000x256xf32>
    %max3A_35 = arith.maximumf %add3A_33, %max3A_34 : vector<2000x256xf32>
    %get3A_36 = arith.constant 0 : index
    %get3A_37 = arith.constant 0 : index
    %get3A_38 = vector.load %arg8[%get3A_36, %get3A_37] : memref<2000x1xi32, #tpu.memory_space<vmem>>, vector<2000x1xi32>
    %iota3A = tpu.iota {dimensions = array<i32: 1>} : vector<1x256xi32>
    %eq3A_39 = vector.broadcast %get3A_38 : vector<2000x1xi32> to vector<2000x256xi32>
    %eq3A_40 = vector.broadcast %iota3A : vector<1x256xi32> to vector<2000x256xi32>
    %eq3A_41 = arith.cmpi eq, %eq3A_39, %eq3A_40 : vector<2000x256xi32>
    %convert_element_type3A_42 = arith.extui %eq3A_41 : vector<2000x256xi1> to vector<2000x256xi32>
    %convert_element_type3A_43 = arith.sitofp %convert_element_type3A_42 : vector<2000x256xi32> to vector<2000x256xf32>
    %get3A_44 = arith.constant 0 : index
    %get3A_45 = arith.constant 0 : index
    %get3A_46 = vector.load %arg23[%get3A_44, %get3A_45] : memref<256x256xf32, #tpu.memory_space<vmem>>, vector<256x256xf32>
    %dot_general3A_47 = arith.constant dense<0.000000e+00> : vector<256x256xf32>
    %dot_general3A_48 = tpu.matmul %convert_element_type3A_43, %max3A_35, %dot_general3A_47 {dimension_numbers = #tpu.dot_dimension_numbers<[0], [0], [1], [1], [0, 1, 1, 1], [], []>, transpose_lhs_hint = false} : vector<2000x256xf32>, vector<2000x256xf32>, vector<256x256xf32> -> vector<256x256xf32>
    %add3A_49 = arith.addf %get3A_46, %dot_general3A_48 : vector<256x256xf32>
    %swap3A = arith.constant 0 : index
    %swap3A_50 = arith.constant 0 : index
    %swap3A_51 = vector.load %arg23[%swap3A, %swap3A_50] : memref<256x256xf32, #tpu.memory_space<vmem>>, vector<256x256xf32>
    tpu.vector_store %arg23[%swap3A, %swap3A_50], %add3A_49 {strides = array<i32>} : memref<256x256xf32, #tpu.memory_space<vmem>>, vector<256x256xf32>,
    %get3A_52 = arith.constant 0 : index
    %get3A_53 = arith.constant 0 : index
    %get3A_54 = vector.load %arg24[%get3A_52, %get3A_53] : memref<256x1xf32, #tpu.memory_space<vmem>>, vector<256x1xf32>
    %broadcast_in_dim3A = arith.constant 1.000000e+00 : f32
    %broadcast_in_dim3A_55 = vector.broadcast %broadcast_in_dim3A : f32 to vector<2000x1xf32>
    %dot_general3A_56 = arith.constant dense<0.000000e+00> : vector<256x1xf32>
    %dot_general3A_57 = tpu.matmul %convert_element_type3A_43, %broadcast_in_dim3A_55, %dot_general3A_56 {dimension_numbers = #tpu.dot_dimension_numbers<[0], [0], [1], [1], [0, 1, 1, 1], [], []>, transpose_lhs_hint = false} : vector<2000x256xf32>, vector<2000x1xf32>, vector<256x1xf32> -> vector<256x1xf32>
    %add3A_58 = arith.addf %get3A_54, %dot_general3A_57 : vector<256x1xf32>
    %swap3A_59 = arith.constant 0 : index
    %swap3A_60 = arith.constant 0 : index
    %swap3A_61 = vector.load %arg24[%swap3A_59, %swap3A_60] : memref<256x1xf32, #tpu.memory_space<vmem>>, vector<256x1xf32>
    tpu.vector_store %arg24[%swap3A_59, %swap3A_60], %add3A_58 {strides = array<i32>} : memref<256x1xf32, #tpu.memory_space<vmem>>, vector<256x1xf32>,
    %eq3A_62 = arith.constant 4 : i32
    %eq3A_63 = arith.cmpi eq, %arg0, %eq3A_62 : i32
    %convert_element_type3A_64 = arith.extui %eq3A_63 : i1 to i32
    %cond3A_65 = arith.constant 0 : i32
    %cond3A_66 = arith.cmpi ne, %convert_element_type3A_64, %cond3A_65 : i32
    scf.if %cond3A_66 {
      %get3A_67 = arith.constant 0 : index
      %get3A_68 = arith.constant 0 : index
      %get3A_69 = vector.load %arg23[%get3A_67, %get3A_68] : memref<256x256xf32, #tpu.memory_space<vmem>>, vector<256x256xf32>
      %get3A_70 = arith.constant 0 : index
      %get3A_71 = arith.constant 0 : index
      %get3A_72 = vector.load %arg24[%get3A_70, %get3A_71] : memref<256x1xf32, #tpu.memory_space<vmem>>, vector<256x1xf32>
      %max3A_73 = arith.constant 1.000000e+00 : f32
      %max3A_74 = vector.broadcast %max3A_73 : f32 to vector<256x1xf32>
      %max3A_75 = arith.maximumf %get3A_72, %max3A_74 : vector<256x1xf32>
      %div3A_76 = vector.broadcast %max3A_75 : vector<256x1xf32> to vector<256x256xf32>
      %div3A_77 = arith.divf %get3A_69, %div3A_76 : vector<256x256xf32>
      %get3A_78 = arith.constant 0 : index
      %get3A_79 = arith.constant 0 : index
      %get3A_80 = vector.load %arg10[%get3A_78, %get3A_79] : memref<256x64xf32, #tpu.memory_space<vmem>>, vector<256x64xf32>
      %dot_general3A_81 = arith.constant dense<0.000000e+00> : vector<256x64xf32>
      %dot_general3A_82 = tpu.matmul %div3A_77, %get3A_80, %dot_general3A_81 {dimension_numbers = #tpu.dot_dimension_numbers<[1], [0], [0], [1], [0, 0, 1, 1], [], []>, transpose_lhs_hint = false} : vector<256x256xf32>, vector<256x64xf32>, vector<256x64xf32> -> vector<256x64xf32>
      %get3A_83 = arith.constant 0 : index
      %get3A_84 = arith.constant 0 : index
      %get3A_85 = vector.load %arg11[%get3A_83, %get3A_84] : memref<1x64xf32, #tpu.memory_space<vmem>>, vector<1x64xf32>
      %add3A_86 = vector.broadcast %get3A_85 : vector<1x64xf32> to vector<256x64xf32>
      %add3A_87 = arith.addf %dot_general3A_82, %add3A_86 : vector<256x64xf32>
      %get3A_88 = arith.constant 0 : index
      %get3A_89 = arith.constant 0 : index
      %get3A_90 = vector.load %arg9[%get3A_88, %get3A_89] : memref<256x512xf32, #tpu.memory_space<vmem>>, vector<256x512xf32>
      %get3A_91 = arith.constant 0 : index
      %get3A_92 = arith.constant 0 : index
      %get3A_93 = vector.load %arg12[%get3A_91, %get3A_92] : memref<512x128xf32, #tpu.memory_space<vmem>>, vector<512x128xf32>
      %dot_general3A_94 = arith.constant dense<0.000000e+00> : vector<256x128xf32>
      %dot_general3A_95 = tpu.matmul %get3A_90, %get3A_93, %dot_general3A_94 {dimension_numbers = #tpu.dot_dimension_numbers<[1], [0], [0], [1], [0, 0, 1, 1], [], []>, transpose_lhs_hint = false} : vector<256x512xf32>, vector<512x128xf32>, vector<256x128xf32> -> vector<256x128xf32>
      %get3A_96 = arith.constant 0 : index
      %get3A_97 = arith.constant 0 : index
      %get3A_98 = vector.load %arg13[%get3A_96, %get3A_97] : memref<1x128xf32, #tpu.memory_space<vmem>>, vector<1x128xf32>
      %add3A_99 = vector.broadcast %get3A_98 : vector<1x128xf32> to vector<256x128xf32>
      %add3A_100 = arith.addf %dot_general3A_95, %add3A_99 : vector<256x128xf32>
      %max3A_101 = arith.constant 0.000000e+00 : f32
      %max3A_102 = vector.broadcast %max3A_101 : f32 to vector<256x128xf32>
      %max3A_103 = arith.maximumf %add3A_100, %max3A_102 : vector<256x128xf32>
      %get3A_104 = arith.constant 0 : index
      %get3A_105 = arith.constant 0 : index
      %get3A_106 = vector.load %arg14[%get3A_104, %get3A_105] : memref<128x64xf32, #tpu.memory_space<vmem>>, vector<128x64xf32>
      %dot_general3A_107 = arith.constant dense<0.000000e+00> : vector<256x64xf32>
      %dot_general3A_108 = tpu.matmul %max3A_103, %get3A_106, %dot_general3A_107 {dimension_numbers = #tpu.dot_dimension_numbers<[1], [0], [0], [1], [0, 0, 1, 1], [], []>, transpose_lhs_hint = false} : vector<256x128xf32>, vector<128x64xf32>, vector<256x64xf32> -> vector<256x64xf32>
      %get3A_109 = arith.constant 0 : index
      %get3A_110 = arith.constant 0 : index
      %get3A_111 = vector.load %arg15[%get3A_109, %get3A_110] : memref<1x64xf32, #tpu.memory_space<vmem>>, vector<1x64xf32>
      %add3A_112 = vector.broadcast %get3A_111 : vector<1x64xf32> to vector<256x64xf32>
      %add3A_113 = arith.addf %dot_general3A_108, %add3A_112 : vector<256x64xf32>
      %get3A_114 = arith.constant 0 : index
      %get3A_115 = arith.constant 0 : index
      %get3A_116 = vector.load %arg16[%get3A_114, %get3A_115] : memref<128x64xf32, #tpu.memory_space<vmem>>, vector<128x64xf32>
      %slice3A_117 = vector.extract_strided_slice %get3A_116 {offsets = [0, 0], sizes = [64, 64], strides = [1, 1]} : vector<128x64xf32> to vector<64x64xf32>
      %dot_general3A_118 = arith.constant dense<0.000000e+00> : vector<256x64xf32>
      %dot_general3A_119 = tpu.matmul %add3A_87, %slice3A_117, %dot_general3A_118 {dimension_numbers = #tpu.dot_dimension_numbers<[1], [0], [0], [1], [0, 0, 1, 1], [], []>, transpose_lhs_hint = false} : vector<256x64xf32>, vector<64x64xf32>, vector<256x64xf32> -> vector<256x64xf32>
      %slice3A_120 = vector.extract_strided_slice %get3A_116 {offsets = [64, 0], sizes = [64, 64], strides = [1, 1]} : vector<128x64xf32> to vector<64x64xf32>
      %dot_general3A_121 = arith.constant dense<0.000000e+00> : vector<256x64xf32>
      %dot_general3A_122 = tpu.matmul %add3A_113, %slice3A_120, %dot_general3A_121 {dimension_numbers = #tpu.dot_dimension_numbers<[1], [0], [0], [1], [0, 0, 1, 1], [], []>, transpose_lhs_hint = false} : vector<256x64xf32>, vector<64x64xf32>, vector<256x64xf32> -> vector<256x64xf32>
      %add3A_123 = arith.addf %dot_general3A_119, %dot_general3A_122 : vector<256x64xf32>
      %get3A_124 = arith.constant 0 : index
      %get3A_125 = arith.constant 0 : index
      %get3A_126 = vector.load %arg17[%get3A_124, %get3A_125] : memref<1x64xf32, #tpu.memory_space<vmem>>, vector<1x64xf32>
      %add3A_127 = vector.broadcast %get3A_126 : vector<1x64xf32> to vector<256x64xf32>
      %add3A_128 = arith.addf %add3A_123, %add3A_127 : vector<256x64xf32>
      %max3A_129 = arith.constant 0.000000e+00 : f32
      %max3A_130 = vector.broadcast %max3A_129 : f32 to vector<256x64xf32>
      %max3A_131 = arith.maximumf %add3A_128, %max3A_130 : vector<256x64xf32>
      %get3A_132 = arith.constant 0 : index
      %get3A_133 = arith.constant 0 : index
      %get3A_134 = vector.load %arg18[%get3A_132, %get3A_133] : memref<64x32xf32, #tpu.memory_space<vmem>>, vector<64x32xf32>
      %dot_general3A_135 = arith.constant dense<0.000000e+00> : vector<256x32xf32>
      %dot_general3A_136 = tpu.matmul %max3A_131, %get3A_134, %dot_general3A_135 {dimension_numbers = #tpu.dot_dimension_numbers<[1], [0], [0], [1], [0, 0, 1, 1], [], []>, transpose_lhs_hint = false} : vector<256x64xf32>, vector<64x32xf32>, vector<256x32xf32> -> vector<256x32xf32>
      %get3A_137 = arith.constant 0 : index
      %get3A_138 = arith.constant 0 : index
      %get3A_139 = vector.load %arg19[%get3A_137, %get3A_138] : memref<1x32xf32, #tpu.memory_space<vmem>>, vector<1x32xf32>
      %add3A_140 = vector.broadcast %get3A_139 : vector<1x32xf32> to vector<256x32xf32>
      %add3A_141 = arith.addf %dot_general3A_136, %add3A_140 : vector<256x32xf32>
      %max3A_142 = arith.constant 0.000000e+00 : f32
      %max3A_143 = vector.broadcast %max3A_142 : f32 to vector<256x32xf32>
      %max3A_144 = arith.maximumf %add3A_141, %max3A_143 : vector<256x32xf32>
      %get3A_145 = arith.constant 0 : index
      %get3A_146 = arith.constant 0 : index
      %get3A_147 = vector.load %arg20[%get3A_145, %get3A_146] : memref<32x1xf32, #tpu.memory_space<vmem>>, vector<32x1xf32>
      %dot_general3A_148 = arith.constant dense<0.000000e+00> : vector<256x1xf32>
      %dot_general3A_149 = tpu.matmul %max3A_144, %get3A_147, %dot_general3A_148 {dimension_numbers = #tpu.dot_dimension_numbers<[1], [0], [0], [1], [0, 0, 1, 1], [], []>, transpose_lhs_hint = false} : vector<256x32xf32>, vector<32x1xf32>, vector<256x1xf32> -> vector<256x1xf32>
      %get3A_150 = arith.constant 0 : index
      %get3A_151 = arith.constant 0 : index
      %get3A_152 = vector.load %arg21[%get3A_150, %get3A_151] : memref<1x1xf32, #tpu.memory_space<vmem>>, vector<1x1xf32>
      %add3A_153 = vector.broadcast %get3A_152 : vector<1x1xf32> to vector<256x1xf32>
      %add3A_154 = arith.addf %dot_general3A_149, %add3A_153 : vector<256x1xf32>
      %swap3A_155 = arith.constant 0 : index
      %swap3A_156 = arith.constant 0 : index
      %swap3A_157 = vector.load %arg22[%swap3A_155, %swap3A_156] : memref<256x1xf32, #tpu.memory_space<vmem>>, vector<256x1xf32>
      tpu.vector_store %arg22[%swap3A_155, %swap3A_156], %add3A_154 {strides = array<i32>} : memref<256x1xf32, #tpu.memory_space<vmem>>, vector<256x1xf32>,
    } else {
    }
    return
  }
  func.func @transform_0(%arg0: i32) -> (i32, i32) {
    %c0_i32 = arith.constant 0 : i32
    %c0_i32_0 = arith.constant 0 : i32
    return %arg0, %c0_i32 : i32, i32
  }
  func.func @transform_1(%arg0: i32) -> (i32, i32) {
    %c0_i32 = arith.constant 0 : i32
    %c0_i32_0 = arith.constant 0 : i32
    return %arg0, %c0_i32 : i32, i32
  }
  func.func @transform_2(%arg0: i32) -> (i32, i32) {
    %c0_i32 = arith.constant 0 : i32
    %c0_i32_0 = arith.constant 0 : i32
    return %arg0, %c0_i32 : i32, i32
  }
  func.func @transform_3(%arg0: i32) -> (i32, i32) {
    %c0_i32 = arith.constant 0 : i32
    %c0_i32_0 = arith.constant 0 : i32
    %c0_i32_1 = arith.constant 0 : i32
    return %c0_i32, %c0_i32_0 : i32, i32
  }
  func.func @transform_4(%arg0: i32) -> (i32, i32) {
    %c0_i32 = arith.constant 0 : i32
    %c0_i32_0 = arith.constant 0 : i32
    %c0_i32_1 = arith.constant 0 : i32
    return %c0_i32, %c0_i32_0 : i32, i32
  }
  func.func @transform_5(%arg0: i32) -> (i32, i32) {
    %c0_i32 = arith.constant 0 : i32
    %c0_i32_0 = arith.constant 0 : i32
    return %arg0, %c0_i32 : i32, i32
  }
  func.func @transform_6(%arg0: i32) -> (i32, i32) {
    %c0_i32 = arith.constant 0 : i32
    %c0_i32_0 = arith.constant 0 : i32
    return %arg0, %c0_i32 : i32, i32
  }
  func.func @transform_7(%arg0: i32) -> (i32, i32) {
    %c0_i32 = arith.constant 0 : i32
    %c0_i32_0 = arith.constant 0 : i32
    return %arg0, %c0_i32 : i32, i32
  }
  func.func @transform_8(%arg0: i32) -> (i32, i32) {
    %c0_i32 = arith.constant 0 : i32
    %c0_i32_0 = arith.constant 0 : i32
    %c0_i32_1 = arith.constant 0 : i32
    return %c0_i32, %c0_i32_0 : i32, i32
  }
  func.func @transform_9(%arg0: i32) -> (i32, i32) {
    %c0_i32 = arith.constant 0 : i32
    %c0_i32_0 = arith.constant 0 : i32
    %c0_i32_1 = arith.constant 0 : i32
    return %c0_i32, %c0_i32_0 : i32, i32
  }
  func.func @transform_10(%arg0: i32) -> (i32, i32) {
    %c0_i32 = arith.constant 0 : i32
    %c0_i32_0 = arith.constant 0 : i32
    %c0_i32_1 = arith.constant 0 : i32
    return %c0_i32, %c0_i32_0 : i32, i32
  }
  func.func @transform_11(%arg0: i32) -> (i32, i32) {
    %c0_i32 = arith.constant 0 : i32
    %c0_i32_0 = arith.constant 0 : i32
    %c0_i32_1 = arith.constant 0 : i32
    return %c0_i32, %c0_i32_0 : i32, i32
  }
  func.func @transform_12(%arg0: i32) -> (i32, i32) {
    %c0_i32 = arith.constant 0 : i32
    %c0_i32_0 = arith.constant 0 : i32
    %c0_i32_1 = arith.constant 0 : i32
    return %c0_i32, %c0_i32_0 : i32, i32
  }
  func.func @transform_13(%arg0: i32) -> (i32, i32) {
    %c0_i32 = arith.constant 0 : i32
    %c0_i32_0 = arith.constant 0 : i32
    %c0_i32_1 = arith.constant 0 : i32
    return %c0_i32, %c0_i32_0 : i32, i32
  }
  func.func @transform_14(%arg0: i32) -> (i32, i32) {
    %c0_i32 = arith.constant 0 : i32
    %c0_i32_0 = arith.constant 0 : i32
    %c0_i32_1 = arith.constant 0 : i32
    return %c0_i32, %c0_i32_0 : i32, i32
  }
  func.func @transform_15(%arg0: i32) -> (i32, i32) {
    %c0_i32 = arith.constant 0 : i32
    %c0_i32_0 = arith.constant 0 : i32
    %c0_i32_1 = arith.constant 0 : i32
    return %c0_i32, %c0_i32_0 : i32, i32
  }
  func.func @transform_16(%arg0: i32) -> (i32, i32) {
    %c0_i32 = arith.constant 0 : i32
    %c0_i32_0 = arith.constant 0 : i32
    %c0_i32_1 = arith.constant 0 : i32
    return %c0_i32, %c0_i32_0 : i32, i32
  }
  func.func @transform_17(%arg0: i32) -> (i32, i32) {
    %c0_i32 = arith.constant 0 : i32
    %c0_i32_0 = arith.constant 0 : i32
    %c0_i32_1 = arith.constant 0 : i32
    return %c0_i32, %c0_i32_0 : i32, i32
  }
  func.func @transform_18(%arg0: i32) -> (i32, i32) {
    %c0_i32 = arith.constant 0 : i32
    %c0_i32_0 = arith.constant 0 : i32
    %c0_i32_1 = arith.constant 0 : i32
    return %c0_i32, %c0_i32_0 : i32, i32
  }
  func.func @transform_19(%arg0: i32) -> (i32, i32) {
    %c0_i32 = arith.constant 0 : i32
    %c0_i32_0 = arith.constant 0 : i32
    %c0_i32_1 = arith.constant 0 : i32
    return %c0_i32, %c0_i32_0 : i32, i32
  }
  func.func @transform_20(%arg0: i32) -> (i32, i32) {
    %c0_i32 = arith.constant 0 : i32
    %c0_i32_0 = arith.constant 0 : i32
    %c0_i32_1 = arith.constant 0 : i32
    return %c0_i32, %c0_i32_0 : i32, i32
  }
  func.func @transform_21(%arg0: i32) -> (i32, i32) {
    %c0_i32 = arith.constant 0 : i32
    %c0_i32_0 = arith.constant 0 : i32
    %c0_i32_1 = arith.constant 0 : i32
    return %c0_i32, %c0_i32_0 : i32, i32
  }
}

</mosaic_0001>

<sc_bundles>
// kernel: kernel.10.cloned.1.call-start
scs
__scs_entry_jumppad:
0x0: {  	(pc) =	sbr.rel $0x88, $3  }
0x1: {  	(tag) =	ssettag $0x0;
	lr =	simm.s32 $0x1  }
0x2: {  	[smem:$0x3F8B] =	sst lr;
	_ =	strace $0xD0000000  }
0x3: {  	_ = 	snop  }
0x4: {  	_ = 	snop  }
0x5: {  	_ = 	snop  }
0x6: {  	_ = 	snop  }
0x7: {  	_ = 	snop  }
__scs_overlays_trampoline_lowered:
0x8: {  	[smem:$0x3F9A] =	sst s0  }
0x9: {  	[smem:$0x3F9B] =	sst s1  }
0xa: {  	[smem:$0x3F9C] =	sst s2  }
0xb: {  	[smem:$0x3F9D] =	sst s3  }
0xc: {  	[smem:$0x3F9E] =	sst s4  }
0xd: {  	[smem:$0x3F9F] =	sst s5  }
0xe: {  	[smem:$0x3FA0] =	sst s6  }
0xf: {  	[smem:$0x3FA1] =	sst s7  }
0x10: {  	[smem:$0x3FA2] =	sst s8  }
0x11: {  	[smem:$0x3FA3] =	sst s9;
	s0 =	simm.s32 @!p0 $0x0  }
0x12: {  	s1 =	sld [smem:$0x3F89];
	s0 =	simm.s32 @p0 $0x1  }
0x13: {  	[smem:$0x3FA4] =	sst s0;
	s0 =	simm.s32 @!p1 $0x0  }
0x14: {  	s2 =	sld [smem:$0x3F88];
	s0 =	simm.s32 @p1 $0x1  }
0x15: {  	[smem:$0x3FA5] =	sst s0;
	s0 =	simm.s32 @!p2 $0x0  }
0x16: {  	s3 =	sld [smem:$0x3FDB];
	s0 =	simm.s32 @p2 $0x1  }
0x17: {  	s4 =	simm.s32 $0x1BF5;
	[smem:$0x3FA7] =	sst s0  }
0x18: {  	s0 =	sld [smem:$0x3F8A];
	_ =	swait.ge [sflag:s4], $0x0  }
0x19: {  	s7 =	sld [smem:$0x3F8B]  }
0x1a: {  	s8 =	sadd.s32 $0xFFFFE003, lr  }
0x1b: {  	s9 =	sadd.s32 $0xFFFFFEF7, lr;
	s5 =	simm.s32 $0xFFFFFFFF;
	p2 =	slt.u32 s8, $0xFFFFF086  }
0x1c: {  	p1 =	slt.u32 s9, $0xF7A;
	s5 =	simm.s32 @!p2 $0x0  }
0x1d: {  	s5 =	simm.s32 @p1 $0x1;
	p0 =	seq.s32 s7, s2  }
0x1e: {  	s7 =	smul.u32 @!p0 $0xF7A, s2;
	p2 =	seq.s32 @!p0 s5, $0x0  }
0x1f: {  	s9 =	smul.u32 $0xF7A, s1;
	s8 =	simm.s32 @!p0 $0x1BF5;
	p2 =	por !p2, p0  }
0x20: {  	[sflag:s8] =	ssyncset.s32 @!p0 $0xFFFFF086;
	s6 =	sadd.s32 @!p0 s3, s7;
	s7 =	simm.s32 @!p0 $0x108  }
0x21: {  	s3 =	sadd.s32 s3, s9;
	s6 =	sadd.s32 @!p0 $0x88, s6;
	s7 =	simm.s32 @p2 $0x1082  }
0x22: {  	[simem:s7], [sflag:s8] =	dma.local @!p0 [hbm:s6], $0xF7A  }
0x23: {  	s9 =	sor.u32 $0xD0000000, s2;
	s6 =	simm.s32 $0x108;
	_ =	swait.ge @!p0 [sflag:s8], $0x0  }
0x24: {  	s3 =	sadd.s32 $0x88, s3;
	s6 =	simm.s32 @!p1 $0x1082;
	[sflag:s4] =	ssyncset.s32 $0xFFFFF086  }
0x25: {  	[simem:s6], [sflag:s4] =	dma.local [hbm:s3], $0xF7A  }
0x26: {  	[smem:$0x3F8B] =	sst s1;
	(tag) =	ssettag s2;
	_ =	strace s9  }
0x27: {  	s1 =	sld [smem:$0x3F9B]  }
0x28: {  	s2 =	sld [smem:$0x3F9C]  }
0x29: {  	s4 =	sld [smem:$0x3F9E]  }
0x2a: {  	p0 =	seq.s32 s5, $0x0;
	s5 =	sld [smem:$0x3F9F]  }
0x2b: {  	s6 =	sld [smem:$0x3FA0]  }
0x2c: {  	s7 =	sld [smem:$0x3FA1]  }
0x2d: {  	s3 =	simm.s32 $0x108;
	s8 =	sld [smem:$0x3FA2]  }
0x2e: {  	s3 =	simm.s32 @!p0 $0x1082;
	s9 =	sld [smem:$0x3FA3]  }
0x2f: {  	lr =	sadd.s32 s0, s3;
	s0 =	sld [smem:$0x3F9A]  }
0x30: {  	s3 =	sld [smem:$0x3F9D]  }
0x31: {  	[smem:$0x3FA6] =	sst s10  }
0x32: {  	s10 =	sld [smem:$0x3FA4];
	_ =	sdelay $0x3  }
0x33: {  	p0 =	seq.s32 s10, $0x1;
	s10 =	sld [smem:$0x3FA6];
	_ =	sdelay $0x3  }
0x34: {  	[smem:$0x3FA6] =	sst s10  }
0x35: {  	s10 =	sld [smem:$0x3FA5];
	_ =	sdelay $0x3  }
0x36: {  	p1 =	seq.s32 s10, $0x1;
	s10 =	sld [smem:$0x3FA6];
	_ =	sdelay $0x3  }
0x37: {  	[smem:$0x3FA6] =	sst s10  }
0x38: {  	s10 =	sld [smem:$0x3FA7]  }
0x39: {  	_ = 	snop;
	(pc) =	sbr.ind lr, $3  }
0x3a: {  	_ = 	snop  }
0x3b: {  	_ = 	snop  }
0x3c: {  	p2 =	seq.s32 s10, $0x1;
	s10 =	sld [smem:$0x3FA6]  }
0x3d: {  	_ =	shalt  }
0x3e: {  	_ =	shalt  }
0x3f: {  	_ =	shalt  }
0x40: {  	_ =	shalt  }
0x41: {  	_ =	shalt  }
0x42: {  	_ =	shalt  }
0x43: {  	_ =	shalt  }
0x44: {  	_ =	shalt  }
0x45: {  	_ =	shalt  }
0x46: {  	_ =	shalt  }
0x47: {  	_ =	shalt  }
0x48: {  	_ =	shalt  }
0x49: {  	_ =	shalt  }
0x4a: {  	_ =	shalt  }
0x4b: {  	_ =	shalt  }
0x4c: {  	_ =	shalt  }
0x4d: {  	_ =	shalt  }
0x4e: {  	_ =	shalt  }
0x4f: {  	_ =	shalt  }
0x50: {  	_ =	shalt  }
0x51: {  	_ =	shalt  }
0x52: {  	_ =	shalt  }
0x53: {  	_ =	shalt  }
0x54: {  	_ =	shalt  }
0x55: {  	_ =	shalt  }
0x56: {  	_ =	shalt  }
0x57: {  	_ =	shalt  }
0x58: {  	_ =	shalt  }
0x59: {  	_ =	shalt  }
0x5a: {  	_ =	shalt  }
0x5b: {  	_ =	shalt  }
0x5c: {  	_ =	shalt  }
0x5d: {  	_ =	shalt  }
0x5e: {  	_ =	shalt  }
0x5f: {  	_ =	shalt  }
0x60: {  	_ =	shalt  }
0x61: {  	_ =	shalt  }
0x62: {  	_ =	shalt  }
0x63: {  	_ =	shalt  }
0x64: {  	_ =	shalt  }
0x65: {  	_ =	shalt  }
0x66: {  	_ =	shalt  }
0x67: {  	_ =	shalt  }
0x68: {  	_ =	shalt  }
0x69: {  	_ =	shalt  }
0x6a: {  	_ =	shalt  }
0x6b: {  	_ =	shalt  }
0x6c: {  	_ =	shalt  }
0x6d: {  	_ =	shalt  }
0x6e: {  	_ =	shalt  }
0x6f: {  	_ =	shalt  }
0x70: {  	_ =	shalt  }
0x71: {  	_ =	shalt  }
0x72: {  	_ =	shalt  }
0x73: {  	_ =	shalt  }
0x74: {  	_ =	shalt  }
0x75: {  	_ =	shalt  }
0x76: {  	_ =	shalt  }
0x77: {  	_ =	shalt  }
0x78: {  	_ =	shalt  }
0x79: {  	_ =	shalt  }
0x7a: {  	_ =	shalt  }
0x7b: {  	_ =	shalt  }
0x7c: {  	_ =	shalt  }
0x7d: {  	_ =	shalt  }
0x7e: {  	_ =	shalt  }
0x7f: {  	_ =	shalt  }
0x80: {  	_ =	shalt  }
0x81: {  	_ =	shalt  }
0x82: {  	_ =	shalt  }
0x83: {  	_ =	shalt  }
0x84: {  	_ =	shalt  }
0x85: {  	_ =	shalt  }
0x86: {  	_ =	shalt  }
0x87: {  	_ =	shalt  }
.Lfunc_end0:
.L_simem_size_0:
called_computation_lowered:
.L_overlay_start_0:
0x88: {  	s2 =	sld [smem:$0x3FD9]  }
0x89: {  	s3 =	sld [smem:$0x3FFE];
	_ =	sdelay $0x1  }
0x8a: {  	s1 =	srdreg.scid  }
0x8b: {  	s0 =	sand.u32 $0x1, s1  }
0x8c: {  	s16 =	sshll.u32 s0, $0xA;
	s2 =	sadd.s32 s3, s2  }
0x8d: {  	s2 =	sadd.s32 s2, s16  }
0x8e: {  	[smem:$0x3FB2] =	sst s2  }
0x8f: {  	_ = 	snop  }
0x90: {  	(tm) =	ssettm $0x1  }
0x91: {  	s17 =	sld [smem:$0x3FFB];
	_ =	sdelay $0x3  }
0x92: {  	_ =	strace s17  }
0x93: {  	s2 =	sld [smem:$0x3FFC];
	_ =	sdelay $0x3  }
0x94: {  	_ =	strace s2  }
0x95: {  	s2 =	sld [smem:$0x3FFD];
	_ =	sdelay $0x3  }
0x96: {  	_ =	strace s2  }
0x97: {  	_ =	strace $0x8FFFFFFF  }
0x98: {  	s18 =	sld [smem:$0x3FDB];
	_ =	sdelay $0x1  }
0x99: {  	s19 =	simm.s32 $_scs_section_size  }
0x9a: {  	s4 =	simm.s32 $_size__tile_overlayer_lowered;
	s5 =	simm.s32 $_tile_overlayer_lowered  }
0x9b: {  	s22 =	simm.s32 $0x1BFF;
	s21 =	sshll.u32 s5, $0x1;
	s2 =	sadd.s32 s19, s18  }
0x9c: {  	s6 =	simm.s32 $0x0;
	s20 =	sshll.u32 s4, $0x1;
	s4 =	sadd.s32 s21, s2  }
0x9d: {  	[timem:s6], [sflag:s22] =	dma.local [hbm:s4], s20  }
0x9e: {  	_ =	swait.ge [sflag:s22], s20  }
0x9f: {  	s3 =	ssub.s32 $0x0, s20;
	[sflag:s22] =	ssyncset.done $0x0  }
0xa0: {  	[sflag:s22] =	ssyncadd.s32 s3;
	_ =	sdelay $0x1  }
0xa1: {  	s23 =	simm.s32 $0x1B8B  }
0xa2: {  	_ =	swait.ge [sflag:s23], $0x1  }
0xa3: {  	[sflag:s23] =	ssyncset.done $0x0  }
0xa4: {  	s25 =	simm.s32 $0x1B8E;
	s24 =	sld [smem:$0x3FFE];
	[sflag:s23] =	ssyncadd.s32 $0xFFFFFFFF  }
0xa5: {  	s26 =	simm.s32 $execute0_lowered;
	[smem:$0x3FD2] =	sst s25  }
0xa6: {  	s4 =	sshll.u32 s26, $0x1;
	_ =	strace $0x80000046;
	[dreg:$0x1] =	wrdreg $0xFFFFFFFF  }
0xa7: {  	s28 =	simm.s32 $_size_execute0_lowered;
	s2 =	sadd.s32 s2, s4;
	[dreg:$0x0] =	wrdreg $0x0  }
0xa8: {  	s4 =	sshll.u32 s28, $0x1;
	[dreg:$0x2] =	wrdreg s2  }
0xa9: {  	[dreg:$0x3] =	wrdreg s4  }
0xaa: {  	[dreg:$0x4] =	wrdreg $0xC0  }
0xab: {  	_ =	task [dreg:s6], $0x5FFFF  }
0xac: {  	[dreg:$0x1] =	wrdreg $0xFFFFFFFF  }
0xad: {  	[dreg:$0x0] =	wrdreg $0x60  }
0xae: {  	[dreg:$0x2] =	wrdreg s24  }
0xaf: {  	[dreg:$0x3] =	wrdreg $0x29900  }
0xb0: {  	[dreg:$0x4] =	wrdreg $0x9  }
0xb1: {  	_ =	task.clear_ibuf [dreg:s6], $0x5FFFF;
	_ =	strace $0x90000046  }
0xb2: {  	s29 =	simm.s32 $0x9;
	_ =	strace $0x80000048  }
0xb3: {  	_ =	swait.ge [sflag:s29], $0x1  }
0xb4: {  	[sflag:s29] =	ssyncadd.s32 $0xFFFFFFFF  }
0xb5: {  	_ =	strace $0x90000048  }
0xb6: {  	_ =	sfence  }
0xb7: {  	s30 =	sld [smem:$0x0];
	_ =	sdelay $0x2  }
0xb8: {  	s31 =	sshll.u32 s1, $0xD;
	s1 =	sshrl.u32 s1, $0x2  }
0xb9: {  	s3 =	sand.u32 $0x4000, s31;
	s1 =	sadd.s32 s1, s30  }
0xba: {  	s0 =	sor.u32 s3, s0;
	s1 =	sshll.u32 s1, $0x11  }
0xbb: {  	s0 =	sor.u32 s1, s0  }
0xbc: {  	s0 =	sadd.s32 $0x8F2B, s0  }
0xbd: {  	[sflag:s0] =	ssyncadd.remote.s32 $0x1  }
0xbe: {  	_ =	sfence.sel $0xFFFF  }
0xbf: {  	[dreg:$0x0] =	wrdreg $0xFFFFFFFF;
	(pc) =	sbr.abs _section_cstart, $3  }
0xc0: {  	[dreg:$0x1] =	wrdreg $0xFFFFFFFF  }
0xc1: {  	_ =	task.clear_ibuf [dreg:s6], $0x2FFFF;
	_ =	strace $0x9FFFFFFF  }
0xc2: {  	(tm) =	ssettm $0x7FFFFFFF  }
0xc3: {  	_ =	shalt  }
tec
execute0_lowered:
.L_overlay_start_1:
0x0: {  	(tag) =	ssettag $0x1  }
0x1: {  	s0 =	srdreg.scid;
	s9 =	rddreg [dreg:$0x0]  }
0x2: {  	s2 =	rddreg [dreg:$0x1];
	s1 =	stileid.u32;
	s3 =	simm.s32 $0x0  }
0x3: {  	s13 =	simm.s32 $0x1AC00;
	s14 =	simm.s32 $0x1;
	s15 =	simm.s32 $0x2580  }
0x4: {  	s16 =	simm.s32 $0x25D0;
	s17 =	simm.s32 $0x2620;
	s18 =	simm.s32 $0x2670  }
0x5: {  	s19 =	simm.s32 $0x26C0;
	s6 =	sand.u32 $0x1, s0;
	s0 =	rddreg [dreg:$0x2]  }
0x6: {  	s20 =	simm.s32 $0x0;
	[smem:$0x7FF] =	sst s3;
	s8 =	smul.u32 $0x1388, s1  }
0x7: {  	s5 =	sadd.s32 $0x1A600, s9;
	s30 =	sshll.u32 s1, $0x6;
	s4 =	sshll.u32 s6, $0x4  }
0x8: {  	_ =	strace $0x80000047;
	s7 =	ssub.s32 $0x2, s6;
	p0 =	seq.s32 s6, $0x1  }
0x9: {  	s6 =	sor.u32 $0x1C02, s30;
	s4 =	sor.u32 s1, s4;
	s11 =	sshrl.u32 s7, $0x1  }
0xa: {  	s12 =	sadd.s32 s8, s2;
	s4 =	smul.u32 $0x4E2, s4;
	s11 =	ssub.s32 s7, s11  }
0xb: {  	s13 =	simm.s32 @!p0 $0x1D400;
	s31 =	sshrl.u32 s8, $0x3;
	s8 =	smax.u32 s11, $0x1  }
0xc: {  	s11 =	simm.s32 $0x2;
	s10 =	sadd.s32 s4, s9;
	s4 =	sadd.s32 $0x1AA00, s9  }
0xd: {  	s9 =	sadd.s32 s13, s9;
	s13 =	simm.s32 $0x50;
	s7 =	sadd.s32 $0x10800, s10  }
0xe: {  	s9 =	sadd.s32 s9, s31;
	s10 =	sshrl.u32 s12, $0x3;
	s12 =	simm.s32 $0x2710  }
.LBB2_1:
0xf: {  	[spmem:s10], [sflag:s6] =	dma.local [hbm:s5], $0x271  }
0x10: {  	_ =	swait.ge [sflag:s11], $0x271  }
0x11: {  	[sflag:s11] =	ssyncset.done $0x0  }
0x12: {  	[sflag:s11] =	ssyncadd.s32 $0xFFFFFD8F  }
0x13: {  	[tilespmem:s12], [sflag:$0x2] =	stream.linear.gather [hbm4b:s4+s3], $0x280, $0x38;
	[tilespmem:$0x3D18] =	vst v63  }
0x14: {  	_ =	swait.ge [sflag:s11], $0x280  }
0x15: {  	[sflag:s11] =	ssyncset.done $0x0  }
0x16: {  	[sflag:s11] =	ssyncadd.s32 $0xFFFFFD80  }
0x17: {  	[tilespmem:s3], [sflag:$0x2] =	stream.linear.gather [hbm4b:s7+s3], $0x2710, $0x38;
	[tilespmem:$0x3D18] =	vst v63  }
0x18: {  	_ =	swait.ge [sflag:s11], $0x2710  }
0x19: {  	[sflag:s11] =	ssyncset.done $0x0  }
0x1a: {  	[sflag:s11] =	ssyncadd.s32 $0xFFFFD8F0  }
0x1b: {  	s21 =	simm.s32 $0x0;
	[bflag:$0x0] =	sbarrier.arrive $0xFFFF  }
0x1c: {  	[spmem:s2] =	stream.indirect.scatter.add.f32 [tilespmem:s12], [sflag:$0x1], $0x8, s21, s13, $0xb8;
	[tilespmem:$0x3D18] =	vst v63  }
0x1d: {  	s24 =	simm.s32 $0x50  }
0x1e: {  	[spmem:s2] =	stream.indirect.scatter.add.f32 [tilespmem:s12], [sflag:$0x1], $0x8, s24, s13, $0xb8;
	[tilespmem:$0x3D18] =	vst v63  }
0x1f: {  	s25 =	simm.s32 $0xA0  }
0x20: {  	[spmem:s2] =	stream.indirect.scatter.add.f32 [tilespmem:s12], [sflag:$0x1], $0x8, s25, s13, $0xb8;
	[tilespmem:$0x3D18] =	vst v63  }
0x21: {  	s26 =	simm.s32 $0xF0  }
0x22: {  	[spmem:s2] =	stream.indirect.scatter.add.f32 [tilespmem:s12], [sflag:$0x1], $0x8, s26, s13, $0xb8;
	[tilespmem:$0x3D18] =	vst v63  }
0x23: {  	s28 =	simm.s32 $0x140  }
0x24: {  	[spmem:s2] =	stream.indirect.scatter.add.f32 [tilespmem:s12], [sflag:$0x1], $0x8, s28, s13, $0xb8;
	[tilespmem:$0x3D18] =	vst v63  }
0x25: {  	s29 =	simm.s32 $0x190  }
0x26: {  	[spmem:s2] =	stream.indirect.scatter.add.f32 [tilespmem:s12], [sflag:$0x1], $0x8, s29, s13, $0xb8;
	[tilespmem:$0x3D18] =	vst v63  }
0x27: {  	s30 =	simm.s32 $0x1E0  }
0x28: {  	[spmem:s2] =	stream.indirect.scatter.add.f32 [tilespmem:s12], [sflag:$0x1], $0x8, s30, s13, $0xb8;
	[tilespmem:$0x3D18] =	vst v63  }
0x29: {  	s31 =	simm.s32 $0x230  }
0x2a: {  	[spmem:s2] =	stream.indirect.scatter.add.f32 [tilespmem:s12], [sflag:$0x1], $0x8, s31, s13, $0xb8;
	[tilespmem:$0x3D18] =	vst v63  }
0x2b: {  	_ =	swait.ge [sflag:s14], $0x280  }
0x2c: {  	[sflag:s14] =	ssyncset.done $0x0  }
0x2d: {  	[sflag:s14] =	ssyncadd.s32 $0xFFFFFD80  }
0x2e: {  	_ =	swait.ge [sflag:s14], $0x280  }
0x2f: {  	[sflag:s14] =	ssyncset.done $0x0  }
0x30: {  	[sflag:s14] =	ssyncadd.s32 $0xFFFFFD80  }
0x31: {  	_ =	swait.ge [sflag:s14], $0x280  }
0x32: {  	[sflag:s14] =	ssyncset.done $0x0  }
0x33: {  	[sflag:s14] =	ssyncadd.s32 $0xFFFFFD80  }
0x34: {  	_ =	swait.ge [sflag:s14], $0x280  }
0x35: {  	[sflag:s14] =	ssyncset.done $0x0  }
0x36: {  	[sflag:s14] =	ssyncadd.s32 $0xFFFFFD80  }
0x37: {  	_ =	swait.ge [sflag:s14], $0x280  }
0x38: {  	[sflag:s14] =	ssyncset.done $0x0  }
0x39: {  	[sflag:s14] =	ssyncadd.s32 $0xFFFFFD80  }
0x3a: {  	_ =	swait.ge [sflag:s14], $0x280  }
0x3b: {  	[sflag:s14] =	ssyncset.done $0x0  }
0x3c: {  	[sflag:s14] =	ssyncadd.s32 $0xFFFFFD80  }
0x3d: {  	_ =	swait.ge [sflag:s14], $0x280  }
0x3e: {  	[sflag:s14] =	ssyncset.done $0x0  }
0x3f: {  	[sflag:s14] =	ssyncadd.s32 $0xFFFFFD80  }
0x40: {  	_ =	swait.ge [sflag:s14], $0x280  }
0x41: {  	s23 =	simm.s32 $0x1400;
	s21 =	simm.s32 $0xA00;
	[sflag:s14] =	ssyncset.done $0x0  }
.LBB2_2:
0x42: {  	s24 =	sshra.s32 s21, $0x2  }
0x43: {  	[sflag:s14] =	ssyncadd.s32 $0xFFFFFD80;
	s21 =	smov.u32 s23;
	s22 =	sadd.s32 $0xA00, s23  }
0x44: {  	[spmem:s2] =	stream.indirect.scatter.add.f32 [tilespmem:s12], [sflag:$0x1], $0x8, s24, s13, $0xb8;
	[tilespmem:$0x3D18] =	vst v63  }
0x45: {  	p0 =	sne.s32 s23, $0x8C00;
	s23 =	sadd.s32 $0x50, s24  }
0x46: {  	[spmem:s2] =	stream.indirect.scatter.add.f32 [tilespmem:s12], [sflag:$0x1], $0x8, s23, s13, $0xb8;
	[tilespmem:$0x3D18] =	vst v63  }
0x47: {  	s23 =	sadd.s32 $0xA0, s24  }
0x48: {  	[spmem:s2] =	stream.indirect.scatter.add.f32 [tilespmem:s12], [sflag:$0x1], $0x8, s23, s13, $0xb8;
	[tilespmem:$0x3D18] =	vst v63  }
0x49: {  	s23 =	sadd.s32 $0xF0, s24  }
0x4a: {  	[spmem:s2] =	stream.indirect.scatter.add.f32 [tilespmem:s12], [sflag:$0x1], $0x8, s23, s13, $0xb8;
	[tilespmem:$0x3D18] =	vst v63  }
0x4b: {  	s23 =	sadd.s32 $0x140, s24  }
0x4c: {  	[spmem:s2] =	stream.indirect.scatter.add.f32 [tilespmem:s12], [sflag:$0x1], $0x8, s23, s13, $0xb8;
	[tilespmem:$0x3D18] =	vst v63  }
0x4d: {  	s23 =	sadd.s32 $0x190, s24  }
0x4e: {  	[spmem:s2] =	stream.indirect.scatter.add.f32 [tilespmem:s12], [sflag:$0x1], $0x8, s23, s13, $0xb8;
	[tilespmem:$0x3D18] =	vst v63  }
0x4f: {  	s23 =	sadd.s32 $0x1E0, s24  }
0x50: {  	[spmem:s2] =	stream.indirect.scatter.add.f32 [tilespmem:s12], [sflag:$0x1], $0x8, s23, s13, $0xb8;
	[tilespmem:$0x3D18] =	vst v63  }
0x51: {  	s23 =	sadd.s32 $0x230, s24  }
0x52: {  	[spmem:s2] =	stream.indirect.scatter.add.f32 [tilespmem:s12], [sflag:$0x1], $0x8, s23, s13, $0xb8;
	[tilespmem:$0x3D18] =	vst v63  }
0x53: {  	_ =	swait.ge [sflag:s14], $0x280  }
0x54: {  	[sflag:s14] =	ssyncset.done $0x0  }
0x55: {  	[sflag:s14] =	ssyncadd.s32 $0xFFFFFD80  }
0x56: {  	_ =	swait.ge [sflag:s14], $0x280  }
0x57: {  	[sflag:s14] =	ssyncset.done $0x0  }
0x58: {  	[sflag:s14] =	ssyncadd.s32 $0xFFFFFD80  }
0x59: {  	_ =	swait.ge [sflag:s14], $0x280  }
0x5a: {  	[sflag:s14] =	ssyncset.done $0x0  }
0x5b: {  	[sflag:s14] =	ssyncadd.s32 $0xFFFFFD80  }
0x5c: {  	_ =	swait.ge [sflag:s14], $0x280  }
0x5d: {  	[sflag:s14] =	ssyncset.done $0x0  }
0x5e: {  	[sflag:s14] =	ssyncadd.s32 $0xFFFFFD80  }
0x5f: {  	_ =	swait.ge [sflag:s14], $0x280  }
0x60: {  	[sflag:s14] =	ssyncset.done $0x0  }
0x61: {  	[sflag:s14] =	ssyncadd.s32 $0xFFFFFD80  }
0x62: {  	_ =	swait.ge [sflag:s14], $0x280  }
0x63: {  	[sflag:s14] =	ssyncset.done $0x0  }
0x64: {  	[sflag:s14] =	ssyncadd.s32 $0xFFFFFD80  }
.Ltmp0:
0x65: {  	_ =	swait.ge [sflag:s14], $0x280;
	(pc) =	sbr.rel @p0 .LBB2_2-.Ltmp0, $4  }
0x66: {  	[sflag:s14] =	ssyncset.done $0x0  }
0x67: {  	[sflag:s14] =	ssyncadd.s32 $0xFFFFFD80  }
0x68: {  	_ =	swait.ge [sflag:s14], $0x280  }
0x69: {  	s23 =	smov.u32 s22;
	[sflag:s14] =	ssyncset.done $0x0  }
0x6a: {  	s21 =	sshra.s32 s21, $0x2;
	[sflag:s14] =	ssyncadd.s32 $0xFFFFFD80  }
0x6b: {  	[spmem:s2] =	stream.indirect.scatter.add.f32 [tilespmem:s12], [sflag:$0x1], $0x8, s21, s13, $0xb8;
	[tilespmem:$0x3D18] =	vst v63  }
0x6c: {  	s22 =	sadd.s32 $0x50, s21  }
0x6d: {  	[spmem:s2] =	stream.indirect.scatter.add.f32 [tilespmem:s12], [sflag:$0x1], $0x8, s22, s13, $0xb8;
	[tilespmem:$0x3D18] =	vst v63  }
0x6e: {  	s26 =	sadd.s32 $0xA0, s21  }
0x6f: {  	[spmem:s2] =	stream.indirect.scatter.add.f32 [tilespmem:s12], [sflag:$0x1], $0x8, s26, s13, $0xb8;
	[tilespmem:$0x3D18] =	vst v63  }
0x70: {  	s28 =	sadd.s32 $0xF0, s21  }
0x71: {  	[spmem:s2] =	stream.indirect.scatter.add.f32 [tilespmem:s12], [sflag:$0x1], $0x8, s28, s13, $0xb8;
	[tilespmem:$0x3D18] =	vst v63  }
0x72: {  	s29 =	sadd.s32 $0x140, s21  }
0x73: {  	[spmem:s2] =	stream.indirect.scatter.add.f32 [tilespmem:s12], [sflag:$0x1], $0x8, s29, s13, $0xb8;
	[tilespmem:$0x3D18] =	vst v63  }
0x74: {  	s30 =	sadd.s32 $0x190, s21  }
0x75: {  	[spmem:s2] =	stream.indirect.scatter.add.f32 [tilespmem:s12], [sflag:$0x1], $0x8, s30, s13, $0xb8;
	[tilespmem:$0x3D18] =	vst v63  }
0x76: {  	s31 =	sadd.s32 $0x1E0, s21  }
0x77: {  	[spmem:s2] =	stream.indirect.scatter.add.f32 [tilespmem:s12], [sflag:$0x1], $0x8, s31, s13, $0xb8;
	[tilespmem:$0x3D18] =	vst v63  }
0x78: {  	s21 =	sadd.s32 $0x230, s21  }
0x79: {  	[spmem:s2] =	stream.indirect.scatter.add.f32 [tilespmem:s12], [sflag:$0x1], $0x8, s21, s13, $0xb8;
	[tilespmem:$0x3D18] =	vst v63  }
0x7a: {  	_ =	swait.ge [sflag:s14], $0x280  }
0x7b: {  	[sflag:s14] =	ssyncset.done $0x0  }
0x7c: {  	[sflag:s14] =	ssyncadd.s32 $0xFFFFFD80  }
0x7d: {  	_ =	swait.ge [sflag:s14], $0x280  }
0x7e: {  	[sflag:s14] =	ssyncset.done $0x0  }
0x7f: {  	[sflag:s14] =	ssyncadd.s32 $0xFFFFFD80  }
0x80: {  	_ =	swait.ge [sflag:s14], $0x280  }
0x81: {  	[sflag:s14] =	ssyncset.done $0x0  }
0x82: {  	[sflag:s14] =	ssyncadd.s32 $0xFFFFFD80  }
0x83: {  	_ =	swait.ge [sflag:s14], $0x280  }
0x84: {  	[sflag:s14] =	ssyncset.done $0x0  }
0x85: {  	[sflag:s14] =	ssyncadd.s32 $0xFFFFFD80  }
0x86: {  	_ =	swait.ge [sflag:s14], $0x280  }
0x87: {  	[sflag:s14] =	ssyncset.done $0x0  }
0x88: {  	[sflag:s14] =	ssyncadd.s32 $0xFFFFFD80  }
0x89: {  	_ =	swait.ge [sflag:s14], $0x280  }
0x8a: {  	[sflag:s14] =	ssyncset.done $0x0  }
0x8b: {  	[sflag:s14] =	ssyncadd.s32 $0xFFFFFD80  }
0x8c: {  	_ =	swait.ge [sflag:s14], $0x280  }
0x8d: {  	[sflag:s14] =	ssyncset.done $0x0  }
0x8e: {  	[sflag:s14] =	ssyncadd.s32 $0xFFFFFD80  }
0x8f: {  	_ =	swait.ge [sflag:s14], $0x280  }
0x90: {  	[sflag:s14] =	ssyncset.done $0x0  }
0x91: {  	[sflag:s14] =	ssyncadd.s32 $0xFFFFFD80  }
0x92: {  	[spmem:s2] =	stream.indirect.scatter.add.f32 [tilespmem:s12], [sflag:$0x2], $0x8, s15, s13, $0xb8;
	[tilespmem:$0x3D18] =	vst v63  }
0x93: {  	_ =	swait.ge [sflag:s11], $0x280  }
0x94: {  	[sflag:s11] =	ssyncset.done $0x0  }
0x95: {  	[sflag:s11] =	ssyncadd.s32 $0xFFFFFD80  }
0x96: {  	[spmem:s2] =	stream.indirect.scatter.add.f32 [tilespmem:s12], [sflag:$0x2], $0x8, s16, s13, $0xb8;
	[tilespmem:$0x3D18] =	vst v63  }
0x97: {  	_ =	swait.ge [sflag:s11], $0x280  }
0x98: {  	[sflag:s11] =	ssyncset.done $0x0  }
0x99: {  	[sflag:s11] =	ssyncadd.s32 $0xFFFFFD80  }
0x9a: {  	[spmem:s2] =	stream.indirect.scatter.add.f32 [tilespmem:s12], [sflag:$0x2], $0x8, s17, s13, $0xb8;
	[tilespmem:$0x3D18] =	vst v63  }
0x9b: {  	_ =	swait.ge [sflag:s11], $0x280  }
0x9c: {  	[sflag:s11] =	ssyncset.done $0x0  }
0x9d: {  	[sflag:s11] =	ssyncadd.s32 $0xFFFFFD80  }
0x9e: {  	[spmem:s2] =	stream.indirect.scatter.add.f32 [tilespmem:s12], [sflag:$0x2], $0x8, s18, s13, $0xb8;
	[tilespmem:$0x3D18] =	vst v63  }
0x9f: {  	_ =	swait.ge [sflag:s11], $0x280  }
0xa0: {  	[sflag:s11] =	ssyncset.done $0x0  }
0xa1: {  	[sflag:s11] =	ssyncadd.s32 $0xFFFFFD80  }
0xa2: {  	[spmem:s2] =	stream.indirect.scatter.add.f32 [tilespmem:s12], [sflag:$0x2], $0x8, s19, s13, $0xb8;
	[tilespmem:$0x3D18] =	vst v63  }
0xa3: {  	_ =	swait.ge [sflag:s11], $0x280  }
0xa4: {  	s20 =	sadd.s32 $0x1, s20;
	[sflag:s11] =	ssyncset.done $0x0  }
0xa5: {  	p0 =	sne.s32 s20, s8;
	[sflag:s11] =	ssyncadd.s32 $0xFFFFFD80  }
.Ltmp1:
0xa6: {  	[bflag:$0x0] =	sbarrier.arrive $0xFFFF;
	(pc) =	sbr.rel @p0 .LBB2_1-.Ltmp1, $4  }
0xa7: {  	[hbm:s9], [sflag:s6] =	dma.local [spmem:s10], $0x271  }
0xa8: {  	_ =	swait.ge [sflag:s11], $0x271  }
0xa9: {  	[sflag:s11] =	ssyncset.done $0x0  }
0xaa: {  	[sflag:s11] =	ssyncadd.s32 $0xFFFFFD8F  }
0xab: {  	_ =	sfence.sel $0x180000  }
0xac: {  	[bflag:$0x0] =	sbarrier.arrive $0xFFFF  }
0xad: {  	p0 =	sne.s32 s1, $0x0;
	_ =	strace $0x90000047  }
0xae: {  	s0 =	sadd.s32 @!p0 $0x100000, s0;
	[bflag:$0x2] =	sbarrier.arrive $0xFFFF  }
0xaf: {  	[sflag:s0] =	ssyncadd.tile.s32 @!p0 $0x1;
	_ =	shalt  }
.Lfunc_end2:
_tile_overlayer_lowered:
.L_overlay_start_2:
0xb0: {  	(tag) =	ssettag $0x2  }
0xb1: {  	s0 =	rddreg [dreg:$0x0];
	s2 =	stileid.u32  }
0xb2: {  	s1 =	rddreg [dreg:$0x1];
	p0 =	sne.s32 s2, $0x0  }
0xb3: {  	s3 =	rddreg [dreg:$0x2];
	[bflag:$0x3] =	sbarrier.arrive $0xFFFF;
	s2 =	simm.s32 @!p0 $0x1C02  }
0xb4: {  	[timem:s3], [sflag:s2] =	dma.local @!p0 [hbm:s0], s1  }
0xb5: {  	s0 =	simm.s32 @!p0 $0x2  }
0xb6: {  	_ =	swait.ge @!p0 [sflag:s0], s1  }
0xb7: {  	s1 =	ssub.s32 @!p0 $0x0, s1;
	[sflag:s0] =	ssyncset.done @!p0 $0x0  }
0xb8: {  	[sflag:s0] =	ssyncadd.s32 @!p0 s1  }
0xb9: {  	[bflag:$0x3] =	sbarrier.arrive $0xFFFF  }
0xba: {  	_ =	shalt  }

// kernel: kernel.13.cloned.1.call-start
scs
__scs_entry_jumppad:
0x0: {  	(pc) =	sbr.rel $0x88, $3  }
0x1: {  	(tag) =	ssettag $0x0;
	lr =	simm.s32 $0x1  }
0x2: {  	[smem:$0x3F8B] =	sst lr;
	_ =	strace $0xD0000000  }
0x3: {  	_ = 	snop  }
0x4: {  	_ = 	snop  }
0x5: {  	_ = 	snop  }
0x6: {  	_ = 	snop  }
0x7: {  	_ = 	snop  }
__scs_overlays_trampoline_lowered:
0x8: {  	[smem:$0x3F9A] =	sst s0  }
0x9: {  	[smem:$0x3F9B] =	sst s1  }
0xa: {  	[smem:$0x3F9C] =	sst s2  }
0xb: {  	[smem:$0x3F9D] =	sst s3  }
0xc: {  	[smem:$0x3F9E] =	sst s4  }
0xd: {  	[smem:$0x3F9F] =	sst s5  }
0xe: {  	[smem:$0x3FA0] =	sst s6  }
0xf: {  	[smem:$0x3FA1] =	sst s7  }
0x10: {  	[smem:$0x3FA2] =	sst s8  }
0x11: {  	[smem:$0x3FA3] =	sst s9;
	s0 =	simm.s32 @!p0 $0x0  }
0x12: {  	s1 =	sld [smem:$0x3F89];
	s0 =	simm.s32 @p0 $0x1  }
0x13: {  	[smem:$0x3FA4] =	sst s0;
	s0 =	simm.s32 @!p1 $0x0  }
0x14: {  	s2 =	sld [smem:$0x3F88];
	s0 =	simm.s32 @p1 $0x1  }
0x15: {  	[smem:$0x3FA5] =	sst s0;
	s0 =	simm.s32 @!p2 $0x0  }
0x16: {  	s3 =	sld [smem:$0x3FDB];
	s0 =	simm.s32 @p2 $0x1  }
0x17: {  	s4 =	simm.s32 $0x1BF5;
	[smem:$0x3FA7] =	sst s0  }
0x18: {  	s0 =	sld [smem:$0x3F8A];
	_ =	swait.ge [sflag:s4], $0x0  }
0x19: {  	s7 =	sld [smem:$0x3F8B]  }
0x1a: {  	s8 =	sadd.s32 $0xFFFFE003, lr  }
0x1b: {  	s9 =	sadd.s32 $0xFFFFFEF7, lr;
	s5 =	simm.s32 $0xFFFFFFFF;
	p2 =	slt.u32 s8, $0xFFFFF086  }
0x1c: {  	p1 =	slt.u32 s9, $0xF7A;
	s5 =	simm.s32 @!p2 $0x0  }
0x1d: {  	s5 =	simm.s32 @p1 $0x1;
	p0 =	seq.s32 s7, s2  }
0x1e: {  	s7 =	smul.u32 @!p0 $0xF7A, s2;
	p2 =	seq.s32 @!p0 s5, $0x0  }
0x1f: {  	s9 =	smul.u32 $0xF7A, s1;
	s8 =	simm.s32 @!p0 $0x1BF5;
	p2 =	por !p2, p0  }
0x20: {  	[sflag:s8] =	ssyncset.s32 @!p0 $0xFFFFF086;
	s6 =	sadd.s32 @!p0 s3, s7;
	s7 =	simm.s32 @!p0 $0x108  }
0x21: {  	s3 =	sadd.s32 s3, s9;
	s6 =	sadd.s32 @!p0 $0x88, s6;
	s7 =	simm.s32 @p2 $0x1082  }
0x22: {  	[simem:s7], [sflag:s8] =	dma.local @!p0 [hbm:s6], $0xF7A  }
0x23: {  	s9 =	sor.u32 $0xD0000000, s2;
	s6 =	simm.s32 $0x108;
	_ =	swait.ge @!p0 [sflag:s8], $0x0  }
0x24: {  	s3 =	sadd.s32 $0x88, s3;
	s6 =	simm.s32 @!p1 $0x1082;
	[sflag:s4] =	ssyncset.s32 $0xFFFFF086  }
0x25: {  	[simem:s6], [sflag:s4] =	dma.local [hbm:s3], $0xF7A  }
0x26: {  	[smem:$0x3F8B] =	sst s1;
	(tag) =	ssettag s2;
	_ =	strace s9  }
0x27: {  	s1 =	sld [smem:$0x3F9B]  }
0x28: {  	s2 =	sld [smem:$0x3F9C]  }
0x29: {  	s4 =	sld [smem:$0x3F9E]  }
0x2a: {  	p0 =	seq.s32 s5, $0x0;
	s5 =	sld [smem:$0x3F9F]  }
0x2b: {  	s6 =	sld [smem:$0x3FA0]  }
0x2c: {  	s7 =	sld [smem:$0x3FA1]  }
0x2d: {  	s3 =	simm.s32 $0x108;
	s8 =	sld [smem:$0x3FA2]  }
0x2e: {  	s3 =	simm.s32 @!p0 $0x1082;
	s9 =	sld [smem:$0x3FA3]  }
0x2f: {  	lr =	sadd.s32 s0, s3;
	s0 =	sld [smem:$0x3F9A]  }
0x30: {  	s3 =	sld [smem:$0x3F9D]  }
0x31: {  	[smem:$0x3FA6] =	sst s10  }
0x32: {  	s10 =	sld [smem:$0x3FA4];
	_ =	sdelay $0x3  }
0x33: {  	p0 =	seq.s32 s10, $0x1;
	s10 =	sld [smem:$0x3FA6];
	_ =	sdelay $0x3  }
0x34: {  	[smem:$0x3FA6] =	sst s10  }
0x35: {  	s10 =	sld [smem:$0x3FA5];
	_ =	sdelay $0x3  }
0x36: {  	p1 =	seq.s32 s10, $0x1;
	s10 =	sld [smem:$0x3FA6];
	_ =	sdelay $0x3  }
0x37: {  	[smem:$0x3FA6] =	sst s10  }
0x38: {  	s10 =	sld [smem:$0x3FA7]  }
0x39: {  	_ = 	snop;
	(pc) =	sbr.ind lr, $3  }
0x3a: {  	_ = 	snop  }
0x3b: {  	_ = 	snop  }
0x3c: {  	p2 =	seq.s32 s10, $0x1;
	s10 =	sld [smem:$0x3FA6]  }
0x3d: {  	_ =	shalt  }
0x3e: {  	_ =	shalt  }
0x3f: {  	_ =	shalt  }
0x40: {  	_ =	shalt  }
0x41: {  	_ =	shalt  }
0x42: {  	_ =	shalt  }
0x43: {  	_ =	shalt  }
0x44: {  	_ =	shalt  }
0x45: {  	_ =	shalt  }
0x46: {  	_ =	shalt  }
0x47: {  	_ =	shalt  }
0x48: {  	_ =	shalt  }
0x49: {  	_ =	shalt  }
0x4a: {  	_ =	shalt  }
0x4b: {  	_ =	shalt  }
0x4c: {  	_ =	shalt  }
0x4d: {  	_ =	shalt  }
0x4e: {  	_ =	shalt  }
0x4f: {  	_ =	shalt  }
0x50: {  	_ =	shalt  }
0x51: {  	_ =	shalt  }
0x52: {  	_ =	shalt  }
0x53: {  	_ =	shalt  }
0x54: {  	_ =	shalt  }
0x55: {  	_ =	shalt  }
0x56: {  	_ =	shalt  }
0x57: {  	_ =	shalt  }
0x58: {  	_ =	shalt  }
0x59: {  	_ =	shalt  }
0x5a: {  	_ =	shalt  }
0x5b: {  	_ =	shalt  }
0x5c: {  	_ =	shalt  }
0x5d: {  	_ =	shalt  }
0x5e: {  	_ =	shalt  }
0x5f: {  	_ =	shalt  }
0x60: {  	_ =	shalt  }
0x61: {  	_ =	shalt  }
0x62: {  	_ =	shalt  }
0x63: {  	_ =	shalt  }
0x64: {  	_ =	shalt  }
0x65: {  	_ =	shalt  }
0x66: {  	_ =	shalt  }
0x67: {  	_ =	shalt  }
0x68: {  	_ =	shalt  }
0x69: {  	_ =	shalt  }
0x6a: {  	_ =	shalt  }
0x6b: {  	_ =	shalt  }
0x6c: {  	_ =	shalt  }
0x6d: {  	_ =	shalt  }
0x6e: {  	_ =	shalt  }
0x6f: {  	_ =	shalt  }
0x70: {  	_ =	shalt  }
0x71: {  	_ =	shalt  }
0x72: {  	_ =	shalt  }
0x73: {  	_ =	shalt  }
0x74: {  	_ =	shalt  }
0x75: {  	_ =	shalt  }
0x76: {  	_ =	shalt  }
0x77: {  	_ =	shalt  }
0x78: {  	_ =	shalt  }
0x79: {  	_ =	shalt  }
0x7a: {  	_ =	shalt  }
0x7b: {  	_ =	shalt  }
0x7c: {  	_ =	shalt  }
0x7d: {  	_ =	shalt  }
0x7e: {  	_ =	shalt  }
0x7f: {  	_ =	shalt  }
0x80: {  	_ =	shalt  }
0x81: {  	_ =	shalt  }
0x82: {  	_ =	shalt  }
0x83: {  	_ =	shalt  }
0x84: {  	_ =	shalt  }
0x85: {  	_ =	shalt  }
0x86: {  	_ =	shalt  }
0x87: {  	_ =	shalt  }
.Lfunc_end0:
.L_simem_size_0:
called_computation.1_lowered:
.L_overlay_start_0:
0x88: {  	s2 =	sld [smem:$0x3FD9]  }
0x89: {  	s3 =	sld [smem:$0x3FFE];
	_ =	sdelay $0x1  }
0x8a: {  	s1 =	srdreg.scid  }
0x8b: {  	s0 =	sand.u32 $0x1, s1  }
0x8c: {  	s16 =	sshll.u32 s0, $0xA;
	s2 =	sadd.s32 s3, s2  }
0x8d: {  	s2 =	sadd.s32 s2, s16  }
0x8e: {  	[smem:$0x3FB2] =	sst s2  }
0x8f: {  	_ = 	snop  }
0x90: {  	(tm) =	ssettm $0x1  }
0x91: {  	s17 =	sld [smem:$0x3FFB];
	_ =	sdelay $0x3  }
0x92: {  	_ =	strace s17  }
0x93: {  	s2 =	sld [smem:$0x3FFC];
	_ =	sdelay $0x3  }
0x94: {  	_ =	strace s2  }
0x95: {  	s2 =	sld [smem:$0x3FFD];
	_ =	sdelay $0x3  }
0x96: {  	_ =	strace s2  }
0x97: {  	_ =	strace $0x8FFFFFFF  }
0x98: {  	s18 =	sld [smem:$0x3FDB];
	_ =	sdelay $0x1  }
0x99: {  	s19 =	simm.s32 $_scs_section_size  }
0x9a: {  	s4 =	simm.s32 $_size__tile_overlayer_lowered;
	s5 =	simm.s32 $_tile_overlayer_lowered  }
0x9b: {  	s22 =	simm.s32 $0x1BFF;
	s21 =	sshll.u32 s5, $0x1;
	s2 =	sadd.s32 s19, s18  }
0x9c: {  	s6 =	simm.s32 $0x0;
	s20 =	sshll.u32 s4, $0x1;
	s4 =	sadd.s32 s21, s2  }
0x9d: {  	[timem:s6], [sflag:s22] =	dma.local [hbm:s4], s20  }
0x9e: {  	_ =	swait.ge [sflag:s22], s20  }
0x9f: {  	s3 =	ssub.s32 $0x0, s20;
	[sflag:s22] =	ssyncset.done $0x0  }
0xa0: {  	[sflag:s22] =	ssyncadd.s32 s3;
	_ =	sdelay $0x1  }
0xa1: {  	s23 =	simm.s32 $0x1B8B  }
0xa2: {  	_ =	swait.ge [sflag:s23], $0x1  }
0xa3: {  	[sflag:s23] =	ssyncset.done $0x0  }
0xa4: {  	s25 =	simm.s32 $0x1B8E;
	s24 =	sld [smem:$0x3FFE];
	[sflag:s23] =	ssyncadd.s32 $0xFFFFFFFF  }
0xa5: {  	s26 =	simm.s32 $execute0_lowered;
	[smem:$0x3FD2] =	sst s25  }
0xa6: {  	s4 =	sshll.u32 s26, $0x1;
	_ =	strace $0x80000049;
	[dreg:$0x1] =	wrdreg $0xFFFFFFFF  }
0xa7: {  	s28 =	simm.s32 $_size_execute0_lowered;
	s2 =	sadd.s32 s2, s4;
	[dreg:$0x0] =	wrdreg $0x0  }
0xa8: {  	s4 =	sshll.u32 s28, $0x1;
	[dreg:$0x2] =	wrdreg s2  }
0xa9: {  	[dreg:$0x3] =	wrdreg s4  }
0xaa: {  	[dreg:$0x4] =	wrdreg $0xC0  }
0xab: {  	_ =	task [dreg:s6], $0x5FFFF  }
0xac: {  	[dreg:$0x1] =	wrdreg $0xFFFFFFFF  }
0xad: {  	[dreg:$0x0] =	wrdreg $0x60  }
0xae: {  	[dreg:$0x2] =	wrdreg s24  }
0xaf: {  	[dreg:$0x3] =	wrdreg $0x9E200  }
0xb0: {  	[dreg:$0x4] =	wrdreg $0x9  }
0xb1: {  	_ =	task.clear_ibuf [dreg:s6], $0x5FFFF;
	_ =	strace $0x90000049  }
0xb2: {  	s29 =	simm.s32 $0x9;
	_ =	strace $0x8000004B  }
0xb3: {  	_ =	swait.ge [sflag:s29], $0x1  }
0xb4: {  	[sflag:s29] =	ssyncadd.s32 $0xFFFFFFFF  }
0xb5: {  	_ =	strace $0x9000004B  }
0xb6: {  	_ =	sfence  }
0xb7: {  	s30 =	sld [smem:$0x0];
	_ =	sdelay $0x2  }
0xb8: {  	s31 =	sshll.u32 s1, $0xD;
	s1 =	sshrl.u32 s1, $0x2  }
0xb9: {  	s3 =	sand.u32 $0x4000, s31;
	s1 =	sadd.s32 s1, s30  }
0xba: {  	s0 =	sor.u32 s3, s0;
	s1 =	sshll.u32 s1, $0x11  }
0xbb: {  	s0 =	sor.u32 s1, s0  }
0xbc: {  	s0 =	sadd.s32 $0x8F2B, s0  }
0xbd: {  	[sflag:s0] =	ssyncadd.remote.s32 $0x1  }
0xbe: {  	_ =	sfence.sel $0xFFFF  }
0xbf: {  	[dreg:$0x0] =	wrdreg $0xFFFFFFFF;
	(pc) =	sbr.abs _section_cstart, $3  }
0xc0: {  	[dreg:$0x1] =	wrdreg $0xFFFFFFFF  }
0xc1: {  	_ =	task.clear_ibuf [dreg:s6], $0x2FFFF;
	_ =	strace $0x9FFFFFFF  }
0xc2: {  	(tm) =	ssettm $0x7FFFFFFF  }
0xc3: {  	_ =	shalt  }
tec
execute0_lowered:
.L_overlay_start_1:
0x0: {  	(tag) =	ssettag $0x1  }
0x1: {  	s0 =	srdreg.scid;
	s1 =	rddreg [dreg:$0x0]  }
0x2: {  	s8 =	stileid.u32;
	s2 =	rddreg [dreg:$0x1];
	s18 =	simm.s32 $0x4E20  }
0x3: {  	s19 =	simm.s32 $0x9;
	s21 =	simm.s32 $0x50;
	s22 =	simm.s32 $0x6220  }
0x4: {  	s28 =	simm.s32 $0x1;
	s29 =	simm.s32 $0x2;
	s30 =	simm.s32 $0x3  }
0x5: {  	s31 =	simm.s32 $0x4;
	s20 =	simm.s32 $0x7;
	s6 =	smul.u32 $0x27100, s8  }
0x6: {  	s0 =	sand.u32 $0x1, s0;
	s15 =	smul.u32 $0x9C40, s8;
	s23 =	sadd.s32 $0x1A600, s1  }
0x7: {  	s3 =	sshll.u32 s0, $0x4;
	s7 =	ssub.s32 $0x2, s0;
	p0 =	seq.s32 s0, $0x1  }
0x8: {  	s0 =	simm.s32 $0xA8C00;
	s4 =	sor.u32 s8, s3;
	s3 =	simm.s32 $0x0  }
0x9: {  	s6 =	sshrl.u32 s6, $0x2;
	s24 =	sshrl.u32 s7, $0x1;
	s0 =	simm.s32 @!p0 $0xBC600  }
0xa: {  	s17 =	sshrl.u32 s15, $0x3;
	s5 =	smul.u32 $0x4E2, s4;
	[smem:$0x7FF] =	sst s3  }
0xb: {  	s4 =	sadd.s32 $0x95200, s1;
	s13 =	sadd.s32 s6, s2;
	s7 =	ssub.s32 s7, s24  }
0xc: {  	s6 =	sadd.s32 s15, s2;
	s0 =	sadd.s32 s0, s1;
	s24 =	simm.s32 $0x7620  }
0xd: {  	_ =	strace $0x8000004A;
	[dreg:$0x3] =	wrdreg s23;
	s25 =	sadd.s32 $0x1400, s13  }
0xe: {  	s26 =	sadd.s32 $0x2800, s13;
	s9 =	sadd.s32 $0x3C00, s13;
	s10 =	sadd.s32 $0x5000, s13  }
0xf: {  	s11 =	sadd.s32 $0x6400, s13;
	s12 =	sadd.s32 $0x7800, s13;
	s13 =	sadd.s32 $0x8C00, s13  }
0x10: {  	s16 =	smax.u32 s7, $0x1;
	s17 =	sadd.s32 s0, s17;
	s0 =	simm.s32 $0x6  }
0x11: {  	s23 =	simm.s32 $0x8;
	s5 =	sadd.s32 s5, s1;
	[dreg:$0x4] =	wrdreg s25  }
0x12: {  	[dreg:$0x5] =	wrdreg s26;
	s26 =	simm.s32 $0x8A20;
	s1 =	simm.s32 $0x5  }
0x13: {  	s25 =	simm.s32 $0x0;
	s14 =	sadd.s32 $0x6A00, s5;
	s15 =	sadd.s32 $0x10800, s5  }
.LBB2_1:
0x14: {  	s5 =	rddreg [dreg:$0x3]  }
0x15: {  	[tilespmem:s18], [sflag:$0x9] =	stream.linear.gather [hbm4b:s5+s3], $0x1400, $0x38;
	[tilespmem:$0x13A60] =	vst v63  }
0x16: {  	_ =	swait.ge [sflag:s19], $0x1400  }
0x17: {  	[sflag:s19] =	ssyncset.done $0x0  }
0x18: {  	[sflag:s19] =	ssyncadd.s32 $0xFFFFEC00  }
0x19: {  	[spmem:s6] =	stream.linear.scatter [tilespmem:s18], [sflag:$0x9], $0x1400, $0x38;
	[tilespmem:$0x13A60] =	vst v63  }
0x1a: {  	_ =	swait.ge [sflag:s19], $0x1400  }
0x1b: {  	[sflag:s19] =	ssyncset.done $0x0  }
0x1c: {  	s7 =	rddreg [dreg:$0x4];
	[sflag:s19] =	ssyncadd.s32 $0xFFFFEC00  }
0x1d: {  	[spmem:s7] =	stream.linear.scatter [tilespmem:s18], [sflag:$0x9], $0x1400, $0x38;
	[tilespmem:$0x13A60] =	vst v63  }
0x1e: {  	_ =	swait.ge [sflag:s19], $0x1400  }
0x1f: {  	[sflag:s19] =	ssyncset.done $0x0  }
0x20: {  	s8 =	rddreg [dreg:$0x5];
	[sflag:s19] =	ssyncadd.s32 $0xFFFFEC00  }
0x21: {  	[spmem:s8] =	stream.linear.scatter [tilespmem:s18], [sflag:$0x9], $0x1400, $0x38;
	[tilespmem:$0x13A60] =	vst v63  }
0x22: {  	_ =	swait.ge [sflag:s19], $0x1400  }
0x23: {  	[sflag:s19] =	ssyncset.done $0x0  }
0x24: {  	[sflag:s19] =	ssyncadd.s32 $0xFFFFEC00  }
0x25: {  	[spmem:s9] =	stream.linear.scatter [tilespmem:s18], [sflag:$0x9], $0x1400, $0x38;
	[tilespmem:$0x13A60] =	vst v63  }
0x26: {  	_ =	swait.ge [sflag:s19], $0x1400  }
0x27: {  	[sflag:s19] =	ssyncset.done $0x0  }
0x28: {  	[sflag:s19] =	ssyncadd.s32 $0xFFFFEC00  }
0x29: {  	[spmem:s10] =	stream.linear.scatter [tilespmem:s18], [sflag:$0x9], $0x1400, $0x38;
	[tilespmem:$0x13A60] =	vst v63  }
0x2a: {  	_ =	swait.ge [sflag:s19], $0x1400  }
0x2b: {  	[sflag:s19] =	ssyncset.done $0x0  }
0x2c: {  	[sflag:s19] =	ssyncadd.s32 $0xFFFFEC00  }
0x2d: {  	[spmem:s11] =	stream.linear.scatter [tilespmem:s18], [sflag:$0x9], $0x1400, $0x38;
	[tilespmem:$0x13A60] =	vst v63  }
0x2e: {  	_ =	swait.ge [sflag:s19], $0x1400  }
0x2f: {  	[sflag:s19] =	ssyncset.done $0x0  }
0x30: {  	[sflag:s19] =	ssyncadd.s32 $0xFFFFEC00  }
0x31: {  	[spmem:s12] =	stream.linear.scatter [tilespmem:s18], [sflag:$0x9], $0x1400, $0x38;
	[tilespmem:$0x13A60] =	vst v63  }
0x32: {  	_ =	swait.ge [sflag:s19], $0x1400  }
0x33: {  	[sflag:s19] =	ssyncset.done $0x0  }
0x34: {  	[sflag:s19] =	ssyncadd.s32 $0xFFFFEC00  }
0x35: {  	[spmem:s13] =	stream.linear.scatter [tilespmem:s18], [sflag:$0x9], $0x1040, $0x38;
	[tilespmem:$0x13A60] =	vst v63  }
0x36: {  	_ =	swait.ge [sflag:s19], $0x1040  }
0x37: {  	[sflag:s19] =	ssyncset.done $0x0  }
0x38: {  	[sflag:s19] =	ssyncadd.s32 $0xFFFFEFC0  }
0x39: {  	[tilespmem:s3], [sflag:$0x9] =	stream.linear.gather [hbm4b:s14+s3], $0x2710, $0x38;
	[tilespmem:$0x13A60] =	vst v63  }
0x3a: {  	_ =	swait.ge [sflag:s19], $0x2710  }
0x3b: {  	[sflag:s19] =	ssyncset.done $0x0  }
0x3c: {  	s7 =	simm.s32 $0x2710;
	[sflag:s19] =	ssyncadd.s32 $0xFFFFD8F0  }
0x3d: {  	[tilespmem:s7], [sflag:$0x9] =	stream.linear.gather [hbm4b:s15+s3], $0x2710, $0x38;
	[tilespmem:$0x13A60] =	vst v63  }
0x3e: {  	_ =	swait.ge [sflag:s19], $0x2710  }
0x3f: {  	[sflag:s19] =	ssyncset.done $0x0  }
0x40: {  	[sflag:s19] =	ssyncadd.s32 $0xFFFFD8F0  }
0x41: {  	[bflag:$0x0] =	sbarrier.arrive $0xFFFF  }
0x42: {  	[tilespmem:s18], [sflag:$0x1] =	stream.indirect.gather [hbm4b:s4+s21], $0x40, s3, s21, $0xb8;
	[tilespmem:$0x13A60] =	vst v63  }
0x43: {  	_ = 	snop  }
0x44: {  	[tilespmem:s22], [sflag:$0x2] =	stream.indirect.gather [hbm4b:s4+s21], $0x40, s21, s21, $0xb8;
	[tilespmem:$0x13A60] =	vst v63  }
0x45: {  	s8 =	simm.s32 $0xA0  }
0x46: {  	[tilespmem:s24], [sflag:$0x3] =	stream.indirect.gather [hbm4b:s4+s21], $0x40, s8, s21, $0xb8;
	[tilespmem:$0x13A60] =	vst v63  }
0x47: {  	s7 =	simm.s32 $0xF0  }
0x48: {  	[tilespmem:s26], [sflag:$0x4] =	stream.indirect.gather [hbm4b:s4+s21], $0x40, s7, s21, $0xb8;
	[tilespmem:$0x13A60] =	vst v63  }
0x49: {  	_ =	swait.ge [sflag:s28], $0x1400  }
0x4a: {  	[sflag:s28] =	ssyncset.done $0x0  }
0x4b: {  	s8 =	simm.s32 $0x2710;
	[sflag:s28] =	ssyncadd.s32 $0xFFFFEC00  }
0x4c: {  	[spmem:s2] =	stream.indirect.scatter.add.f32 [tilespmem:s18], [sflag:$0x5], $0x40, s8, s21, $0xb8;
	[tilespmem:$0x13A60] =	vst v63  }
0x4d: {  	_ =	swait.ge [sflag:s29], $0x1400  }
0x4e: {  	[sflag:s29] =	ssyncset.done $0x0  }
0x4f: {  	s7 =	simm.s32 $0x2760;
	[sflag:s29] =	ssyncadd.s32 $0xFFFFEC00  }
0x50: {  	[spmem:s2] =	stream.indirect.scatter.add.f32 [tilespmem:s22], [sflag:$0x6], $0x40, s7, s21, $0xb8;
	[tilespmem:$0x13A60] =	vst v63  }
0x51: {  	_ =	swait.ge [sflag:s30], $0x1400  }
0x52: {  	[sflag:s30] =	ssyncset.done $0x0  }
0x53: {  	s8 =	simm.s32 $0x27B0;
	[sflag:s30] =	ssyncadd.s32 $0xFFFFEC00  }
0x54: {  	[spmem:s2] =	stream.indirect.scatter.add.f32 [tilespmem:s24], [sflag:$0x7], $0x40, s8, s21, $0xb8;
	[tilespmem:$0x13A60] =	vst v63  }
0x55: {  	_ =	swait.ge [sflag:s31], $0x1400  }
0x56: {  	[sflag:s31] =	ssyncset.done $0x0  }
0x57: {  	s7 =	simm.s32 $0x2800;
	[sflag:s31] =	ssyncadd.s32 $0xFFFFEC00  }
0x58: {  	[spmem:s2] =	stream.indirect.scatter.add.f32 [tilespmem:s26], [sflag:$0x8], $0x40, s7, s21, $0xb8;
	[tilespmem:$0x13A60] =	vst v63  }
0x59: {  	_ =	swait.ge [sflag:s1], $0x1400  }
0x5a: {  	[sflag:s1] =	ssyncset.done $0x0  }
0x5b: {  	s8 =	simm.s32 $0x140;
	[sflag:s1] =	ssyncadd.s32 $0xFFFFEC00  }
0x5c: {  	[tilespmem:s18], [sflag:$0x1] =	stream.indirect.gather [hbm4b:s4+s21], $0x40, s8, s21, $0xb8;
	[tilespmem:$0x13A60] =	vst v63  }
0x5d: {  	_ =	swait.ge [sflag:s0], $0x1400  }
0x5e: {  	[sflag:s0] =	ssyncset.done $0x0  }
0x5f: {  	s7 =	simm.s32 $0x190;
	[sflag:s0] =	ssyncadd.s32 $0xFFFFEC00  }
0x60: {  	[tilespmem:s22], [sflag:$0x2] =	stream.indirect.gather [hbm4b:s4+s21], $0x40, s7, s21, $0xb8;
	[tilespmem:$0x13A60] =	vst v63  }
0x61: {  	_ =	swait.ge [sflag:s20], $0x1400  }
0x62: {  	[sflag:s20] =	ssyncset.done $0x0  }
0x63: {  	s8 =	simm.s32 $0x1E0;
	[sflag:s20] =	ssyncadd.s32 $0xFFFFEC00  }
0x64: {  	[tilespmem:s24], [sflag:$0x3] =	stream.indirect.gather [hbm4b:s4+s21], $0x40, s8, s21, $0xb8;
	[tilespmem:$0x13A60] =	vst v63  }
0x65: {  	_ =	swait.ge [sflag:s23], $0x1400  }
0x66: {  	[sflag:s23] =	ssyncset.done $0x0  }
0x67: {  	s5 =	simm.s32 $0x500;
	s7 =	simm.s32 $0x230;
	[sflag:s23] =	ssyncadd.s32 $0xFFFFEC00  }
.LBB2_2:
0x68: {  	[tilespmem:s26], [sflag:$0x4] =	stream.indirect.gather [hbm4b:s4+s21], $0x40, s7, s21, $0xb8;
	[tilespmem:$0x13A60] =	vst v63  }
0x69: {  	s7 =	smov.u32 s5  }
0x6a: {  	p0 =	sne.s32 s5, $0x9100;
	s5 =	sadd.s32 $0x500, s5;
	_ =	swait.ge [sflag:s28], $0x1400  }
0x6b: {  	s7 =	sshra.s32 s7, $0x2;
	[sflag:s28] =	ssyncset.done $0x0  }
0x6c: {  	s8 =	sadd.s32 $0x2710, s7;
	[sflag:s28] =	ssyncadd.s32 $0xFFFFEC00  }
0x6d: {  	[spmem:s2] =	stream.indirect.scatter.add.f32 [tilespmem:s18], [sflag:$0x5], $0x40, s8, s21, $0xb8;
	[tilespmem:$0x13A60] =	vst v63  }
0x6e: {  	_ =	swait.ge [sflag:s29], $0x1400  }
0x6f: {  	[sflag:s29] =	ssyncset.done $0x0  }
0x70: {  	s8 =	sadd.s32 $0x2760, s7;
	[sflag:s29] =	ssyncadd.s32 $0xFFFFEC00  }
0x71: {  	[spmem:s2] =	stream.indirect.scatter.add.f32 [tilespmem:s22], [sflag:$0x6], $0x40, s8, s21, $0xb8;
	[tilespmem:$0x13A60] =	vst v63  }
0x72: {  	_ =	swait.ge [sflag:s30], $0x1400  }
0x73: {  	[sflag:s30] =	ssyncset.done $0x0  }
0x74: {  	s8 =	sadd.s32 $0x27B0, s7;
	[sflag:s30] =	ssyncadd.s32 $0xFFFFEC00  }
0x75: {  	[spmem:s2] =	stream.indirect.scatter.add.f32 [tilespmem:s24], [sflag:$0x7], $0x40, s8, s21, $0xb8;
	[tilespmem:$0x13A60] =	vst v63  }
0x76: {  	_ =	swait.ge [sflag:s31], $0x1400  }
0x77: {  	[sflag:s31] =	ssyncset.done $0x0  }
0x78: {  	s8 =	sadd.s32 $0x2800, s7;
	[sflag:s31] =	ssyncadd.s32 $0xFFFFEC00  }
0x79: {  	[spmem:s2] =	stream.indirect.scatter.add.f32 [tilespmem:s26], [sflag:$0x8], $0x40, s8, s21, $0xb8;
	[tilespmem:$0x13A60] =	vst v63  }
0x7a: {  	_ =	swait.ge [sflag:s1], $0x1400  }
0x7b: {  	[sflag:s1] =	ssyncset.done $0x0  }
0x7c: {  	s8 =	sadd.s32 $0x140, s7;
	[sflag:s1] =	ssyncadd.s32 $0xFFFFEC00  }
0x7d: {  	[tilespmem:s18], [sflag:$0x1] =	stream.indirect.gather [hbm4b:s4+s21], $0x40, s8, s21, $0xb8;
	[tilespmem:$0x13A60] =	vst v63  }
0x7e: {  	_ =	swait.ge [sflag:s0], $0x1400  }
0x7f: {  	[sflag:s0] =	ssyncset.done $0x0  }
0x80: {  	s8 =	sadd.s32 $0x190, s7;
	[sflag:s0] =	ssyncadd.s32 $0xFFFFEC00  }
0x81: {  	[tilespmem:s22], [sflag:$0x2] =	stream.indirect.gather [hbm4b:s4+s21], $0x40, s8, s21, $0xb8;
	[tilespmem:$0x13A60] =	vst v63  }
0x82: {  	_ =	swait.ge [sflag:s20], $0x1400  }
0x83: {  	[sflag:s20] =	ssyncset.done $0x0  }
.Ltmp0:
0x84: {  	s8 =	sadd.s32 $0x1E0, s7;
	[sflag:s20] =	ssyncadd.s32 $0xFFFFEC00;
	(pc) =	sbr.rel @p0 .LBB2_2-.Ltmp0, $4  }
0x85: {  	[tilespmem:s24], [sflag:$0x3] =	stream.indirect.gather [hbm4b:s4+s21], $0x40, s8, s21, $0xb8;
	[tilespmem:$0x13A60] =	vst v63  }
0x86: {  	_ =	swait.ge [sflag:s23], $0x1400  }
0x87: {  	[sflag:s23] =	ssyncset.done $0x0  }
0x88: {  	s7 =	sadd.s32 $0x230, s7;
	[sflag:s23] =	ssyncadd.s32 $0xFFFFEC00  }
0x89: {  	[tilespmem:s26], [sflag:$0x4] =	stream.indirect.gather [hbm4b:s4+s21], $0x40, s7, s21, $0xb8;
	[tilespmem:$0x13A60] =	vst v63  }
0x8a: {  	_ =	swait.ge [sflag:s28], $0x1400  }
0x8b: {  	[sflag:s28] =	ssyncset.done $0x0  }
0x8c: {  	s5 =	simm.s32 $0x4C90;
	[sflag:s28] =	ssyncadd.s32 $0xFFFFEC00  }
0x8d: {  	[spmem:s2] =	stream.indirect.scatter.add.f32 [tilespmem:s18], [sflag:$0x5], $0x40, s5, s21, $0xb8;
	[tilespmem:$0x13A60] =	vst v63  }
0x8e: {  	_ =	swait.ge [sflag:s29], $0x1400  }
0x8f: {  	[sflag:s29] =	ssyncset.done $0x0  }
0x90: {  	s8 =	simm.s32 $0x4CE0;
	[sflag:s29] =	ssyncadd.s32 $0xFFFFEC00  }
0x91: {  	[spmem:s2] =	stream.indirect.scatter.add.f32 [tilespmem:s22], [sflag:$0x6], $0x40, s8, s21, $0xb8;
	[tilespmem:$0x13A60] =	vst v63  }
0x92: {  	_ =	swait.ge [sflag:s30], $0x1400  }
0x93: {  	[sflag:s30] =	ssyncset.done $0x0  }
0x94: {  	s7 =	simm.s32 $0x4D30;
	[sflag:s30] =	ssyncadd.s32 $0xFFFFEC00  }
0x95: {  	[spmem:s2] =	stream.indirect.scatter.add.f32 [tilespmem:s24], [sflag:$0x7], $0x40, s7, s21, $0xb8;
	[tilespmem:$0x13A60] =	vst v63  }
0x96: {  	_ =	swait.ge [sflag:s31], $0x1400  }
0x97: {  	[sflag:s31] =	ssyncset.done $0x0  }
0x98: {  	s8 =	simm.s32 $0x4D80;
	[sflag:s31] =	ssyncadd.s32 $0xFFFFEC00  }
0x99: {  	[spmem:s2] =	stream.indirect.scatter.add.f32 [tilespmem:s26], [sflag:$0x8], $0x40, s8, s21, $0xb8;
	[tilespmem:$0x13A60] =	vst v63  }
0x9a: {  	_ =	swait.ge [sflag:s1], $0x1400  }
0x9b: {  	[sflag:s1] =	ssyncset.done $0x0  }
0x9c: {  	s7 =	simm.s32 $0x26C0;
	[sflag:s1] =	ssyncadd.s32 $0xFFFFEC00  }
0x9d: {  	[tilespmem:s18], [sflag:$0x1] =	stream.indirect.gather [hbm4b:s4+s21], $0x40, s7, s21, $0xb8;
	[tilespmem:$0x13A60] =	vst v63  }
0x9e: {  	_ =	swait.ge [sflag:s0], $0x1400  }
0x9f: {  	[sflag:s0] =	ssyncset.done $0x0  }
0xa0: {  	[sflag:s0] =	ssyncadd.s32 $0xFFFFEC00  }
0xa1: {  	_ =	swait.ge [sflag:s20], $0x1400  }
0xa2: {  	[sflag:s20] =	ssyncset.done $0x0  }
0xa3: {  	[sflag:s20] =	ssyncadd.s32 $0xFFFFEC00  }
0xa4: {  	_ =	swait.ge [sflag:s23], $0x1400  }
0xa5: {  	[sflag:s23] =	ssyncset.done $0x0  }
0xa6: {  	[sflag:s23] =	ssyncadd.s32 $0xFFFFEC00  }
0xa7: {  	_ =	swait.ge [sflag:s28], $0x1400  }
0xa8: {  	[sflag:s28] =	ssyncset.done $0x0  }
0xa9: {  	s8 =	simm.s32 $0x4DD0;
	[sflag:s28] =	ssyncadd.s32 $0xFFFFEC00  }
0xaa: {  	[spmem:s2] =	stream.indirect.scatter.add.f32 [tilespmem:s18], [sflag:$0x9], $0x40, s8, s21, $0xb8;
	[tilespmem:$0x13A60] =	vst v63  }
0xab: {  	s7 =	stileid.u32;
	_ =	swait.ge [sflag:s19], $0x1400  }
0xac: {  	s25 =	sadd.s32 $0x1, s25;
	s5 =	sshll.u32 s7, $0x6;
	[sflag:s19] =	ssyncset.done $0x0  }
0xad: {  	p0 =	sne.s32 s25, s16;
	s5 =	sor.u32 $0x1C09, s5;
	[sflag:s19] =	ssyncadd.s32 $0xFFFFEC00  }
.Ltmp1:
0xae: {  	s8 =	sshrl.u32 s6, $0x3;
	[bflag:$0x0] =	sbarrier.arrive $0xFFFF;
	(pc) =	sbr.rel @p0 .LBB2_1-.Ltmp1, $4  }
0xaf: {  	[hbm:s17], [sflag:s5] =	dma.local [spmem:s8], $0x1388  }
0xb0: {  	_ =	swait.ge [sflag:s19], $0x1388  }
0xb1: {  	[sflag:s19] =	ssyncset.done $0x0  }
0xb2: {  	[sflag:s19] =	ssyncadd.s32 $0xFFFFEC78  }
0xb3: {  	_ =	sfence.sel $0x180000  }
0xb4: {  	[bflag:$0x0] =	sbarrier.arrive $0xFFFF  }
0xb5: {  	_ =	strace $0x9000004A  }
0xb6: {  	s0 =	stileid.u32;
	[bflag:$0x2] =	sbarrier.arrive $0xFFFF  }
0xb7: {  	p0 =	sne.s32 s0, $0x0;
	s0 =	rddreg [dreg:$0x2]  }
0xb8: {  	s0 =	sadd.s32 @!p0 $0x100000, s0  }
0xb9: {  	[sflag:s0] =	ssyncadd.tile.s32 @!p0 $0x1;
	_ =	shalt  }
.Lfunc_end2:
_tile_overlayer_lowered:
.L_overlay_start_2:
0xba: {  	(tag) =	ssettag $0x2  }
0xbb: {  	s0 =	rddreg [dreg:$0x0];
	s2 =	stileid.u32  }
0xbc: {  	s1 =	rddreg [dreg:$0x1];
	p0 =	sne.s32 s2, $0x0  }
0xbd: {  	s3 =	rddreg [dreg:$0x2];
	[bflag:$0x3] =	sbarrier.arrive $0xFFFF;
	s2 =	simm.s32 @!p0 $0x1C09  }
0xbe: {  	[timem:s3], [sflag:s2] =	dma.local @!p0 [hbm:s0], s1  }
0xbf: {  	s0 =	simm.s32 @!p0 $0x9  }
0xc0: {  	_ =	swait.ge @!p0 [sflag:s0], s1  }
0xc1: {  	s1 =	ssub.s32 @!p0 $0x0, s1;
	[sflag:s0] =	ssyncset.done @!p0 $0x0  }
0xc2: {  	[sflag:s0] =	ssyncadd.s32 @!p0 s1  }
0xc3: {  	[bflag:$0x3] =	sbarrier.arrive $0xFFFF  }
0xc4: {  	_ =	shalt  }

// kernel: kernel.16.cloned.1.call-start
scs
__scs_entry_jumppad:
0x0: {  	(pc) =	sbr.rel $0x88, $3  }
0x1: {  	(tag) =	ssettag $0x0;
	lr =	simm.s32 $0x1  }
0x2: {  	[smem:$0x3F8B] =	sst lr;
	_ =	strace $0xD0000000  }
0x3: {  	_ = 	snop  }
0x4: {  	_ = 	snop  }
0x5: {  	_ = 	snop  }
0x6: {  	_ = 	snop  }
0x7: {  	_ = 	snop  }
__scs_overlays_trampoline_lowered:
0x8: {  	[smem:$0x3F9A] =	sst s0  }
0x9: {  	[smem:$0x3F9B] =	sst s1  }
0xa: {  	[smem:$0x3F9C] =	sst s2  }
0xb: {  	[smem:$0x3F9D] =	sst s3  }
0xc: {  	[smem:$0x3F9E] =	sst s4  }
0xd: {  	[smem:$0x3F9F] =	sst s5  }
0xe: {  	[smem:$0x3FA0] =	sst s6  }
0xf: {  	[smem:$0x3FA1] =	sst s7  }
0x10: {  	[smem:$0x3FA2] =	sst s8  }
0x11: {  	[smem:$0x3FA3] =	sst s9;
	s0 =	simm.s32 @!p0 $0x0  }
0x12: {  	s1 =	sld [smem:$0x3F89];
	s0 =	simm.s32 @p0 $0x1  }
0x13: {  	[smem:$0x3FA4] =	sst s0;
	s0 =	simm.s32 @!p1 $0x0  }
0x14: {  	s2 =	sld [smem:$0x3F88];
	s0 =	simm.s32 @p1 $0x1  }
0x15: {  	[smem:$0x3FA5] =	sst s0;
	s0 =	simm.s32 @!p2 $0x0  }
0x16: {  	s3 =	sld [smem:$0x3FDB];
	s0 =	simm.s32 @p2 $0x1  }
0x17: {  	s4 =	simm.s32 $0x1BF5;
	[smem:$0x3FA7] =	sst s0  }
0x18: {  	s0 =	sld [smem:$0x3F8A];
	_ =	swait.ge [sflag:s4], $0x0  }
0x19: {  	s7 =	sld [smem:$0x3F8B]  }
0x1a: {  	s8 =	sadd.s32 $0xFFFFE003, lr  }
0x1b: {  	s9 =	sadd.s32 $0xFFFFFEF7, lr;
	s5 =	simm.s32 $0xFFFFFFFF;
	p2 =	slt.u32 s8, $0xFFFFF086  }
0x1c: {  	p1 =	slt.u32 s9, $0xF7A;
	s5 =	simm.s32 @!p2 $0x0  }
0x1d: {  	s5 =	simm.s32 @p1 $0x1;
	p0 =	seq.s32 s7, s2  }
0x1e: {  	s7 =	smul.u32 @!p0 $0xF7A, s2;
	p2 =	seq.s32 @!p0 s5, $0x0  }
0x1f: {  	s9 =	smul.u32 $0xF7A, s1;
	s8 =	simm.s32 @!p0 $0x1BF5;
	p2 =	por !p2, p0  }
0x20: {  	[sflag:s8] =	ssyncset.s32 @!p0 $0xFFFFF086;
	s6 =	sadd.s32 @!p0 s3, s7;
	s7 =	simm.s32 @!p0 $0x108  }
0x21: {  	s3 =	sadd.s32 s3, s9;
	s6 =	sadd.s32 @!p0 $0x88, s6;
	s7 =	simm.s32 @p2 $0x1082  }
0x22: {  	[simem:s7], [sflag:s8] =	dma.local @!p0 [hbm:s6], $0xF7A  }
0x23: {  	s9 =	sor.u32 $0xD0000000, s2;
	s6 =	simm.s32 $0x108;
	_ =	swait.ge @!p0 [sflag:s8], $0x0  }
0x24: {  	s3 =	sadd.s32 $0x88, s3;
	s6 =	simm.s32 @!p1 $0x1082;
	[sflag:s4] =	ssyncset.s32 $0xFFFFF086  }
0x25: {  	[simem:s6], [sflag:s4] =	dma.local [hbm:s3], $0xF7A  }
0x26: {  	[smem:$0x3F8B] =	sst s1;
	(tag) =	ssettag s2;
	_ =	strace s9  }
0x27: {  	s1 =	sld [smem:$0x3F9B]  }
0x28: {  	s2 =	sld [smem:$0x3F9C]  }
0x29: {  	s4 =	sld [smem:$0x3F9E]  }
0x2a: {  	p0 =	seq.s32 s5, $0x0;
	s5 =	sld [smem:$0x3F9F]  }
0x2b: {  	s6 =	sld [smem:$0x3FA0]  }
0x2c: {  	s7 =	sld [smem:$0x3FA1]  }
0x2d: {  	s3 =	simm.s32 $0x108;
	s8 =	sld [smem:$0x3FA2]  }
0x2e: {  	s3 =	simm.s32 @!p0 $0x1082;
	s9 =	sld [smem:$0x3FA3]  }
0x2f: {  	lr =	sadd.s32 s0, s3;
	s0 =	sld [smem:$0x3F9A]  }
0x30: {  	s3 =	sld [smem:$0x3F9D]  }
0x31: {  	[smem:$0x3FA6] =	sst s10  }
0x32: {  	s10 =	sld [smem:$0x3FA4];
	_ =	sdelay $0x3  }
0x33: {  	p0 =	seq.s32 s10, $0x1;
	s10 =	sld [smem:$0x3FA6];
	_ =	sdelay $0x3  }
0x34: {  	[smem:$0x3FA6] =	sst s10  }
0x35: {  	s10 =	sld [smem:$0x3FA5];
	_ =	sdelay $0x3  }
0x36: {  	p1 =	seq.s32 s10, $0x1;
	s10 =	sld [smem:$0x3FA6];
	_ =	sdelay $0x3  }
0x37: {  	[smem:$0x3FA6] =	sst s10  }
0x38: {  	s10 =	sld [smem:$0x3FA7]  }
0x39: {  	_ = 	snop;
	(pc) =	sbr.ind lr, $3  }
0x3a: {  	_ = 	snop  }
0x3b: {  	_ = 	snop  }
0x3c: {  	p2 =	seq.s32 s10, $0x1;
	s10 =	sld [smem:$0x3FA6]  }
0x3d: {  	_ =	shalt  }
0x3e: {  	_ =	shalt  }
0x3f: {  	_ =	shalt  }
0x40: {  	_ =	shalt  }
0x41: {  	_ =	shalt  }
0x42: {  	_ =	shalt  }
0x43: {  	_ =	shalt  }
0x44: {  	_ =	shalt  }
0x45: {  	_ =	shalt  }
0x46: {  	_ =	shalt  }
0x47: {  	_ =	shalt  }
0x48: {  	_ =	shalt  }
0x49: {  	_ =	shalt  }
0x4a: {  	_ =	shalt  }
0x4b: {  	_ =	shalt  }
0x4c: {  	_ =	shalt  }
0x4d: {  	_ =	shalt  }
0x4e: {  	_ =	shalt  }
0x4f: {  	_ =	shalt  }
0x50: {  	_ =	shalt  }
0x51: {  	_ =	shalt  }
0x52: {  	_ =	shalt  }
0x53: {  	_ =	shalt  }
0x54: {  	_ =	shalt  }
0x55: {  	_ =	shalt  }
0x56: {  	_ =	shalt  }
0x57: {  	_ =	shalt  }
0x58: {  	_ =	shalt  }
0x59: {  	_ =	shalt  }
0x5a: {  	_ =	shalt  }
0x5b: {  	_ =	shalt  }
0x5c: {  	_ =	shalt  }
0x5d: {  	_ =	shalt  }
0x5e: {  	_ =	shalt  }
0x5f: {  	_ =	shalt  }
0x60: {  	_ =	shalt  }
0x61: {  	_ =	shalt  }
0x62: {  	_ =	shalt  }
0x63: {  	_ =	shalt  }
0x64: {  	_ =	shalt  }
0x65: {  	_ =	shalt  }
0x66: {  	_ =	shalt  }
0x67: {  	_ =	shalt  }
0x68: {  	_ =	shalt  }
0x69: {  	_ =	shalt  }
0x6a: {  	_ =	shalt  }
0x6b: {  	_ =	shalt  }
0x6c: {  	_ =	shalt  }
0x6d: {  	_ =	shalt  }
0x6e: {  	_ =	shalt  }
0x6f: {  	_ =	shalt  }
0x70: {  	_ =	shalt  }
0x71: {  	_ =	shalt  }
0x72: {  	_ =	shalt  }
0x73: {  	_ =	shalt  }
0x74: {  	_ =	shalt  }
0x75: {  	_ =	shalt  }
0x76: {  	_ =	shalt  }
0x77: {  	_ =	shalt  }
0x78: {  	_ =	shalt  }
0x79: {  	_ =	shalt  }
0x7a: {  	_ =	shalt  }
0x7b: {  	_ =	shalt  }
0x7c: {  	_ =	shalt  }
0x7d: {  	_ =	shalt  }
0x7e: {  	_ =	shalt  }
0x7f: {  	_ =	shalt  }
0x80: {  	_ =	shalt  }
0x81: {  	_ =	shalt  }
0x82: {  	_ =	shalt  }
0x83: {  	_ =	shalt  }
0x84: {  	_ =	shalt  }
0x85: {  	_ =	shalt  }
0x86: {  	_ =	shalt  }
0x87: {  	_ =	shalt  }
.Lfunc_end0:
.L_simem_size_0:
called_computation.2_lowered:
.L_overlay_start_0:
0x88: {  	s2 =	sld [smem:$0x3FD9]  }
0x89: {  	s3 =	sld [smem:$0x3FFE];
	_ =	sdelay $0x1  }
0x8a: {  	s1 =	srdreg.scid  }
0x8b: {  	s0 =	sand.u32 $0x1, s1  }
0x8c: {  	s16 =	sshll.u32 s0, $0xA;
	s2 =	sadd.s32 s3, s2  }
0x8d: {  	s2 =	sadd.s32 s2, s16  }
0x8e: {  	[smem:$0x3FB2] =	sst s2  }
0x8f: {  	_ = 	snop  }
0x90: {  	(tm) =	ssettm $0x1  }
0x91: {  	s17 =	sld [smem:$0x3FFB];
	_ =	sdelay $0x3  }
0x92: {  	_ =	strace s17  }
0x93: {  	s2 =	sld [smem:$0x3FFC];
	_ =	sdelay $0x3  }
0x94: {  	_ =	strace s2  }
0x95: {  	s2 =	sld [smem:$0x3FFD];
	_ =	sdelay $0x3  }
0x96: {  	_ =	strace s2  }
0x97: {  	_ =	strace $0x8FFFFFFF  }
0x98: {  	s18 =	sld [smem:$0x3FDB];
	_ =	sdelay $0x1  }
0x99: {  	s19 =	simm.s32 $_scs_section_size  }
0x9a: {  	s4 =	simm.s32 $_size__tile_overlayer_lowered;
	s5 =	simm.s32 $_tile_overlayer_lowered  }
0x9b: {  	s22 =	simm.s32 $0x1BFF;
	s21 =	sshll.u32 s5, $0x1;
	s2 =	sadd.s32 s19, s18  }
0x9c: {  	s6 =	simm.s32 $0x0;
	s20 =	sshll.u32 s4, $0x1;
	s4 =	sadd.s32 s21, s2  }
0x9d: {  	[timem:s6], [sflag:s22] =	dma.local [hbm:s4], s20  }
0x9e: {  	_ =	swait.ge [sflag:s22], s20  }
0x9f: {  	s3 =	ssub.s32 $0x0, s20;
	[sflag:s22] =	ssyncset.done $0x0  }
0xa0: {  	[sflag:s22] =	ssyncadd.s32 s3;
	_ =	sdelay $0x1  }
0xa1: {  	s23 =	simm.s32 $0x1B8B  }
0xa2: {  	_ =	swait.ge [sflag:s23], $0x1  }
0xa3: {  	[sflag:s23] =	ssyncset.done $0x0  }
0xa4: {  	s25 =	simm.s32 $0x1B8E;
	s24 =	sld [smem:$0x3FFE];
	[sflag:s23] =	ssyncadd.s32 $0xFFFFFFFF  }
0xa5: {  	s26 =	simm.s32 $execute0_lowered;
	[smem:$0x3FD2] =	sst s25  }
0xa6: {  	s4 =	sshll.u32 s26, $0x1;
	_ =	strace $0x8000004C;
	[dreg:$0x1] =	wrdreg $0xFFFFFFFF  }
0xa7: {  	s28 =	simm.s32 $_size_execute0_lowered;
	s2 =	sadd.s32 s2, s4;
	[dreg:$0x0] =	wrdreg $0x0  }
0xa8: {  	s4 =	sshll.u32 s28, $0x1;
	[dreg:$0x2] =	wrdreg s2  }
0xa9: {  	[dreg:$0x3] =	wrdreg s4  }
0xaa: {  	[dreg:$0x4] =	wrdreg $0xC0  }
0xab: {  	_ =	task [dreg:s6], $0x5FFFF  }
0xac: {  	[dreg:$0x1] =	wrdreg $0xFFFFFFFF  }
0xad: {  	[dreg:$0x0] =	wrdreg $0x60  }
0xae: {  	[dreg:$0x2] =	wrdreg s24  }
0xaf: {  	[dreg:$0x3] =	wrdreg $0x9E200  }
0xb0: {  	[dreg:$0x4] =	wrdreg $0x9  }
0xb1: {  	_ =	task.clear_ibuf [dreg:s6], $0x5FFFF;
	_ =	strace $0x9000004C  }
0xb2: {  	s29 =	simm.s32 $0x9;
	_ =	strace $0x8000004E  }
0xb3: {  	_ =	swait.ge [sflag:s29], $0x1  }
0xb4: {  	[sflag:s29] =	ssyncadd.s32 $0xFFFFFFFF  }
0xb5: {  	_ =	strace $0x9000004E  }
0xb6: {  	_ =	sfence  }
0xb7: {  	s30 =	sld [smem:$0x0];
	_ =	sdelay $0x2  }
0xb8: {  	s31 =	sshll.u32 s1, $0xD;
	s1 =	sshrl.u32 s1, $0x2  }
0xb9: {  	s3 =	sand.u32 $0x4000, s31;
	s1 =	sadd.s32 s1, s30  }
0xba: {  	s0 =	sor.u32 s3, s0;
	s1 =	sshll.u32 s1, $0x11  }
0xbb: {  	s0 =	sor.u32 s1, s0  }
0xbc: {  	s0 =	sadd.s32 $0x8F2B, s0  }
0xbd: {  	[sflag:s0] =	ssyncadd.remote.s32 $0x1  }
0xbe: {  	_ =	sfence.sel $0xFFFF  }
0xbf: {  	[dreg:$0x0] =	wrdreg $0xFFFFFFFF;
	(pc) =	sbr.abs _section_cstart, $3  }
0xc0: {  	[dreg:$0x1] =	wrdreg $0xFFFFFFFF  }
0xc1: {  	_ =	task.clear_ibuf [dreg:s6], $0x2FFFF;
	_ =	strace $0x9FFFFFFF  }
0xc2: {  	(tm) =	ssettm $0x7FFFFFFF  }
0xc3: {  	_ =	shalt  }
tec
execute0_lowered:
.L_overlay_start_1:
0x0: {  	(tag) =	ssettag $0x1  }
0x1: {  	s0 =	srdreg.scid;
	s1 =	rddreg [dreg:$0x0]  }
0x2: {  	s8 =	stileid.u32;
	s2 =	rddreg [dreg:$0x1];
	s18 =	simm.s32 $0x4E20  }
0x3: {  	s19 =	simm.s32 $0x9;
	s21 =	simm.s32 $0x50;
	s22 =	simm.s32 $0x6220  }
0x4: {  	s28 =	simm.s32 $0x1;
	s29 =	simm.s32 $0x2;
	s30 =	simm.s32 $0x3  }
0x5: {  	s31 =	simm.s32 $0x4;
	s20 =	simm.s32 $0x7;
	s6 =	smul.u32 $0x27100, s8  }
0x6: {  	s0 =	sand.u32 $0x1, s0;
	s15 =	smul.u32 $0x9C40, s8;
	s23 =	sadd.s32 $0x1A600, s1  }
0x7: {  	s3 =	sshll.u32 s0, $0x4;
	s7 =	ssub.s32 $0x2, s0;
	p0 =	seq.s32 s0, $0x1  }
0x8: {  	s0 =	simm.s32 $0x81A00;
	s4 =	sor.u32 s8, s3;
	s3 =	simm.s32 $0x0  }
0x9: {  	s6 =	sshrl.u32 s6, $0x2;
	s24 =	sshrl.u32 s7, $0x1;
	s0 =	simm.s32 @!p0 $0x95400  }
0xa: {  	s17 =	sshrl.u32 s15, $0x3;
	s5 =	smul.u32 $0x4E2, s4;
	[smem:$0x7FF] =	sst s3  }
0xb: {  	s4 =	sadd.s32 $0x6E000, s1;
	s13 =	sadd.s32 s6, s2;
	s7 =	ssub.s32 s7, s24  }
0xc: {  	s6 =	sadd.s32 s15, s2;
	s0 =	sadd.s32 s0, s1;
	s24 =	simm.s32 $0x7620  }
0xd: {  	_ =	strace $0x8000004D;
	[dreg:$0x3] =	wrdreg s23;
	s25 =	sadd.s32 $0x1400, s13  }
0xe: {  	s26 =	sadd.s32 $0x2800, s13;
	s9 =	sadd.s32 $0x3C00, s13;
	s10 =	sadd.s32 $0x5000, s13  }
0xf: {  	s11 =	sadd.s32 $0x6400, s13;
	s12 =	sadd.s32 $0x7800, s13;
	s13 =	sadd.s32 $0x8C00, s13  }
0x10: {  	s16 =	smax.u32 s7, $0x1;
	s17 =	sadd.s32 s0, s17;
	s0 =	simm.s32 $0x6  }
0x11: {  	s23 =	simm.s32 $0x8;
	s5 =	sadd.s32 s5, s1;
	[dreg:$0x4] =	wrdreg s25  }
0x12: {  	[dreg:$0x5] =	wrdreg s26;
	s26 =	simm.s32 $0x8A20;
	s1 =	simm.s32 $0x5  }
0x13: {  	s25 =	simm.s32 $0x0;
	s14 =	sadd.s32 $0x6A00, s5;
	s15 =	sadd.s32 $0x10800, s5  }
.LBB2_1:
0x14: {  	s5 =	rddreg [dreg:$0x3]  }
0x15: {  	[tilespmem:s18], [sflag:$0x9] =	stream.linear.gather [hbm4b:s5+s3], $0x1400, $0x38;
	[tilespmem:$0x13A60] =	vst v63  }
0x16: {  	_ =	swait.ge [sflag:s19], $0x1400  }
0x17: {  	[sflag:s19] =	ssyncset.done $0x0  }
0x18: {  	[sflag:s19] =	ssyncadd.s32 $0xFFFFEC00  }
0x19: {  	[spmem:s6] =	stream.linear.scatter [tilespmem:s18], [sflag:$0x9], $0x1400, $0x38;
	[tilespmem:$0x13A60] =	vst v63  }
0x1a: {  	_ =	swait.ge [sflag:s19], $0x1400  }
0x1b: {  	[sflag:s19] =	ssyncset.done $0x0  }
0x1c: {  	s7 =	rddreg [dreg:$0x4];
	[sflag:s19] =	ssyncadd.s32 $0xFFFFEC00  }
0x1d: {  	[spmem:s7] =	stream.linear.scatter [tilespmem:s18], [sflag:$0x9], $0x1400, $0x38;
	[tilespmem:$0x13A60] =	vst v63  }
0x1e: {  	_ =	swait.ge [sflag:s19], $0x1400  }
0x1f: {  	[sflag:s19] =	ssyncset.done $0x0  }
0x20: {  	s8 =	rddreg [dreg:$0x5];
	[sflag:s19] =	ssyncadd.s32 $0xFFFFEC00  }
0x21: {  	[spmem:s8] =	stream.linear.scatter [tilespmem:s18], [sflag:$0x9], $0x1400, $0x38;
	[tilespmem:$0x13A60] =	vst v63  }
0x22: {  	_ =	swait.ge [sflag:s19], $0x1400  }
0x23: {  	[sflag:s19] =	ssyncset.done $0x0  }
0x24: {  	[sflag:s19] =	ssyncadd.s32 $0xFFFFEC00  }
0x25: {  	[spmem:s9] =	stream.linear.scatter [tilespmem:s18], [sflag:$0x9], $0x1400, $0x38;
	[tilespmem:$0x13A60] =	vst v63  }
0x26: {  	_ =	swait.ge [sflag:s19], $0x1400  }
0x27: {  	[sflag:s19] =	ssyncset.done $0x0  }
0x28: {  	[sflag:s19] =	ssyncadd.s32 $0xFFFFEC00  }
0x29: {  	[spmem:s10] =	stream.linear.scatter [tilespmem:s18], [sflag:$0x9], $0x1400, $0x38;
	[tilespmem:$0x13A60] =	vst v63  }
0x2a: {  	_ =	swait.ge [sflag:s19], $0x1400  }
0x2b: {  	[sflag:s19] =	ssyncset.done $0x0  }
0x2c: {  	[sflag:s19] =	ssyncadd.s32 $0xFFFFEC00  }
0x2d: {  	[spmem:s11] =	stream.linear.scatter [tilespmem:s18], [sflag:$0x9], $0x1400, $0x38;
	[tilespmem:$0x13A60] =	vst v63  }
0x2e: {  	_ =	swait.ge [sflag:s19], $0x1400  }
0x2f: {  	[sflag:s19] =	ssyncset.done $0x0  }
0x30: {  	[sflag:s19] =	ssyncadd.s32 $0xFFFFEC00  }
0x31: {  	[spmem:s12] =	stream.linear.scatter [tilespmem:s18], [sflag:$0x9], $0x1400, $0x38;
	[tilespmem:$0x13A60] =	vst v63  }
0x32: {  	_ =	swait.ge [sflag:s19], $0x1400  }
0x33: {  	[sflag:s19] =	ssyncset.done $0x0  }
0x34: {  	[sflag:s19] =	ssyncadd.s32 $0xFFFFEC00  }
0x35: {  	[spmem:s13] =	stream.linear.scatter [tilespmem:s18], [sflag:$0x9], $0x1040, $0x38;
	[tilespmem:$0x13A60] =	vst v63  }
0x36: {  	_ =	swait.ge [sflag:s19], $0x1040  }
0x37: {  	[sflag:s19] =	ssyncset.done $0x0  }
0x38: {  	[sflag:s19] =	ssyncadd.s32 $0xFFFFEFC0  }
0x39: {  	[tilespmem:s3], [sflag:$0x9] =	stream.linear.gather [hbm4b:s14+s3], $0x2710, $0x38;
	[tilespmem:$0x13A60] =	vst v63  }
0x3a: {  	_ =	swait.ge [sflag:s19], $0x2710  }
0x3b: {  	[sflag:s19] =	ssyncset.done $0x0  }
0x3c: {  	s7 =	simm.s32 $0x2710;
	[sflag:s19] =	ssyncadd.s32 $0xFFFFD8F0  }
0x3d: {  	[tilespmem:s7], [sflag:$0x9] =	stream.linear.gather [hbm4b:s15+s3], $0x2710, $0x38;
	[tilespmem:$0x13A60] =	vst v63  }
0x3e: {  	_ =	swait.ge [sflag:s19], $0x2710  }
0x3f: {  	[sflag:s19] =	ssyncset.done $0x0  }
0x40: {  	[sflag:s19] =	ssyncadd.s32 $0xFFFFD8F0  }
0x41: {  	[bflag:$0x0] =	sbarrier.arrive $0xFFFF  }
0x42: {  	[tilespmem:s18], [sflag:$0x1] =	stream.indirect.gather [hbm4b:s4+s21], $0x40, s3, s21, $0xb8;
	[tilespmem:$0x13A60] =	vst v63  }
0x43: {  	_ = 	snop  }
0x44: {  	[tilespmem:s22], [sflag:$0x2] =	stream.indirect.gather [hbm4b:s4+s21], $0x40, s21, s21, $0xb8;
	[tilespmem:$0x13A60] =	vst v63  }
0x45: {  	s8 =	simm.s32 $0xA0  }
0x46: {  	[tilespmem:s24], [sflag:$0x3] =	stream.indirect.gather [hbm4b:s4+s21], $0x40, s8, s21, $0xb8;
	[tilespmem:$0x13A60] =	vst v63  }
0x47: {  	s7 =	simm.s32 $0xF0  }
0x48: {  	[tilespmem:s26], [sflag:$0x4] =	stream.indirect.gather [hbm4b:s4+s21], $0x40, s7, s21, $0xb8;
	[tilespmem:$0x13A60] =	vst v63  }
0x49: {  	_ =	swait.ge [sflag:s28], $0x1400  }
0x4a: {  	[sflag:s28] =	ssyncset.done $0x0  }
0x4b: {  	s8 =	simm.s32 $0x2710;
	[sflag:s28] =	ssyncadd.s32 $0xFFFFEC00  }
0x4c: {  	[spmem:s2] =	stream.indirect.scatter.add.f32 [tilespmem:s18], [sflag:$0x5], $0x40, s8, s21, $0xb8;
	[tilespmem:$0x13A60] =	vst v63  }
0x4d: {  	_ =	swait.ge [sflag:s29], $0x1400  }
0x4e: {  	[sflag:s29] =	ssyncset.done $0x0  }
0x4f: {  	s7 =	simm.s32 $0x2760;
	[sflag:s29] =	ssyncadd.s32 $0xFFFFEC00  }
0x50: {  	[spmem:s2] =	stream.indirect.scatter.add.f32 [tilespmem:s22], [sflag:$0x6], $0x40, s7, s21, $0xb8;
	[tilespmem:$0x13A60] =	vst v63  }
0x51: {  	_ =	swait.ge [sflag:s30], $0x1400  }
0x52: {  	[sflag:s30] =	ssyncset.done $0x0  }
0x53: {  	s8 =	simm.s32 $0x27B0;
	[sflag:s30] =	ssyncadd.s32 $0xFFFFEC00  }
0x54: {  	[spmem:s2] =	stream.indirect.scatter.add.f32 [tilespmem:s24], [sflag:$0x7], $0x40, s8, s21, $0xb8;
	[tilespmem:$0x13A60] =	vst v63  }
0x55: {  	_ =	swait.ge [sflag:s31], $0x1400  }
0x56: {  	[sflag:s31] =	ssyncset.done $0x0  }
0x57: {  	s7 =	simm.s32 $0x2800;
	[sflag:s31] =	ssyncadd.s32 $0xFFFFEC00  }
0x58: {  	[spmem:s2] =	stream.indirect.scatter.add.f32 [tilespmem:s26], [sflag:$0x8], $0x40, s7, s21, $0xb8;
	[tilespmem:$0x13A60] =	vst v63  }
0x59: {  	_ =	swait.ge [sflag:s1], $0x1400  }
0x5a: {  	[sflag:s1] =	ssyncset.done $0x0  }
0x5b: {  	s8 =	simm.s32 $0x140;
	[sflag:s1] =	ssyncadd.s32 $0xFFFFEC00  }
0x5c: {  	[tilespmem:s18], [sflag:$0x1] =	stream.indirect.gather [hbm4b:s4+s21], $0x40, s8, s21, $0xb8;
	[tilespmem:$0x13A60] =	vst v63  }
0x5d: {  	_ =	swait.ge [sflag:s0], $0x1400  }
0x5e: {  	[sflag:s0] =	ssyncset.done $0x0  }
0x5f: {  	s7 =	simm.s32 $0x190;
	[sflag:s0] =	ssyncadd.s32 $0xFFFFEC00  }
0x60: {  	[tilespmem:s22], [sflag:$0x2] =	stream.indirect.gather [hbm4b:s4+s21], $0x40, s7, s21, $0xb8;
	[tilespmem:$0x13A60] =	vst v63  }
0x61: {  	_ =	swait.ge [sflag:s20], $0x1400  }
0x62: {  	[sflag:s20] =	ssyncset.done $0x0  }
0x63: {  	s8 =	simm.s32 $0x1E0;
	[sflag:s20] =	ssyncadd.s32 $0xFFFFEC00  }
0x64: {  	[tilespmem:s24], [sflag:$0x3] =	stream.indirect.gather [hbm4b:s4+s21], $0x40, s8, s21, $0xb8;
	[tilespmem:$0x13A60] =	vst v63  }
0x65: {  	_ =	swait.ge [sflag:s23], $0x1400  }
0x66: {  	[sflag:s23] =	ssyncset.done $0x0  }
0x67: {  	s5 =	simm.s32 $0x500;
	s7 =	simm.s32 $0x230;
	[sflag:s23] =	ssyncadd.s32 $0xFFFFEC00  }
.LBB2_2:
0x68: {  	[tilespmem:s26], [sflag:$0x4] =	stream.indirect.gather [hbm4b:s4+s21], $0x40, s7, s21, $0xb8;
	[tilespmem:$0x13A60] =	vst v63  }
0x69: {  	s7 =	smov.u32 s5  }
0x6a: {  	p0 =	sne.s32 s5, $0x9100;
	s5 =	sadd.s32 $0x500, s5;
	_ =	swait.ge [sflag:s28], $0x1400  }
0x6b: {  	s7 =	sshra.s32 s7, $0x2;
	[sflag:s28] =	ssyncset.done $0x0  }
0x6c: {  	s8 =	sadd.s32 $0x2710, s7;
	[sflag:s28] =	ssyncadd.s32 $0xFFFFEC00  }
0x6d: {  	[spmem:s2] =	stream.indirect.scatter.add.f32 [tilespmem:s18], [sflag:$0x5], $0x40, s8, s21, $0xb8;
	[tilespmem:$0x13A60] =	vst v63  }
0x6e: {  	_ =	swait.ge [sflag:s29], $0x1400  }
0x6f: {  	[sflag:s29] =	ssyncset.done $0x0  }
0x70: {  	s8 =	sadd.s32 $0x2760, s7;
	[sflag:s29] =	ssyncadd.s32 $0xFFFFEC00  }
0x71: {  	[spmem:s2] =	stream.indirect.scatter.add.f32 [tilespmem:s22], [sflag:$0x6], $0x40, s8, s21, $0xb8;
	[tilespmem:$0x13A60] =	vst v63  }
0x72: {  	_ =	swait.ge [sflag:s30], $0x1400  }
0x73: {  	[sflag:s30] =	ssyncset.done $0x0  }
0x74: {  	s8 =	sadd.s32 $0x27B0, s7;
	[sflag:s30] =	ssyncadd.s32 $0xFFFFEC00  }
0x75: {  	[spmem:s2] =	stream.indirect.scatter.add.f32 [tilespmem:s24], [sflag:$0x7], $0x40, s8, s21, $0xb8;
	[tilespmem:$0x13A60] =	vst v63  }
0x76: {  	_ =	swait.ge [sflag:s31], $0x1400  }
0x77: {  	[sflag:s31] =	ssyncset.done $0x0  }
0x78: {  	s8 =	sadd.s32 $0x2800, s7;
	[sflag:s31] =	ssyncadd.s32 $0xFFFFEC00  }
0x79: {  	[spmem:s2] =	stream.indirect.scatter.add.f32 [tilespmem:s26], [sflag:$0x8], $0x40, s8, s21, $0xb8;
	[tilespmem:$0x13A60] =	vst v63  }
0x7a: {  	_ =	swait.ge [sflag:s1], $0x1400  }
0x7b: {  	[sflag:s1] =	ssyncset.done $0x0  }
0x7c: {  	s8 =	sadd.s32 $0x140, s7;
	[sflag:s1] =	ssyncadd.s32 $0xFFFFEC00  }
0x7d: {  	[tilespmem:s18], [sflag:$0x1] =	stream.indirect.gather [hbm4b:s4+s21], $0x40, s8, s21, $0xb8;
	[tilespmem:$0x13A60] =	vst v63  }
0x7e: {  	_ =	swait.ge [sflag:s0], $0x1400  }
0x7f: {  	[sflag:s0] =	ssyncset.done $0x0  }
0x80: {  	s8 =	sadd.s32 $0x190, s7;
	[sflag:s0] =	ssyncadd.s32 $0xFFFFEC00  }
0x81: {  	[tilespmem:s22], [sflag:$0x2] =	stream.indirect.gather [hbm4b:s4+s21], $0x40, s8, s21, $0xb8;
	[tilespmem:$0x13A60] =	vst v63  }
0x82: {  	_ =	swait.ge [sflag:s20], $0x1400  }
0x83: {  	[sflag:s20] =	ssyncset.done $0x0  }
.Ltmp0:
0x84: {  	s8 =	sadd.s32 $0x1E0, s7;
	[sflag:s20] =	ssyncadd.s32 $0xFFFFEC00;
	(pc) =	sbr.rel @p0 .LBB2_2-.Ltmp0, $4  }
0x85: {  	[tilespmem:s24], [sflag:$0x3] =	stream.indirect.gather [hbm4b:s4+s21], $0x40, s8, s21, $0xb8;
	[tilespmem:$0x13A60] =	vst v63  }
0x86: {  	_ =	swait.ge [sflag:s23], $0x1400  }
0x87: {  	[sflag:s23] =	ssyncset.done $0x0  }
0x88: {  	s7 =	sadd.s32 $0x230, s7;
	[sflag:s23] =	ssyncadd.s32 $0xFFFFEC00  }
0x89: {  	[tilespmem:s26], [sflag:$0x4] =	stream.indirect.gather [hbm4b:s4+s21], $0x40, s7, s21, $0xb8;
	[tilespmem:$0x13A60] =	vst v63  }
0x8a: {  	_ =	swait.ge [sflag:s28], $0x1400  }
0x8b: {  	[sflag:s28] =	ssyncset.done $0x0  }
0x8c: {  	s5 =	simm.s32 $0x4C90;
	[sflag:s28] =	ssyncadd.s32 $0xFFFFEC00  }
0x8d: {  	[spmem:s2] =	stream.indirect.scatter.add.f32 [tilespmem:s18], [sflag:$0x5], $0x40, s5, s21, $0xb8;
	[tilespmem:$0x13A60] =	vst v63  }
0x8e: {  	_ =	swait.ge [sflag:s29], $0x1400  }
0x8f: {  	[sflag:s29] =	ssyncset.done $0x0  }
0x90: {  	s8 =	simm.s32 $0x4CE0;
	[sflag:s29] =	ssyncadd.s32 $0xFFFFEC00  }
0x91: {  	[spmem:s2] =	stream.indirect.scatter.add.f32 [tilespmem:s22], [sflag:$0x6], $0x40, s8, s21, $0xb8;
	[tilespmem:$0x13A60] =	vst v63  }
0x92: {  	_ =	swait.ge [sflag:s30], $0x1400  }
0x93: {  	[sflag:s30] =	ssyncset.done $0x0  }
0x94: {  	s7 =	simm.s32 $0x4D30;
	[sflag:s30] =	ssyncadd.s32 $0xFFFFEC00  }
0x95: {  	[spmem:s2] =	stream.indirect.scatter.add.f32 [tilespmem:s24], [sflag:$0x7], $0x40, s7, s21, $0xb8;
	[tilespmem:$0x13A60] =	vst v63  }
0x96: {  	_ =	swait.ge [sflag:s31], $0x1400  }
0x97: {  	[sflag:s31] =	ssyncset.done $0x0  }
0x98: {  	s8 =	simm.s32 $0x4D80;
	[sflag:s31] =	ssyncadd.s32 $0xFFFFEC00  }
0x99: {  	[spmem:s2] =	stream.indirect.scatter.add.f32 [tilespmem:s26], [sflag:$0x8], $0x40, s8, s21, $0xb8;
	[tilespmem:$0x13A60] =	vst v63  }
0x9a: {  	_ =	swait.ge [sflag:s1], $0x1400  }
0x9b: {  	[sflag:s1] =	ssyncset.done $0x0  }
0x9c: {  	s7 =	simm.s32 $0x26C0;
	[sflag:s1] =	ssyncadd.s32 $0xFFFFEC00  }
0x9d: {  	[tilespmem:s18], [sflag:$0x1] =	stream.indirect.gather [hbm4b:s4+s21], $0x40, s7, s21, $0xb8;
	[tilespmem:$0x13A60] =	vst v63  }
0x9e: {  	_ =	swait.ge [sflag:s0], $0x1400  }
0x9f: {  	[sflag:s0] =	ssyncset.done $0x0  }
0xa0: {  	[sflag:s0] =	ssyncadd.s32 $0xFFFFEC00  }
0xa1: {  	_ =	swait.ge [sflag:s20], $0x1400  }
0xa2: {  	[sflag:s20] =	ssyncset.done $0x0  }
0xa3: {  	[sflag:s20] =	ssyncadd.s32 $0xFFFFEC00  }
0xa4: {  	_ =	swait.ge [sflag:s23], $0x1400  }
0xa5: {  	[sflag:s23] =	ssyncset.done $0x0  }
0xa6: {  	[sflag:s23] =	ssyncadd.s32 $0xFFFFEC00  }
0xa7: {  	_ =	swait.ge [sflag:s28], $0x1400  }
0xa8: {  	[sflag:s28] =	ssyncset.done $0x0  }
0xa9: {  	s8 =	simm.s32 $0x4DD0;
	[sflag:s28] =	ssyncadd.s32 $0xFFFFEC00  }
0xaa: {  	[spmem:s2] =	stream.indirect.scatter.add.f32 [tilespmem:s18], [sflag:$0x9], $0x40, s8, s21, $0xb8;
	[tilespmem:$0x13A60] =	vst v63  }
0xab: {  	s7 =	stileid.u32;
	_ =	swait.ge [sflag:s19], $0x1400  }
0xac: {  	s25 =	sadd.s32 $0x1, s25;
	s5 =	sshll.u32 s7, $0x6;
	[sflag:s19] =	ssyncset.done $0x0  }
0xad: {  	p0 =	sne.s32 s25, s16;
	s5 =	sor.u32 $0x1C09, s5;
	[sflag:s19] =	ssyncadd.s32 $0xFFFFEC00  }
.Ltmp1:
0xae: {  	s8 =	sshrl.u32 s6, $0x3;
	[bflag:$0x0] =	sbarrier.arrive $0xFFFF;
	(pc) =	sbr.rel @p0 .LBB2_1-.Ltmp1, $4  }
0xaf: {  	[hbm:s17], [sflag:s5] =	dma.local [spmem:s8], $0x1388  }
0xb0: {  	_ =	swait.ge [sflag:s19], $0x1388  }
0xb1: {  	[sflag:s19] =	ssyncset.done $0x0  }
0xb2: {  	[sflag:s19] =	ssyncadd.s32 $0xFFFFEC78  }
0xb3: {  	_ =	sfence.sel $0x180000  }
0xb4: {  	[bflag:$0x0] =	sbarrier.arrive $0xFFFF  }
0xb5: {  	_ =	strace $0x9000004D  }
0xb6: {  	s0 =	stileid.u32;
	[bflag:$0x2] =	sbarrier.arrive $0xFFFF  }
0xb7: {  	p0 =	sne.s32 s0, $0x0;
	s0 =	rddreg [dreg:$0x2]  }
0xb8: {  	s0 =	sadd.s32 @!p0 $0x100000, s0  }
0xb9: {  	[sflag:s0] =	ssyncadd.tile.s32 @!p0 $0x1;
	_ =	shalt  }
.Lfunc_end2:
_tile_overlayer_lowered:
.L_overlay_start_2:
0xba: {  	(tag) =	ssettag $0x2  }
0xbb: {  	s0 =	rddreg [dreg:$0x0];
	s2 =	stileid.u32  }
0xbc: {  	s1 =	rddreg [dreg:$0x1];
	p0 =	sne.s32 s2, $0x0  }
0xbd: {  	s3 =	rddreg [dreg:$0x2];
	[bflag:$0x3] =	sbarrier.arrive $0xFFFF;
	s2 =	simm.s32 @!p0 $0x1C09  }
0xbe: {  	[timem:s3], [sflag:s2] =	dma.local @!p0 [hbm:s0], s1  }
0xbf: {  	s0 =	simm.s32 @!p0 $0x9  }
0xc0: {  	_ =	swait.ge @!p0 [sflag:s0], s1  }
0xc1: {  	s1 =	ssub.s32 @!p0 $0x0, s1;
	[sflag:s0] =	ssyncset.done @!p0 $0x0  }
0xc2: {  	[sflag:s0] =	ssyncadd.s32 @!p0 s1  }
0xc3: {  	[bflag:$0x3] =	sbarrier.arrive $0xFFFF  }
0xc4: {  	_ =	shalt  }

// kernel: kernel.19.cloned.1.call-start
scs
__scs_entry_jumppad:
0x0: {  	(pc) =	sbr.rel $0x88, $3  }
0x1: {  	(tag) =	ssettag $0x0;
	lr =	simm.s32 $0x1  }
0x2: {  	[smem:$0x3F8B] =	sst lr;
	_ =	strace $0xD0000000  }
0x3: {  	_ = 	snop  }
0x4: {  	_ = 	snop  }
0x5: {  	_ = 	snop  }
0x6: {  	_ = 	snop  }
0x7: {  	_ = 	snop  }
__scs_overlays_trampoline_lowered:
0x8: {  	[smem:$0x3F9A] =	sst s0  }
0x9: {  	[smem:$0x3F9B] =	sst s1  }
0xa: {  	[smem:$0x3F9C] =	sst s2  }
0xb: {  	[smem:$0x3F9D] =	sst s3  }
0xc: {  	[smem:$0x3F9E] =	sst s4  }
0xd: {  	[smem:$0x3F9F] =	sst s5  }
0xe: {  	[smem:$0x3FA0] =	sst s6  }
0xf: {  	[smem:$0x3FA1] =	sst s7  }
0x10: {  	[smem:$0x3FA2] =	sst s8  }
0x11: {  	[smem:$0x3FA3] =	sst s9;
	s0 =	simm.s32 @!p0 $0x0  }
0x12: {  	s1 =	sld [smem:$0x3F89];
	s0 =	simm.s32 @p0 $0x1  }
0x13: {  	[smem:$0x3FA4] =	sst s0;
	s0 =	simm.s32 @!p1 $0x0  }
0x14: {  	s2 =	sld [smem:$0x3F88];
	s0 =	simm.s32 @p1 $0x1  }
0x15: {  	[smem:$0x3FA5] =	sst s0;
	s0 =	simm.s32 @!p2 $0x0  }
0x16: {  	s3 =	sld [smem:$0x3FDB];
	s0 =	simm.s32 @p2 $0x1  }
0x17: {  	s4 =	simm.s32 $0x1BF5;
	[smem:$0x3FA7] =	sst s0  }
0x18: {  	s0 =	sld [smem:$0x3F8A];
	_ =	swait.ge [sflag:s4], $0x0  }
0x19: {  	s7 =	sld [smem:$0x3F8B]  }
0x1a: {  	s8 =	sadd.s32 $0xFFFFE003, lr  }
0x1b: {  	s9 =	sadd.s32 $0xFFFFFEF7, lr;
	s5 =	simm.s32 $0xFFFFFFFF;
	p2 =	slt.u32 s8, $0xFFFFF086  }
0x1c: {  	p1 =	slt.u32 s9, $0xF7A;
	s5 =	simm.s32 @!p2 $0x0  }
0x1d: {  	s5 =	simm.s32 @p1 $0x1;
	p0 =	seq.s32 s7, s2  }
0x1e: {  	s7 =	smul.u32 @!p0 $0xF7A, s2;
	p2 =	seq.s32 @!p0 s5, $0x0  }
0x1f: {  	s9 =	smul.u32 $0xF7A, s1;
	s8 =	simm.s32 @!p0 $0x1BF5;
	p2 =	por !p2, p0  }
0x20: {  	[sflag:s8] =	ssyncset.s32 @!p0 $0xFFFFF086;
	s6 =	sadd.s32 @!p0 s3, s7;
	s7 =	simm.s32 @!p0 $0x108  }
0x21: {  	s3 =	sadd.s32 s3, s9;
	s6 =	sadd.s32 @!p0 $0x88, s6;
	s7 =	simm.s32 @p2 $0x1082  }
0x22: {  	[simem:s7], [sflag:s8] =	dma.local @!p0 [hbm:s6], $0xF7A  }
0x23: {  	s9 =	sor.u32 $0xD0000000, s2;
	s6 =	simm.s32 $0x108;
	_ =	swait.ge @!p0 [sflag:s8], $0x0  }
0x24: {  	s3 =	sadd.s32 $0x88, s3;
	s6 =	simm.s32 @!p1 $0x1082;
	[sflag:s4] =	ssyncset.s32 $0xFFFFF086  }
0x25: {  	[simem:s6], [sflag:s4] =	dma.local [hbm:s3], $0xF7A  }
0x26: {  	[smem:$0x3F8B] =	sst s1;
	(tag) =	ssettag s2;
	_ =	strace s9  }
0x27: {  	s1 =	sld [smem:$0x3F9B]  }
0x28: {  	s2 =	sld [smem:$0x3F9C]  }
0x29: {  	s4 =	sld [smem:$0x3F9E]  }
0x2a: {  	p0 =	seq.s32 s5, $0x0;
	s5 =	sld [smem:$0x3F9F]  }
0x2b: {  	s6 =	sld [smem:$0x3FA0]  }
0x2c: {  	s7 =	sld [smem:$0x3FA1]  }
0x2d: {  	s3 =	simm.s32 $0x108;
	s8 =	sld [smem:$0x3FA2]  }
0x2e: {  	s3 =	simm.s32 @!p0 $0x1082;
	s9 =	sld [smem:$0x3FA3]  }
0x2f: {  	lr =	sadd.s32 s0, s3;
	s0 =	sld [smem:$0x3F9A]  }
0x30: {  	s3 =	sld [smem:$0x3F9D]  }
0x31: {  	[smem:$0x3FA6] =	sst s10  }
0x32: {  	s10 =	sld [smem:$0x3FA4];
	_ =	sdelay $0x3  }
0x33: {  	p0 =	seq.s32 s10, $0x1;
	s10 =	sld [smem:$0x3FA6];
	_ =	sdelay $0x3  }
0x34: {  	[smem:$0x3FA6] =	sst s10  }
0x35: {  	s10 =	sld [smem:$0x3FA5];
	_ =	sdelay $0x3  }
0x36: {  	p1 =	seq.s32 s10, $0x1;
	s10 =	sld [smem:$0x3FA6];
	_ =	sdelay $0x3  }
0x37: {  	[smem:$0x3FA6] =	sst s10  }
0x38: {  	s10 =	sld [smem:$0x3FA7]  }
0x39: {  	_ = 	snop;
	(pc) =	sbr.ind lr, $3  }
0x3a: {  	_ = 	snop  }
0x3b: {  	_ = 	snop  }
0x3c: {  	p2 =	seq.s32 s10, $0x1;
	s10 =	sld [smem:$0x3FA6]  }
0x3d: {  	_ =	shalt  }
0x3e: {  	_ =	shalt  }
0x3f: {  	_ =	shalt  }
0x40: {  	_ =	shalt  }
0x41: {  	_ =	shalt  }
0x42: {  	_ =	shalt  }
0x43: {  	_ =	shalt  }
0x44: {  	_ =	shalt  }
0x45: {  	_ =	shalt  }
0x46: {  	_ =	shalt  }
0x47: {  	_ =	shalt  }
0x48: {  	_ =	shalt  }
0x49: {  	_ =	shalt  }
0x4a: {  	_ =	shalt  }
0x4b: {  	_ =	shalt  }
0x4c: {  	_ =	shalt  }
0x4d: {  	_ =	shalt  }
0x4e: {  	_ =	shalt  }
0x4f: {  	_ =	shalt  }
0x50: {  	_ =	shalt  }
0x51: {  	_ =	shalt  }
0x52: {  	_ =	shalt  }
0x53: {  	_ =	shalt  }
0x54: {  	_ =	shalt  }
0x55: {  	_ =	shalt  }
0x56: {  	_ =	shalt  }
0x57: {  	_ =	shalt  }
0x58: {  	_ =	shalt  }
0x59: {  	_ =	shalt  }
0x5a: {  	_ =	shalt  }
0x5b: {  	_ =	shalt  }
0x5c: {  	_ =	shalt  }
0x5d: {  	_ =	shalt  }
0x5e: {  	_ =	shalt  }
0x5f: {  	_ =	shalt  }
0x60: {  	_ =	shalt  }
0x61: {  	_ =	shalt  }
0x62: {  	_ =	shalt  }
0x63: {  	_ =	shalt  }
0x64: {  	_ =	shalt  }
0x65: {  	_ =	shalt  }
0x66: {  	_ =	shalt  }
0x67: {  	_ =	shalt  }
0x68: {  	_ =	shalt  }
0x69: {  	_ =	shalt  }
0x6a: {  	_ =	shalt  }
0x6b: {  	_ =	shalt  }
0x6c: {  	_ =	shalt  }
0x6d: {  	_ =	shalt  }
0x6e: {  	_ =	shalt  }
0x6f: {  	_ =	shalt  }
0x70: {  	_ =	shalt  }
0x71: {  	_ =	shalt  }
0x72: {  	_ =	shalt  }
0x73: {  	_ =	shalt  }
0x74: {  	_ =	shalt  }
0x75: {  	_ =	shalt  }
0x76: {  	_ =	shalt  }
0x77: {  	_ =	shalt  }
0x78: {  	_ =	shalt  }
0x79: {  	_ =	shalt  }
0x7a: {  	_ =	shalt  }
0x7b: {  	_ =	shalt  }
0x7c: {  	_ =	shalt  }
0x7d: {  	_ =	shalt  }
0x7e: {  	_ =	shalt  }
0x7f: {  	_ =	shalt  }
0x80: {  	_ =	shalt  }
0x81: {  	_ =	shalt  }
0x82: {  	_ =	shalt  }
0x83: {  	_ =	shalt  }
0x84: {  	_ =	shalt  }
0x85: {  	_ =	shalt  }
0x86: {  	_ =	shalt  }
0x87: {  	_ =	shalt  }
.Lfunc_end0:
.L_simem_size_0:
called_computation.3_lowered:
.L_overlay_start_0:
0x88: {  	s2 =	sld [smem:$0x3FD9]  }
0x89: {  	s3 =	sld [smem:$0x3FFE];
	_ =	sdelay $0x1  }
0x8a: {  	s1 =	srdreg.scid  }
0x8b: {  	s0 =	sand.u32 $0x1, s1  }
0x8c: {  	s16 =	sshll.u32 s0, $0xA;
	s2 =	sadd.s32 s3, s2  }
0x8d: {  	s2 =	sadd.s32 s2, s16  }
0x8e: {  	[smem:$0x3FB2] =	sst s2  }
0x8f: {  	_ = 	snop  }
0x90: {  	(tm) =	ssettm $0x1  }
0x91: {  	s17 =	sld [smem:$0x3FFB];
	_ =	sdelay $0x3  }
0x92: {  	_ =	strace s17  }
0x93: {  	s2 =	sld [smem:$0x3FFC];
	_ =	sdelay $0x3  }
0x94: {  	_ =	strace s2  }
0x95: {  	s2 =	sld [smem:$0x3FFD];
	_ =	sdelay $0x3  }
0x96: {  	_ =	strace s2  }
0x97: {  	_ =	strace $0x8FFFFFFF  }
0x98: {  	s18 =	sld [smem:$0x3FDB];
	_ =	sdelay $0x1  }
0x99: {  	s19 =	simm.s32 $_scs_section_size  }
0x9a: {  	s4 =	simm.s32 $_size__tile_overlayer_lowered;
	s5 =	simm.s32 $_tile_overlayer_lowered  }
0x9b: {  	s22 =	simm.s32 $0x1BFF;
	s21 =	sshll.u32 s5, $0x1;
	s2 =	sadd.s32 s19, s18  }
0x9c: {  	s6 =	simm.s32 $0x0;
	s20 =	sshll.u32 s4, $0x1;
	s4 =	sadd.s32 s21, s2  }
0x9d: {  	[timem:s6], [sflag:s22] =	dma.local [hbm:s4], s20  }
0x9e: {  	_ =	swait.ge [sflag:s22], s20  }
0x9f: {  	s3 =	ssub.s32 $0x0, s20;
	[sflag:s22] =	ssyncset.done $0x0  }
0xa0: {  	[sflag:s22] =	ssyncadd.s32 s3;
	_ =	sdelay $0x1  }
0xa1: {  	s23 =	simm.s32 $0x1B8B  }
0xa2: {  	_ =	swait.ge [sflag:s23], $0x1  }
0xa3: {  	[sflag:s23] =	ssyncset.done $0x0  }
0xa4: {  	s25 =	simm.s32 $0x1B8E;
	s24 =	sld [smem:$0x3FFE];
	[sflag:s23] =	ssyncadd.s32 $0xFFFFFFFF  }
0xa5: {  	s26 =	simm.s32 $execute0_lowered;
	[smem:$0x3FD2] =	sst s25  }
0xa6: {  	s4 =	sshll.u32 s26, $0x1;
	_ =	strace $0x8000004F;
	[dreg:$0x1] =	wrdreg $0xFFFFFFFF  }
0xa7: {  	s28 =	simm.s32 $_size_execute0_lowered;
	s2 =	sadd.s32 s2, s4;
	[dreg:$0x0] =	wrdreg $0x0  }
0xa8: {  	s4 =	sshll.u32 s28, $0x1;
	[dreg:$0x2] =	wrdreg s2  }
0xa9: {  	[dreg:$0x3] =	wrdreg s4  }
0xaa: {  	[dreg:$0x4] =	wrdreg $0xC0  }
0xab: {  	_ =	task [dreg:s6], $0x5FFFF  }
0xac: {  	[dreg:$0x1] =	wrdreg $0xFFFFFFFF  }
0xad: {  	[dreg:$0x0] =	wrdreg $0x60  }
0xae: {  	[dreg:$0x2] =	wrdreg s24  }
0xaf: {  	[dreg:$0x3] =	wrdreg $0xC6200  }
0xb0: {  	[dreg:$0x4] =	wrdreg $0x9  }
0xb1: {  	_ =	task.clear_ibuf [dreg:s6], $0x5FFFF;
	_ =	strace $0x9000004F  }
0xb2: {  	s29 =	simm.s32 $0x9;
	_ =	strace $0x80000051  }
0xb3: {  	_ =	swait.ge [sflag:s29], $0x1  }
0xb4: {  	[sflag:s29] =	ssyncadd.s32 $0xFFFFFFFF  }
0xb5: {  	_ =	strace $0x90000051  }
0xb6: {  	_ =	sfence  }
0xb7: {  	s30 =	sld [smem:$0x0];
	_ =	sdelay $0x2  }
0xb8: {  	s31 =	sshll.u32 s1, $0xD;
	s1 =	sshrl.u32 s1, $0x2  }
0xb9: {  	s3 =	sand.u32 $0x4000, s31;
	s1 =	sadd.s32 s1, s30  }
0xba: {  	s0 =	sor.u32 s3, s0;
	s1 =	sshll.u32 s1, $0x11  }
0xbb: {  	s0 =	sor.u32 s1, s0  }
0xbc: {  	s0 =	sadd.s32 $0x8F2B, s0  }
0xbd: {  	[sflag:s0] =	ssyncadd.remote.s32 $0x1  }
0xbe: {  	_ =	sfence.sel $0xFFFF  }
0xbf: {  	[dreg:$0x0] =	wrdreg $0xFFFFFFFF;
	(pc) =	sbr.abs _section_cstart, $3  }
0xc0: {  	[dreg:$0x1] =	wrdreg $0xFFFFFFFF  }
0xc1: {  	_ =	task.clear_ibuf [dreg:s6], $0x2FFFF;
	_ =	strace $0x9FFFFFFF  }
0xc2: {  	(tm) =	ssettm $0x7FFFFFFF  }
0xc3: {  	_ =	shalt  }
tec
execute0_lowered:
.L_overlay_start_1:
0x0: {  	(tag) =	ssettag $0x1  }
0x1: {  	s0 =	srdreg.scid  }
0x2: {  	s1 =	rddreg [dreg:$0x0];
	s8 =	stileid.u32  }
0x3: {  	s2 =	rddreg [dreg:$0x1];
	s28 =	simm.s32 $0xD;
	s30 =	simm.s32 $0x28  }
0x4: {  	s31 =	simm.s32 $0x6220;
	s0 =	sand.u32 $0x1, s0;
	s6 =	smul.u32 $0x4E200, s8  }
0x5: {  	s29 =	simm.s32 $0x9E20;
	s9 =	sadd.s32 $0x1A600, s1;
	s3 =	sshll.u32 s0, $0x4  }
0x6: {  	s4 =	sor.u32 s8, s3;
	s3 =	simm.s32 $0x0;
	s6 =	sshrl.u32 s6, $0x2  }
0x7: {  	s7 =	ssub.s32 $0x2, s0;
	[smem:$0x7FF] =	sst s3;
	s10 =	sadd.s32 s6, s2  }
0x8: {  	_ =	strace $0x80000050;
	[dreg:$0x3] =	wrdreg s9;
	s11 =	sadd.s32 $0x1400, s10  }
0x9: {  	p0 =	seq.s32 s0, $0x1;
	s12 =	sadd.s32 $0x2800, s10;
	[dreg:$0x4] =	wrdreg s11  }
0xa: {  	s0 =	simm.s32 $0xBC400;
	s13 =	sadd.s32 $0x3C00, s10;
	[dreg:$0x5] =	wrdreg s12  }
0xb: {  	s8 =	smul.u32 $0x13880, s8;
	s14 =	sadd.s32 $0x5000, s10;
	[dreg:$0x6] =	wrdreg s13  }
0xc: {  	s26 =	sshrl.u32 s7, $0x1;
	s15 =	sadd.s32 $0x6400, s10;
	[dreg:$0x7] =	wrdreg s14  }
0xd: {  	s0 =	simm.s32 @!p0 $0x95200;
	s16 =	sadd.s32 $0x7800, s10;
	[dreg:$0x8] =	wrdreg s15  }
0xe: {  	s5 =	smul.u32 $0x4E2, s4;
	s17 =	sadd.s32 $0x8C00, s10;
	[dreg:$0x9] =	wrdreg s16  }
0xf: {  	s4 =	sadd.s32 $0x6E000, s1;
	s18 =	sadd.s32 $0xA000, s10;
	[dreg:$0xa] =	wrdreg s17  }
0x10: {  	s7 =	ssub.s32 s7, s26;
	s19 =	sadd.s32 $0xB400, s10;
	[dreg:$0xb] =	wrdreg s18  }
0x11: {  	s0 =	sadd.s32 s0, s1;
	s20 =	sadd.s32 $0xC800, s10;
	[dreg:$0xc] =	wrdreg s19  }
0x12: {  	s6 =	sadd.s32 s8, s2;
	s21 =	sadd.s32 $0xDC00, s10;
	[dreg:$0xd] =	wrdreg s20  }
0x13: {  	s22 =	sadd.s32 $0xF000, s10;
	s23 =	sadd.s32 $0x10400, s10;
	[dreg:$0xe] =	wrdreg s21  }
0x14: {  	s24 =	sadd.s32 $0x11800, s10;
	s25 =	sshrl.u32 s8, $0x3;
	[dreg:$0xf] =	wrdreg s22  }
0x15: {  	s26 =	sadd.s32 $0x12C00, s10;
	s8 =	simm.s32 $0x2;
	[dreg:$0x10] =	wrdreg s23  }
0x16: {  	s9 =	simm.s32 $0x3;
	s10 =	simm.s32 $0x4;
	[dreg:$0x11] =	wrdreg s24  }
0x17: {  	s5 =	sadd.s32 s5, s1;
	[dreg:$0x12] =	wrdreg s26;
	s0 =	sadd.s32 s0, s25  }
0x18: {  	s25 =	smax.u32 s7, $0x1;
	s26 =	simm.s32 $0x4E20;
	s1 =	simm.s32 $0x8A20  }
0x19: {  	s7 =	simm.s32 $0x1;
	s11 =	simm.s32 $0x5;
	s12 =	simm.s32 $0x6  }
0x1a: {  	s13 =	simm.s32 $0x7;
	s14 =	simm.s32 $0x8;
	s15 =	simm.s32 $0x9  }
0x1b: {  	s16 =	simm.s32 $0xA;
	s17 =	simm.s32 $0xB;
	s18 =	simm.s32 $0xC  }
0x1c: {  	s19 =	simm.s32 $0x0;
	[dreg:$0x13] =	wrdreg s0;
	s23 =	sadd.s32 $0x6A00, s5  }
0x1d: {  	s24 =	sadd.s32 $0x10800, s5;
	s0 =	simm.s32 $0x7620;
	s5 =	simm.s32 $0xB220  }
.LBB2_1:
0x1e: {  	s20 =	rddreg [dreg:$0x3]  }
0x1f: {  	[tilespmem:s26], [sflag:$0xD] =	stream.linear.gather [hbm4b:s20+s3], $0x1400, $0x38;
	[tilespmem:$0x1FEA0] =	vst v63  }
0x20: {  	_ =	swait.ge [sflag:s28], $0x1400  }
0x21: {  	[sflag:s28] =	ssyncset.done $0x0  }
0x22: {  	[sflag:s28] =	ssyncadd.s32 $0xFFFFEC00  }
0x23: {  	[spmem:s6] =	stream.linear.scatter [tilespmem:s26], [sflag:$0xD], $0x1400, $0x38;
	[tilespmem:$0x1FEA0] =	vst v63  }
0x24: {  	_ =	swait.ge [sflag:s28], $0x1400  }
0x25: {  	[sflag:s28] =	ssyncset.done $0x0  }
0x26: {  	s22 =	rddreg [dreg:$0x4];
	[sflag:s28] =	ssyncadd.s32 $0xFFFFEC00  }
0x27: {  	[spmem:s22] =	stream.linear.scatter [tilespmem:s26], [sflag:$0xD], $0x1400, $0x38;
	[tilespmem:$0x1FEA0] =	vst v63  }
0x28: {  	_ =	swait.ge [sflag:s28], $0x1400  }
0x29: {  	[sflag:s28] =	ssyncset.done $0x0  }
0x2a: {  	s21 =	rddreg [dreg:$0x5];
	[sflag:s28] =	ssyncadd.s32 $0xFFFFEC00  }
0x2b: {  	[spmem:s21] =	stream.linear.scatter [tilespmem:s26], [sflag:$0xD], $0x1400, $0x38;
	[tilespmem:$0x1FEA0] =	vst v63  }
0x2c: {  	_ =	swait.ge [sflag:s28], $0x1400  }
0x2d: {  	[sflag:s28] =	ssyncset.done $0x0  }
0x2e: {  	s22 =	rddreg [dreg:$0x6];
	[sflag:s28] =	ssyncadd.s32 $0xFFFFEC00  }
0x2f: {  	[spmem:s22] =	stream.linear.scatter [tilespmem:s26], [sflag:$0xD], $0x1400, $0x38;
	[tilespmem:$0x1FEA0] =	vst v63  }
0x30: {  	_ =	swait.ge [sflag:s28], $0x1400  }
0x31: {  	[sflag:s28] =	ssyncset.done $0x0  }
0x32: {  	s21 =	rddreg [dreg:$0x7];
	[sflag:s28] =	ssyncadd.s32 $0xFFFFEC00  }
0x33: {  	[spmem:s21] =	stream.linear.scatter [tilespmem:s26], [sflag:$0xD], $0x1400, $0x38;
	[tilespmem:$0x1FEA0] =	vst v63  }
0x34: {  	_ =	swait.ge [sflag:s28], $0x1400  }
0x35: {  	[sflag:s28] =	ssyncset.done $0x0  }
0x36: {  	s22 =	rddreg [dreg:$0x8];
	[sflag:s28] =	ssyncadd.s32 $0xFFFFEC00  }
0x37: {  	[spmem:s22] =	stream.linear.scatter [tilespmem:s26], [sflag:$0xD], $0x1400, $0x38;
	[tilespmem:$0x1FEA0] =	vst v63  }
0x38: {  	_ =	swait.ge [sflag:s28], $0x1400  }
0x39: {  	[sflag:s28] =	ssyncset.done $0x0  }
0x3a: {  	s21 =	rddreg [dreg:$0x9];
	[sflag:s28] =	ssyncadd.s32 $0xFFFFEC00  }
0x3b: {  	[spmem:s21] =	stream.linear.scatter [tilespmem:s26], [sflag:$0xD], $0x1400, $0x38;
	[tilespmem:$0x1FEA0] =	vst v63  }
0x3c: {  	_ =	swait.ge [sflag:s28], $0x1400  }
0x3d: {  	[sflag:s28] =	ssyncset.done $0x0  }
0x3e: {  	s22 =	rddreg [dreg:$0xa];
	[sflag:s28] =	ssyncadd.s32 $0xFFFFEC00  }
0x3f: {  	[spmem:s22] =	stream.linear.scatter [tilespmem:s26], [sflag:$0xD], $0x1400, $0x38;
	[tilespmem:$0x1FEA0] =	vst v63  }
0x40: {  	_ =	swait.ge [sflag:s28], $0x1400  }
0x41: {  	[sflag:s28] =	ssyncset.done $0x0  }
0x42: {  	s21 =	rddreg [dreg:$0xb];
	[sflag:s28] =	ssyncadd.s32 $0xFFFFEC00  }
0x43: {  	[spmem:s21] =	stream.linear.scatter [tilespmem:s26], [sflag:$0xD], $0x1400, $0x38;
	[tilespmem:$0x1FEA0] =	vst v63  }
0x44: {  	_ =	swait.ge [sflag:s28], $0x1400  }
0x45: {  	[sflag:s28] =	ssyncset.done $0x0  }
0x46: {  	s22 =	rddreg [dreg:$0xc];
	[sflag:s28] =	ssyncadd.s32 $0xFFFFEC00  }
0x47: {  	[spmem:s22] =	stream.linear.scatter [tilespmem:s26], [sflag:$0xD], $0x1400, $0x38;
	[tilespmem:$0x1FEA0] =	vst v63  }
0x48: {  	_ =	swait.ge [sflag:s28], $0x1400  }
0x49: {  	[sflag:s28] =	ssyncset.done $0x0  }
0x4a: {  	s21 =	rddreg [dreg:$0xd];
	[sflag:s28] =	ssyncadd.s32 $0xFFFFEC00  }
0x4b: {  	[spmem:s21] =	stream.linear.scatter [tilespmem:s26], [sflag:$0xD], $0x1400, $0x38;
	[tilespmem:$0x1FEA0] =	vst v63  }
0x4c: {  	_ =	swait.ge [sflag:s28], $0x1400  }
0x4d: {  	[sflag:s28] =	ssyncset.done $0x0  }
0x4e: {  	s22 =	rddreg [dreg:$0xe];
	[sflag:s28] =	ssyncadd.s32 $0xFFFFEC00  }
0x4f: {  	[spmem:s22] =	stream.linear.scatter [tilespmem:s26], [sflag:$0xD], $0x1400, $0x38;
	[tilespmem:$0x1FEA0] =	vst v63  }
0x50: {  	_ =	swait.ge [sflag:s28], $0x1400  }
0x51: {  	[sflag:s28] =	ssyncset.done $0x0  }
0x52: {  	s21 =	rddreg [dreg:$0xf];
	[sflag:s28] =	ssyncadd.s32 $0xFFFFEC00  }
0x53: {  	[spmem:s21] =	stream.linear.scatter [tilespmem:s26], [sflag:$0xD], $0x1400, $0x38;
	[tilespmem:$0x1FEA0] =	vst v63  }
0x54: {  	_ =	swait.ge [sflag:s28], $0x1400  }
0x55: {  	[sflag:s28] =	ssyncset.done $0x0  }
0x56: {  	s22 =	rddreg [dreg:$0x10];
	[sflag:s28] =	ssyncadd.s32 $0xFFFFEC00  }
0x57: {  	[spmem:s22] =	stream.linear.scatter [tilespmem:s26], [sflag:$0xD], $0x1400, $0x38;
	[tilespmem:$0x1FEA0] =	vst v63  }
0x58: {  	_ =	swait.ge [sflag:s28], $0x1400  }
0x59: {  	[sflag:s28] =	ssyncset.done $0x0  }
0x5a: {  	s21 =	rddreg [dreg:$0x11];
	[sflag:s28] =	ssyncadd.s32 $0xFFFFEC00  }
0x5b: {  	[spmem:s21] =	stream.linear.scatter [tilespmem:s26], [sflag:$0xD], $0x1400, $0x38;
	[tilespmem:$0x1FEA0] =	vst v63  }
0x5c: {  	_ =	swait.ge [sflag:s28], $0x1400  }
0x5d: {  	[sflag:s28] =	ssyncset.done $0x0  }
0x5e: {  	s22 =	rddreg [dreg:$0x12];
	[sflag:s28] =	ssyncadd.s32 $0xFFFFEC00  }
0x5f: {  	[spmem:s22] =	stream.linear.scatter [tilespmem:s26], [sflag:$0xD], $0xC80, $0x38;
	[tilespmem:$0x1FEA0] =	vst v63  }
0x60: {  	_ =	swait.ge [sflag:s28], $0xC80  }
0x61: {  	[sflag:s28] =	ssyncset.done $0x0  }
0x62: {  	[sflag:s28] =	ssyncadd.s32 $0xFFFFF380  }
0x63: {  	[tilespmem:s3], [sflag:$0xD] =	stream.linear.gather [hbm4b:s23+s3], $0x2710, $0x38;
	[tilespmem:$0x1FEA0] =	vst v63  }
0x64: {  	_ =	swait.ge [sflag:s28], $0x2710  }
0x65: {  	[sflag:s28] =	ssyncset.done $0x0  }
0x66: {  	s21 =	simm.s32 $0x2710;
	[sflag:s28] =	ssyncadd.s32 $0xFFFFD8F0  }
0x67: {  	[tilespmem:s21], [sflag:$0xD] =	stream.linear.gather [hbm4b:s24+s3], $0x2710, $0x38;
	[tilespmem:$0x1FEA0] =	vst v63  }
0x68: {  	_ =	swait.ge [sflag:s28], $0x2710  }
0x69: {  	[sflag:s28] =	ssyncset.done $0x0  }
0x6a: {  	[sflag:s28] =	ssyncadd.s32 $0xFFFFD8F0  }
0x6b: {  	[bflag:$0x0] =	sbarrier.arrive $0xFFFF  }
0x6c: {  	[tilespmem:s26], [sflag:$0x1] =	stream.indirect.gather [hbm4b:s4+s30], $0x80, s3, s30, $0xb8;
	[tilespmem:$0x1FEA0] =	vst v63  }
0x6d: {  	_ = 	snop  }
0x6e: {  	[tilespmem:s31], [sflag:$0x2] =	stream.indirect.gather [hbm4b:s4+s30], $0x80, s30, s30, $0xb8;
	[tilespmem:$0x1FEA0] =	vst v63  }
0x6f: {  	s22 =	simm.s32 $0x50  }
0x70: {  	[tilespmem:s0], [sflag:$0x3] =	stream.indirect.gather [hbm4b:s4+s30], $0x80, s22, s30, $0xb8;
	[tilespmem:$0x1FEA0] =	vst v63  }
0x71: {  	s21 =	simm.s32 $0x78  }
0x72: {  	[tilespmem:s1], [sflag:$0x4] =	stream.indirect.gather [hbm4b:s4+s30], $0x80, s21, s30, $0xb8;
	[tilespmem:$0x1FEA0] =	vst v63  }
0x73: {  	s22 =	simm.s32 $0xA0  }
0x74: {  	[tilespmem:s29], [sflag:$0x5] =	stream.indirect.gather [hbm4b:s4+s30], $0x80, s22, s30, $0xb8;
	[tilespmem:$0x1FEA0] =	vst v63  }
0x75: {  	s21 =	simm.s32 $0xC8  }
0x76: {  	[tilespmem:s5], [sflag:$0x6] =	stream.indirect.gather [hbm4b:s4+s30], $0x80, s21, s30, $0xb8;
	[tilespmem:$0x1FEA0] =	vst v63  }
0x77: {  	_ =	swait.ge [sflag:s7], $0x1400  }
0x78: {  	[sflag:s7] =	ssyncset.done $0x0  }
0x79: {  	s22 =	simm.s32 $0x2710;
	[sflag:s7] =	ssyncadd.s32 $0xFFFFEC00  }
0x7a: {  	[spmem:s2] =	stream.indirect.scatter.add.f32 [tilespmem:s26], [sflag:$0x7], $0x80, s22, s30, $0xb8;
	[tilespmem:$0x1FEA0] =	vst v63  }
0x7b: {  	_ =	swait.ge [sflag:s8], $0x1400  }
0x7c: {  	[sflag:s8] =	ssyncset.done $0x0  }
0x7d: {  	s21 =	simm.s32 $0x2738;
	[sflag:s8] =	ssyncadd.s32 $0xFFFFEC00  }
0x7e: {  	[spmem:s2] =	stream.indirect.scatter.add.f32 [tilespmem:s31], [sflag:$0x8], $0x80, s21, s30, $0xb8;
	[tilespmem:$0x1FEA0] =	vst v63  }
0x7f: {  	_ =	swait.ge [sflag:s9], $0x1400  }
0x80: {  	[sflag:s9] =	ssyncset.done $0x0  }
0x81: {  	s22 =	simm.s32 $0x2760;
	[sflag:s9] =	ssyncadd.s32 $0xFFFFEC00  }
0x82: {  	[spmem:s2] =	stream.indirect.scatter.add.f32 [tilespmem:s0], [sflag:$0x9], $0x80, s22, s30, $0xb8;
	[tilespmem:$0x1FEA0] =	vst v63  }
0x83: {  	_ =	swait.ge [sflag:s10], $0x1400  }
0x84: {  	[sflag:s10] =	ssyncset.done $0x0  }
0x85: {  	s21 =	simm.s32 $0x2788;
	[sflag:s10] =	ssyncadd.s32 $0xFFFFEC00  }
0x86: {  	[spmem:s2] =	stream.indirect.scatter.add.f32 [tilespmem:s1], [sflag:$0xA], $0x80, s21, s30, $0xb8;
	[tilespmem:$0x1FEA0] =	vst v63  }
0x87: {  	_ =	swait.ge [sflag:s11], $0x1400  }
0x88: {  	[sflag:s11] =	ssyncset.done $0x0  }
0x89: {  	s22 =	simm.s32 $0x27B0;
	[sflag:s11] =	ssyncadd.s32 $0xFFFFEC00  }
0x8a: {  	[spmem:s2] =	stream.indirect.scatter.add.f32 [tilespmem:s29], [sflag:$0xB], $0x80, s22, s30, $0xb8;
	[tilespmem:$0x1FEA0] =	vst v63  }
0x8b: {  	_ =	swait.ge [sflag:s12], $0x1400  }
0x8c: {  	[sflag:s12] =	ssyncset.done $0x0  }
0x8d: {  	s21 =	simm.s32 $0x27D8;
	[sflag:s12] =	ssyncadd.s32 $0xFFFFEC00  }
0x8e: {  	[spmem:s2] =	stream.indirect.scatter.add.f32 [tilespmem:s5], [sflag:$0xC], $0x80, s21, s30, $0xb8;
	[tilespmem:$0x1FEA0] =	vst v63  }
0x8f: {  	_ =	swait.ge [sflag:s13], $0x1400  }
0x90: {  	[sflag:s13] =	ssyncset.done $0x0  }
0x91: {  	s22 =	simm.s32 $0xF0;
	[sflag:s13] =	ssyncadd.s32 $0xFFFFEC00  }
0x92: {  	[tilespmem:s26], [sflag:$0x1] =	stream.indirect.gather [hbm4b:s4+s30], $0x80, s22, s30, $0xb8;
	[tilespmem:$0x1FEA0] =	vst v63  }
0x93: {  	_ =	swait.ge [sflag:s14], $0x1400  }
0x94: {  	[sflag:s14] =	ssyncset.done $0x0  }
0x95: {  	s21 =	simm.s32 $0x118;
	[sflag:s14] =	ssyncadd.s32 $0xFFFFEC00  }
0x96: {  	[tilespmem:s31], [sflag:$0x2] =	stream.indirect.gather [hbm4b:s4+s30], $0x80, s21, s30, $0xb8;
	[tilespmem:$0x1FEA0] =	vst v63  }
0x97: {  	_ =	swait.ge [sflag:s15], $0x1400  }
0x98: {  	[sflag:s15] =	ssyncset.done $0x0  }
0x99: {  	s22 =	simm.s32 $0x140;
	[sflag:s15] =	ssyncadd.s32 $0xFFFFEC00  }
0x9a: {  	[tilespmem:s0], [sflag:$0x3] =	stream.indirect.gather [hbm4b:s4+s30], $0x80, s22, s30, $0xb8;
	[tilespmem:$0x1FEA0] =	vst v63  }
0x9b: {  	_ =	swait.ge [sflag:s16], $0x1400  }
0x9c: {  	[sflag:s16] =	ssyncset.done $0x0  }
0x9d: {  	s21 =	simm.s32 $0x168;
	[sflag:s16] =	ssyncadd.s32 $0xFFFFEC00  }
0x9e: {  	[tilespmem:s1], [sflag:$0x4] =	stream.indirect.gather [hbm4b:s4+s30], $0x80, s21, s30, $0xb8;
	[tilespmem:$0x1FEA0] =	vst v63  }
0x9f: {  	_ =	swait.ge [sflag:s17], $0x1400  }
0xa0: {  	[sflag:s17] =	ssyncset.done $0x0  }
0xa1: {  	s22 =	simm.s32 $0x190;
	[sflag:s17] =	ssyncadd.s32 $0xFFFFEC00  }
0xa2: {  	[tilespmem:s29], [sflag:$0x5] =	stream.indirect.gather [hbm4b:s4+s30], $0x80, s22, s30, $0xb8;
	[tilespmem:$0x1FEA0] =	vst v63  }
0xa3: {  	_ =	swait.ge [sflag:s18], $0x1400  }
0xa4: {  	[sflag:s18] =	ssyncset.done $0x0  }
0xa5: {  	s20 =	simm.s32 $0x3C0;
	s21 =	simm.s32 $0x1B8;
	[sflag:s18] =	ssyncadd.s32 $0xFFFFEC00  }
.LBB2_2:
0xa6: {  	[tilespmem:s5], [sflag:$0x6] =	stream.indirect.gather [hbm4b:s4+s30], $0x80, s21, s30, $0xb8;
	[tilespmem:$0x1FEA0] =	vst v63  }
0xa7: {  	s21 =	smov.u32 s20  }
0xa8: {  	p0 =	sne.s32 s20, $0x9240;
	s20 =	sadd.s32 $0x3C0, s20;
	_ =	swait.ge [sflag:s7], $0x1400  }
0xa9: {  	s21 =	sshra.s32 s21, $0x2;
	[sflag:s7] =	ssyncset.done $0x0  }
0xaa: {  	s22 =	sadd.s32 $0x2710, s21;
	[sflag:s7] =	ssyncadd.s32 $0xFFFFEC00  }
0xab: {  	[spmem:s2] =	stream.indirect.scatter.add.f32 [tilespmem:s26], [sflag:$0x7], $0x80, s22, s30, $0xb8;
	[tilespmem:$0x1FEA0] =	vst v63  }
0xac: {  	_ =	swait.ge [sflag:s8], $0x1400  }
0xad: {  	[sflag:s8] =	ssyncset.done $0x0  }
0xae: {  	s22 =	sadd.s32 $0x2738, s21;
	[sflag:s8] =	ssyncadd.s32 $0xFFFFEC00  }
0xaf: {  	[spmem:s2] =	stream.indirect.scatter.add.f32 [tilespmem:s31], [sflag:$0x8], $0x80, s22, s30, $0xb8;
	[tilespmem:$0x1FEA0] =	vst v63  }
0xb0: {  	_ =	swait.ge [sflag:s9], $0x1400  }
0xb1: {  	[sflag:s9] =	ssyncset.done $0x0  }
0xb2: {  	s22 =	sadd.s32 $0x2760, s21;
	[sflag:s9] =	ssyncadd.s32 $0xFFFFEC00  }
0xb3: {  	[spmem:s2] =	stream.indirect.scatter.add.f32 [tilespmem:s0], [sflag:$0x9], $0x80, s22, s30, $0xb8;
	[tilespmem:$0x1FEA0] =	vst v63  }
0xb4: {  	_ =	swait.ge [sflag:s10], $0x1400  }
0xb5: {  	[sflag:s10] =	ssyncset.done $0x0  }
0xb6: {  	s22 =	sadd.s32 $0x2788, s21;
	[sflag:s10] =	ssyncadd.s32 $0xFFFFEC00  }
0xb7: {  	[spmem:s2] =	stream.indirect.scatter.add.f32 [tilespmem:s1], [sflag:$0xA], $0x80, s22, s30, $0xb8;
	[tilespmem:$0x1FEA0] =	vst v63  }
0xb8: {  	_ =	swait.ge [sflag:s11], $0x1400  }
0xb9: {  	[sflag:s11] =	ssyncset.done $0x0  }
0xba: {  	s22 =	sadd.s32 $0x27B0, s21;
	[sflag:s11] =	ssyncadd.s32 $0xFFFFEC00  }
0xbb: {  	[spmem:s2] =	stream.indirect.scatter.add.f32 [tilespmem:s29], [sflag:$0xB], $0x80, s22, s30, $0xb8;
	[tilespmem:$0x1FEA0] =	vst v63  }
0xbc: {  	_ =	swait.ge [sflag:s12], $0x1400  }
0xbd: {  	[sflag:s12] =	ssyncset.done $0x0  }
0xbe: {  	s22 =	sadd.s32 $0x27D8, s21;
	[sflag:s12] =	ssyncadd.s32 $0xFFFFEC00  }
0xbf: {  	[spmem:s2] =	stream.indirect.scatter.add.f32 [tilespmem:s5], [sflag:$0xC], $0x80, s22, s30, $0xb8;
	[tilespmem:$0x1FEA0] =	vst v63  }
0xc0: {  	_ =	swait.ge [sflag:s13], $0x1400  }
0xc1: {  	[sflag:s13] =	ssyncset.done $0x0  }
0xc2: {  	s22 =	sadd.s32 $0xF0, s21;
	[sflag:s13] =	ssyncadd.s32 $0xFFFFEC00  }
0xc3: {  	[tilespmem:s26], [sflag:$0x1] =	stream.indirect.gather [hbm4b:s4+s30], $0x80, s22, s30, $0xb8;
	[tilespmem:$0x1FEA0] =	vst v63  }
0xc4: {  	_ =	swait.ge [sflag:s14], $0x1400  }
0xc5: {  	[sflag:s14] =	ssyncset.done $0x0  }
0xc6: {  	s22 =	sadd.s32 $0x118, s21;
	[sflag:s14] =	ssyncadd.s32 $0xFFFFEC00  }
0xc7: {  	[tilespmem:s31], [sflag:$0x2] =	stream.indirect.gather [hbm4b:s4+s30], $0x80, s22, s30, $0xb8;
	[tilespmem:$0x1FEA0] =	vst v63  }
0xc8: {  	_ =	swait.ge [sflag:s15], $0x1400  }
0xc9: {  	[sflag:s15] =	ssyncset.done $0x0  }
0xca: {  	s22 =	sadd.s32 $0x140, s21;
	[sflag:s15] =	ssyncadd.s32 $0xFFFFEC00  }
0xcb: {  	[tilespmem:s0], [sflag:$0x3] =	stream.indirect.gather [hbm4b:s4+s30], $0x80, s22, s30, $0xb8;
	[tilespmem:$0x1FEA0] =	vst v63  }
0xcc: {  	_ =	swait.ge [sflag:s16], $0x1400  }
0xcd: {  	[sflag:s16] =	ssyncset.done $0x0  }
0xce: {  	s22 =	sadd.s32 $0x168, s21;
	[sflag:s16] =	ssyncadd.s32 $0xFFFFEC00  }
0xcf: {  	[tilespmem:s1], [sflag:$0x4] =	stream.indirect.gather [hbm4b:s4+s30], $0x80, s22, s30, $0xb8;
	[tilespmem:$0x1FEA0] =	vst v63  }
0xd0: {  	_ =	swait.ge [sflag:s17], $0x1400  }
0xd1: {  	[sflag:s17] =	ssyncset.done $0x0  }
.Ltmp0:
0xd2: {  	s22 =	sadd.s32 $0x190, s21;
	[sflag:s17] =	ssyncadd.s32 $0xFFFFEC00;
	(pc) =	sbr.rel @p0 .LBB2_2-.Ltmp0, $4  }
0xd3: {  	[tilespmem:s29], [sflag:$0x5] =	stream.indirect.gather [hbm4b:s4+s30], $0x80, s22, s30, $0xb8;
	[tilespmem:$0x1FEA0] =	vst v63  }
0xd4: {  	_ =	swait.ge [sflag:s18], $0x1400  }
0xd5: {  	[sflag:s18] =	ssyncset.done $0x0  }
0xd6: {  	s21 =	sadd.s32 $0x1B8, s21;
	[sflag:s18] =	ssyncadd.s32 $0xFFFFEC00  }
0xd7: {  	[tilespmem:s5], [sflag:$0x6] =	stream.indirect.gather [hbm4b:s4+s30], $0x80, s21, s30, $0xb8;
	[tilespmem:$0x1FEA0] =	vst v63  }
0xd8: {  	_ =	swait.ge [sflag:s7], $0x1400  }
0xd9: {  	[sflag:s7] =	ssyncset.done $0x0  }
0xda: {  	s20 =	simm.s32 $0x4C90;
	[sflag:s7] =	ssyncadd.s32 $0xFFFFEC00  }
0xdb: {  	[spmem:s2] =	stream.indirect.scatter.add.f32 [tilespmem:s26], [sflag:$0x7], $0x80, s20, s30, $0xb8;
	[tilespmem:$0x1FEA0] =	vst v63  }
0xdc: {  	_ =	swait.ge [sflag:s8], $0x1400  }
0xdd: {  	[sflag:s8] =	ssyncset.done $0x0  }
0xde: {  	s21 =	simm.s32 $0x4CB8;
	[sflag:s8] =	ssyncadd.s32 $0xFFFFEC00  }
0xdf: {  	[spmem:s2] =	stream.indirect.scatter.add.f32 [tilespmem:s31], [sflag:$0x8], $0x80, s21, s30, $0xb8;
	[tilespmem:$0x1FEA0] =	vst v63  }
0xe0: {  	_ =	swait.ge [sflag:s9], $0x1400  }
0xe1: {  	[sflag:s9] =	ssyncset.done $0x0  }
0xe2: {  	s22 =	simm.s32 $0x4CE0;
	[sflag:s9] =	ssyncadd.s32 $0xFFFFEC00  }
0xe3: {  	[spmem:s2] =	stream.indirect.scatter.add.f32 [tilespmem:s0], [sflag:$0x9], $0x80, s22, s30, $0xb8;
	[tilespmem:$0x1FEA0] =	vst v63  }
0xe4: {  	_ =	swait.ge [sflag:s10], $0x1400  }
0xe5: {  	[sflag:s10] =	ssyncset.done $0x0  }
0xe6: {  	s21 =	simm.s32 $0x4D08;
	[sflag:s10] =	ssyncadd.s32 $0xFFFFEC00  }
0xe7: {  	[spmem:s2] =	stream.indirect.scatter.add.f32 [tilespmem:s1], [sflag:$0xA], $0x80, s21, s30, $0xb8;
	[tilespmem:$0x1FEA0] =	vst v63  }
0xe8: {  	_ =	swait.ge [sflag:s11], $0x1400  }
0xe9: {  	[sflag:s11] =	ssyncset.done $0x0  }
0xea: {  	s22 =	simm.s32 $0x4D30;
	[sflag:s11] =	ssyncadd.s32 $0xFFFFEC00  }
0xeb: {  	[spmem:s2] =	stream.indirect.scatter.add.f32 [tilespmem:s29], [sflag:$0xB], $0x80, s22, s30, $0xb8;
	[tilespmem:$0x1FEA0] =	vst v63  }
0xec: {  	_ =	swait.ge [sflag:s12], $0x1400  }
0xed: {  	[sflag:s12] =	ssyncset.done $0x0  }
0xee: {  	s21 =	simm.s32 $0x4D58;
	[sflag:s12] =	ssyncadd.s32 $0xFFFFEC00  }
0xef: {  	[spmem:s2] =	stream.indirect.scatter.add.f32 [tilespmem:s5], [sflag:$0xC], $0x80, s21, s30, $0xb8;
	[tilespmem:$0x1FEA0] =	vst v63  }
0xf0: {  	_ =	swait.ge [sflag:s13], $0x1400  }
0xf1: {  	[sflag:s13] =	ssyncset.done $0x0  }
0xf2: {  	s22 =	simm.s32 $0x2670;
	[sflag:s13] =	ssyncadd.s32 $0xFFFFEC00  }
0xf3: {  	[tilespmem:s26], [sflag:$0x1] =	stream.indirect.gather [hbm4b:s4+s30], $0x80, s22, s30, $0xb8;
	[tilespmem:$0x1FEA0] =	vst v63  }
0xf4: {  	_ =	swait.ge [sflag:s14], $0x1400  }
0xf5: {  	[sflag:s14] =	ssyncset.done $0x0  }
0xf6: {  	s21 =	simm.s32 $0x2698;
	[sflag:s14] =	ssyncadd.s32 $0xFFFFEC00  }
0xf7: {  	[tilespmem:s31], [sflag:$0x2] =	stream.indirect.gather [hbm4b:s4+s30], $0x80, s21, s30, $0xb8;
	[tilespmem:$0x1FEA0] =	vst v63  }
0xf8: {  	_ =	swait.ge [sflag:s15], $0x1400  }
0xf9: {  	[sflag:s15] =	ssyncset.done $0x0  }
0xfa: {  	s22 =	simm.s32 $0x26C0;
	[sflag:s15] =	ssyncadd.s32 $0xFFFFEC00  }
0xfb: {  	[tilespmem:s0], [sflag:$0x3] =	stream.indirect.gather [hbm4b:s4+s30], $0x80, s22, s30, $0xb8;
	[tilespmem:$0x1FEA0] =	vst v63  }
0xfc: {  	_ =	swait.ge [sflag:s16], $0x1400  }
0xfd: {  	[sflag:s16] =	ssyncset.done $0x0  }
0xfe: {  	s21 =	simm.s32 $0x26E8;
	[sflag:s16] =	ssyncadd.s32 $0xFFFFEC00  }
0xff: {  	[tilespmem:s1], [sflag:$0x4] =	stream.indirect.gather [hbm4b:s4+s30], $0x80, s21, s30, $0xb8;
	[tilespmem:$0x1FEA0] =	vst v63  }
0x100: {  	_ =	swait.ge [sflag:s17], $0x1400  }
0x101: {  	[sflag:s17] =	ssyncset.done $0x0  }
0x102: {  	[sflag:s17] =	ssyncadd.s32 $0xFFFFEC00  }
0x103: {  	_ =	swait.ge [sflag:s18], $0x1400  }
0x104: {  	[sflag:s18] =	ssyncset.done $0x0  }
0x105: {  	[sflag:s18] =	ssyncadd.s32 $0xFFFFEC00  }
0x106: {  	_ =	swait.ge [sflag:s7], $0x1400  }
0x107: {  	[sflag:s7] =	ssyncset.done $0x0  }
0x108: {  	s22 =	simm.s32 $0x4D80;
	[sflag:s7] =	ssyncadd.s32 $0xFFFFEC00  }
0x109: {  	[spmem:s2] =	stream.indirect.scatter.add.f32 [tilespmem:s26], [sflag:$0xD], $0x80, s22, s30, $0xb8;
	[tilespmem:$0x1FEA0] =	vst v63  }
0x10a: {  	_ =	swait.ge [sflag:s28], $0x1400  }
0x10b: {  	[sflag:s28] =	ssyncset.done $0x0  }
0x10c: {  	[sflag:s28] =	ssyncadd.s32 $0xFFFFEC00  }
0x10d: {  	_ =	swait.ge [sflag:s8], $0x1400  }
0x10e: {  	[sflag:s8] =	ssyncset.done $0x0  }
0x10f: {  	s21 =	simm.s32 $0x4DA8;
	[sflag:s8] =	ssyncadd.s32 $0xFFFFEC00  }
0x110: {  	[spmem:s2] =	stream.indirect.scatter.add.f32 [tilespmem:s31], [sflag:$0xD], $0x80, s21, s30, $0xb8;
	[tilespmem:$0x1FEA0] =	vst v63  }
0x111: {  	_ =	swait.ge [sflag:s28], $0x1400  }
0x112: {  	[sflag:s28] =	ssyncset.done $0x0  }
0x113: {  	[sflag:s28] =	ssyncadd.s32 $0xFFFFEC00  }
0x114: {  	_ =	swait.ge [sflag:s9], $0x1400  }
0x115: {  	[sflag:s9] =	ssyncset.done $0x0  }
0x116: {  	s22 =	simm.s32 $0x4DD0;
	[sflag:s9] =	ssyncadd.s32 $0xFFFFEC00  }
0x117: {  	[spmem:s2] =	stream.indirect.scatter.add.f32 [tilespmem:s0], [sflag:$0xD], $0x80, s22, s30, $0xb8;
	[tilespmem:$0x1FEA0] =	vst v63  }
0x118: {  	_ =	swait.ge [sflag:s28], $0x1400  }
0x119: {  	[sflag:s28] =	ssyncset.done $0x0  }
0x11a: {  	[sflag:s28] =	ssyncadd.s32 $0xFFFFEC00  }
0x11b: {  	_ =	swait.ge [sflag:s10], $0x1400  }
0x11c: {  	[sflag:s10] =	ssyncset.done $0x0  }
0x11d: {  	s21 =	simm.s32 $0x4DF8;
	[sflag:s10] =	ssyncadd.s32 $0xFFFFEC00  }
0x11e: {  	[spmem:s2] =	stream.indirect.scatter.add.f32 [tilespmem:s1], [sflag:$0xD], $0x80, s21, s30, $0xb8;
	[tilespmem:$0x1FEA0] =	vst v63  }
0x11f: {  	_ =	swait.ge [sflag:s28], $0x1400  }
0x120: {  	s22 =	stileid.u32;
	[sflag:s28] =	ssyncset.done $0x0  }
0x121: {  	s19 =	sadd.s32 $0x1, s19;
	s20 =	sshll.u32 s22, $0x6;
	[sflag:s28] =	ssyncadd.s32 $0xFFFFEC00  }
0x122: {  	p0 =	sne.s32 s19, s25;
	s20 =	sor.u32 $0x1C0D, s20;
	[bflag:$0x0] =	sbarrier.arrive $0xFFFF  }
.Ltmp1:
0x123: {  	s21 =	sshrl.u32 s6, $0x3;
	s22 =	rddreg [dreg:$0x13];
	(pc) =	sbr.rel @p0 .LBB2_1-.Ltmp1, $4  }
0x124: {  	[hbm:s22], [sflag:s20] =	dma.local [spmem:s21], $0x2710  }
0x125: {  	_ =	swait.ge [sflag:s28], $0x2710  }
0x126: {  	[sflag:s28] =	ssyncset.done $0x0  }
0x127: {  	[sflag:s28] =	ssyncadd.s32 $0xFFFFD8F0  }
0x128: {  	_ =	sfence.sel $0x180000  }
0x129: {  	[bflag:$0x0] =	sbarrier.arrive $0xFFFF  }
0x12a: {  	_ =	strace $0x90000050  }
0x12b: {  	s0 =	stileid.u32;
	[bflag:$0x2] =	sbarrier.arrive $0xFFFF  }
0x12c: {  	p0 =	sne.s32 s0, $0x0;
	s0 =	rddreg [dreg:$0x2]  }
0x12d: {  	s0 =	sadd.s32 @!p0 $0x100000, s0  }
0x12e: {  	[sflag:s0] =	ssyncadd.tile.s32 @!p0 $0x1;
	_ =	shalt  }
.Lfunc_end2:
_tile_overlayer_lowered:
.L_overlay_start_2:
0x12f: {  	(tag) =	ssettag $0x2  }
0x130: {  	s0 =	rddreg [dreg:$0x0];
	s2 =	stileid.u32  }
0x131: {  	s1 =	rddreg [dreg:$0x1];
	p0 =	sne.s32 s2, $0x0  }
0x132: {  	s3 =	rddreg [dreg:$0x2];
	[bflag:$0x3] =	sbarrier.arrive $0xFFFF;
	s2 =	simm.s32 @!p0 $0x1C0D  }
0x133: {  	[timem:s3], [sflag:s2] =	dma.local @!p0 [hbm:s0], s1  }
0x134: {  	s0 =	simm.s32 @!p0 $0xD  }
0x135: {  	_ =	swait.ge @!p0 [sflag:s0], s1  }
0x136: {  	s1 =	ssub.s32 @!p0 $0x0, s1;
	[sflag:s0] =	ssyncset.done @!p0 $0x0  }
0x137: {  	[sflag:s0] =	ssyncadd.s32 @!p0 s1  }
0x138: {  	[bflag:$0x3] =	sbarrier.arrive $0xFFFF  }
0x139: {  	_ =	shalt  }

</sc_bundles>
